<compile_context>
chip_gen: v7x
topology: tpu7x:2x2x1
jax: 0.10.2.dev20260603
libtpu: 0.0.44.dev20260713+nightly
codegen_flags: <defaults>
</compile_context>

<pallas_src>
import jax
import jax.numpy as jnp
from jax import lax
from jax.experimental import pallas as pl
from jax.experimental.pallas import tpu as pltpu
from jax.experimental.pallas import tpu_sc as plsc

VOCAB = 10000
DIM = 512
SEQ = 2048
BATCH = 64
N = SEQ * BATCH
N_POS = 13
N_FPOS = 5
N_COMBO = N_POS * N_FPOS

NC = 2
NS = 16
NW = NC * NS
PER_W = N // NW
CHUNK = 32
N_CHUNKS = PER_W // CHUNK
NB = 4
LOOKAHEAD = 2
LANES = 16
DV = DIM // LANES


def _embed_kernel(tok_hbm, pos_hbm, fpos_hbm, emb_hbm, post_hbm, fpost_hbm,
                  out_hbm, idx_t, idx_c, idx_f, rows, pos_v, fpos_v, combo_v,
                  sem_g0, sem_g1, sem_g2, sem_g3,
                  sem_o0, sem_o1, sem_o2, sem_o3, sem_i):
    sem_g = [sem_g0, sem_g1, sem_g2, sem_g3]
    sem_o = [sem_o0, sem_o1, sem_o2, sem_o3]
    wid = lax.axis_index("s") * NC + lax.axis_index("c")
    w_base = wid * PER_W

    h1 = pltpu.async_copy(tok_hbm.at[pl.ds(w_base, PER_W)], idx_t, sem_i)
    h2 = pltpu.async_copy(pos_hbm.at[pl.ds(w_base, PER_W)],
                          idx_c.at[pl.ds(0, PER_W)], sem_i)
    h3 = pltpu.async_copy(fpos_hbm.at[pl.ds(w_base, PER_W)], idx_f, sem_i)

    pltpu.sync_copy(post_hbm, pos_v)
    pltpu.sync_copy(fpost_hbm, fpos_v)

    @plsc.parallel_loop(0, N_COMBO, 1, unroll=2)
    def build_combo(c):
        i = c // N_FPOS
        j = c - i * N_FPOS
        for k in range(DV):
            sl = pl.ds(k * LANES, LANES)
            combo_v[c, sl] = pos_v[i, sl] + fpos_v[j, sl]

    h1.wait()
    h2.wait()
    h3.wait()

    @plsc.parallel_loop(0, PER_W // LANES, 1, unroll=4)
    def fuse_idx(k):
        sl = pl.ds(k * LANES, LANES)
        idx_c[sl] = idx_c[sl] * N_FPOS + idx_f[sl]

    def issue_gather(ci, b):
        pltpu.async_copy(emb_hbm.at[idx_t.at[pl.ds(ci * CHUNK, CHUNK)]],
                         rows.at[b], sem_g[b])

    def wait_gather(b):
        pltpu.make_async_copy(emb_hbm.at[pl.ds(0, CHUNK)], rows.at[b],
                              sem_g[b]).wait()

    def issue_scatter(ci, b):
        base = w_base + ci * CHUNK
        pltpu.async_copy(rows.at[b], out_hbm.at[pl.ds(base, CHUNK)], sem_o[b])

    def wait_scatter(b):
        pltpu.make_async_copy(rows.at[b], out_hbm.at[pl.ds(0, CHUNK)],
                              sem_o[b]).wait()

    def add_pass(ci, b):
        @plsc.parallel_loop(0, CHUNK, 1, unroll=1)
        def add_row(r):
            c = idx_c[pl.ds(ci * CHUNK + r, LANES)][0]
            for k in range(DV):
                sl = pl.ds(k * LANES, LANES)
                plsc.addupdate(rows.at[b, r, sl], combo_v[c, sl])

    for j in range(LOOKAHEAD):
        issue_gather(j, j)

    def outer(go, carry):
        for b in range(NB):
            i = go * NB + b

            @pl.when(i + LOOKAHEAD < N_CHUNKS)
            def _next():
                nb = (b + LOOKAHEAD) % NB

                @pl.when(i + LOOKAHEAD >= NB)
                def _drain():
                    wait_scatter(nb)

                issue_gather(i + LOOKAHEAD, nb)

            wait_gather(b)
            add_pass(i, b)
            issue_scatter(i, b)
        return carry

    lax.fori_loop(0, N_CHUNKS // NB, outer, 0)
    for b in range(NB):
        wait_scatter(b)


@jax.jit
def _run(tok, pos, fpos, emb_table, pos_table, fpos_table):
    mesh = plsc.VectorSubcoreMesh(core_axis_name="c", subcore_axis_name="s")
    call = pl.kernel(
        _embed_kernel,
        mesh=mesh,
        out_type=jax.ShapeDtypeStruct((N, DIM), jnp.float32),
        scratch_types=[
            pltpu.VMEM((PER_W,), jnp.int32),
            pltpu.VMEM((PER_W + LANES,), jnp.int32),
            pltpu.VMEM((PER_W,), jnp.int32),
            pltpu.VMEM((NB, CHUNK, DIM), jnp.float32),
            pltpu.VMEM((N_POS, DIM), jnp.float32),
            pltpu.VMEM((N_FPOS, DIM), jnp.float32),
            pltpu.VMEM((N_COMBO, DIM), jnp.float32),
            pltpu.SemaphoreType.DMA,
            pltpu.SemaphoreType.DMA,
            pltpu.SemaphoreType.DMA,
            pltpu.SemaphoreType.DMA,
            pltpu.SemaphoreType.DMA,
            pltpu.SemaphoreType.DMA,
            pltpu.SemaphoreType.DMA,
            pltpu.SemaphoreType.DMA,
            pltpu.SemaphoreType.DMA,
        ],
    )
    out = call(tok, pos, fpos, emb_table, pos_table, fpos_table)
    return out.reshape(SEQ, BATCH, DIM)


def kernel(batch_datasets, batch_positionals, batch_float_positionals,
           emb_table, pos_table, fpos_table):
    tok = batch_datasets.reshape(N).astype(jnp.int32)
    pos = batch_positionals.reshape(N).astype(jnp.int32)
    fpos = batch_float_positionals.reshape(N).astype(jnp.int32)
    return _run(tok, pos, fpos, emb_table, pos_table, fpos_table)

# --- scband reference (transcript-rebuilt; emitter-appended) ---
"""Pipeline reference for scband-flat-embedder-52939766891083 (READ-ONLY COPY).

The authoritative reference and input builder live on the scoring server;
editing this copy changes nothing except your own understanding.
"""

import jax, jax.numpy as jnp
import numpy as np

VOCAB = 10000
DIM = 512
N_POS = 13
N_FPOS = 5
SEQ = 2048
BATCH = 64
PAD = 1

def setup_inputs(seed: int = 0) -> dict:
    key = jax.random.key(seed)
    k1, k2, k3, k4, k5, k6 = jax.random.split(key, 6)
    batch_datasets = jax.random.randint(k1, (SEQ, BATCH), 0, VOCAB, dtype=jnp.int32).astype(jnp.int64)
    batch_positionals = jax.random.randint(k2, (SEQ, BATCH), 0, N_POS, dtype=jnp.int32).astype(jnp.int64)
    batch_float_positionals = jax.random.randint(k3, (SEQ, BATCH), 0, N_FPOS, dtype=jnp.int32).astype(jnp.int64)
    emb_table = jax.random.normal(k4, (VOCAB, DIM), dtype=jnp.float32) * (DIM ** -0.5)
    pos_table = jax.random.normal(k5, (N_POS, DIM), dtype=jnp.float32) * (DIM ** -0.5)
    fpos_table = jax.random.normal(k6, (N_FPOS, DIM), dtype=jnp.float32) * (DIM ** -0.5)
    # padding_idx=1 rows are zero, matching nn.Embedding(padding_idx=1)
    emb_table = emb_table.at[PAD].set(0.0)
    pos_table = pos_table.at[PAD].set(0.0)
    fpos_table = fpos_table.at[PAD].set(0.0)
    return {
        "batch_datasets": batch_datasets,
        "batch_positionals": batch_positionals,
        "batch_float_positionals": batch_float_positionals,
        "emb_table": emb_table,
        "pos_table": pos_table,
        "fpos_table": fpos_table,
    }

def reference(batch_datasets, batch_positionals, batch_float_positionals, emb_table, pos_table, fpos_table):
    # FlatEmbedder.embed: sum of three embedding lookups
    tok_emb = jnp.take(emb_table, batch_datasets, axis=0)
    pos_emb = jnp.take(pos_table, batch_positionals, axis=0)
    fpos_emb = jnp.take(fpos_table, batch_float_positionals, axis=0)
    return tok_emb + pos_emb + fpos_emb

if __name__ == "__main__":
    import jax
    _d = setup_inputs()
    print(jax.jit(kernel)(*tuple(_d.values())))

</pallas_src>

<mosaic_0001>
#map = affine_map<(d0, d1) -> (0)>
#map1 = affine_map<(d0, d1) -> (0, 0)>
module attributes {stable_mosaic.version = 14 : i64} {
  func.func @_embed_kernel(%arg0: i32, %arg1: i32, %arg2: memref<131072xi32, #tpu.memory_space<hbm>>, %arg3: memref<131072xi32, #tpu.memory_space<hbm>>, %arg4: memref<131072xi32, #tpu.memory_space<hbm>>, %arg5: memref<10000x512xf32, #tpu.memory_space<hbm>>, %arg6: memref<13x512xf32, #tpu.memory_space<hbm>>, %arg7: memref<5x512xf32, #tpu.memory_space<hbm>>, %arg8: memref<131072x512xf32, #tpu.memory_space<hbm>>, %arg9: memref<4096xi32, #tpu.memory_space<vmem>>, %arg10: memref<4112xi32, #tpu.memory_space<vmem>>, %arg11: memref<4096xi32, #tpu.memory_space<vmem>>, %arg12: memref<4x32x512xf32, #tpu.memory_space<vmem>>, %arg13: memref<13x512xf32, #tpu.memory_space<vmem>>, %arg14: memref<5x512xf32, #tpu.memory_space<vmem>>, %arg15: memref<65x512xf32, #tpu.memory_space<vmem>>, %arg16: memref<!tpu.dma_semaphore, #tpu.memory_space<semaphore_mem>>, %arg17: memref<!tpu.dma_semaphore, #tpu.memory_space<semaphore_mem>>, %arg18: memref<!tpu.dma_semaphore, #tpu.memory_space<semaphore_mem>>, %arg19: memref<!tpu.dma_semaphore, #tpu.memory_space<semaphore_mem>>, %arg20: memref<!tpu.dma_semaphore, #tpu.memory_space<semaphore_mem>>, %arg21: memref<!tpu.dma_semaphore, #tpu.memory_space<semaphore_mem>>, %arg22: memref<!tpu.dma_semaphore, #tpu.memory_space<semaphore_mem>>, %arg23: memref<!tpu.dma_semaphore, #tpu.memory_space<semaphore_mem>>, %arg24: memref<!tpu.dma_semaphore, #tpu.memory_space<semaphore_mem>>) attributes {dimension_semantics = [#tpu.dimension_semantics<core_parallel>, #tpu.dimension_semantics<subcore_parallel>], iteration_bounds = array<i64: 2, 16>, scalar_prefetch = 0 : i64, scratch_operands = 16 : i64, tpu.core_type = #tpu.core_type<sc_vector_subcore>, window_params = [{transform_indices = #map}, {transform_indices = #map}, {transform_indices = #map}, {transform_indices = #map1}, {transform_indices = #map1}, {transform_indices = #map1}, {transform_indices = #map1}]} {
    %mul3A = arith.constant 2 : i32
    %mul3A_0 = arith.muli %arg1, %mul3A : i32
    %add3A = arith.addi %mul3A_0, %arg0 : i32
    %mul3A_1 = arith.constant 4096 : i32
    %mul3A_2 = arith.muli %add3A, %mul3A_1 : i32
    %dma_start3A = tpu.memref_slice %arg2[%mul3A_2] : memref<131072xi32, #tpu.memory_space<hbm>> -> memref<4096xi32, #tpu.memory_space<hbm>>
    %dma_start3A_3 = tpu.memref_slice %arg2[%mul3A_2] : memref<131072xi32, #tpu.memory_space<hbm>> -> memref<4096xi32, #tpu.memory_space<hbm>>
    tpu.enqueue_dma source(%dma_start3A_3 : memref<4096xi32, #tpu.memory_space<hbm>>) target(%arg9 : memref<4096xi32, #tpu.memory_space<vmem>>) target_semaphore(%arg24 : memref<!tpu.dma_semaphore, #tpu.memory_space<semaphore_mem>>)
    %dma_start3A_4 = arith.constant 0 : i32
    %dma_start3A_5 = tpu.memref_slice %arg10[%dma_start3A_4] : memref<4112xi32, #tpu.memory_space<vmem>> -> memref<4096xi32, #tpu.memory_space<vmem>>
    %dma_start3A_6 = tpu.memref_slice %arg3[%mul3A_2] : memref<131072xi32, #tpu.memory_space<hbm>> -> memref<4096xi32, #tpu.memory_space<hbm>>
    %dma_start3A_7 = arith.constant 0 : i32
    %dma_start3A_8 = tpu.memref_slice %arg10[%dma_start3A_7] : memref<4112xi32, #tpu.memory_space<vmem>> -> memref<4096xi32, #tpu.memory_space<vmem>>
    %dma_start3A_9 = tpu.memref_slice %arg3[%mul3A_2] : memref<131072xi32, #tpu.memory_space<hbm>> -> memref<4096xi32, #tpu.memory_space<hbm>>
    tpu.enqueue_dma source(%dma_start3A_9 : memref<4096xi32, #tpu.memory_space<hbm>>) target(%dma_start3A_8 : memref<4096xi32, #tpu.memory_space<vmem>>) target_semaphore(%arg24 : memref<!tpu.dma_semaphore, #tpu.memory_space<semaphore_mem>>)
    %dma_start3A_10 = tpu.memref_slice %arg4[%mul3A_2] : memref<131072xi32, #tpu.memory_space<hbm>> -> memref<4096xi32, #tpu.memory_space<hbm>>
    %dma_start3A_11 = tpu.memref_slice %arg4[%mul3A_2] : memref<131072xi32, #tpu.memory_space<hbm>> -> memref<4096xi32, #tpu.memory_space<hbm>>
    tpu.enqueue_dma source(%dma_start3A_11 : memref<4096xi32, #tpu.memory_space<hbm>>) target(%arg11 : memref<4096xi32, #tpu.memory_space<vmem>>) target_semaphore(%arg24 : memref<!tpu.dma_semaphore, #tpu.memory_space<semaphore_mem>>)
    "tpu.region"() ({
      %run_scoped3A = tpu.sem_alloc : memref<!tpu.dma_semaphore, #tpu.memory_space<semaphore_mem>>
      tpu.enqueue_dma source(%arg6 : memref<13x512xf32, #tpu.memory_space<hbm>>) target(%arg13 : memref<13x512xf32, #tpu.memory_space<vmem>>) target_semaphore(%run_scoped3A : memref<!tpu.dma_semaphore, #tpu.memory_space<semaphore_mem>>)
      tpu.wait_dma2 semaphore(%run_scoped3A : memref<!tpu.dma_semaphore, #tpu.memory_space<semaphore_mem>>) src(%arg6 : memref<13x512xf32, #tpu.memory_space<hbm>>) dst(%arg13 : memref<13x512xf32, #tpu.memory_space<vmem>>)
      tpu.yield
    }) : () -> ()
    "tpu.region"() ({
      %run_scoped3A = tpu.sem_alloc : memref<!tpu.dma_semaphore, #tpu.memory_space<semaphore_mem>>
      tpu.enqueue_dma source(%arg7 : memref<5x512xf32, #tpu.memory_space<hbm>>) target(%arg14 : memref<5x512xf32, #tpu.memory_space<vmem>>) target_semaphore(%run_scoped3A : memref<!tpu.dma_semaphore, #tpu.memory_space<semaphore_mem>>)
      tpu.wait_dma2 semaphore(%run_scoped3A : memref<!tpu.dma_semaphore, #tpu.memory_space<semaphore_mem>>) src(%arg7 : memref<5x512xf32, #tpu.memory_space<hbm>>) dst(%arg14 : memref<5x512xf32, #tpu.memory_space<vmem>>)
      tpu.yield
    }) : () -> ()
    %parallel_loop3A = arith.constant 0 : i32
    %parallel_loop3A_12 = arith.constant 65 : i32
    %parallel_loop3A_13 = arith.constant 1 : i32
    scf.for %parallel_loop3A_111 = %parallel_loop3A to %parallel_loop3A_12 step %parallel_loop3A_13  : i32 {
      %parallel_loop3A_112 = arith.constant 5 : i32
      %parallel_loop3A_113 = arith.divsi %parallel_loop3A_111, %parallel_loop3A_112 : i32
      %parallel_loop3A_114 = arith.constant 0 : i32
      %parallel_loop3A_115 = arith.cmpi sgt, %parallel_loop3A_111, %parallel_loop3A_114 : i32
      %parallel_loop3A_116 = arith.extui %parallel_loop3A_115 : i1 to i32
      %parallel_loop3A_117 = arith.constant 0 : i32
      %parallel_loop3A_118 = arith.cmpi slt, %parallel_loop3A_111, %parallel_loop3A_117 : i32
      %parallel_loop3A_119 = arith.extui %parallel_loop3A_118 : i1 to i32
      %parallel_loop3A_120 = arith.subi %parallel_loop3A_116, %parallel_loop3A_119 : i32
      %parallel_loop3A_121 = arith.constant 0 : i32
      %parallel_loop3A_122 = arith.cmpi sgt, %parallel_loop3A_112, %parallel_loop3A_121 : i32
      %parallel_loop3A_123 = arith.extui %parallel_loop3A_122 : i1 to i32
      %parallel_loop3A_124 = arith.constant 0 : i32
      %parallel_loop3A_125 = arith.cmpi slt, %parallel_loop3A_112, %parallel_loop3A_124 : i32
      %parallel_loop3A_126 = arith.extui %parallel_loop3A_125 : i1 to i32
      %parallel_loop3A_127 = arith.subi %parallel_loop3A_123, %parallel_loop3A_126 : i32
      %parallel_loop3A_128 = arith.cmpi ne, %parallel_loop3A_120, %parallel_loop3A_127 : i32
      %parallel_loop3A_129 = arith.remsi %parallel_loop3A_111, %parallel_loop3A_112 : i32
      %parallel_loop3A_130 = arith.constant 0 : i32
      %parallel_loop3A_131 = arith.cmpi ne, %parallel_loop3A_129, %parallel_loop3A_130 : i32
      %parallel_loop3A_132 = arith.andi %parallel_loop3A_128, %parallel_loop3A_131 : i1
      %parallel_loop3A_133 = arith.constant 1 : i32
      %parallel_loop3A_134 = arith.subi %parallel_loop3A_113, %parallel_loop3A_133 : i32
      %parallel_loop3A_135 = arith.select %parallel_loop3A_132, %parallel_loop3A_134, %parallel_loop3A_113 : i32
      %parallel_loop3A_136 = arith.constant 5 : i32
      %parallel_loop3A_137 = arith.muli %parallel_loop3A_135, %parallel_loop3A_136 : i32
      %parallel_loop3A_138 = arith.subi %parallel_loop3A_111, %parallel_loop3A_137 : i32
      %parallel_loop3A_139 = arith.index_cast %parallel_loop3A_135 : i32 to index
      %parallel_loop3A_140 = arith.constant 0 : index
      %parallel_loop3A_141 = tpu.vector_load %arg13[%parallel_loop3A_139, %parallel_loop3A_140] {strides = array<i32>} : memref<13x512xf32, #tpu.memory_space<vmem>>, vector<1x16xf32>,
      %parallel_loop3A_142 = vector.shape_cast %parallel_loop3A_141 : vector<1x16xf32> to vector<16xf32>
      %parallel_loop3A_143 = arith.index_cast %parallel_loop3A_138 : i32 to index
      %parallel_loop3A_144 = arith.constant 0 : index
      %parallel_loop3A_145 = tpu.vector_load %arg14[%parallel_loop3A_143, %parallel_loop3A_144] {strides = array<i32>} : memref<5x512xf32, #tpu.memory_space<vmem>>, vector<1x16xf32>,
      %parallel_loop3A_146 = vector.shape_cast %parallel_loop3A_145 : vector<1x16xf32> to vector<16xf32>
      %parallel_loop3A_147 = arith.addf %parallel_loop3A_142, %parallel_loop3A_146 : vector<16xf32>
      %parallel_loop3A_148 = arith.index_cast %parallel_loop3A_111 : i32 to index
      %parallel_loop3A_149 = arith.constant 0 : index
      %parallel_loop3A_150 = tpu.vector_load %arg15[%parallel_loop3A_148, %parallel_loop3A_149] {strides = array<i32>} : memref<65x512xf32, #tpu.memory_space<vmem>>, vector<1x16xf32>,
      %parallel_loop3A_151 = vector.shape_cast %parallel_loop3A_150 : vector<1x16xf32> to vector<16xf32>
      %parallel_loop3A_152 = vector.shape_cast %parallel_loop3A_147 : vector<16xf32> to vector<1x16xf32>
      tpu.vector_store %arg15[%parallel_loop3A_148, %parallel_loop3A_149], %parallel_loop3A_152 {strides = array<i32>} : memref<65x512xf32, #tpu.memory_space<vmem>>, vector<1x16xf32>,
      %parallel_loop3A_153 = arith.index_cast %parallel_loop3A_135 : i32 to index
      %parallel_loop3A_154 = arith.constant 16 : index
      %parallel_loop3A_155 = tpu.vector_load %arg13[%parallel_loop3A_153, %parallel_loop3A_154] {strides = array<i32>} : memref<13x512xf32, #tpu.memory_space<vmem>>, vector<1x16xf32>,
      %parallel_loop3A_156 = vector.shape_cast %parallel_loop3A_155 : vector<1x16xf32> to vector<16xf32>
      %parallel_loop3A_157 = arith.index_cast %parallel_loop3A_138 : i32 to index
      %parallel_loop3A_158 = arith.constant 16 : index
      %parallel_loop3A_159 = tpu.vector_load %arg14[%parallel_loop3A_157, %parallel_loop3A_158] {strides = array<i32>} : memref<5x512xf32, #tpu.memory_space<vmem>>, vector<1x16xf32>,
      %parallel_loop3A_160 = vector.shape_cast %parallel_loop3A_159 : vector<1x16xf32> to vector<16xf32>
      %parallel_loop3A_161 = arith.addf %parallel_loop3A_156, %parallel_loop3A_160 : vector<16xf32>
      %parallel_loop3A_162 = arith.index_cast %parallel_loop3A_111 : i32 to index
      %parallel_loop3A_163 = arith.constant 16 : index
      %parallel_loop3A_164 = tpu.vector_load %arg15[%parallel_loop3A_162, %parallel_loop3A_163] {strides = array<i32>} : memref<65x512xf32, #tpu.memory_space<vmem>>, vector<1x16xf32>,
      %parallel_loop3A_165 = vector.shape_cast %parallel_loop3A_164 : vector<1x16xf32> to vector<16xf32>
      %parallel_loop3A_166 = vector.shape_cast %parallel_loop3A_161 : vector<16xf32> to vector<1x16xf32>
      tpu.vector_store %arg15[%parallel_loop3A_162, %parallel_loop3A_163], %parallel_loop3A_166 {strides = array<i32>} : memref<65x512xf32, #tpu.memory_space<vmem>>, vector<1x16xf32>,
      %parallel_loop3A_167 = arith.index_cast %parallel_loop3A_135 : i32 to index
      %parallel_loop3A_168 = arith.constant 32 : index
      %parallel_loop3A_169 = tpu.vector_load %arg13[%parallel_loop3A_167, %parallel_loop3A_168] {strides = array<i32>} : memref<13x512xf32, #tpu.memory_space<vmem>>, vector<1x16xf32>,
      %parallel_loop3A_170 = vector.shape_cast %parallel_loop3A_169 : vector<1x16xf32> to vector<16xf32>
      %parallel_loop3A_171 = arith.index_cast %parallel_loop3A_138 : i32 to index
      %parallel_loop3A_172 = arith.constant 32 : index
      %parallel_loop3A_173 = tpu.vector_load %arg14[%parallel_loop3A_171, %parallel_loop3A_172] {strides = array<i32>} : memref<5x512xf32, #tpu.memory_space<vmem>>, vector<1x16xf32>,
      %parallel_loop3A_174 = vector.shape_cast %parallel_loop3A_173 : vector<1x16xf32> to vector<16xf32>
      %parallel_loop3A_175 = arith.addf %parallel_loop3A_170, %parallel_loop3A_174 : vector<16xf32>
      %parallel_loop3A_176 = arith.index_cast %parallel_loop3A_111 : i32 to index
      %parallel_loop3A_177 = arith.constant 32 : index
      %parallel_loop3A_178 = tpu.vector_load %arg15[%parallel_loop3A_176, %parallel_loop3A_177] {strides = array<i32>} : memref<65x512xf32, #tpu.memory_space<vmem>>, vector<1x16xf32>,
      %parallel_loop3A_179 = vector.shape_cast %parallel_loop3A_178 : vector<1x16xf32> to vector<16xf32>
      %parallel_loop3A_180 = vector.shape_cast %parallel_loop3A_175 : vector<16xf32> to vector<1x16xf32>
      tpu.vector_store %arg15[%parallel_loop3A_176, %parallel_loop3A_177], %parallel_loop3A_180 {strides = array<i32>} : memref<65x512xf32, #tpu.memory_space<vmem>>, vector<1x16xf32>,
      %parallel_loop3A_181 = arith.index_cast %parallel_loop3A_135 : i32 to index
      %parallel_loop3A_182 = arith.constant 48 : index
      %parallel_loop3A_183 = tpu.vector_load %arg13[%parallel_loop3A_181, %parallel_loop3A_182] {strides = array<i32>} : memref<13x512xf32, #tpu.memory_space<vmem>>, vector<1x16xf32>,
      %parallel_loop3A_184 = vector.shape_cast %parallel_loop3A_183 : vector<1x16xf32> to vector<16xf32>
      %parallel_loop3A_185 = arith.index_cast %parallel_loop3A_138 : i32 to index
      %parallel_loop3A_186 = arith.constant 48 : index
      %parallel_loop3A_187 = tpu.vector_load %arg14[%parallel_loop3A_185, %parallel_loop3A_186] {strides = array<i32>} : memref<5x512xf32, #tpu.memory_space<vmem>>, vector<1x16xf32>,
      %parallel_loop3A_188 = vector.shape_cast %parallel_loop3A_187 : vector<1x16xf32> to vector<16xf32>
      %parallel_loop3A_189 = arith.addf %parallel_loop3A_184, %parallel_loop3A_188 : vector<16xf32>
      %parallel_loop3A_190 = arith.index_cast %parallel_loop3A_111 : i32 to index
      %parallel_loop3A_191 = arith.constant 48 : index
      %parallel_loop3A_192 = tpu.vector_load %arg15[%parallel_loop3A_190, %parallel_loop3A_191] {strides = array<i32>} : memref<65x512xf32, #tpu.memory_space<vmem>>, vector<1x16xf32>,
      %parallel_loop3A_193 = vector.shape_cast %parallel_loop3A_192 : vector<1x16xf32> to vector<16xf32>
      %parallel_loop3A_194 = vector.shape_cast %parallel_loop3A_189 : vector<16xf32> to vector<1x16xf32>
      tpu.vector_store %arg15[%parallel_loop3A_190, %parallel_loop3A_191], %parallel_loop3A_194 {strides = array<i32>} : memref<65x512xf32, #tpu.memory_space<vmem>>, vector<1x16xf32>,
      %parallel_loop3A_195 = arith.index_cast %parallel_loop3A_135 : i32 to index
      %parallel_loop3A_196 = arith.constant 64 : index
      %parallel_loop3A_197 = tpu.vector_load %arg13[%parallel_loop3A_195, %parallel_loop3A_196] {strides = array<i32>} : memref<13x512xf32, #tpu.memory_space<vmem>>, vector<1x16xf32>,
      %parallel_loop3A_198 = vector.shape_cast %parallel_loop3A_197 : vector<1x16xf32> to vector<16xf32>
      %parallel_loop3A_199 = arith.index_cast %parallel_loop3A_138 : i32 to index
      %parallel_loop3A_200 = arith.constant 64 : index
      %parallel_loop3A_201 = tpu.vector_load %arg14[%parallel_loop3A_199, %parallel_loop3A_200] {strides = array<i32>} : memref<5x512xf32, #tpu.memory_space<vmem>>, vector<1x16xf32>,
      %parallel_loop3A_202 = vector.shape_cast %parallel_loop3A_201 : vector<1x16xf32> to vector<16xf32>
      %parallel_loop3A_203 = arith.addf %parallel_loop3A_198, %parallel_loop3A_202 : vector<16xf32>
      %parallel_loop3A_204 = arith.index_cast %parallel_loop3A_111 : i32 to index
      %parallel_loop3A_205 = arith.constant 64 : index
      %parallel_loop3A_206 = tpu.vector_load %arg15[%parallel_loop3A_204, %parallel_loop3A_205] {strides = array<i32>} : memref<65x512xf32, #tpu.memory_space<vmem>>, vector<1x16xf32>,
      %parallel_loop3A_207 = vector.shape_cast %parallel_loop3A_206 : vector<1x16xf32> to vector<16xf32>
      %parallel_loop3A_208 = vector.shape_cast %parallel_loop3A_203 : vector<16xf32> to vector<1x16xf32>
      tpu.vector_store %arg15[%parallel_loop3A_204, %parallel_loop3A_205], %parallel_loop3A_208 {strides = array<i32>} : memref<65x512xf32, #tpu.memory_space<vmem>>, vector<1x16xf32>,
      %parallel_loop3A_209 = arith.index_cast %parallel_loop3A_135 : i32 to index
      %parallel_loop3A_210 = arith.constant 80 : index
      %parallel_loop3A_211 = tpu.vector_load %arg13[%parallel_loop3A_209, %parallel_loop3A_210] {strides = array<i32>} : memref<13x512xf32, #tpu.memory_space<vmem>>, vector<1x16xf32>,
      %parallel_loop3A_212 = vector.shape_cast %parallel_loop3A_211 : vector<1x16xf32> to vector<16xf32>
      %parallel_loop3A_213 = arith.index_cast %parallel_loop3A_138 : i32 to index
      %parallel_loop3A_214 = arith.constant 80 : index
      %parallel_loop3A_215 = tpu.vector_load %arg14[%parallel_loop3A_213, %parallel_loop3A_214] {strides = array<i32>} : memref<5x512xf32, #tpu.memory_space<vmem>>, vector<1x16xf32>,
      %parallel_loop3A_216 = vector.shape_cast %parallel_loop3A_215 : vector<1x16xf32> to vector<16xf32>
      %parallel_loop3A_217 = arith.addf %parallel_loop3A_212, %parallel_loop3A_216 : vector<16xf32>
      %parallel_loop3A_218 = arith.index_cast %parallel_loop3A_111 : i32 to index
      %parallel_loop3A_219 = arith.constant 80 : index
      %parallel_loop3A_220 = tpu.vector_load %arg15[%parallel_loop3A_218, %parallel_loop3A_219] {strides = array<i32>} : memref<65x512xf32, #tpu.memory_space<vmem>>, vector<1x16xf32>,
      %parallel_loop3A_221 = vector.shape_cast %parallel_loop3A_220 : vector<1x16xf32> to vector<16xf32>
      %parallel_loop3A_222 = vector.shape_cast %parallel_loop3A_217 : vector<16xf32> to vector<1x16xf32>
      tpu.vector_store %arg15[%parallel_loop3A_218, %parallel_loop3A_219], %parallel_loop3A_222 {strides = array<i32>} : memref<65x512xf32, #tpu.memory_space<vmem>>, vector<1x16xf32>,
      %parallel_loop3A_223 = arith.index_cast %parallel_loop3A_135 : i32 to index
      %parallel_loop3A_224 = arith.constant 96 : index
      %parallel_loop3A_225 = tpu.vector_load %arg13[%parallel_loop3A_223, %parallel_loop3A_224] {strides = array<i32>} : memref<13x512xf32, #tpu.memory_space<vmem>>, vector<1x16xf32>,
      %parallel_loop3A_226 = vector.shape_cast %parallel_loop3A_225 : vector<1x16xf32> to vector<16xf32>
      %parallel_loop3A_227 = arith.index_cast %parallel_loop3A_138 : i32 to index
      %parallel_loop3A_228 = arith.constant 96 : index
      %parallel_loop3A_229 = tpu.vector_load %arg14[%parallel_loop3A_227, %parallel_loop3A_228] {strides = array<i32>} : memref<5x512xf32, #tpu.memory_space<vmem>>, vector<1x16xf32>,
      %parallel_loop3A_230 = vector.shape_cast %parallel_loop3A_229 : vector<1x16xf32> to vector<16xf32>
      %parallel_loop3A_231 = arith.addf %parallel_loop3A_226, %parallel_loop3A_230 : vector<16xf32>
      %parallel_loop3A_232 = arith.index_cast %parallel_loop3A_111 : i32 to index
      %parallel_loop3A_233 = arith.constant 96 : index
      %parallel_loop3A_234 = tpu.vector_load %arg15[%parallel_loop3A_232, %parallel_loop3A_233] {strides = array<i32>} : memref<65x512xf32, #tpu.memory_space<vmem>>, vector<1x16xf32>,
      %parallel_loop3A_235 = vector.shape_cast %parallel_loop3A_234 : vector<1x16xf32> to vector<16xf32>
      %parallel_loop3A_236 = vector.shape_cast %parallel_loop3A_231 : vector<16xf32> to vector<1x16xf32>
      tpu.vector_store %arg15[%parallel_loop3A_232, %parallel_loop3A_233], %parallel_loop3A_236 {strides = array<i32>} : memref<65x512xf32, #tpu.memory_space<vmem>>, vector<1x16xf32>,
      %parallel_loop3A_237 = arith.index_cast %parallel_loop3A_135 : i32 to index
      %parallel_loop3A_238 = arith.constant 112 : index
      %parallel_loop3A_239 = tpu.vector_load %arg13[%parallel_loop3A_237, %parallel_loop3A_238] {strides = array<i32>} : memref<13x512xf32, #tpu.memory_space<vmem>>, vector<1x16xf32>,
      %parallel_loop3A_240 = vector.shape_cast %parallel_loop3A_239 : vector<1x16xf32> to vector<16xf32>
      %parallel_loop3A_241 = arith.index_cast %parallel_loop3A_138 : i32 to index
      %parallel_loop3A_242 = arith.constant 112 : index
      %parallel_loop3A_243 = tpu.vector_load %arg14[%parallel_loop3A_241, %parallel_loop3A_242] {strides = array<i32>} : memref<5x512xf32, #tpu.memory_space<vmem>>, vector<1x16xf32>,
      %parallel_loop3A_244 = vector.shape_cast %parallel_loop3A_243 : vector<1x16xf32> to vector<16xf32>
      %parallel_loop3A_245 = arith.addf %parallel_loop3A_240, %parallel_loop3A_244 : vector<16xf32>
      %parallel_loop3A_246 = arith.index_cast %parallel_loop3A_111 : i32 to index
      %parallel_loop3A_247 = arith.constant 112 : index
      %parallel_loop3A_248 = tpu.vector_load %arg15[%parallel_loop3A_246, %parallel_loop3A_247] {strides = array<i32>} : memref<65x512xf32, #tpu.memory_space<vmem>>, vector<1x16xf32>,
      %parallel_loop3A_249 = vector.shape_cast %parallel_loop3A_248 : vector<1x16xf32> to vector<16xf32>
      %parallel_loop3A_250 = vector.shape_cast %parallel_loop3A_245 : vector<16xf32> to vector<1x16xf32>
      tpu.vector_store %arg15[%parallel_loop3A_246, %parallel_loop3A_247], %parallel_loop3A_250 {strides = array<i32>} : memref<65x512xf32, #tpu.memory_space<vmem>>, vector<1x16xf32>,
      %parallel_loop3A_251 = arith.index_cast %parallel_loop3A_135 : i32 to index
      %parallel_loop3A_252 = arith.constant 128 : index
      %parallel_loop3A_253 = tpu.vector_load %arg13[%parallel_loop3A_251, %parallel_loop3A_252] {strides = array<i32>} : memref<13x512xf32, #tpu.memory_space<vmem>>, vector<1x16xf32>,
      %parallel_loop3A_254 = vector.shape_cast %parallel_loop3A_253 : vector<1x16xf32> to vector<16xf32>
      %parallel_loop3A_255 = arith.index_cast %parallel_loop3A_138 : i32 to index
      %parallel_loop3A_256 = arith.constant 128 : index
      %parallel_loop3A_257 = tpu.vector_load %arg14[%parallel_loop3A_255, %parallel_loop3A_256] {strides = array<i32>} : memref<5x512xf32, #tpu.memory_space<vmem>>, vector<1x16xf32>,
      %parallel_loop3A_258 = vector.shape_cast %parallel_loop3A_257 : vector<1x16xf32> to vector<16xf32>
      %parallel_loop3A_259 = arith.addf %parallel_loop3A_254, %parallel_loop3A_258 : vector<16xf32>
      %parallel_loop3A_260 = arith.index_cast %parallel_loop3A_111 : i32 to index
      %parallel_loop3A_261 = arith.constant 128 : index
      %parallel_loop3A_262 = tpu.vector_load %arg15[%parallel_loop3A_260, %parallel_loop3A_261] {strides = array<i32>} : memref<65x512xf32, #tpu.memory_space<vmem>>, vector<1x16xf32>,
      %parallel_loop3A_263 = vector.shape_cast %parallel_loop3A_262 : vector<1x16xf32> to vector<16xf32>
      %parallel_loop3A_264 = vector.shape_cast %parallel_loop3A_259 : vector<16xf32> to vector<1x16xf32>
      tpu.vector_store %arg15[%parallel_loop3A_260, %parallel_loop3A_261], %parallel_loop3A_264 {strides = array<i32>} : memref<65x512xf32, #tpu.memory_space<vmem>>, vector<1x16xf32>,
      %parallel_loop3A_265 = arith.index_cast %parallel_loop3A_135 : i32 to index
      %parallel_loop3A_266 = arith.constant 144 : index
      %parallel_loop3A_267 = tpu.vector_load %arg13[%parallel_loop3A_265, %parallel_loop3A_266] {strides = array<i32>} : memref<13x512xf32, #tpu.memory_space<vmem>>, vector<1x16xf32>,
      %parallel_loop3A_268 = vector.shape_cast %parallel_loop3A_267 : vector<1x16xf32> to vector<16xf32>
      %parallel_loop3A_269 = arith.index_cast %parallel_loop3A_138 : i32 to index
      %parallel_loop3A_270 = arith.constant 144 : index
      %parallel_loop3A_271 = tpu.vector_load %arg14[%parallel_loop3A_269, %parallel_loop3A_270] {strides = array<i32>} : memref<5x512xf32, #tpu.memory_space<vmem>>, vector<1x16xf32>,
      %parallel_loop3A_272 = vector.shape_cast %parallel_loop3A_271 : vector<1x16xf32> to vector<16xf32>
      %parallel_loop3A_273 = arith.addf %parallel_loop3A_268, %parallel_loop3A_272 : vector<16xf32>
      %parallel_loop3A_274 = arith.index_cast %parallel_loop3A_111 : i32 to index
      %parallel_loop3A_275 = arith.constant 144 : index
      %parallel_loop3A_276 = tpu.vector_load %arg15[%parallel_loop3A_274, %parallel_loop3A_275] {strides = array<i32>} : memref<65x512xf32, #tpu.memory_space<vmem>>, vector<1x16xf32>,
      %parallel_loop3A_277 = vector.shape_cast %parallel_loop3A_276 : vector<1x16xf32> to vector<16xf32>
      %parallel_loop3A_278 = vector.shape_cast %parallel_loop3A_273 : vector<16xf32> to vector<1x16xf32>
      tpu.vector_store %arg15[%parallel_loop3A_274, %parallel_loop3A_275], %parallel_loop3A_278 {strides = array<i32>} : memref<65x512xf32, #tpu.memory_space<vmem>>, vector<1x16xf32>,
      %parallel_loop3A_279 = arith.index_cast %parallel_loop3A_135 : i32 to index
      %parallel_loop3A_280 = arith.constant 160 : index
      %parallel_loop3A_281 = tpu.vector_load %arg13[%parallel_loop3A_279, %parallel_loop3A_280] {strides = array<i32>} : memref<13x512xf32, #tpu.memory_space<vmem>>, vector<1x16xf32>,
      %parallel_loop3A_282 = vector.shape_cast %parallel_loop3A_281 : vector<1x16xf32> to vector<16xf32>
      %parallel_loop3A_283 = arith.index_cast %parallel_loop3A_138 : i32 to index
      %parallel_loop3A_284 = arith.constant 160 : index
      %parallel_loop3A_285 = tpu.vector_load %arg14[%parallel_loop3A_283, %parallel_loop3A_284] {strides = array<i32>} : memref<5x512xf32, #tpu.memory_space<vmem>>, vector<1x16xf32>,
      %parallel_loop3A_286 = vector.shape_cast %parallel_loop3A_285 : vector<1x16xf32> to vector<16xf32>
      %parallel_loop3A_287 = arith.addf %parallel_loop3A_282, %parallel_loop3A_286 : vector<16xf32>
      %parallel_loop3A_288 = arith.index_cast %parallel_loop3A_111 : i32 to index
      %parallel_loop3A_289 = arith.constant 160 : index
      %parallel_loop3A_290 = tpu.vector_load %arg15[%parallel_loop3A_288, %parallel_loop3A_289] {strides = array<i32>} : memref<65x512xf32, #tpu.memory_space<vmem>>, vector<1x16xf32>,
      %parallel_loop3A_291 = vector.shape_cast %parallel_loop3A_290 : vector<1x16xf32> to vector<16xf32>
      %parallel_loop3A_292 = vector.shape_cast %parallel_loop3A_287 : vector<16xf32> to vector<1x16xf32>
      tpu.vector_store %arg15[%parallel_loop3A_288, %parallel_loop3A_289], %parallel_loop3A_292 {strides = array<i32>} : memref<65x512xf32, #tpu.memory_space<vmem>>, vector<1x16xf32>,
      %parallel_loop3A_293 = arith.index_cast %parallel_loop3A_135 : i32 to index
      %parallel_loop3A_294 = arith.constant 176 : index
      %parallel_loop3A_295 = tpu.vector_load %arg13[%parallel_loop3A_293, %parallel_loop3A_294] {strides = array<i32>} : memref<13x512xf32, #tpu.memory_space<vmem>>, vector<1x16xf32>,
      %parallel_loop3A_296 = vector.shape_cast %parallel_loop3A_295 : vector<1x16xf32> to vector<16xf32>
      %parallel_loop3A_297 = arith.index_cast %parallel_loop3A_138 : i32 to index
      %parallel_loop3A_298 = arith.constant 176 : index
      %parallel_loop3A_299 = tpu.vector_load %arg14[%parallel_loop3A_297, %parallel_loop3A_298] {strides = array<i32>} : memref<5x512xf32, #tpu.memory_space<vmem>>, vector<1x16xf32>,
      %parallel_loop3A_300 = vector.shape_cast %parallel_loop3A_299 : vector<1x16xf32> to vector<16xf32>
      %parallel_loop3A_301 = arith.addf %parallel_loop3A_296, %parallel_loop3A_300 : vector<16xf32>
      %parallel_loop3A_302 = arith.index_cast %parallel_loop3A_111 : i32 to index
      %parallel_loop3A_303 = arith.constant 176 : index
      %parallel_loop3A_304 = tpu.vector_load %arg15[%parallel_loop3A_302, %parallel_loop3A_303] {strides = array<i32>} : memref<65x512xf32, #tpu.memory_space<vmem>>, vector<1x16xf32>,
      %parallel_loop3A_305 = vector.shape_cast %parallel_loop3A_304 : vector<1x16xf32> to vector<16xf32>
      %parallel_loop3A_306 = vector.shape_cast %parallel_loop3A_301 : vector<16xf32> to vector<1x16xf32>
      tpu.vector_store %arg15[%parallel_loop3A_302, %parallel_loop3A_303], %parallel_loop3A_306 {strides = array<i32>} : memref<65x512xf32, #tpu.memory_space<vmem>>, vector<1x16xf32>,
      %parallel_loop3A_307 = arith.index_cast %parallel_loop3A_135 : i32 to index
      %parallel_loop3A_308 = arith.constant 192 : index
      %parallel_loop3A_309 = tpu.vector_load %arg13[%parallel_loop3A_307, %parallel_loop3A_308] {strides = array<i32>} : memref<13x512xf32, #tpu.memory_space<vmem>>, vector<1x16xf32>,
      %parallel_loop3A_310 = vector.shape_cast %parallel_loop3A_309 : vector<1x16xf32> to vector<16xf32>
      %parallel_loop3A_311 = arith.index_cast %parallel_loop3A_138 : i32 to index
      %parallel_loop3A_312 = arith.constant 192 : index
      %parallel_loop3A_313 = tpu.vector_load %arg14[%parallel_loop3A_311, %parallel_loop3A_312] {strides = array<i32>} : memref<5x512xf32, #tpu.memory_space<vmem>>, vector<1x16xf32>,
      %parallel_loop3A_314 = vector.shape_cast %parallel_loop3A_313 : vector<1x16xf32> to vector<16xf32>
      %parallel_loop3A_315 = arith.addf %parallel_loop3A_310, %parallel_loop3A_314 : vector<16xf32>
      %parallel_loop3A_316 = arith.index_cast %parallel_loop3A_111 : i32 to index
      %parallel_loop3A_317 = arith.constant 192 : index
      %parallel_loop3A_318 = tpu.vector_load %arg15[%parallel_loop3A_316, %parallel_loop3A_317] {strides = array<i32>} : memref<65x512xf32, #tpu.memory_space<vmem>>, vector<1x16xf32>,
      %parallel_loop3A_319 = vector.shape_cast %parallel_loop3A_318 : vector<1x16xf32> to vector<16xf32>
      %parallel_loop3A_320 = vector.shape_cast %parallel_loop3A_315 : vector<16xf32> to vector<1x16xf32>
      tpu.vector_store %arg15[%parallel_loop3A_316, %parallel_loop3A_317], %parallel_loop3A_320 {strides = array<i32>} : memref<65x512xf32, #tpu.memory_space<vmem>>, vector<1x16xf32>,
      %parallel_loop3A_321 = arith.index_cast %parallel_loop3A_135 : i32 to index
      %parallel_loop3A_322 = arith.constant 208 : index
      %parallel_loop3A_323 = tpu.vector_load %arg13[%parallel_loop3A_321, %parallel_loop3A_322] {strides = array<i32>} : memref<13x512xf32, #tpu.memory_space<vmem>>, vector<1x16xf32>,
      %parallel_loop3A_324 = vector.shape_cast %parallel_loop3A_323 : vector<1x16xf32> to vector<16xf32>
      %parallel_loop3A_325 = arith.index_cast %parallel_loop3A_138 : i32 to index
      %parallel_loop3A_326 = arith.constant 208 : index
      %parallel_loop3A_327 = tpu.vector_load %arg14[%parallel_loop3A_325, %parallel_loop3A_326] {strides = array<i32>} : memref<5x512xf32, #tpu.memory_space<vmem>>, vector<1x16xf32>,
      %parallel_loop3A_328 = vector.shape_cast %parallel_loop3A_327 : vector<1x16xf32> to vector<16xf32>
      %parallel_loop3A_329 = arith.addf %parallel_loop3A_324, %parallel_loop3A_328 : vector<16xf32>
      %parallel_loop3A_330 = arith.index_cast %parallel_loop3A_111 : i32 to index
      %parallel_loop3A_331 = arith.constant 208 : index
      %parallel_loop3A_332 = tpu.vector_load %arg15[%parallel_loop3A_330, %parallel_loop3A_331] {strides = array<i32>} : memref<65x512xf32, #tpu.memory_space<vmem>>, vector<1x16xf32>,
      %parallel_loop3A_333 = vector.shape_cast %parallel_loop3A_332 : vector<1x16xf32> to vector<16xf32>
      %parallel_loop3A_334 = vector.shape_cast %parallel_loop3A_329 : vector<16xf32> to vector<1x16xf32>
      tpu.vector_store %arg15[%parallel_loop3A_330, %parallel_loop3A_331], %parallel_loop3A_334 {strides = array<i32>} : memref<65x512xf32, #tpu.memory_space<vmem>>, vector<1x16xf32>,
      %parallel_loop3A_335 = arith.index_cast %parallel_loop3A_135 : i32 to index
      %parallel_loop3A_336 = arith.constant 224 : index
      %parallel_loop3A_337 = tpu.vector_load %arg13[%parallel_loop3A_335, %parallel_loop3A_336] {strides = array<i32>} : memref<13x512xf32, #tpu.memory_space<vmem>>, vector<1x16xf32>,
      %parallel_loop3A_338 = vector.shape_cast %parallel_loop3A_337 : vector<1x16xf32> to vector<16xf32>
      %parallel_loop3A_339 = arith.index_cast %parallel_loop3A_138 : i32 to index
      %parallel_loop3A_340 = arith.constant 224 : index
      %parallel_loop3A_341 = tpu.vector_load %arg14[%parallel_loop3A_339, %parallel_loop3A_340] {strides = array<i32>} : memref<5x512xf32, #tpu.memory_space<vmem>>, vector<1x16xf32>,
      %parallel_loop3A_342 = vector.shape_cast %parallel_loop3A_341 : vector<1x16xf32> to vector<16xf32>
      %parallel_loop3A_343 = arith.addf %parallel_loop3A_338, %parallel_loop3A_342 : vector<16xf32>
      %parallel_loop3A_344 = arith.index_cast %parallel_loop3A_111 : i32 to index
      %parallel_loop3A_345 = arith.constant 224 : index
      %parallel_loop3A_346 = tpu.vector_load %arg15[%parallel_loop3A_344, %parallel_loop3A_345] {strides = array<i32>} : memref<65x512xf32, #tpu.memory_space<vmem>>, vector<1x16xf32>,
      %parallel_loop3A_347 = vector.shape_cast %parallel_loop3A_346 : vector<1x16xf32> to vector<16xf32>
      %parallel_loop3A_348 = vector.shape_cast %parallel_loop3A_343 : vector<16xf32> to vector<1x16xf32>
      tpu.vector_store %arg15[%parallel_loop3A_344, %parallel_loop3A_345], %parallel_loop3A_348 {strides = array<i32>} : memref<65x512xf32, #tpu.memory_space<vmem>>, vector<1x16xf32>,
      %parallel_loop3A_349 = arith.index_cast %parallel_loop3A_135 : i32 to index
      %parallel_loop3A_350 = arith.constant 240 : index
      %parallel_loop3A_351 = tpu.vector_load %arg13[%parallel_loop3A_349, %parallel_loop3A_350] {strides = array<i32>} : memref<13x512xf32, #tpu.memory_space<vmem>>, vector<1x16xf32>,
      %parallel_loop3A_352 = vector.shape_cast %parallel_loop3A_351 : vector<1x16xf32> to vector<16xf32>
      %parallel_loop3A_353 = arith.index_cast %parallel_loop3A_138 : i32 to index
      %parallel_loop3A_354 = arith.constant 240 : index
      %parallel_loop3A_355 = tpu.vector_load %arg14[%parallel_loop3A_353, %parallel_loop3A_354] {strides = array<i32>} : memref<5x512xf32, #tpu.memory_space<vmem>>, vector<1x16xf32>,
      %parallel_loop3A_356 = vector.shape_cast %parallel_loop3A_355 : vector<1x16xf32> to vector<16xf32>
      %parallel_loop3A_357 = arith.addf %parallel_loop3A_352, %parallel_loop3A_356 : vector<16xf32>
      %parallel_loop3A_358 = arith.index_cast %parallel_loop3A_111 : i32 to index
      %parallel_loop3A_359 = arith.constant 240 : index
      %parallel_loop3A_360 = tpu.vector_load %arg15[%parallel_loop3A_358, %parallel_loop3A_359] {strides = array<i32>} : memref<65x512xf32, #tpu.memory_space<vmem>>, vector<1x16xf32>,
      %parallel_loop3A_361 = vector.shape_cast %parallel_loop3A_360 : vector<1x16xf32> to vector<16xf32>
      %parallel_loop3A_362 = vector.shape_cast %parallel_loop3A_357 : vector<16xf32> to vector<1x16xf32>
      tpu.vector_store %arg15[%parallel_loop3A_358, %parallel_loop3A_359], %parallel_loop3A_362 {strides = array<i32>} : memref<65x512xf32, #tpu.memory_space<vmem>>, vector<1x16xf32>,
      %parallel_loop3A_363 = arith.index_cast %parallel_loop3A_135 : i32 to index
      %parallel_loop3A_364 = arith.constant 256 : index
      %parallel_loop3A_365 = tpu.vector_load %arg13[%parallel_loop3A_363, %parallel_loop3A_364] {strides = array<i32>} : memref<13x512xf32, #tpu.memory_space<vmem>>, vector<1x16xf32>,
      %parallel_loop3A_366 = vector.shape_cast %parallel_loop3A_365 : vector<1x16xf32> to vector<16xf32>
      %parallel_loop3A_367 = arith.index_cast %parallel_loop3A_138 : i32 to index
      %parallel_loop3A_368 = arith.constant 256 : index
      %parallel_loop3A_369 = tpu.vector_load %arg14[%parallel_loop3A_367, %parallel_loop3A_368] {strides = array<i32>} : memref<5x512xf32, #tpu.memory_space<vmem>>, vector<1x16xf32>,
      %parallel_loop3A_370 = vector.shape_cast %parallel_loop3A_369 : vector<1x16xf32> to vector<16xf32>
      %parallel_loop3A_371 = arith.addf %parallel_loop3A_366, %parallel_loop3A_370 : vector<16xf32>
      %parallel_loop3A_372 = arith.index_cast %parallel_loop3A_111 : i32 to index
      %parallel_loop3A_373 = arith.constant 256 : index
      %parallel_loop3A_374 = tpu.vector_load %arg15[%parallel_loop3A_372, %parallel_loop3A_373] {strides = array<i32>} : memref<65x512xf32, #tpu.memory_space<vmem>>, vector<1x16xf32>,
      %parallel_loop3A_375 = vector.shape_cast %parallel_loop3A_374 : vector<1x16xf32> to vector<16xf32>
      %parallel_loop3A_376 = vector.shape_cast %parallel_loop3A_371 : vector<16xf32> to vector<1x16xf32>
      tpu.vector_store %arg15[%parallel_loop3A_372, %parallel_loop3A_373], %parallel_loop3A_376 {strides = array<i32>} : memref<65x512xf32, #tpu.memory_space<vmem>>, vector<1x16xf32>,
      %parallel_loop3A_377 = arith.index_cast %parallel_loop3A_135 : i32 to index
      %parallel_loop3A_378 = arith.constant 272 : index
      %parallel_loop3A_379 = tpu.vector_load %arg13[%parallel_loop3A_377, %parallel_loop3A_378] {strides = array<i32>} : memref<13x512xf32, #tpu.memory_space<vmem>>, vector<1x16xf32>,
      %parallel_loop3A_380 = vector.shape_cast %parallel_loop3A_379 : vector<1x16xf32> to vector<16xf32>
      %parallel_loop3A_381 = arith.index_cast %parallel_loop3A_138 : i32 to index
      %parallel_loop3A_382 = arith.constant 272 : index
      %parallel_loop3A_383 = tpu.vector_load %arg14[%parallel_loop3A_381, %parallel_loop3A_382] {strides = array<i32>} : memref<5x512xf32, #tpu.memory_space<vmem>>, vector<1x16xf32>,
      %parallel_loop3A_384 = vector.shape_cast %parallel_loop3A_383 : vector<1x16xf32> to vector<16xf32>
      %parallel_loop3A_385 = arith.addf %parallel_loop3A_380, %parallel_loop3A_384 : vector<16xf32>
      %parallel_loop3A_386 = arith.index_cast %parallel_loop3A_111 : i32 to index
      %parallel_loop3A_387 = arith.constant 272 : index
      %parallel_loop3A_388 = tpu.vector_load %arg15[%parallel_loop3A_386, %parallel_loop3A_387] {strides = array<i32>} : memref<65x512xf32, #tpu.memory_space<vmem>>, vector<1x16xf32>,
      %parallel_loop3A_389 = vector.shape_cast %parallel_loop3A_388 : vector<1x16xf32> to vector<16xf32>
      %parallel_loop3A_390 = vector.shape_cast %parallel_loop3A_385 : vector<16xf32> to vector<1x16xf32>
      tpu.vector_store %arg15[%parallel_loop3A_386, %parallel_loop3A_387], %parallel_loop3A_390 {strides = array<i32>} : memref<65x512xf32, #tpu.memory_space<vmem>>, vector<1x16xf32>,
      %parallel_loop3A_391 = arith.index_cast %parallel_loop3A_135 : i32 to index
      %parallel_loop3A_392 = arith.constant 288 : index
      %parallel_loop3A_393 = tpu.vector_load %arg13[%parallel_loop3A_391, %parallel_loop3A_392] {strides = array<i32>} : memref<13x512xf32, #tpu.memory_space<vmem>>, vector<1x16xf32>,
      %parallel_loop3A_394 = vector.shape_cast %parallel_loop3A_393 : vector<1x16xf32> to vector<16xf32>
      %parallel_loop3A_395 = arith.index_cast %parallel_loop3A_138 : i32 to index
      %parallel_loop3A_396 = arith.constant 288 : index
      %parallel_loop3A_397 = tpu.vector_load %arg14[%parallel_loop3A_395, %parallel_loop3A_396] {strides = array<i32>} : memref<5x512xf32, #tpu.memory_space<vmem>>, vector<1x16xf32>,
      %parallel_loop3A_398 = vector.shape_cast %parallel_loop3A_397 : vector<1x16xf32> to vector<16xf32>
      %parallel_loop3A_399 = arith.addf %parallel_loop3A_394, %parallel_loop3A_398 : vector<16xf32>
      %parallel_loop3A_400 = arith.index_cast %parallel_loop3A_111 : i32 to index
      %parallel_loop3A_401 = arith.constant 288 : index
      %parallel_loop3A_402 = tpu.vector_load %arg15[%parallel_loop3A_400, %parallel_loop3A_401] {strides = array<i32>} : memref<65x512xf32, #tpu.memory_space<vmem>>, vector<1x16xf32>,
      %parallel_loop3A_403 = vector.shape_cast %parallel_loop3A_402 : vector<1x16xf32> to vector<16xf32>
      %parallel_loop3A_404 = vector.shape_cast %parallel_loop3A_399 : vector<16xf32> to vector<1x16xf32>
      tpu.vector_store %arg15[%parallel_loop3A_400, %parallel_loop3A_401], %parallel_loop3A_404 {strides = array<i32>} : memref<65x512xf32, #tpu.memory_space<vmem>>, vector<1x16xf32>,
      %parallel_loop3A_405 = arith.index_cast %parallel_loop3A_135 : i32 to index
      %parallel_loop3A_406 = arith.constant 304 : index
      %parallel_loop3A_407 = tpu.vector_load %arg13[%parallel_loop3A_405, %parallel_loop3A_406] {strides = array<i32>} : memref<13x512xf32, #tpu.memory_space<vmem>>, vector<1x16xf32>,
      %parallel_loop3A_408 = vector.shape_cast %parallel_loop3A_407 : vector<1x16xf32> to vector<16xf32>
      %parallel_loop3A_409 = arith.index_cast %parallel_loop3A_138 : i32 to index
      %parallel_loop3A_410 = arith.constant 304 : index
      %parallel_loop3A_411 = tpu.vector_load %arg14[%parallel_loop3A_409, %parallel_loop3A_410] {strides = array<i32>} : memref<5x512xf32, #tpu.memory_space<vmem>>, vector<1x16xf32>,
      %parallel_loop3A_412 = vector.shape_cast %parallel_loop3A_411 : vector<1x16xf32> to vector<16xf32>
      %parallel_loop3A_413 = arith.addf %parallel_loop3A_408, %parallel_loop3A_412 : vector<16xf32>
      %parallel_loop3A_414 = arith.index_cast %parallel_loop3A_111 : i32 to index
      %parallel_loop3A_415 = arith.constant 304 : index
      %parallel_loop3A_416 = tpu.vector_load %arg15[%parallel_loop3A_414, %parallel_loop3A_415] {strides = array<i32>} : memref<65x512xf32, #tpu.memory_space<vmem>>, vector<1x16xf32>,
      %parallel_loop3A_417 = vector.shape_cast %parallel_loop3A_416 : vector<1x16xf32> to vector<16xf32>
      %parallel_loop3A_418 = vector.shape_cast %parallel_loop3A_413 : vector<16xf32> to vector<1x16xf32>
      tpu.vector_store %arg15[%parallel_loop3A_414, %parallel_loop3A_415], %parallel_loop3A_418 {strides = array<i32>} : memref<65x512xf32, #tpu.memory_space<vmem>>, vector<1x16xf32>,
      %parallel_loop3A_419 = arith.index_cast %parallel_loop3A_135 : i32 to index
      %parallel_loop3A_420 = arith.constant 320 : index
      %parallel_loop3A_421 = tpu.vector_load %arg13[%parallel_loop3A_419, %parallel_loop3A_420] {strides = array<i32>} : memref<13x512xf32, #tpu.memory_space<vmem>>, vector<1x16xf32>,
      %parallel_loop3A_422 = vector.shape_cast %parallel_loop3A_421 : vector<1x16xf32> to vector<16xf32>
      %parallel_loop3A_423 = arith.index_cast %parallel_loop3A_138 : i32 to index
      %parallel_loop3A_424 = arith.constant 320 : index
      %parallel_loop3A_425 = tpu.vector_load %arg14[%parallel_loop3A_423, %parallel_loop3A_424] {strides = array<i32>} : memref<5x512xf32, #tpu.memory_space<vmem>>, vector<1x16xf32>,
      %parallel_loop3A_426 = vector.shape_cast %parallel_loop3A_425 : vector<1x16xf32> to vector<16xf32>
      %parallel_loop3A_427 = arith.addf %parallel_loop3A_422, %parallel_loop3A_426 : vector<16xf32>
      %parallel_loop3A_428 = arith.index_cast %parallel_loop3A_111 : i32 to index
      %parallel_loop3A_429 = arith.constant 320 : index
      %parallel_loop3A_430 = tpu.vector_load %arg15[%parallel_loop3A_428, %parallel_loop3A_429] {strides = array<i32>} : memref<65x512xf32, #tpu.memory_space<vmem>>, vector<1x16xf32>,
      %parallel_loop3A_431 = vector.shape_cast %parallel_loop3A_430 : vector<1x16xf32> to vector<16xf32>
      %parallel_loop3A_432 = vector.shape_cast %parallel_loop3A_427 : vector<16xf32> to vector<1x16xf32>
      tpu.vector_store %arg15[%parallel_loop3A_428, %parallel_loop3A_429], %parallel_loop3A_432 {strides = array<i32>} : memref<65x512xf32, #tpu.memory_space<vmem>>, vector<1x16xf32>,
      %parallel_loop3A_433 = arith.index_cast %parallel_loop3A_135 : i32 to index
      %parallel_loop3A_434 = arith.constant 336 : index
      %parallel_loop3A_435 = tpu.vector_load %arg13[%parallel_loop3A_433, %parallel_loop3A_434] {strides = array<i32>} : memref<13x512xf32, #tpu.memory_space<vmem>>, vector<1x16xf32>,
      %parallel_loop3A_436 = vector.shape_cast %parallel_loop3A_435 : vector<1x16xf32> to vector<16xf32>
      %parallel_loop3A_437 = arith.index_cast %parallel_loop3A_138 : i32 to index
      %parallel_loop3A_438 = arith.constant 336 : index
      %parallel_loop3A_439 = tpu.vector_load %arg14[%parallel_loop3A_437, %parallel_loop3A_438] {strides = array<i32>} : memref<5x512xf32, #tpu.memory_space<vmem>>, vector<1x16xf32>,
      %parallel_loop3A_440 = vector.shape_cast %parallel_loop3A_439 : vector<1x16xf32> to vector<16xf32>
      %parallel_loop3A_441 = arith.addf %parallel_loop3A_436, %parallel_loop3A_440 : vector<16xf32>
      %parallel_loop3A_442 = arith.index_cast %parallel_loop3A_111 : i32 to index
      %parallel_loop3A_443 = arith.constant 336 : index
      %parallel_loop3A_444 = tpu.vector_load %arg15[%parallel_loop3A_442, %parallel_loop3A_443] {strides = array<i32>} : memref<65x512xf32, #tpu.memory_space<vmem>>, vector<1x16xf32>,
      %parallel_loop3A_445 = vector.shape_cast %parallel_loop3A_444 : vector<1x16xf32> to vector<16xf32>
      %parallel_loop3A_446 = vector.shape_cast %parallel_loop3A_441 : vector<16xf32> to vector<1x16xf32>
      tpu.vector_store %arg15[%parallel_loop3A_442, %parallel_loop3A_443], %parallel_loop3A_446 {strides = array<i32>} : memref<65x512xf32, #tpu.memory_space<vmem>>, vector<1x16xf32>,
      %parallel_loop3A_447 = arith.index_cast %parallel_loop3A_135 : i32 to index
      %parallel_loop3A_448 = arith.constant 352 : index
      %parallel_loop3A_449 = tpu.vector_load %arg13[%parallel_loop3A_447, %parallel_loop3A_448] {strides = array<i32>} : memref<13x512xf32, #tpu.memory_space<vmem>>, vector<1x16xf32>,
      %parallel_loop3A_450 = vector.shape_cast %parallel_loop3A_449 : vector<1x16xf32> to vector<16xf32>
      %parallel_loop3A_451 = arith.index_cast %parallel_loop3A_138 : i32 to index
      %parallel_loop3A_452 = arith.constant 352 : index
      %parallel_loop3A_453 = tpu.vector_load %arg14[%parallel_loop3A_451, %parallel_loop3A_452] {strides = array<i32>} : memref<5x512xf32, #tpu.memory_space<vmem>>, vector<1x16xf32>,
      %parallel_loop3A_454 = vector.shape_cast %parallel_loop3A_453 : vector<1x16xf32> to vector<16xf32>
      %parallel_loop3A_455 = arith.addf %parallel_loop3A_450, %parallel_loop3A_454 : vector<16xf32>
      %parallel_loop3A_456 = arith.index_cast %parallel_loop3A_111 : i32 to index
      %parallel_loop3A_457 = arith.constant 352 : index
      %parallel_loop3A_458 = tpu.vector_load %arg15[%parallel_loop3A_456, %parallel_loop3A_457] {strides = array<i32>} : memref<65x512xf32, #tpu.memory_space<vmem>>, vector<1x16xf32>,
      %parallel_loop3A_459 = vector.shape_cast %parallel_loop3A_458 : vector<1x16xf32> to vector<16xf32>
      %parallel_loop3A_460 = vector.shape_cast %parallel_loop3A_455 : vector<16xf32> to vector<1x16xf32>
      tpu.vector_store %arg15[%parallel_loop3A_456, %parallel_loop3A_457], %parallel_loop3A_460 {strides = array<i32>} : memref<65x512xf32, #tpu.memory_space<vmem>>, vector<1x16xf32>,
      %parallel_loop3A_461 = arith.index_cast %parallel_loop3A_135 : i32 to index
      %parallel_loop3A_462 = arith.constant 368 : index
      %parallel_loop3A_463 = tpu.vector_load %arg13[%parallel_loop3A_461, %parallel_loop3A_462] {strides = array<i32>} : memref<13x512xf32, #tpu.memory_space<vmem>>, vector<1x16xf32>,
      %parallel_loop3A_464 = vector.shape_cast %parallel_loop3A_463 : vector<1x16xf32> to vector<16xf32>
      %parallel_loop3A_465 = arith.index_cast %parallel_loop3A_138 : i32 to index
      %parallel_loop3A_466 = arith.constant 368 : index
      %parallel_loop3A_467 = tpu.vector_load %arg14[%parallel_loop3A_465, %parallel_loop3A_466] {strides = array<i32>} : memref<5x512xf32, #tpu.memory_space<vmem>>, vector<1x16xf32>,
      %parallel_loop3A_468 = vector.shape_cast %parallel_loop3A_467 : vector<1x16xf32> to vector<16xf32>
      %parallel_loop3A_469 = arith.addf %parallel_loop3A_464, %parallel_loop3A_468 : vector<16xf32>
      %parallel_loop3A_470 = arith.index_cast %parallel_loop3A_111 : i32 to index
      %parallel_loop3A_471 = arith.constant 368 : index
      %parallel_loop3A_472 = tpu.vector_load %arg15[%parallel_loop3A_470, %parallel_loop3A_471] {strides = array<i32>} : memref<65x512xf32, #tpu.memory_space<vmem>>, vector<1x16xf32>,
      %parallel_loop3A_473 = vector.shape_cast %parallel_loop3A_472 : vector<1x16xf32> to vector<16xf32>
      %parallel_loop3A_474 = vector.shape_cast %parallel_loop3A_469 : vector<16xf32> to vector<1x16xf32>
      tpu.vector_store %arg15[%parallel_loop3A_470, %parallel_loop3A_471], %parallel_loop3A_474 {strides = array<i32>} : memref<65x512xf32, #tpu.memory_space<vmem>>, vector<1x16xf32>,
      %parallel_loop3A_475 = arith.index_cast %parallel_loop3A_135 : i32 to index
      %parallel_loop3A_476 = arith.constant 384 : index
      %parallel_loop3A_477 = tpu.vector_load %arg13[%parallel_loop3A_475, %parallel_loop3A_476] {strides = array<i32>} : memref<13x512xf32, #tpu.memory_space<vmem>>, vector<1x16xf32>,
      %parallel_loop3A_478 = vector.shape_cast %parallel_loop3A_477 : vector<1x16xf32> to vector<16xf32>
      %parallel_loop3A_479 = arith.index_cast %parallel_loop3A_138 : i32 to index
      %parallel_loop3A_480 = arith.constant 384 : index
      %parallel_loop3A_481 = tpu.vector_load %arg14[%parallel_loop3A_479, %parallel_loop3A_480] {strides = array<i32>} : memref<5x512xf32, #tpu.memory_space<vmem>>, vector<1x16xf32>,
      %parallel_loop3A_482 = vector.shape_cast %parallel_loop3A_481 : vector<1x16xf32> to vector<16xf32>
      %parallel_loop3A_483 = arith.addf %parallel_loop3A_478, %parallel_loop3A_482 : vector<16xf32>
      %parallel_loop3A_484 = arith.index_cast %parallel_loop3A_111 : i32 to index
      %parallel_loop3A_485 = arith.constant 384 : index
      %parallel_loop3A_486 = tpu.vector_load %arg15[%parallel_loop3A_484, %parallel_loop3A_485] {strides = array<i32>} : memref<65x512xf32, #tpu.memory_space<vmem>>, vector<1x16xf32>,
      %parallel_loop3A_487 = vector.shape_cast %parallel_loop3A_486 : vector<1x16xf32> to vector<16xf32>
      %parallel_loop3A_488 = vector.shape_cast %parallel_loop3A_483 : vector<16xf32> to vector<1x16xf32>
      tpu.vector_store %arg15[%parallel_loop3A_484, %parallel_loop3A_485], %parallel_loop3A_488 {strides = array<i32>} : memref<65x512xf32, #tpu.memory_space<vmem>>, vector<1x16xf32>,
      %parallel_loop3A_489 = arith.index_cast %parallel_loop3A_135 : i32 to index
      %parallel_loop3A_490 = arith.constant 400 : index
      %parallel_loop3A_491 = tpu.vector_load %arg13[%parallel_loop3A_489, %parallel_loop3A_490] {strides = array<i32>} : memref<13x512xf32, #tpu.memory_space<vmem>>, vector<1x16xf32>,
      %parallel_loop3A_492 = vector.shape_cast %parallel_loop3A_491 : vector<1x16xf32> to vector<16xf32>
      %parallel_loop3A_493 = arith.index_cast %parallel_loop3A_138 : i32 to index
      %parallel_loop3A_494 = arith.constant 400 : index
      %parallel_loop3A_495 = tpu.vector_load %arg14[%parallel_loop3A_493, %parallel_loop3A_494] {strides = array<i32>} : memref<5x512xf32, #tpu.memory_space<vmem>>, vector<1x16xf32>,
      %parallel_loop3A_496 = vector.shape_cast %parallel_loop3A_495 : vector<1x16xf32> to vector<16xf32>
      %parallel_loop3A_497 = arith.addf %parallel_loop3A_492, %parallel_loop3A_496 : vector<16xf32>
      %parallel_loop3A_498 = arith.index_cast %parallel_loop3A_111 : i32 to index
      %parallel_loop3A_499 = arith.constant 400 : index
      %parallel_loop3A_500 = tpu.vector_load %arg15[%parallel_loop3A_498, %parallel_loop3A_499] {strides = array<i32>} : memref<65x512xf32, #tpu.memory_space<vmem>>, vector<1x16xf32>,
      %parallel_loop3A_501 = vector.shape_cast %parallel_loop3A_500 : vector<1x16xf32> to vector<16xf32>
      %parallel_loop3A_502 = vector.shape_cast %parallel_loop3A_497 : vector<16xf32> to vector<1x16xf32>
      tpu.vector_store %arg15[%parallel_loop3A_498, %parallel_loop3A_499], %parallel_loop3A_502 {strides = array<i32>} : memref<65x512xf32, #tpu.memory_space<vmem>>, vector<1x16xf32>,
      %parallel_loop3A_503 = arith.index_cast %parallel_loop3A_135 : i32 to index
      %parallel_loop3A_504 = arith.constant 416 : index
      %parallel_loop3A_505 = tpu.vector_load %arg13[%parallel_loop3A_503, %parallel_loop3A_504] {strides = array<i32>} : memref<13x512xf32, #tpu.memory_space<vmem>>, vector<1x16xf32>,
      %parallel_loop3A_506 = vector.shape_cast %parallel_loop3A_505 : vector<1x16xf32> to vector<16xf32>
      %parallel_loop3A_507 = arith.index_cast %parallel_loop3A_138 : i32 to index
      %parallel_loop3A_508 = arith.constant 416 : index
      %parallel_loop3A_509 = tpu.vector_load %arg14[%parallel_loop3A_507, %parallel_loop3A_508] {strides = array<i32>} : memref<5x512xf32, #tpu.memory_space<vmem>>, vector<1x16xf32>,
      %parallel_loop3A_510 = vector.shape_cast %parallel_loop3A_509 : vector<1x16xf32> to vector<16xf32>
      %parallel_loop3A_511 = arith.addf %parallel_loop3A_506, %parallel_loop3A_510 : vector<16xf32>
      %parallel_loop3A_512 = arith.index_cast %parallel_loop3A_111 : i32 to index
      %parallel_loop3A_513 = arith.constant 416 : index
      %parallel_loop3A_514 = tpu.vector_load %arg15[%parallel_loop3A_512, %parallel_loop3A_513] {strides = array<i32>} : memref<65x512xf32, #tpu.memory_space<vmem>>, vector<1x16xf32>,
      %parallel_loop3A_515 = vector.shape_cast %parallel_loop3A_514 : vector<1x16xf32> to vector<16xf32>
      %parallel_loop3A_516 = vector.shape_cast %parallel_loop3A_511 : vector<16xf32> to vector<1x16xf32>
      tpu.vector_store %arg15[%parallel_loop3A_512, %parallel_loop3A_513], %parallel_loop3A_516 {strides = array<i32>} : memref<65x512xf32, #tpu.memory_space<vmem>>, vector<1x16xf32>,
      %parallel_loop3A_517 = arith.index_cast %parallel_loop3A_135 : i32 to index
      %parallel_loop3A_518 = arith.constant 432 : index
      %parallel_loop3A_519 = tpu.vector_load %arg13[%parallel_loop3A_517, %parallel_loop3A_518] {strides = array<i32>} : memref<13x512xf32, #tpu.memory_space<vmem>>, vector<1x16xf32>,
      %parallel_loop3A_520 = vector.shape_cast %parallel_loop3A_519 : vector<1x16xf32> to vector<16xf32>
      %parallel_loop3A_521 = arith.index_cast %parallel_loop3A_138 : i32 to index
      %parallel_loop3A_522 = arith.constant 432 : index
      %parallel_loop3A_523 = tpu.vector_load %arg14[%parallel_loop3A_521, %parallel_loop3A_522] {strides = array<i32>} : memref<5x512xf32, #tpu.memory_space<vmem>>, vector<1x16xf32>,
      %parallel_loop3A_524 = vector.shape_cast %parallel_loop3A_523 : vector<1x16xf32> to vector<16xf32>
      %parallel_loop3A_525 = arith.addf %parallel_loop3A_520, %parallel_loop3A_524 : vector<16xf32>
      %parallel_loop3A_526 = arith.index_cast %parallel_loop3A_111 : i32 to index
      %parallel_loop3A_527 = arith.constant 432 : index
      %parallel_loop3A_528 = tpu.vector_load %arg15[%parallel_loop3A_526, %parallel_loop3A_527] {strides = array<i32>} : memref<65x512xf32, #tpu.memory_space<vmem>>, vector<1x16xf32>,
      %parallel_loop3A_529 = vector.shape_cast %parallel_loop3A_528 : vector<1x16xf32> to vector<16xf32>
      %parallel_loop3A_530 = vector.shape_cast %parallel_loop3A_525 : vector<16xf32> to vector<1x16xf32>
      tpu.vector_store %arg15[%parallel_loop3A_526, %parallel_loop3A_527], %parallel_loop3A_530 {strides = array<i32>} : memref<65x512xf32, #tpu.memory_space<vmem>>, vector<1x16xf32>,
      %parallel_loop3A_531 = arith.index_cast %parallel_loop3A_135 : i32 to index
      %parallel_loop3A_532 = arith.constant 448 : index
      %parallel_loop3A_533 = tpu.vector_load %arg13[%parallel_loop3A_531, %parallel_loop3A_532] {strides = array<i32>} : memref<13x512xf32, #tpu.memory_space<vmem>>, vector<1x16xf32>,
      %parallel_loop3A_534 = vector.shape_cast %parallel_loop3A_533 : vector<1x16xf32> to vector<16xf32>
      %parallel_loop3A_535 = arith.index_cast %parallel_loop3A_138 : i32 to index
      %parallel_loop3A_536 = arith.constant 448 : index
      %parallel_loop3A_537 = tpu.vector_load %arg14[%parallel_loop3A_535, %parallel_loop3A_536] {strides = array<i32>} : memref<5x512xf32, #tpu.memory_space<vmem>>, vector<1x16xf32>,
      %parallel_loop3A_538 = vector.shape_cast %parallel_loop3A_537 : vector<1x16xf32> to vector<16xf32>
      %parallel_loop3A_539 = arith.addf %parallel_loop3A_534, %parallel_loop3A_538 : vector<16xf32>
      %parallel_loop3A_540 = arith.index_cast %parallel_loop3A_111 : i32 to index
      %parallel_loop3A_541 = arith.constant 448 : index
      %parallel_loop3A_542 = tpu.vector_load %arg15[%parallel_loop3A_540, %parallel_loop3A_541] {strides = array<i32>} : memref<65x512xf32, #tpu.memory_space<vmem>>, vector<1x16xf32>,
      %parallel_loop3A_543 = vector.shape_cast %parallel_loop3A_542 : vector<1x16xf32> to vector<16xf32>
      %parallel_loop3A_544 = vector.shape_cast %parallel_loop3A_539 : vector<16xf32> to vector<1x16xf32>
      tpu.vector_store %arg15[%parallel_loop3A_540, %parallel_loop3A_541], %parallel_loop3A_544 {strides = array<i32>} : memref<65x512xf32, #tpu.memory_space<vmem>>, vector<1x16xf32>,
      %parallel_loop3A_545 = arith.index_cast %parallel_loop3A_135 : i32 to index
      %parallel_loop3A_546 = arith.constant 464 : index
      %parallel_loop3A_547 = tpu.vector_load %arg13[%parallel_loop3A_545, %parallel_loop3A_546] {strides = array<i32>} : memref<13x512xf32, #tpu.memory_space<vmem>>, vector<1x16xf32>,
      %parallel_loop3A_548 = vector.shape_cast %parallel_loop3A_547 : vector<1x16xf32> to vector<16xf32>
      %parallel_loop3A_549 = arith.index_cast %parallel_loop3A_138 : i32 to index
      %parallel_loop3A_550 = arith.constant 464 : index
      %parallel_loop3A_551 = tpu.vector_load %arg14[%parallel_loop3A_549, %parallel_loop3A_550] {strides = array<i32>} : memref<5x512xf32, #tpu.memory_space<vmem>>, vector<1x16xf32>,
      %parallel_loop3A_552 = vector.shape_cast %parallel_loop3A_551 : vector<1x16xf32> to vector<16xf32>
      %parallel_loop3A_553 = arith.addf %parallel_loop3A_548, %parallel_loop3A_552 : vector<16xf32>
      %parallel_loop3A_554 = arith.index_cast %parallel_loop3A_111 : i32 to index
      %parallel_loop3A_555 = arith.constant 464 : index
      %parallel_loop3A_556 = tpu.vector_load %arg15[%parallel_loop3A_554, %parallel_loop3A_555] {strides = array<i32>} : memref<65x512xf32, #tpu.memory_space<vmem>>, vector<1x16xf32>,
      %parallel_loop3A_557 = vector.shape_cast %parallel_loop3A_556 : vector<1x16xf32> to vector<16xf32>
      %parallel_loop3A_558 = vector.shape_cast %parallel_loop3A_553 : vector<16xf32> to vector<1x16xf32>
      tpu.vector_store %arg15[%parallel_loop3A_554, %parallel_loop3A_555], %parallel_loop3A_558 {strides = array<i32>} : memref<65x512xf32, #tpu.memory_space<vmem>>, vector<1x16xf32>,
      %parallel_loop3A_559 = arith.index_cast %parallel_loop3A_135 : i32 to index
      %parallel_loop3A_560 = arith.constant 480 : index
      %parallel_loop3A_561 = tpu.vector_load %arg13[%parallel_loop3A_559, %parallel_loop3A_560] {strides = array<i32>} : memref<13x512xf32, #tpu.memory_space<vmem>>, vector<1x16xf32>,
      %parallel_loop3A_562 = vector.shape_cast %parallel_loop3A_561 : vector<1x16xf32> to vector<16xf32>
      %parallel_loop3A_563 = arith.index_cast %parallel_loop3A_138 : i32 to index
      %parallel_loop3A_564 = arith.constant 480 : index
      %parallel_loop3A_565 = tpu.vector_load %arg14[%parallel_loop3A_563, %parallel_loop3A_564] {strides = array<i32>} : memref<5x512xf32, #tpu.memory_space<vmem>>, vector<1x16xf32>,
      %parallel_loop3A_566 = vector.shape_cast %parallel_loop3A_565 : vector<1x16xf32> to vector<16xf32>
      %parallel_loop3A_567 = arith.addf %parallel_loop3A_562, %parallel_loop3A_566 : vector<16xf32>
      %parallel_loop3A_568 = arith.index_cast %parallel_loop3A_111 : i32 to index
      %parallel_loop3A_569 = arith.constant 480 : index
      %parallel_loop3A_570 = tpu.vector_load %arg15[%parallel_loop3A_568, %parallel_loop3A_569] {strides = array<i32>} : memref<65x512xf32, #tpu.memory_space<vmem>>, vector<1x16xf32>,
      %parallel_loop3A_571 = vector.shape_cast %parallel_loop3A_570 : vector<1x16xf32> to vector<16xf32>
      %parallel_loop3A_572 = vector.shape_cast %parallel_loop3A_567 : vector<16xf32> to vector<1x16xf32>
      tpu.vector_store %arg15[%parallel_loop3A_568, %parallel_loop3A_569], %parallel_loop3A_572 {strides = array<i32>} : memref<65x512xf32, #tpu.memory_space<vmem>>, vector<1x16xf32>,
      %parallel_loop3A_573 = arith.index_cast %parallel_loop3A_135 : i32 to index
      %parallel_loop3A_574 = arith.constant 496 : index
      %parallel_loop3A_575 = tpu.vector_load %arg13[%parallel_loop3A_573, %parallel_loop3A_574] {strides = array<i32>} : memref<13x512xf32, #tpu.memory_space<vmem>>, vector<1x16xf32>,
      %parallel_loop3A_576 = vector.shape_cast %parallel_loop3A_575 : vector<1x16xf32> to vector<16xf32>
      %parallel_loop3A_577 = arith.index_cast %parallel_loop3A_138 : i32 to index
      %parallel_loop3A_578 = arith.constant 496 : index
      %parallel_loop3A_579 = tpu.vector_load %arg14[%parallel_loop3A_577, %parallel_loop3A_578] {strides = array<i32>} : memref<5x512xf32, #tpu.memory_space<vmem>>, vector<1x16xf32>,
      %parallel_loop3A_580 = vector.shape_cast %parallel_loop3A_579 : vector<1x16xf32> to vector<16xf32>
      %parallel_loop3A_581 = arith.addf %parallel_loop3A_576, %parallel_loop3A_580 : vector<16xf32>
      %parallel_loop3A_582 = arith.index_cast %parallel_loop3A_111 : i32 to index
      %parallel_loop3A_583 = arith.constant 496 : index
      %parallel_loop3A_584 = tpu.vector_load %arg15[%parallel_loop3A_582, %parallel_loop3A_583] {strides = array<i32>} : memref<65x512xf32, #tpu.memory_space<vmem>>, vector<1x16xf32>,
      %parallel_loop3A_585 = vector.shape_cast %parallel_loop3A_584 : vector<1x16xf32> to vector<16xf32>
      %parallel_loop3A_586 = vector.shape_cast %parallel_loop3A_581 : vector<16xf32> to vector<1x16xf32>
      tpu.vector_store %arg15[%parallel_loop3A_582, %parallel_loop3A_583], %parallel_loop3A_586 {strides = array<i32>} : memref<65x512xf32, #tpu.memory_space<vmem>>, vector<1x16xf32>,
    } {sc.loop_unroll_factor = 2 : i64, sc.parallel_access}
    %dma_wait3A = tpu.memref_slice %arg2[%mul3A_2] : memref<131072xi32, #tpu.memory_space<hbm>> -> memref<4096xi32, #tpu.memory_space<hbm>>
    %dma_wait3A_14 = tpu.memref_slice %arg2[%mul3A_2] : memref<131072xi32, #tpu.memory_space<hbm>> -> memref<4096xi32, #tpu.memory_space<hbm>>
    tpu.wait_dma2 semaphore(%arg24 : memref<!tpu.dma_semaphore, #tpu.memory_space<semaphore_mem>>) src(%dma_wait3A_14 : memref<4096xi32, #tpu.memory_space<hbm>>) dst(%arg9 : memref<4096xi32, #tpu.memory_space<vmem>>)
    %dma_wait3A_15 = arith.constant 0 : i32
    %dma_wait3A_16 = tpu.memref_slice %arg10[%dma_wait3A_15] : memref<4112xi32, #tpu.memory_space<vmem>> -> memref<4096xi32, #tpu.memory_space<vmem>>
    %dma_wait3A_17 = tpu.memref_slice %arg3[%mul3A_2] : memref<131072xi32, #tpu.memory_space<hbm>> -> memref<4096xi32, #tpu.memory_space<hbm>>
    %dma_wait3A_18 = arith.constant 0 : i32
    %dma_wait3A_19 = tpu.memref_slice %arg10[%dma_wait3A_18] : memref<4112xi32, #tpu.memory_space<vmem>> -> memref<4096xi32, #tpu.memory_space<vmem>>
    %dma_wait3A_20 = tpu.memref_slice %arg3[%mul3A_2] : memref<131072xi32, #tpu.memory_space<hbm>> -> memref<4096xi32, #tpu.memory_space<hbm>>
    tpu.wait_dma2 semaphore(%arg24 : memref<!tpu.dma_semaphore, #tpu.memory_space<semaphore_mem>>) src(%dma_wait3A_20 : memref<4096xi32, #tpu.memory_space<hbm>>) dst(%dma_wait3A_19 : memref<4096xi32, #tpu.memory_space<vmem>>)
    %dma_wait3A_21 = tpu.memref_slice %arg4[%mul3A_2] : memref<131072xi32, #tpu.memory_space<hbm>> -> memref<4096xi32, #tpu.memory_space<hbm>>
    %dma_wait3A_22 = tpu.memref_slice %arg4[%mul3A_2] : memref<131072xi32, #tpu.memory_space<hbm>> -> memref<4096xi32, #tpu.memory_space<hbm>>
    tpu.wait_dma2 semaphore(%arg24 : memref<!tpu.dma_semaphore, #tpu.memory_space<semaphore_mem>>) src(%dma_wait3A_22 : memref<4096xi32, #tpu.memory_space<hbm>>) dst(%arg11 : memref<4096xi32, #tpu.memory_space<vmem>>)
    %parallel_loop3A_23 = arith.constant 0 : i32
    %parallel_loop3A_24 = arith.constant 256 : i32
    %parallel_loop3A_25 = arith.constant 1 : i32
    scf.for %parallel_loop3A_111 = %parallel_loop3A_23 to %parallel_loop3A_24 step %parallel_loop3A_25  : i32 {
      %parallel_loop3A_112 = arith.constant 16 : i32
      %parallel_loop3A_113 = arith.muli %parallel_loop3A_111, %parallel_loop3A_112 : i32
      %parallel_loop3A_114 = arith.index_cast %parallel_loop3A_113 : i32 to index
      %parallel_loop3A_115 = tpu.vector_load %arg10[%parallel_loop3A_114] {strides = array<i32>} : memref<4112xi32, #tpu.memory_space<vmem>>, vector<16xi32>,
      %parallel_loop3A_116 = vector.shape_cast %parallel_loop3A_115 : vector<16xi32> to vector<16xi32>
      %parallel_loop3A_117 = arith.constant 5 : i32
      %parallel_loop3A_118 = vector.broadcast %parallel_loop3A_117 : i32 to vector<16xi32>
      %parallel_loop3A_119 = arith.muli %parallel_loop3A_116, %parallel_loop3A_118 : vector<16xi32>
      %parallel_loop3A_120 = arith.index_cast %parallel_loop3A_113 : i32 to index
      %parallel_loop3A_121 = tpu.vector_load %arg11[%parallel_loop3A_120] {strides = array<i32>} : memref<4096xi32, #tpu.memory_space<vmem>>, vector<16xi32>,
      %parallel_loop3A_122 = vector.shape_cast %parallel_loop3A_121 : vector<16xi32> to vector<16xi32>
      %parallel_loop3A_123 = arith.addi %parallel_loop3A_119, %parallel_loop3A_122 : vector<16xi32>
      %parallel_loop3A_124 = arith.index_cast %parallel_loop3A_113 : i32 to index
      %parallel_loop3A_125 = tpu.vector_load %arg10[%parallel_loop3A_124] {strides = array<i32>} : memref<4112xi32, #tpu.memory_space<vmem>>, vector<16xi32>,
      %parallel_loop3A_126 = vector.shape_cast %parallel_loop3A_125 : vector<16xi32> to vector<16xi32>
      %parallel_loop3A_127 = vector.shape_cast %parallel_loop3A_123 : vector<16xi32> to vector<16xi32>
      tpu.vector_store %arg10[%parallel_loop3A_124], %parallel_loop3A_127 {strides = array<i32>} : memref<4112xi32, #tpu.memory_space<vmem>>, vector<16xi32>,
    } {sc.loop_unroll_factor = 4 : i64, sc.parallel_access}
    %dma_start3A_26 = arith.constant 0 : i32
    %dma_start3A_27 = arith.constant 0 : i32
    %dma_start3A_28 = arith.constant 0 : i32
    %dma_start3A_29 = tpu.memref_slice %arg12[%dma_start3A_26, %dma_start3A_27, %dma_start3A_28] : memref<4x32x512xf32, #tpu.memory_space<vmem>> -> memref<1x32x512xf32, #tpu.memory_space<vmem>>
    %dma_start3A_30 = tpu.memref_squeeze %dma_start3A_29 : memref<1x32x512xf32, #tpu.memory_space<vmem>> -> memref<32x512xf32, #tpu.memory_space<vmem>>
    %dma_start3A_31 = arith.constant 0 : i32
    %dma_start3A_32 = tpu.memref_slice %arg9[%dma_start3A_31] : memref<4096xi32, #tpu.memory_space<vmem>> -> memref<32xi32, #tpu.memory_space<vmem>>
    %dma_start3A_33 = arith.constant 0 : i32
    %dma_start3A_34 = arith.constant 0 : i32
    %dma_start3A_35 = tpu.memref_slice %arg5[%dma_start3A_33, %dma_start3A_34] : memref<10000x512xf32, #tpu.memory_space<hbm>> -> memref<10000x512xf32, #tpu.memory_space<hbm>>
    tpu.enqueue_indirect_dma source(%dma_start3A_35 : memref<10000x512xf32, #tpu.memory_space<hbm>>) target(%dma_start3A_30 : memref<32x512xf32, #tpu.memory_space<vmem>>) offsets(%dma_start3A_32 : memref<32xi32, #tpu.memory_space<vmem>>) semaphore(%arg16 : memref<!tpu.dma_semaphore, #tpu.memory_space<semaphore_mem>>)
    %dma_start3A_36 = arith.constant 1 : i32
    %dma_start3A_37 = arith.constant 0 : i32
    %dma_start3A_38 = arith.constant 0 : i32
    %dma_start3A_39 = tpu.memref_slice %arg12[%dma_start3A_36, %dma_start3A_37, %dma_start3A_38] : memref<4x32x512xf32, #tpu.memory_space<vmem>> -> memref<1x32x512xf32, #tpu.memory_space<vmem>>
    %dma_start3A_40 = tpu.memref_squeeze %dma_start3A_39 : memref<1x32x512xf32, #tpu.memory_space<vmem>> -> memref<32x512xf32, #tpu.memory_space<vmem>>
    %dma_start3A_41 = arith.constant 32 : i32
    %dma_start3A_42 = tpu.memref_slice %arg9[%dma_start3A_41] : memref<4096xi32, #tpu.memory_space<vmem>> -> memref<32xi32, #tpu.memory_space<vmem>>
    %dma_start3A_43 = arith.constant 0 : i32
    %dma_start3A_44 = arith.constant 0 : i32
    %dma_start3A_45 = tpu.memref_slice %arg5[%dma_start3A_43, %dma_start3A_44] : memref<10000x512xf32, #tpu.memory_space<hbm>> -> memref<10000x512xf32, #tpu.memory_space<hbm>>
    tpu.enqueue_indirect_dma source(%dma_start3A_45 : memref<10000x512xf32, #tpu.memory_space<hbm>>) target(%dma_start3A_40 : memref<32x512xf32, #tpu.memory_space<vmem>>) offsets(%dma_start3A_42 : memref<32xi32, #tpu.memory_space<vmem>>) semaphore(%arg17 : memref<!tpu.dma_semaphore, #tpu.memory_space<semaphore_mem>>)
    %scan3A = arith.constant 0 : i32
    %scan3A_46 = arith.constant 0 : i32
    %scan3A_47 = arith.constant 32 : i32
    %scan3A_48 = arith.addi %scan3A_46, %scan3A_47 : i32
    %scan3A_49 = arith.constant 1 : i32
    scf.for %scan3A_111 = %scan3A_46 to %scan3A_48 step %scan3A_49  : i32 {
      %mul3A_112 = arith.constant 4 : i32
      %mul3A_113 = arith.muli %scan3A_111, %mul3A_112 : i32
      %add3A_114 = arith.constant 0 : i32
      %add3A_115 = arith.addi %mul3A_113, %add3A_114 : i32
      %add3A_116 = arith.constant 2 : i32
      %add3A_117 = arith.addi %add3A_115, %add3A_116 : i32
      %lt3A = arith.constant 128 : i32
      %lt3A_118 = arith.cmpi slt, %add3A_117, %lt3A : i32
      %convert_element_type3A = arith.extui %lt3A_118 : i1 to i32
      %cond3A = arith.constant 0 : i32
      %cond3A_119 = arith.cmpi ne, %convert_element_type3A, %cond3A : i32
      scf.if %cond3A_119 {
        %add3A_289 = arith.constant 2 : i32
        %add3A_290 = arith.addi %add3A_115, %add3A_289 : i32
        %ge3A = arith.constant 4 : i32
        %ge3A_291 = arith.cmpi sge, %add3A_290, %ge3A : i32
        %convert_element_type3A_292 = arith.extui %ge3A_291 : i1 to i32
        %cond3A_293 = arith.constant 0 : i32
        %cond3A_294 = arith.cmpi ne, %convert_element_type3A_292, %cond3A_293 : i32
        scf.if %cond3A_294 {
          %dma_wait3A_308 = arith.constant 2 : i32
          %dma_wait3A_309 = arith.constant 0 : i32
          %dma_wait3A_310 = arith.constant 0 : i32
          %dma_wait3A_311 = tpu.memref_slice %arg12[%dma_wait3A_308, %dma_wait3A_309, %dma_wait3A_310] : memref<4x32x512xf32, #tpu.memory_space<vmem>> -> memref<1x32x512xf32, #tpu.memory_space<vmem>>
          %dma_wait3A_312 = tpu.memref_squeeze %dma_wait3A_311 : memref<1x32x512xf32, #tpu.memory_space<vmem>> -> memref<32x512xf32, #tpu.memory_space<vmem>>
          %dma_wait3A_313 = arith.constant 0 : i32
          %dma_wait3A_314 = arith.constant 0 : i32
          %dma_wait3A_315 = tpu.memref_slice %arg8[%dma_wait3A_313, %dma_wait3A_314] : memref<131072x512xf32, #tpu.memory_space<hbm>> -> memref<32x512xf32, #tpu.memory_space<hbm>>
          %dma_wait3A_316 = arith.constant 0 : i32
          %dma_wait3A_317 = arith.constant 0 : i32
          %dma_wait3A_318 = tpu.memref_slice %arg8[%dma_wait3A_316, %dma_wait3A_317] : memref<131072x512xf32, #tpu.memory_space<hbm>> -> memref<32x512xf32, #tpu.memory_space<hbm>>
          %dma_wait3A_319 = arith.constant 0 : i32
          %dma_wait3A_320 = arith.constant 0 : i32
          %dma_wait3A_321 = tpu.memref_slice %arg12[%dma_wait3A_308, %dma_wait3A_319, %dma_wait3A_320] : memref<4x32x512xf32, #tpu.memory_space<vmem>> -> memref<1x32x512xf32, #tpu.memory_space<vmem>>
          %dma_wait3A_322 = tpu.memref_squeeze %dma_wait3A_321 : memref<1x32x512xf32, #tpu.memory_space<vmem>> -> memref<32x512xf32, #tpu.memory_space<vmem>>
          tpu.wait_dma2 semaphore(%arg22 : memref<!tpu.dma_semaphore, #tpu.memory_space<semaphore_mem>>) src(%dma_wait3A_322 : memref<32x512xf32, #tpu.memory_space<vmem>>) dst(%dma_wait3A_318 : memref<32x512xf32, #tpu.memory_space<hbm>>)
        } else {
        }
        %add3A_295 = arith.constant 2 : i32
        %add3A_296 = arith.addi %add3A_115, %add3A_295 : i32
        %mul3A_297 = arith.constant 32 : i32
        %mul3A_298 = arith.muli %add3A_296, %mul3A_297 : i32
        %dma_start3A_299 = arith.constant 2 : i32
        %dma_start3A_300 = arith.constant 0 : i32
        %dma_start3A_301 = arith.constant 0 : i32
        %dma_start3A_302 = tpu.memref_slice %arg12[%dma_start3A_299, %dma_start3A_300, %dma_start3A_301] : memref<4x32x512xf32, #tpu.memory_space<vmem>> -> memref<1x32x512xf32, #tpu.memory_space<vmem>>
        %dma_start3A_303 = tpu.memref_squeeze %dma_start3A_302 : memref<1x32x512xf32, #tpu.memory_space<vmem>> -> memref<32x512xf32, #tpu.memory_space<vmem>>
        %dma_start3A_304 = tpu.memref_slice %arg9[%mul3A_298] : memref<4096xi32, #tpu.memory_space<vmem>> -> memref<32xi32, #tpu.memory_space<vmem>>
        %dma_start3A_305 = arith.constant 0 : i32
        %dma_start3A_306 = arith.constant 0 : i32
        %dma_start3A_307 = tpu.memref_slice %arg5[%dma_start3A_305, %dma_start3A_306] : memref<10000x512xf32, #tpu.memory_space<hbm>> -> memref<10000x512xf32, #tpu.memory_space<hbm>>
        tpu.enqueue_indirect_dma source(%dma_start3A_307 : memref<10000x512xf32, #tpu.memory_space<hbm>>) target(%dma_start3A_303 : memref<32x512xf32, #tpu.memory_space<vmem>>) offsets(%dma_start3A_304 : memref<32xi32, #tpu.memory_space<vmem>>) semaphore(%arg18 : memref<!tpu.dma_semaphore, #tpu.memory_space<semaphore_mem>>)
      } else {
      }
      %dma_wait3A_120 = arith.constant 0 : i32
      %dma_wait3A_121 = arith.constant 0 : i32
      %dma_wait3A_122 = arith.constant 0 : i32
      %dma_wait3A_123 = tpu.memref_slice %arg12[%dma_wait3A_120, %dma_wait3A_121, %dma_wait3A_122] : memref<4x32x512xf32, #tpu.memory_space<vmem>> -> memref<1x32x512xf32, #tpu.memory_space<vmem>>
      %dma_wait3A_124 = tpu.memref_squeeze %dma_wait3A_123 : memref<1x32x512xf32, #tpu.memory_space<vmem>> -> memref<32x512xf32, #tpu.memory_space<vmem>>
      %dma_wait3A_125 = arith.constant 0 : i32
      %dma_wait3A_126 = arith.constant 0 : i32
      %dma_wait3A_127 = tpu.memref_slice %arg5[%dma_wait3A_125, %dma_wait3A_126] : memref<10000x512xf32, #tpu.memory_space<hbm>> -> memref<32x512xf32, #tpu.memory_space<hbm>>
      %dma_wait3A_128 = arith.constant 0 : i32
      %dma_wait3A_129 = arith.constant 0 : i32
      %dma_wait3A_130 = tpu.memref_slice %arg12[%dma_wait3A_120, %dma_wait3A_128, %dma_wait3A_129] : memref<4x32x512xf32, #tpu.memory_space<vmem>> -> memref<1x32x512xf32, #tpu.memory_space<vmem>>
      %dma_wait3A_131 = tpu.memref_squeeze %dma_wait3A_130 : memref<1x32x512xf32, #tpu.memory_space<vmem>> -> memref<32x512xf32, #tpu.memory_space<vmem>>
      %dma_wait3A_132 = arith.constant 0 : i32
      %dma_wait3A_133 = arith.constant 0 : i32
      %dma_wait3A_134 = tpu.memref_slice %arg5[%dma_wait3A_132, %dma_wait3A_133] : memref<10000x512xf32, #tpu.memory_space<hbm>> -> memref<32x512xf32, #tpu.memory_space<hbm>>
      tpu.wait_dma2 semaphore(%arg16 : memref<!tpu.dma_semaphore, #tpu.memory_space<semaphore_mem>>) src(%dma_wait3A_134 : memref<32x512xf32, #tpu.memory_space<hbm>>) dst(%dma_wait3A_131 : memref<32x512xf32, #tpu.memory_space<vmem>>)
      %parallel_loop3A_135 = arith.constant 0 : i32
      %parallel_loop3A_136 = arith.constant 32 : i32
      %parallel_loop3A_137 = arith.constant 1 : i32
      scf.for %parallel_loop3A_289 = %parallel_loop3A_135 to %parallel_loop3A_136 step %parallel_loop3A_137  : i32 {
        %parallel_loop3A_290 = arith.constant 32 : i32
        %parallel_loop3A_291 = arith.muli %add3A_115, %parallel_loop3A_290 : i32
        %parallel_loop3A_292 = arith.addi %parallel_loop3A_291, %parallel_loop3A_289 : i32
        %parallel_loop3A_293 = arith.index_cast %parallel_loop3A_292 : i32 to index
        %parallel_loop3A_294 = tpu.vector_load %arg10[%parallel_loop3A_293] {strides = array<i32>} : memref<4112xi32, #tpu.memory_space<vmem>>, vector<16xi32>,
        %parallel_loop3A_295 = vector.shape_cast %parallel_loop3A_294 : vector<16xi32> to vector<16xi32>
        %parallel_loop3A_296 = vector.extract_strided_slice %parallel_loop3A_295 {offsets = [0], sizes = [1], strides = [1]} : vector<16xi32> to vector<1xi32>
        %parallel_loop3A_297 = vector.extract %parallel_loop3A_296[0] : i32 from vector<1xi32>
        %parallel_loop3A_298 = arith.index_cast %parallel_loop3A_297 : i32 to index
        %parallel_loop3A_299 = arith.constant 0 : index
        %parallel_loop3A_300 = tpu.vector_load %arg15[%parallel_loop3A_298, %parallel_loop3A_299] {strides = array<i32>} : memref<65x512xf32, #tpu.memory_space<vmem>>, vector<1x16xf32>,
        %parallel_loop3A_301 = vector.shape_cast %parallel_loop3A_300 : vector<1x16xf32> to vector<16xf32>
        %parallel_loop3A_302 = arith.constant 0 : i32
        %parallel_loop3A_303 = arith.index_cast %parallel_loop3A_302 : i32 to index
        %parallel_loop3A_304 = arith.index_cast %parallel_loop3A_289 : i32 to index
        %parallel_loop3A_305 = arith.constant 0 : index
        %parallel_loop3A_306 = tpu.vector_load %arg12[%parallel_loop3A_303, %parallel_loop3A_304, %parallel_loop3A_305] {strides = array<i32>} : memref<4x32x512xf32, #tpu.memory_space<vmem>>, vector<1x1x16xf32>,
        %parallel_loop3A_307 = vector.shape_cast %parallel_loop3A_306 : vector<1x1x16xf32> to vector<16xf32>
        %parallel_loop3A_308 = vector.shape_cast %parallel_loop3A_301 : vector<16xf32> to vector<1x1x16xf32>
        tpu.vector_store %arg12[%parallel_loop3A_303, %parallel_loop3A_304, %parallel_loop3A_305], %parallel_loop3A_308 {add = true, strides = array<i32>} : memref<4x32x512xf32, #tpu.memory_space<vmem>>, vector<1x1x16xf32>,
        %parallel_loop3A_309 = arith.index_cast %parallel_loop3A_297 : i32 to index
        %parallel_loop3A_310 = arith.constant 16 : index
        %parallel_loop3A_311 = tpu.vector_load %arg15[%parallel_loop3A_309, %parallel_loop3A_310] {strides = array<i32>} : memref<65x512xf32, #tpu.memory_space<vmem>>, vector<1x16xf32>,
        %parallel_loop3A_312 = vector.shape_cast %parallel_loop3A_311 : vector<1x16xf32> to vector<16xf32>
        %parallel_loop3A_313 = arith.constant 0 : i32
        %parallel_loop3A_314 = arith.index_cast %parallel_loop3A_313 : i32 to index
        %parallel_loop3A_315 = arith.index_cast %parallel_loop3A_289 : i32 to index
        %parallel_loop3A_316 = arith.constant 16 : index
        %parallel_loop3A_317 = tpu.vector_load %arg12[%parallel_loop3A_314, %parallel_loop3A_315, %parallel_loop3A_316] {strides = array<i32>} : memref<4x32x512xf32, #tpu.memory_space<vmem>>, vector<1x1x16xf32>,
        %parallel_loop3A_318 = vector.shape_cast %parallel_loop3A_317 : vector<1x1x16xf32> to vector<16xf32>
        %parallel_loop3A_319 = vector.shape_cast %parallel_loop3A_312 : vector<16xf32> to vector<1x1x16xf32>
        tpu.vector_store %arg12[%parallel_loop3A_314, %parallel_loop3A_315, %parallel_loop3A_316], %parallel_loop3A_319 {add = true, strides = array<i32>} : memref<4x32x512xf32, #tpu.memory_space<vmem>>, vector<1x1x16xf32>,
        %parallel_loop3A_320 = arith.index_cast %parallel_loop3A_297 : i32 to index
        %parallel_loop3A_321 = arith.constant 32 : index
        %parallel_loop3A_322 = tpu.vector_load %arg15[%parallel_loop3A_320, %parallel_loop3A_321] {strides = array<i32>} : memref<65x512xf32, #tpu.memory_space<vmem>>, vector<1x16xf32>,
        %parallel_loop3A_323 = vector.shape_cast %parallel_loop3A_322 : vector<1x16xf32> to vector<16xf32>
        %parallel_loop3A_324 = arith.constant 0 : i32
        %parallel_loop3A_325 = arith.index_cast %parallel_loop3A_324 : i32 to index
        %parallel_loop3A_326 = arith.index_cast %parallel_loop3A_289 : i32 to index
        %parallel_loop3A_327 = arith.constant 32 : index
        %parallel_loop3A_328 = tpu.vector_load %arg12[%parallel_loop3A_325, %parallel_loop3A_326, %parallel_loop3A_327] {strides = array<i32>} : memref<4x32x512xf32, #tpu.memory_space<vmem>>, vector<1x1x16xf32>,
        %parallel_loop3A_329 = vector.shape_cast %parallel_loop3A_328 : vector<1x1x16xf32> to vector<16xf32>
        %parallel_loop3A_330 = vector.shape_cast %parallel_loop3A_323 : vector<16xf32> to vector<1x1x16xf32>
        tpu.vector_store %arg12[%parallel_loop3A_325, %parallel_loop3A_326, %parallel_loop3A_327], %parallel_loop3A_330 {add = true, strides = array<i32>} : memref<4x32x512xf32, #tpu.memory_space<vmem>>, vector<1x1x16xf32>,
        %parallel_loop3A_331 = arith.index_cast %parallel_loop3A_297 : i32 to index
        %parallel_loop3A_332 = arith.constant 48 : index
        %parallel_loop3A_333 = tpu.vector_load %arg15[%parallel_loop3A_331, %parallel_loop3A_332] {strides = array<i32>} : memref<65x512xf32, #tpu.memory_space<vmem>>, vector<1x16xf32>,
        %parallel_loop3A_334 = vector.shape_cast %parallel_loop3A_333 : vector<1x16xf32> to vector<16xf32>
        %parallel_loop3A_335 = arith.constant 0 : i32
        %parallel_loop3A_336 = arith.index_cast %parallel_loop3A_335 : i32 to index
        %parallel_loop3A_337 = arith.index_cast %parallel_loop3A_289 : i32 to index
        %parallel_loop3A_338 = arith.constant 48 : index
        %parallel_loop3A_339 = tpu.vector_load %arg12[%parallel_loop3A_336, %parallel_loop3A_337, %parallel_loop3A_338] {strides = array<i32>} : memref<4x32x512xf32, #tpu.memory_space<vmem>>, vector<1x1x16xf32>,
        %parallel_loop3A_340 = vector.shape_cast %parallel_loop3A_339 : vector<1x1x16xf32> to vector<16xf32>
        %parallel_loop3A_341 = vector.shape_cast %parallel_loop3A_334 : vector<16xf32> to vector<1x1x16xf32>
        tpu.vector_store %arg12[%parallel_loop3A_336, %parallel_loop3A_337, %parallel_loop3A_338], %parallel_loop3A_341 {add = true, strides = array<i32>} : memref<4x32x512xf32, #tpu.memory_space<vmem>>, vector<1x1x16xf32>,
        %parallel_loop3A_342 = arith.index_cast %parallel_loop3A_297 : i32 to index
        %parallel_loop3A_343 = arith.constant 64 : index
        %parallel_loop3A_344 = tpu.vector_load %arg15[%parallel_loop3A_342, %parallel_loop3A_343] {strides = array<i32>} : memref<65x512xf32, #tpu.memory_space<vmem>>, vector<1x16xf32>,
        %parallel_loop3A_345 = vector.shape_cast %parallel_loop3A_344 : vector<1x16xf32> to vector<16xf32>
        %parallel_loop3A_346 = arith.constant 0 : i32
        %parallel_loop3A_347 = arith.index_cast %parallel_loop3A_346 : i32 to index
        %parallel_loop3A_348 = arith.index_cast %parallel_loop3A_289 : i32 to index
        %parallel_loop3A_349 = arith.constant 64 : index
        %parallel_loop3A_350 = tpu.vector_load %arg12[%parallel_loop3A_347, %parallel_loop3A_348, %parallel_loop3A_349] {strides = array<i32>} : memref<4x32x512xf32, #tpu.memory_space<vmem>>, vector<1x1x16xf32>,
        %parallel_loop3A_351 = vector.shape_cast %parallel_loop3A_350 : vector<1x1x16xf32> to vector<16xf32>
        %parallel_loop3A_352 = vector.shape_cast %parallel_loop3A_345 : vector<16xf32> to vector<1x1x16xf32>
        tpu.vector_store %arg12[%parallel_loop3A_347, %parallel_loop3A_348, %parallel_loop3A_349], %parallel_loop3A_352 {add = true, strides = array<i32>} : memref<4x32x512xf32, #tpu.memory_space<vmem>>, vector<1x1x16xf32>,
        %parallel_loop3A_353 = arith.index_cast %parallel_loop3A_297 : i32 to index
        %parallel_loop3A_354 = arith.constant 80 : index
        %parallel_loop3A_355 = tpu.vector_load %arg15[%parallel_loop3A_353, %parallel_loop3A_354] {strides = array<i32>} : memref<65x512xf32, #tpu.memory_space<vmem>>, vector<1x16xf32>,
        %parallel_loop3A_356 = vector.shape_cast %parallel_loop3A_355 : vector<1x16xf32> to vector<16xf32>
        %parallel_loop3A_357 = arith.constant 0 : i32
        %parallel_loop3A_358 = arith.index_cast %parallel_loop3A_357 : i32 to index
        %parallel_loop3A_359 = arith.index_cast %parallel_loop3A_289 : i32 to index
        %parallel_loop3A_360 = arith.constant 80 : index
        %parallel_loop3A_361 = tpu.vector_load %arg12[%parallel_loop3A_358, %parallel_loop3A_359, %parallel_loop3A_360] {strides = array<i32>} : memref<4x32x512xf32, #tpu.memory_space<vmem>>, vector<1x1x16xf32>,
        %parallel_loop3A_362 = vector.shape_cast %parallel_loop3A_361 : vector<1x1x16xf32> to vector<16xf32>
        %parallel_loop3A_363 = vector.shape_cast %parallel_loop3A_356 : vector<16xf32> to vector<1x1x16xf32>
        tpu.vector_store %arg12[%parallel_loop3A_358, %parallel_loop3A_359, %parallel_loop3A_360], %parallel_loop3A_363 {add = true, strides = array<i32>} : memref<4x32x512xf32, #tpu.memory_space<vmem>>, vector<1x1x16xf32>,
        %parallel_loop3A_364 = arith.index_cast %parallel_loop3A_297 : i32 to index
        %parallel_loop3A_365 = arith.constant 96 : index
        %parallel_loop3A_366 = tpu.vector_load %arg15[%parallel_loop3A_364, %parallel_loop3A_365] {strides = array<i32>} : memref<65x512xf32, #tpu.memory_space<vmem>>, vector<1x16xf32>,
        %parallel_loop3A_367 = vector.shape_cast %parallel_loop3A_366 : vector<1x16xf32> to vector<16xf32>
        %parallel_loop3A_368 = arith.constant 0 : i32
        %parallel_loop3A_369 = arith.index_cast %parallel_loop3A_368 : i32 to index
        %parallel_loop3A_370 = arith.index_cast %parallel_loop3A_289 : i32 to index
        %parallel_loop3A_371 = arith.constant 96 : index
        %parallel_loop3A_372 = tpu.vector_load %arg12[%parallel_loop3A_369, %parallel_loop3A_370, %parallel_loop3A_371] {strides = array<i32>} : memref<4x32x512xf32, #tpu.memory_space<vmem>>, vector<1x1x16xf32>,
        %parallel_loop3A_373 = vector.shape_cast %parallel_loop3A_372 : vector<1x1x16xf32> to vector<16xf32>
        %parallel_loop3A_374 = vector.shape_cast %parallel_loop3A_367 : vector<16xf32> to vector<1x1x16xf32>
        tpu.vector_store %arg12[%parallel_loop3A_369, %parallel_loop3A_370, %parallel_loop3A_371], %parallel_loop3A_374 {add = true, strides = array<i32>} : memref<4x32x512xf32, #tpu.memory_space<vmem>>, vector<1x1x16xf32>,
        %parallel_loop3A_375 = arith.index_cast %parallel_loop3A_297 : i32 to index
        %parallel_loop3A_376 = arith.constant 112 : index
        %parallel_loop3A_377 = tpu.vector_load %arg15[%parallel_loop3A_375, %parallel_loop3A_376] {strides = array<i32>} : memref<65x512xf32, #tpu.memory_space<vmem>>, vector<1x16xf32>,
        %parallel_loop3A_378 = vector.shape_cast %parallel_loop3A_377 : vector<1x16xf32> to vector<16xf32>
        %parallel_loop3A_379 = arith.constant 0 : i32
        %parallel_loop3A_380 = arith.index_cast %parallel_loop3A_379 : i32 to index
        %parallel_loop3A_381 = arith.index_cast %parallel_loop3A_289 : i32 to index
        %parallel_loop3A_382 = arith.constant 112 : index
        %parallel_loop3A_383 = tpu.vector_load %arg12[%parallel_loop3A_380, %parallel_loop3A_381, %parallel_loop3A_382] {strides = array<i32>} : memref<4x32x512xf32, #tpu.memory_space<vmem>>, vector<1x1x16xf32>,
        %parallel_loop3A_384 = vector.shape_cast %parallel_loop3A_383 : vector<1x1x16xf32> to vector<16xf32>
        %parallel_loop3A_385 = vector.shape_cast %parallel_loop3A_378 : vector<16xf32> to vector<1x1x16xf32>
        tpu.vector_store %arg12[%parallel_loop3A_380, %parallel_loop3A_381, %parallel_loop3A_382], %parallel_loop3A_385 {add = true, strides = array<i32>} : memref<4x32x512xf32, #tpu.memory_space<vmem>>, vector<1x1x16xf32>,
        %parallel_loop3A_386 = arith.index_cast %parallel_loop3A_297 : i32 to index
        %parallel_loop3A_387 = arith.constant 128 : index
        %parallel_loop3A_388 = tpu.vector_load %arg15[%parallel_loop3A_386, %parallel_loop3A_387] {strides = array<i32>} : memref<65x512xf32, #tpu.memory_space<vmem>>, vector<1x16xf32>,
        %parallel_loop3A_389 = vector.shape_cast %parallel_loop3A_388 : vector<1x16xf32> to vector<16xf32>
        %parallel_loop3A_390 = arith.constant 0 : i32
        %parallel_loop3A_391 = arith.index_cast %parallel_loop3A_390 : i32 to index
        %parallel_loop3A_392 = arith.index_cast %parallel_loop3A_289 : i32 to index
        %parallel_loop3A_393 = arith.constant 128 : index
        %parallel_loop3A_394 = tpu.vector_load %arg12[%parallel_loop3A_391, %parallel_loop3A_392, %parallel_loop3A_393] {strides = array<i32>} : memref<4x32x512xf32, #tpu.memory_space<vmem>>, vector<1x1x16xf32>,
        %parallel_loop3A_395 = vector.shape_cast %parallel_loop3A_394 : vector<1x1x16xf32> to vector<16xf32>
        %parallel_loop3A_396 = vector.shape_cast %parallel_loop3A_389 : vector<16xf32> to vector<1x1x16xf32>
        tpu.vector_store %arg12[%parallel_loop3A_391, %parallel_loop3A_392, %parallel_loop3A_393], %parallel_loop3A_396 {add = true, strides = array<i32>} : memref<4x32x512xf32, #tpu.memory_space<vmem>>, vector<1x1x16xf32>,
        %parallel_loop3A_397 = arith.index_cast %parallel_loop3A_297 : i32 to index
        %parallel_loop3A_398 = arith.constant 144 : index
        %parallel_loop3A_399 = tpu.vector_load %arg15[%parallel_loop3A_397, %parallel_loop3A_398] {strides = array<i32>} : memref<65x512xf32, #tpu.memory_space<vmem>>, vector<1x16xf32>,
        %parallel_loop3A_400 = vector.shape_cast %parallel_loop3A_399 : vector<1x16xf32> to vector<16xf32>
        %parallel_loop3A_401 = arith.constant 0 : i32
        %parallel_loop3A_402 = arith.index_cast %parallel_loop3A_401 : i32 to index
        %parallel_loop3A_403 = arith.index_cast %parallel_loop3A_289 : i32 to index
        %parallel_loop3A_404 = arith.constant 144 : index
        %parallel_loop3A_405 = tpu.vector_load %arg12[%parallel_loop3A_402, %parallel_loop3A_403, %parallel_loop3A_404] {strides = array<i32>} : memref<4x32x512xf32, #tpu.memory_space<vmem>>, vector<1x1x16xf32>,
        %parallel_loop3A_406 = vector.shape_cast %parallel_loop3A_405 : vector<1x1x16xf32> to vector<16xf32>
        %parallel_loop3A_407 = vector.shape_cast %parallel_loop3A_400 : vector<16xf32> to vector<1x1x16xf32>
        tpu.vector_store %arg12[%parallel_loop3A_402, %parallel_loop3A_403, %parallel_loop3A_404], %parallel_loop3A_407 {add = true, strides = array<i32>} : memref<4x32x512xf32, #tpu.memory_space<vmem>>, vector<1x1x16xf32>,
        %parallel_loop3A_408 = arith.index_cast %parallel_loop3A_297 : i32 to index
        %parallel_loop3A_409 = arith.constant 160 : index
        %parallel_loop3A_410 = tpu.vector_load %arg15[%parallel_loop3A_408, %parallel_loop3A_409] {strides = array<i32>} : memref<65x512xf32, #tpu.memory_space<vmem>>, vector<1x16xf32>,
        %parallel_loop3A_411 = vector.shape_cast %parallel_loop3A_410 : vector<1x16xf32> to vector<16xf32>
        %parallel_loop3A_412 = arith.constant 0 : i32
        %parallel_loop3A_413 = arith.index_cast %parallel_loop3A_412 : i32 to index
        %parallel_loop3A_414 = arith.index_cast %parallel_loop3A_289 : i32 to index
        %parallel_loop3A_415 = arith.constant 160 : index
        %parallel_loop3A_416 = tpu.vector_load %arg12[%parallel_loop3A_413, %parallel_loop3A_414, %parallel_loop3A_415] {strides = array<i32>} : memref<4x32x512xf32, #tpu.memory_space<vmem>>, vector<1x1x16xf32>,
        %parallel_loop3A_417 = vector.shape_cast %parallel_loop3A_416 : vector<1x1x16xf32> to vector<16xf32>
        %parallel_loop3A_418 = vector.shape_cast %parallel_loop3A_411 : vector<16xf32> to vector<1x1x16xf32>
        tpu.vector_store %arg12[%parallel_loop3A_413, %parallel_loop3A_414, %parallel_loop3A_415], %parallel_loop3A_418 {add = true, strides = array<i32>} : memref<4x32x512xf32, #tpu.memory_space<vmem>>, vector<1x1x16xf32>,
        %parallel_loop3A_419 = arith.index_cast %parallel_loop3A_297 : i32 to index
        %parallel_loop3A_420 = arith.constant 176 : index
        %parallel_loop3A_421 = tpu.vector_load %arg15[%parallel_loop3A_419, %parallel_loop3A_420] {strides = array<i32>} : memref<65x512xf32, #tpu.memory_space<vmem>>, vector<1x16xf32>,
        %parallel_loop3A_422 = vector.shape_cast %parallel_loop3A_421 : vector<1x16xf32> to vector<16xf32>
        %parallel_loop3A_423 = arith.constant 0 : i32
        %parallel_loop3A_424 = arith.index_cast %parallel_loop3A_423 : i32 to index
        %parallel_loop3A_425 = arith.index_cast %parallel_loop3A_289 : i32 to index
        %parallel_loop3A_426 = arith.constant 176 : index
        %parallel_loop3A_427 = tpu.vector_load %arg12[%parallel_loop3A_424, %parallel_loop3A_425, %parallel_loop3A_426] {strides = array<i32>} : memref<4x32x512xf32, #tpu.memory_space<vmem>>, vector<1x1x16xf32>,
        %parallel_loop3A_428 = vector.shape_cast %parallel_loop3A_427 : vector<1x1x16xf32> to vector<16xf32>
        %parallel_loop3A_429 = vector.shape_cast %parallel_loop3A_422 : vector<16xf32> to vector<1x1x16xf32>
        tpu.vector_store %arg12[%parallel_loop3A_424, %parallel_loop3A_425, %parallel_loop3A_426], %parallel_loop3A_429 {add = true, strides = array<i32>} : memref<4x32x512xf32, #tpu.memory_space<vmem>>, vector<1x1x16xf32>,
        %parallel_loop3A_430 = arith.index_cast %parallel_loop3A_297 : i32 to index
        %parallel_loop3A_431 = arith.constant 192 : index
        %parallel_loop3A_432 = tpu.vector_load %arg15[%parallel_loop3A_430, %parallel_loop3A_431] {strides = array<i32>} : memref<65x512xf32, #tpu.memory_space<vmem>>, vector<1x16xf32>,
        %parallel_loop3A_433 = vector.shape_cast %parallel_loop3A_432 : vector<1x16xf32> to vector<16xf32>
        %parallel_loop3A_434 = arith.constant 0 : i32
        %parallel_loop3A_435 = arith.index_cast %parallel_loop3A_434 : i32 to index
        %parallel_loop3A_436 = arith.index_cast %parallel_loop3A_289 : i32 to index
        %parallel_loop3A_437 = arith.constant 192 : index
        %parallel_loop3A_438 = tpu.vector_load %arg12[%parallel_loop3A_435, %parallel_loop3A_436, %parallel_loop3A_437] {strides = array<i32>} : memref<4x32x512xf32, #tpu.memory_space<vmem>>, vector<1x1x16xf32>,
        %parallel_loop3A_439 = vector.shape_cast %parallel_loop3A_438 : vector<1x1x16xf32> to vector<16xf32>
        %parallel_loop3A_440 = vector.shape_cast %parallel_loop3A_433 : vector<16xf32> to vector<1x1x16xf32>
        tpu.vector_store %arg12[%parallel_loop3A_435, %parallel_loop3A_436, %parallel_loop3A_437], %parallel_loop3A_440 {add = true, strides = array<i32>} : memref<4x32x512xf32, #tpu.memory_space<vmem>>, vector<1x1x16xf32>,
        %parallel_loop3A_441 = arith.index_cast %parallel_loop3A_297 : i32 to index
        %parallel_loop3A_442 = arith.constant 208 : index
        %parallel_loop3A_443 = tpu.vector_load %arg15[%parallel_loop3A_441, %parallel_loop3A_442] {strides = array<i32>} : memref<65x512xf32, #tpu.memory_space<vmem>>, vector<1x16xf32>,
        %parallel_loop3A_444 = vector.shape_cast %parallel_loop3A_443 : vector<1x16xf32> to vector<16xf32>
        %parallel_loop3A_445 = arith.constant 0 : i32
        %parallel_loop3A_446 = arith.index_cast %parallel_loop3A_445 : i32 to index
        %parallel_loop3A_447 = arith.index_cast %parallel_loop3A_289 : i32 to index
        %parallel_loop3A_448 = arith.constant 208 : index
        %parallel_loop3A_449 = tpu.vector_load %arg12[%parallel_loop3A_446, %parallel_loop3A_447, %parallel_loop3A_448] {strides = array<i32>} : memref<4x32x512xf32, #tpu.memory_space<vmem>>, vector<1x1x16xf32>,
        %parallel_loop3A_450 = vector.shape_cast %parallel_loop3A_449 : vector<1x1x16xf32> to vector<16xf32>
        %parallel_loop3A_451 = vector.shape_cast %parallel_loop3A_444 : vector<16xf32> to vector<1x1x16xf32>
        tpu.vector_store %arg12[%parallel_loop3A_446, %parallel_loop3A_447, %parallel_loop3A_448], %parallel_loop3A_451 {add = true, strides = array<i32>} : memref<4x32x512xf32, #tpu.memory_space<vmem>>, vector<1x1x16xf32>,
        %parallel_loop3A_452 = arith.index_cast %parallel_loop3A_297 : i32 to index
        %parallel_loop3A_453 = arith.constant 224 : index
        %parallel_loop3A_454 = tpu.vector_load %arg15[%parallel_loop3A_452, %parallel_loop3A_453] {strides = array<i32>} : memref<65x512xf32, #tpu.memory_space<vmem>>, vector<1x16xf32>,
        %parallel_loop3A_455 = vector.shape_cast %parallel_loop3A_454 : vector<1x16xf32> to vector<16xf32>
        %parallel_loop3A_456 = arith.constant 0 : i32
        %parallel_loop3A_457 = arith.index_cast %parallel_loop3A_456 : i32 to index
        %parallel_loop3A_458 = arith.index_cast %parallel_loop3A_289 : i32 to index
        %parallel_loop3A_459 = arith.constant 224 : index
        %parallel_loop3A_460 = tpu.vector_load %arg12[%parallel_loop3A_457, %parallel_loop3A_458, %parallel_loop3A_459] {strides = array<i32>} : memref<4x32x512xf32, #tpu.memory_space<vmem>>, vector<1x1x16xf32>,
        %parallel_loop3A_461 = vector.shape_cast %parallel_loop3A_460 : vector<1x1x16xf32> to vector<16xf32>
        %parallel_loop3A_462 = vector.shape_cast %parallel_loop3A_455 : vector<16xf32> to vector<1x1x16xf32>
        tpu.vector_store %arg12[%parallel_loop3A_457, %parallel_loop3A_458, %parallel_loop3A_459], %parallel_loop3A_462 {add = true, strides = array<i32>} : memref<4x32x512xf32, #tpu.memory_space<vmem>>, vector<1x1x16xf32>,
        %parallel_loop3A_463 = arith.index_cast %parallel_loop3A_297 : i32 to index
        %parallel_loop3A_464 = arith.constant 240 : index
        %parallel_loop3A_465 = tpu.vector_load %arg15[%parallel_loop3A_463, %parallel_loop3A_464] {strides = array<i32>} : memref<65x512xf32, #tpu.memory_space<vmem>>, vector<1x16xf32>,
        %parallel_loop3A_466 = vector.shape_cast %parallel_loop3A_465 : vector<1x16xf32> to vector<16xf32>
        %parallel_loop3A_467 = arith.constant 0 : i32
        %parallel_loop3A_468 = arith.index_cast %parallel_loop3A_467 : i32 to index
        %parallel_loop3A_469 = arith.index_cast %parallel_loop3A_289 : i32 to index
        %parallel_loop3A_470 = arith.constant 240 : index
        %parallel_loop3A_471 = tpu.vector_load %arg12[%parallel_loop3A_468, %parallel_loop3A_469, %parallel_loop3A_470] {strides = array<i32>} : memref<4x32x512xf32, #tpu.memory_space<vmem>>, vector<1x1x16xf32>,
        %parallel_loop3A_472 = vector.shape_cast %parallel_loop3A_471 : vector<1x1x16xf32> to vector<16xf32>
        %parallel_loop3A_473 = vector.shape_cast %parallel_loop3A_466 : vector<16xf32> to vector<1x1x16xf32>
        tpu.vector_store %arg12[%parallel_loop3A_468, %parallel_loop3A_469, %parallel_loop3A_470], %parallel_loop3A_473 {add = true, strides = array<i32>} : memref<4x32x512xf32, #tpu.memory_space<vmem>>, vector<1x1x16xf32>,
        %parallel_loop3A_474 = arith.index_cast %parallel_loop3A_297 : i32 to index
        %parallel_loop3A_475 = arith.constant 256 : index
        %parallel_loop3A_476 = tpu.vector_load %arg15[%parallel_loop3A_474, %parallel_loop3A_475] {strides = array<i32>} : memref<65x512xf32, #tpu.memory_space<vmem>>, vector<1x16xf32>,
        %parallel_loop3A_477 = vector.shape_cast %parallel_loop3A_476 : vector<1x16xf32> to vector<16xf32>
        %parallel_loop3A_478 = arith.constant 0 : i32
        %parallel_loop3A_479 = arith.index_cast %parallel_loop3A_478 : i32 to index
        %parallel_loop3A_480 = arith.index_cast %parallel_loop3A_289 : i32 to index
        %parallel_loop3A_481 = arith.constant 256 : index
        %parallel_loop3A_482 = tpu.vector_load %arg12[%parallel_loop3A_479, %parallel_loop3A_480, %parallel_loop3A_481] {strides = array<i32>} : memref<4x32x512xf32, #tpu.memory_space<vmem>>, vector<1x1x16xf32>,
        %parallel_loop3A_483 = vector.shape_cast %parallel_loop3A_482 : vector<1x1x16xf32> to vector<16xf32>
        %parallel_loop3A_484 = vector.shape_cast %parallel_loop3A_477 : vector<16xf32> to vector<1x1x16xf32>
        tpu.vector_store %arg12[%parallel_loop3A_479, %parallel_loop3A_480, %parallel_loop3A_481], %parallel_loop3A_484 {add = true, strides = array<i32>} : memref<4x32x512xf32, #tpu.memory_space<vmem>>, vector<1x1x16xf32>,
        %parallel_loop3A_485 = arith.index_cast %parallel_loop3A_297 : i32 to index
        %parallel_loop3A_486 = arith.constant 272 : index
        %parallel_loop3A_487 = tpu.vector_load %arg15[%parallel_loop3A_485, %parallel_loop3A_486] {strides = array<i32>} : memref<65x512xf32, #tpu.memory_space<vmem>>, vector<1x16xf32>,
        %parallel_loop3A_488 = vector.shape_cast %parallel_loop3A_487 : vector<1x16xf32> to vector<16xf32>
        %parallel_loop3A_489 = arith.constant 0 : i32
        %parallel_loop3A_490 = arith.index_cast %parallel_loop3A_489 : i32 to index
        %parallel_loop3A_491 = arith.index_cast %parallel_loop3A_289 : i32 to index
        %parallel_loop3A_492 = arith.constant 272 : index
        %parallel_loop3A_493 = tpu.vector_load %arg12[%parallel_loop3A_490, %parallel_loop3A_491, %parallel_loop3A_492] {strides = array<i32>} : memref<4x32x512xf32, #tpu.memory_space<vmem>>, vector<1x1x16xf32>,
        %parallel_loop3A_494 = vector.shape_cast %parallel_loop3A_493 : vector<1x1x16xf32> to vector<16xf32>
        %parallel_loop3A_495 = vector.shape_cast %parallel_loop3A_488 : vector<16xf32> to vector<1x1x16xf32>
        tpu.vector_store %arg12[%parallel_loop3A_490, %parallel_loop3A_491, %parallel_loop3A_492], %parallel_loop3A_495 {add = true, strides = array<i32>} : memref<4x32x512xf32, #tpu.memory_space<vmem>>, vector<1x1x16xf32>,
        %parallel_loop3A_496 = arith.index_cast %parallel_loop3A_297 : i32 to index
        %parallel_loop3A_497 = arith.constant 288 : index
        %parallel_loop3A_498 = tpu.vector_load %arg15[%parallel_loop3A_496, %parallel_loop3A_497] {strides = array<i32>} : memref<65x512xf32, #tpu.memory_space<vmem>>, vector<1x16xf32>,
        %parallel_loop3A_499 = vector.shape_cast %parallel_loop3A_498 : vector<1x16xf32> to vector<16xf32>
        %parallel_loop3A_500 = arith.constant 0 : i32
        %parallel_loop3A_501 = arith.index_cast %parallel_loop3A_500 : i32 to index
        %parallel_loop3A_502 = arith.index_cast %parallel_loop3A_289 : i32 to index
        %parallel_loop3A_503 = arith.constant 288 : index
        %parallel_loop3A_504 = tpu.vector_load %arg12[%parallel_loop3A_501, %parallel_loop3A_502, %parallel_loop3A_503] {strides = array<i32>} : memref<4x32x512xf32, #tpu.memory_space<vmem>>, vector<1x1x16xf32>,
        %parallel_loop3A_505 = vector.shape_cast %parallel_loop3A_504 : vector<1x1x16xf32> to vector<16xf32>
        %parallel_loop3A_506 = vector.shape_cast %parallel_loop3A_499 : vector<16xf32> to vector<1x1x16xf32>
        tpu.vector_store %arg12[%parallel_loop3A_501, %parallel_loop3A_502, %parallel_loop3A_503], %parallel_loop3A_506 {add = true, strides = array<i32>} : memref<4x32x512xf32, #tpu.memory_space<vmem>>, vector<1x1x16xf32>,
        %parallel_loop3A_507 = arith.index_cast %parallel_loop3A_297 : i32 to index
        %parallel_loop3A_508 = arith.constant 304 : index
        %parallel_loop3A_509 = tpu.vector_load %arg15[%parallel_loop3A_507, %parallel_loop3A_508] {strides = array<i32>} : memref<65x512xf32, #tpu.memory_space<vmem>>, vector<1x16xf32>,
        %parallel_loop3A_510 = vector.shape_cast %parallel_loop3A_509 : vector<1x16xf32> to vector<16xf32>
        %parallel_loop3A_511 = arith.constant 0 : i32
        %parallel_loop3A_512 = arith.index_cast %parallel_loop3A_511 : i32 to index
        %parallel_loop3A_513 = arith.index_cast %parallel_loop3A_289 : i32 to index
        %parallel_loop3A_514 = arith.constant 304 : index
        %parallel_loop3A_515 = tpu.vector_load %arg12[%parallel_loop3A_512, %parallel_loop3A_513, %parallel_loop3A_514] {strides = array<i32>} : memref<4x32x512xf32, #tpu.memory_space<vmem>>, vector<1x1x16xf32>,
        %parallel_loop3A_516 = vector.shape_cast %parallel_loop3A_515 : vector<1x1x16xf32> to vector<16xf32>
        %parallel_loop3A_517 = vector.shape_cast %parallel_loop3A_510 : vector<16xf32> to vector<1x1x16xf32>
        tpu.vector_store %arg12[%parallel_loop3A_512, %parallel_loop3A_513, %parallel_loop3A_514], %parallel_loop3A_517 {add = true, strides = array<i32>} : memref<4x32x512xf32, #tpu.memory_space<vmem>>, vector<1x1x16xf32>,
        %parallel_loop3A_518 = arith.index_cast %parallel_loop3A_297 : i32 to index
        %parallel_loop3A_519 = arith.constant 320 : index
        %parallel_loop3A_520 = tpu.vector_load %arg15[%parallel_loop3A_518, %parallel_loop3A_519] {strides = array<i32>} : memref<65x512xf32, #tpu.memory_space<vmem>>, vector<1x16xf32>,
        %parallel_loop3A_521 = vector.shape_cast %parallel_loop3A_520 : vector<1x16xf32> to vector<16xf32>
        %parallel_loop3A_522 = arith.constant 0 : i32
        %parallel_loop3A_523 = arith.index_cast %parallel_loop3A_522 : i32 to index
        %parallel_loop3A_524 = arith.index_cast %parallel_loop3A_289 : i32 to index
        %parallel_loop3A_525 = arith.constant 320 : index
        %parallel_loop3A_526 = tpu.vector_load %arg12[%parallel_loop3A_523, %parallel_loop3A_524, %parallel_loop3A_525] {strides = array<i32>} : memref<4x32x512xf32, #tpu.memory_space<vmem>>, vector<1x1x16xf32>,
        %parallel_loop3A_527 = vector.shape_cast %parallel_loop3A_526 : vector<1x1x16xf32> to vector<16xf32>
        %parallel_loop3A_528 = vector.shape_cast %parallel_loop3A_521 : vector<16xf32> to vector<1x1x16xf32>
        tpu.vector_store %arg12[%parallel_loop3A_523, %parallel_loop3A_524, %parallel_loop3A_525], %parallel_loop3A_528 {add = true, strides = array<i32>} : memref<4x32x512xf32, #tpu.memory_space<vmem>>, vector<1x1x16xf32>,
        %parallel_loop3A_529 = arith.index_cast %parallel_loop3A_297 : i32 to index
        %parallel_loop3A_530 = arith.constant 336 : index
        %parallel_loop3A_531 = tpu.vector_load %arg15[%parallel_loop3A_529, %parallel_loop3A_530] {strides = array<i32>} : memref<65x512xf32, #tpu.memory_space<vmem>>, vector<1x16xf32>,
        %parallel_loop3A_532 = vector.shape_cast %parallel_loop3A_531 : vector<1x16xf32> to vector<16xf32>
        %parallel_loop3A_533 = arith.constant 0 : i32
        %parallel_loop3A_534 = arith.index_cast %parallel_loop3A_533 : i32 to index
        %parallel_loop3A_535 = arith.index_cast %parallel_loop3A_289 : i32 to index
        %parallel_loop3A_536 = arith.constant 336 : index
        %parallel_loop3A_537 = tpu.vector_load %arg12[%parallel_loop3A_534, %parallel_loop3A_535, %parallel_loop3A_536] {strides = array<i32>} : memref<4x32x512xf32, #tpu.memory_space<vmem>>, vector<1x1x16xf32>,
        %parallel_loop3A_538 = vector.shape_cast %parallel_loop3A_537 : vector<1x1x16xf32> to vector<16xf32>
        %parallel_loop3A_539 = vector.shape_cast %parallel_loop3A_532 : vector<16xf32> to vector<1x1x16xf32>
        tpu.vector_store %arg12[%parallel_loop3A_534, %parallel_loop3A_535, %parallel_loop3A_536], %parallel_loop3A_539 {add = true, strides = array<i32>} : memref<4x32x512xf32, #tpu.memory_space<vmem>>, vector<1x1x16xf32>,
        %parallel_loop3A_540 = arith.index_cast %parallel_loop3A_297 : i32 to index
        %parallel_loop3A_541 = arith.constant 352 : index
        %parallel_loop3A_542 = tpu.vector_load %arg15[%parallel_loop3A_540, %parallel_loop3A_541] {strides = array<i32>} : memref<65x512xf32, #tpu.memory_space<vmem>>, vector<1x16xf32>,
        %parallel_loop3A_543 = vector.shape_cast %parallel_loop3A_542 : vector<1x16xf32> to vector<16xf32>
        %parallel_loop3A_544 = arith.constant 0 : i32
        %parallel_loop3A_545 = arith.index_cast %parallel_loop3A_544 : i32 to index
        %parallel_loop3A_546 = arith.index_cast %parallel_loop3A_289 : i32 to index
        %parallel_loop3A_547 = arith.constant 352 : index
        %parallel_loop3A_548 = tpu.vector_load %arg12[%parallel_loop3A_545, %parallel_loop3A_546, %parallel_loop3A_547] {strides = array<i32>} : memref<4x32x512xf32, #tpu.memory_space<vmem>>, vector<1x1x16xf32>,
        %parallel_loop3A_549 = vector.shape_cast %parallel_loop3A_548 : vector<1x1x16xf32> to vector<16xf32>
        %parallel_loop3A_550 = vector.shape_cast %parallel_loop3A_543 : vector<16xf32> to vector<1x1x16xf32>
        tpu.vector_store %arg12[%parallel_loop3A_545, %parallel_loop3A_546, %parallel_loop3A_547], %parallel_loop3A_550 {add = true, strides = array<i32>} : memref<4x32x512xf32, #tpu.memory_space<vmem>>, vector<1x1x16xf32>,
        %parallel_loop3A_551 = arith.index_cast %parallel_loop3A_297 : i32 to index
        %parallel_loop3A_552 = arith.constant 368 : index
        %parallel_loop3A_553 = tpu.vector_load %arg15[%parallel_loop3A_551, %parallel_loop3A_552] {strides = array<i32>} : memref<65x512xf32, #tpu.memory_space<vmem>>, vector<1x16xf32>,
        %parallel_loop3A_554 = vector.shape_cast %parallel_loop3A_553 : vector<1x16xf32> to vector<16xf32>
        %parallel_loop3A_555 = arith.constant 0 : i32
        %parallel_loop3A_556 = arith.index_cast %parallel_loop3A_555 : i32 to index
        %parallel_loop3A_557 = arith.index_cast %parallel_loop3A_289 : i32 to index
        %parallel_loop3A_558 = arith.constant 368 : index
        %parallel_loop3A_559 = tpu.vector_load %arg12[%parallel_loop3A_556, %parallel_loop3A_557, %parallel_loop3A_558] {strides = array<i32>} : memref<4x32x512xf32, #tpu.memory_space<vmem>>, vector<1x1x16xf32>,
        %parallel_loop3A_560 = vector.shape_cast %parallel_loop3A_559 : vector<1x1x16xf32> to vector<16xf32>
        %parallel_loop3A_561 = vector.shape_cast %parallel_loop3A_554 : vector<16xf32> to vector<1x1x16xf32>
        tpu.vector_store %arg12[%parallel_loop3A_556, %parallel_loop3A_557, %parallel_loop3A_558], %parallel_loop3A_561 {add = true, strides = array<i32>} : memref<4x32x512xf32, #tpu.memory_space<vmem>>, vector<1x1x16xf32>,
        %parallel_loop3A_562 = arith.index_cast %parallel_loop3A_297 : i32 to index
        %parallel_loop3A_563 = arith.constant 384 : index
        %parallel_loop3A_564 = tpu.vector_load %arg15[%parallel_loop3A_562, %parallel_loop3A_563] {strides = array<i32>} : memref<65x512xf32, #tpu.memory_space<vmem>>, vector<1x16xf32>,
        %parallel_loop3A_565 = vector.shape_cast %parallel_loop3A_564 : vector<1x16xf32> to vector<16xf32>
        %parallel_loop3A_566 = arith.constant 0 : i32
        %parallel_loop3A_567 = arith.index_cast %parallel_loop3A_566 : i32 to index
        %parallel_loop3A_568 = arith.index_cast %parallel_loop3A_289 : i32 to index
        %parallel_loop3A_569 = arith.constant 384 : index
        %parallel_loop3A_570 = tpu.vector_load %arg12[%parallel_loop3A_567, %parallel_loop3A_568, %parallel_loop3A_569] {strides = array<i32>} : memref<4x32x512xf32, #tpu.memory_space<vmem>>, vector<1x1x16xf32>,
        %parallel_loop3A_571 = vector.shape_cast %parallel_loop3A_570 : vector<1x1x16xf32> to vector<16xf32>
        %parallel_loop3A_572 = vector.shape_cast %parallel_loop3A_565 : vector<16xf32> to vector<1x1x16xf32>
        tpu.vector_store %arg12[%parallel_loop3A_567, %parallel_loop3A_568, %parallel_loop3A_569], %parallel_loop3A_572 {add = true, strides = array<i32>} : memref<4x32x512xf32, #tpu.memory_space<vmem>>, vector<1x1x16xf32>,
        %parallel_loop3A_573 = arith.index_cast %parallel_loop3A_297 : i32 to index
        %parallel_loop3A_574 = arith.constant 400 : index
        %parallel_loop3A_575 = tpu.vector_load %arg15[%parallel_loop3A_573, %parallel_loop3A_574] {strides = array<i32>} : memref<65x512xf32, #tpu.memory_space<vmem>>, vector<1x16xf32>,
        %parallel_loop3A_576 = vector.shape_cast %parallel_loop3A_575 : vector<1x16xf32> to vector<16xf32>
        %parallel_loop3A_577 = arith.constant 0 : i32
        %parallel_loop3A_578 = arith.index_cast %parallel_loop3A_577 : i32 to index
        %parallel_loop3A_579 = arith.index_cast %parallel_loop3A_289 : i32 to index
        %parallel_loop3A_580 = arith.constant 400 : index
        %parallel_loop3A_581 = tpu.vector_load %arg12[%parallel_loop3A_578, %parallel_loop3A_579, %parallel_loop3A_580] {strides = array<i32>} : memref<4x32x512xf32, #tpu.memory_space<vmem>>, vector<1x1x16xf32>,
        %parallel_loop3A_582 = vector.shape_cast %parallel_loop3A_581 : vector<1x1x16xf32> to vector<16xf32>
        %parallel_loop3A_583 = vector.shape_cast %parallel_loop3A_576 : vector<16xf32> to vector<1x1x16xf32>
        tpu.vector_store %arg12[%parallel_loop3A_578, %parallel_loop3A_579, %parallel_loop3A_580], %parallel_loop3A_583 {add = true, strides = array<i32>} : memref<4x32x512xf32, #tpu.memory_space<vmem>>, vector<1x1x16xf32>,
        %parallel_loop3A_584 = arith.index_cast %parallel_loop3A_297 : i32 to index
        %parallel_loop3A_585 = arith.constant 416 : index
        %parallel_loop3A_586 = tpu.vector_load %arg15[%parallel_loop3A_584, %parallel_loop3A_585] {strides = array<i32>} : memref<65x512xf32, #tpu.memory_space<vmem>>, vector<1x16xf32>,
        %parallel_loop3A_587 = vector.shape_cast %parallel_loop3A_586 : vector<1x16xf32> to vector<16xf32>
        %parallel_loop3A_588 = arith.constant 0 : i32
        %parallel_loop3A_589 = arith.index_cast %parallel_loop3A_588 : i32 to index
        %parallel_loop3A_590 = arith.index_cast %parallel_loop3A_289 : i32 to index
        %parallel_loop3A_591 = arith.constant 416 : index
        %parallel_loop3A_592 = tpu.vector_load %arg12[%parallel_loop3A_589, %parallel_loop3A_590, %parallel_loop3A_591] {strides = array<i32>} : memref<4x32x512xf32, #tpu.memory_space<vmem>>, vector<1x1x16xf32>,
        %parallel_loop3A_593 = vector.shape_cast %parallel_loop3A_592 : vector<1x1x16xf32> to vector<16xf32>
        %parallel_loop3A_594 = vector.shape_cast %parallel_loop3A_587 : vector<16xf32> to vector<1x1x16xf32>
        tpu.vector_store %arg12[%parallel_loop3A_589, %parallel_loop3A_590, %parallel_loop3A_591], %parallel_loop3A_594 {add = true, strides = array<i32>} : memref<4x32x512xf32, #tpu.memory_space<vmem>>, vector<1x1x16xf32>,
        %parallel_loop3A_595 = arith.index_cast %parallel_loop3A_297 : i32 to index
        %parallel_loop3A_596 = arith.constant 432 : index
        %parallel_loop3A_597 = tpu.vector_load %arg15[%parallel_loop3A_595, %parallel_loop3A_596] {strides = array<i32>} : memref<65x512xf32, #tpu.memory_space<vmem>>, vector<1x16xf32>,
        %parallel_loop3A_598 = vector.shape_cast %parallel_loop3A_597 : vector<1x16xf32> to vector<16xf32>
        %parallel_loop3A_599 = arith.constant 0 : i32
        %parallel_loop3A_600 = arith.index_cast %parallel_loop3A_599 : i32 to index
        %parallel_loop3A_601 = arith.index_cast %parallel_loop3A_289 : i32 to index
        %parallel_loop3A_602 = arith.constant 432 : index
        %parallel_loop3A_603 = tpu.vector_load %arg12[%parallel_loop3A_600, %parallel_loop3A_601, %parallel_loop3A_602] {strides = array<i32>} : memref<4x32x512xf32, #tpu.memory_space<vmem>>, vector<1x1x16xf32>,
        %parallel_loop3A_604 = vector.shape_cast %parallel_loop3A_603 : vector<1x1x16xf32> to vector<16xf32>
        %parallel_loop3A_605 = vector.shape_cast %parallel_loop3A_598 : vector<16xf32> to vector<1x1x16xf32>
        tpu.vector_store %arg12[%parallel_loop3A_600, %parallel_loop3A_601, %parallel_loop3A_602], %parallel_loop3A_605 {add = true, strides = array<i32>} : memref<4x32x512xf32, #tpu.memory_space<vmem>>, vector<1x1x16xf32>,
        %parallel_loop3A_606 = arith.index_cast %parallel_loop3A_297 : i32 to index
        %parallel_loop3A_607 = arith.constant 448 : index
        %parallel_loop3A_608 = tpu.vector_load %arg15[%parallel_loop3A_606, %parallel_loop3A_607] {strides = array<i32>} : memref<65x512xf32, #tpu.memory_space<vmem>>, vector<1x16xf32>,
        %parallel_loop3A_609 = vector.shape_cast %parallel_loop3A_608 : vector<1x16xf32> to vector<16xf32>
        %parallel_loop3A_610 = arith.constant 0 : i32
        %parallel_loop3A_611 = arith.index_cast %parallel_loop3A_610 : i32 to index
        %parallel_loop3A_612 = arith.index_cast %parallel_loop3A_289 : i32 to index
        %parallel_loop3A_613 = arith.constant 448 : index
        %parallel_loop3A_614 = tpu.vector_load %arg12[%parallel_loop3A_611, %parallel_loop3A_612, %parallel_loop3A_613] {strides = array<i32>} : memref<4x32x512xf32, #tpu.memory_space<vmem>>, vector<1x1x16xf32>,
        %parallel_loop3A_615 = vector.shape_cast %parallel_loop3A_614 : vector<1x1x16xf32> to vector<16xf32>
        %parallel_loop3A_616 = vector.shape_cast %parallel_loop3A_609 : vector<16xf32> to vector<1x1x16xf32>
        tpu.vector_store %arg12[%parallel_loop3A_611, %parallel_loop3A_612, %parallel_loop3A_613], %parallel_loop3A_616 {add = true, strides = array<i32>} : memref<4x32x512xf32, #tpu.memory_space<vmem>>, vector<1x1x16xf32>,
        %parallel_loop3A_617 = arith.index_cast %parallel_loop3A_297 : i32 to index
        %parallel_loop3A_618 = arith.constant 464 : index
        %parallel_loop3A_619 = tpu.vector_load %arg15[%parallel_loop3A_617, %parallel_loop3A_618] {strides = array<i32>} : memref<65x512xf32, #tpu.memory_space<vmem>>, vector<1x16xf32>,
        %parallel_loop3A_620 = vector.shape_cast %parallel_loop3A_619 : vector<1x16xf32> to vector<16xf32>
        %parallel_loop3A_621 = arith.constant 0 : i32
        %parallel_loop3A_622 = arith.index_cast %parallel_loop3A_621 : i32 to index
        %parallel_loop3A_623 = arith.index_cast %parallel_loop3A_289 : i32 to index
        %parallel_loop3A_624 = arith.constant 464 : index
        %parallel_loop3A_625 = tpu.vector_load %arg12[%parallel_loop3A_622, %parallel_loop3A_623, %parallel_loop3A_624] {strides = array<i32>} : memref<4x32x512xf32, #tpu.memory_space<vmem>>, vector<1x1x16xf32>,
        %parallel_loop3A_626 = vector.shape_cast %parallel_loop3A_625 : vector<1x1x16xf32> to vector<16xf32>
        %parallel_loop3A_627 = vector.shape_cast %parallel_loop3A_620 : vector<16xf32> to vector<1x1x16xf32>
        tpu.vector_store %arg12[%parallel_loop3A_622, %parallel_loop3A_623, %parallel_loop3A_624], %parallel_loop3A_627 {add = true, strides = array<i32>} : memref<4x32x512xf32, #tpu.memory_space<vmem>>, vector<1x1x16xf32>,
        %parallel_loop3A_628 = arith.index_cast %parallel_loop3A_297 : i32 to index
        %parallel_loop3A_629 = arith.constant 480 : index
        %parallel_loop3A_630 = tpu.vector_load %arg15[%parallel_loop3A_628, %parallel_loop3A_629] {strides = array<i32>} : memref<65x512xf32, #tpu.memory_space<vmem>>, vector<1x16xf32>,
        %parallel_loop3A_631 = vector.shape_cast %parallel_loop3A_630 : vector<1x16xf32> to vector<16xf32>
        %parallel_loop3A_632 = arith.constant 0 : i32
        %parallel_loop3A_633 = arith.index_cast %parallel_loop3A_632 : i32 to index
        %parallel_loop3A_634 = arith.index_cast %parallel_loop3A_289 : i32 to index
        %parallel_loop3A_635 = arith.constant 480 : index
        %parallel_loop3A_636 = tpu.vector_load %arg12[%parallel_loop3A_633, %parallel_loop3A_634, %parallel_loop3A_635] {strides = array<i32>} : memref<4x32x512xf32, #tpu.memory_space<vmem>>, vector<1x1x16xf32>,
        %parallel_loop3A_637 = vector.shape_cast %parallel_loop3A_636 : vector<1x1x16xf32> to vector<16xf32>
        %parallel_loop3A_638 = vector.shape_cast %parallel_loop3A_631 : vector<16xf32> to vector<1x1x16xf32>
        tpu.vector_store %arg12[%parallel_loop3A_633, %parallel_loop3A_634, %parallel_loop3A_635], %parallel_loop3A_638 {add = true, strides = array<i32>} : memref<4x32x512xf32, #tpu.memory_space<vmem>>, vector<1x1x16xf32>,
        %parallel_loop3A_639 = arith.index_cast %parallel_loop3A_297 : i32 to index
        %parallel_loop3A_640 = arith.constant 496 : index
        %parallel_loop3A_641 = tpu.vector_load %arg15[%parallel_loop3A_639, %parallel_loop3A_640] {strides = array<i32>} : memref<65x512xf32, #tpu.memory_space<vmem>>, vector<1x16xf32>,
        %parallel_loop3A_642 = vector.shape_cast %parallel_loop3A_641 : vector<1x16xf32> to vector<16xf32>
        %parallel_loop3A_643 = arith.constant 0 : i32
        %parallel_loop3A_644 = arith.index_cast %parallel_loop3A_643 : i32 to index
        %parallel_loop3A_645 = arith.index_cast %parallel_loop3A_289 : i32 to index
        %parallel_loop3A_646 = arith.constant 496 : index
        %parallel_loop3A_647 = tpu.vector_load %arg12[%parallel_loop3A_644, %parallel_loop3A_645, %parallel_loop3A_646] {strides = array<i32>} : memref<4x32x512xf32, #tpu.memory_space<vmem>>, vector<1x1x16xf32>,
        %parallel_loop3A_648 = vector.shape_cast %parallel_loop3A_647 : vector<1x1x16xf32> to vector<16xf32>
        %parallel_loop3A_649 = vector.shape_cast %parallel_loop3A_642 : vector<16xf32> to vector<1x1x16xf32>
        tpu.vector_store %arg12[%parallel_loop3A_644, %parallel_loop3A_645, %parallel_loop3A_646], %parallel_loop3A_649 {add = true, strides = array<i32>} : memref<4x32x512xf32, #tpu.memory_space<vmem>>, vector<1x1x16xf32>,
      } {sc.loop_unroll_factor = 1 : i64, sc.parallel_access}
      %mul3A_138 = arith.constant 32 : i32
      %mul3A_139 = arith.muli %add3A_115, %mul3A_138 : i32
      %add3A_140 = arith.addi %mul3A_2, %mul3A_139 : i32
      %dma_start3A_141 = arith.constant 0 : i32
      %dma_start3A_142 = arith.constant 0 : i32
      %dma_start3A_143 = arith.constant 0 : i32
      %dma_start3A_144 = tpu.memref_slice %arg12[%dma_start3A_141, %dma_start3A_142, %dma_start3A_143] : memref<4x32x512xf32, #tpu.memory_space<vmem>> -> memref<1x32x512xf32, #tpu.memory_space<vmem>>
      %dma_start3A_145 = tpu.memref_squeeze %dma_start3A_144 : memref<1x32x512xf32, #tpu.memory_space<vmem>> -> memref<32x512xf32, #tpu.memory_space<vmem>>
      %dma_start3A_146 = arith.constant 0 : i32
      %dma_start3A_147 = tpu.memref_slice %arg8[%add3A_140, %dma_start3A_146] : memref<131072x512xf32, #tpu.memory_space<hbm>> -> memref<32x512xf32, #tpu.memory_space<hbm>>
      %dma_start3A_148 = arith.constant 0 : i32
      %dma_start3A_149 = tpu.memref_slice %arg8[%add3A_140, %dma_start3A_148] : memref<131072x512xf32, #tpu.memory_space<hbm>> -> memref<32x512xf32, #tpu.memory_space<hbm>>
      %dma_start3A_150 = arith.constant 0 : i32
      %dma_start3A_151 = arith.constant 0 : i32
      %dma_start3A_152 = tpu.memref_slice %arg12[%dma_start3A_141, %dma_start3A_150, %dma_start3A_151] : memref<4x32x512xf32, #tpu.memory_space<vmem>> -> memref<1x32x512xf32, #tpu.memory_space<vmem>>
      %dma_start3A_153 = tpu.memref_squeeze %dma_start3A_152 : memref<1x32x512xf32, #tpu.memory_space<vmem>> -> memref<32x512xf32, #tpu.memory_space<vmem>>
      tpu.enqueue_dma source(%dma_start3A_153 : memref<32x512xf32, #tpu.memory_space<vmem>>) target(%dma_start3A_149 : memref<32x512xf32, #tpu.memory_space<hbm>>) target_semaphore(%arg20 : memref<!tpu.dma_semaphore, #tpu.memory_space<semaphore_mem>>)
      %mul3A_154 = arith.constant 4 : i32
      %mul3A_155 = arith.muli %scan3A_111, %mul3A_154 : i32
      %add3A_156 = arith.constant 1 : i32
      %add3A_157 = arith.addi %mul3A_155, %add3A_156 : i32
      %add3A_158 = arith.constant 2 : i32
      %add3A_159 = arith.addi %add3A_157, %add3A_158 : i32
      %lt3A_160 = arith.constant 128 : i32
      %lt3A_161 = arith.cmpi slt, %add3A_159, %lt3A_160 : i32
      %convert_element_type3A_162 = arith.extui %lt3A_161 : i1 to i32
      %cond3A_163 = arith.constant 0 : i32
      %cond3A_164 = arith.cmpi ne, %convert_element_type3A_162, %cond3A_163 : i32
      scf.if %cond3A_164 {
        %add3A_289 = arith.constant 2 : i32
        %add3A_290 = arith.addi %add3A_157, %add3A_289 : i32
        %ge3A = arith.constant 4 : i32
        %ge3A_291 = arith.cmpi sge, %add3A_290, %ge3A : i32
        %convert_element_type3A_292 = arith.extui %ge3A_291 : i1 to i32
        %cond3A_293 = arith.constant 0 : i32
        %cond3A_294 = arith.cmpi ne, %convert_element_type3A_292, %cond3A_293 : i32
        scf.if %cond3A_294 {
          %dma_wait3A_308 = arith.constant 3 : i32
          %dma_wait3A_309 = arith.constant 0 : i32
          %dma_wait3A_310 = arith.constant 0 : i32
          %dma_wait3A_311 = tpu.memref_slice %arg12[%dma_wait3A_308, %dma_wait3A_309, %dma_wait3A_310] : memref<4x32x512xf32, #tpu.memory_space<vmem>> -> memref<1x32x512xf32, #tpu.memory_space<vmem>>
          %dma_wait3A_312 = tpu.memref_squeeze %dma_wait3A_311 : memref<1x32x512xf32, #tpu.memory_space<vmem>> -> memref<32x512xf32, #tpu.memory_space<vmem>>
          %dma_wait3A_313 = arith.constant 0 : i32
          %dma_wait3A_314 = arith.constant 0 : i32
          %dma_wait3A_315 = tpu.memref_slice %arg8[%dma_wait3A_313, %dma_wait3A_314] : memref<131072x512xf32, #tpu.memory_space<hbm>> -> memref<32x512xf32, #tpu.memory_space<hbm>>
          %dma_wait3A_316 = arith.constant 0 : i32
          %dma_wait3A_317 = arith.constant 0 : i32
          %dma_wait3A_318 = tpu.memref_slice %arg8[%dma_wait3A_316, %dma_wait3A_317] : memref<131072x512xf32, #tpu.memory_space<hbm>> -> memref<32x512xf32, #tpu.memory_space<hbm>>
          %dma_wait3A_319 = arith.constant 0 : i32
          %dma_wait3A_320 = arith.constant 0 : i32
          %dma_wait3A_321 = tpu.memref_slice %arg12[%dma_wait3A_308, %dma_wait3A_319, %dma_wait3A_320] : memref<4x32x512xf32, #tpu.memory_space<vmem>> -> memref<1x32x512xf32, #tpu.memory_space<vmem>>
          %dma_wait3A_322 = tpu.memref_squeeze %dma_wait3A_321 : memref<1x32x512xf32, #tpu.memory_space<vmem>> -> memref<32x512xf32, #tpu.memory_space<vmem>>
          tpu.wait_dma2 semaphore(%arg23 : memref<!tpu.dma_semaphore, #tpu.memory_space<semaphore_mem>>) src(%dma_wait3A_322 : memref<32x512xf32, #tpu.memory_space<vmem>>) dst(%dma_wait3A_318 : memref<32x512xf32, #tpu.memory_space<hbm>>)
        } else {
        }
        %add3A_295 = arith.constant 2 : i32
        %add3A_296 = arith.addi %add3A_157, %add3A_295 : i32
        %mul3A_297 = arith.constant 32 : i32
        %mul3A_298 = arith.muli %add3A_296, %mul3A_297 : i32
        %dma_start3A_299 = arith.constant 3 : i32
        %dma_start3A_300 = arith.constant 0 : i32
        %dma_start3A_301 = arith.constant 0 : i32
        %dma_start3A_302 = tpu.memref_slice %arg12[%dma_start3A_299, %dma_start3A_300, %dma_start3A_301] : memref<4x32x512xf32, #tpu.memory_space<vmem>> -> memref<1x32x512xf32, #tpu.memory_space<vmem>>
        %dma_start3A_303 = tpu.memref_squeeze %dma_start3A_302 : memref<1x32x512xf32, #tpu.memory_space<vmem>> -> memref<32x512xf32, #tpu.memory_space<vmem>>
        %dma_start3A_304 = tpu.memref_slice %arg9[%mul3A_298] : memref<4096xi32, #tpu.memory_space<vmem>> -> memref<32xi32, #tpu.memory_space<vmem>>
        %dma_start3A_305 = arith.constant 0 : i32
        %dma_start3A_306 = arith.constant 0 : i32
        %dma_start3A_307 = tpu.memref_slice %arg5[%dma_start3A_305, %dma_start3A_306] : memref<10000x512xf32, #tpu.memory_space<hbm>> -> memref<10000x512xf32, #tpu.memory_space<hbm>>
        tpu.enqueue_indirect_dma source(%dma_start3A_307 : memref<10000x512xf32, #tpu.memory_space<hbm>>) target(%dma_start3A_303 : memref<32x512xf32, #tpu.memory_space<vmem>>) offsets(%dma_start3A_304 : memref<32xi32, #tpu.memory_space<vmem>>) semaphore(%arg19 : memref<!tpu.dma_semaphore, #tpu.memory_space<semaphore_mem>>)
      } else {
      }
      %dma_wait3A_165 = arith.constant 1 : i32
      %dma_wait3A_166 = arith.constant 0 : i32
      %dma_wait3A_167 = arith.constant 0 : i32
      %dma_wait3A_168 = tpu.memref_slice %arg12[%dma_wait3A_165, %dma_wait3A_166, %dma_wait3A_167] : memref<4x32x512xf32, #tpu.memory_space<vmem>> -> memref<1x32x512xf32, #tpu.memory_space<vmem>>
      %dma_wait3A_169 = tpu.memref_squeeze %dma_wait3A_168 : memref<1x32x512xf32, #tpu.memory_space<vmem>> -> memref<32x512xf32, #tpu.memory_space<vmem>>
      %dma_wait3A_170 = arith.constant 0 : i32
      %dma_wait3A_171 = arith.constant 0 : i32
      %dma_wait3A_172 = tpu.memref_slice %arg5[%dma_wait3A_170, %dma_wait3A_171] : memref<10000x512xf32, #tpu.memory_space<hbm>> -> memref<32x512xf32, #tpu.memory_space<hbm>>
      %dma_wait3A_173 = arith.constant 0 : i32
      %dma_wait3A_174 = arith.constant 0 : i32
      %dma_wait3A_175 = tpu.memref_slice %arg12[%dma_wait3A_165, %dma_wait3A_173, %dma_wait3A_174] : memref<4x32x512xf32, #tpu.memory_space<vmem>> -> memref<1x32x512xf32, #tpu.memory_space<vmem>>
      %dma_wait3A_176 = tpu.memref_squeeze %dma_wait3A_175 : memref<1x32x512xf32, #tpu.memory_space<vmem>> -> memref<32x512xf32, #tpu.memory_space<vmem>>
      %dma_wait3A_177 = arith.constant 0 : i32
      %dma_wait3A_178 = arith.constant 0 : i32
      %dma_wait3A_179 = tpu.memref_slice %arg5[%dma_wait3A_177, %dma_wait3A_178] : memref<10000x512xf32, #tpu.memory_space<hbm>> -> memref<32x512xf32, #tpu.memory_space<hbm>>
      tpu.wait_dma2 semaphore(%arg17 : memref<!tpu.dma_semaphore, #tpu.memory_space<semaphore_mem>>) src(%dma_wait3A_179 : memref<32x512xf32, #tpu.memory_space<hbm>>) dst(%dma_wait3A_176 : memref<32x512xf32, #tpu.memory_space<vmem>>)
      %parallel_loop3A_180 = arith.constant 0 : i32
      %parallel_loop3A_181 = arith.constant 32 : i32
      %parallel_loop3A_182 = arith.constant 1 : i32
      scf.for %parallel_loop3A_289 = %parallel_loop3A_180 to %parallel_loop3A_181 step %parallel_loop3A_182  : i32 {
        %parallel_loop3A_290 = arith.constant 32 : i32
        %parallel_loop3A_291 = arith.muli %add3A_157, %parallel_loop3A_290 : i32
        %parallel_loop3A_292 = arith.addi %parallel_loop3A_291, %parallel_loop3A_289 : i32
        %parallel_loop3A_293 = arith.index_cast %parallel_loop3A_292 : i32 to index
        %parallel_loop3A_294 = tpu.vector_load %arg10[%parallel_loop3A_293] {strides = array<i32>} : memref<4112xi32, #tpu.memory_space<vmem>>, vector<16xi32>,
        %parallel_loop3A_295 = vector.shape_cast %parallel_loop3A_294 : vector<16xi32> to vector<16xi32>
        %parallel_loop3A_296 = vector.extract_strided_slice %parallel_loop3A_295 {offsets = [0], sizes = [1], strides = [1]} : vector<16xi32> to vector<1xi32>
        %parallel_loop3A_297 = vector.extract %parallel_loop3A_296[0] : i32 from vector<1xi32>
        %parallel_loop3A_298 = arith.index_cast %parallel_loop3A_297 : i32 to index
        %parallel_loop3A_299 = arith.constant 0 : index
        %parallel_loop3A_300 = tpu.vector_load %arg15[%parallel_loop3A_298, %parallel_loop3A_299] {strides = array<i32>} : memref<65x512xf32, #tpu.memory_space<vmem>>, vector<1x16xf32>,
        %parallel_loop3A_301 = vector.shape_cast %parallel_loop3A_300 : vector<1x16xf32> to vector<16xf32>
        %parallel_loop3A_302 = arith.constant 1 : i32
        %parallel_loop3A_303 = arith.index_cast %parallel_loop3A_302 : i32 to index
        %parallel_loop3A_304 = arith.index_cast %parallel_loop3A_289 : i32 to index
        %parallel_loop3A_305 = arith.constant 0 : index
        %parallel_loop3A_306 = tpu.vector_load %arg12[%parallel_loop3A_303, %parallel_loop3A_304, %parallel_loop3A_305] {strides = array<i32>} : memref<4x32x512xf32, #tpu.memory_space<vmem>>, vector<1x1x16xf32>,
        %parallel_loop3A_307 = vector.shape_cast %parallel_loop3A_306 : vector<1x1x16xf32> to vector<16xf32>
        %parallel_loop3A_308 = vector.shape_cast %parallel_loop3A_301 : vector<16xf32> to vector<1x1x16xf32>
        tpu.vector_store %arg12[%parallel_loop3A_303, %parallel_loop3A_304, %parallel_loop3A_305], %parallel_loop3A_308 {add = true, strides = array<i32>} : memref<4x32x512xf32, #tpu.memory_space<vmem>>, vector<1x1x16xf32>,
        %parallel_loop3A_309 = arith.index_cast %parallel_loop3A_297 : i32 to index
        %parallel_loop3A_310 = arith.constant 16 : index
        %parallel_loop3A_311 = tpu.vector_load %arg15[%parallel_loop3A_309, %parallel_loop3A_310] {strides = array<i32>} : memref<65x512xf32, #tpu.memory_space<vmem>>, vector<1x16xf32>,
        %parallel_loop3A_312 = vector.shape_cast %parallel_loop3A_311 : vector<1x16xf32> to vector<16xf32>
        %parallel_loop3A_313 = arith.constant 1 : i32
        %parallel_loop3A_314 = arith.index_cast %parallel_loop3A_313 : i32 to index
        %parallel_loop3A_315 = arith.index_cast %parallel_loop3A_289 : i32 to index
        %parallel_loop3A_316 = arith.constant 16 : index
        %parallel_loop3A_317 = tpu.vector_load %arg12[%parallel_loop3A_314, %parallel_loop3A_315, %parallel_loop3A_316] {strides = array<i32>} : memref<4x32x512xf32, #tpu.memory_space<vmem>>, vector<1x1x16xf32>,
        %parallel_loop3A_318 = vector.shape_cast %parallel_loop3A_317 : vector<1x1x16xf32> to vector<16xf32>
        %parallel_loop3A_319 = vector.shape_cast %parallel_loop3A_312 : vector<16xf32> to vector<1x1x16xf32>
        tpu.vector_store %arg12[%parallel_loop3A_314, %parallel_loop3A_315, %parallel_loop3A_316], %parallel_loop3A_319 {add = true, strides = array<i32>} : memref<4x32x512xf32, #tpu.memory_space<vmem>>, vector<1x1x16xf32>,
        %parallel_loop3A_320 = arith.index_cast %parallel_loop3A_297 : i32 to index
        %parallel_loop3A_321 = arith.constant 32 : index
        %parallel_loop3A_322 = tpu.vector_load %arg15[%parallel_loop3A_320, %parallel_loop3A_321] {strides = array<i32>} : memref<65x512xf32, #tpu.memory_space<vmem>>, vector<1x16xf32>,
        %parallel_loop3A_323 = vector.shape_cast %parallel_loop3A_322 : vector<1x16xf32> to vector<16xf32>
        %parallel_loop3A_324 = arith.constant 1 : i32
        %parallel_loop3A_325 = arith.index_cast %parallel_loop3A_324 : i32 to index
        %parallel_loop3A_326 = arith.index_cast %parallel_loop3A_289 : i32 to index
        %parallel_loop3A_327 = arith.constant 32 : index
        %parallel_loop3A_328 = tpu.vector_load %arg12[%parallel_loop3A_325, %parallel_loop3A_326, %parallel_loop3A_327] {strides = array<i32>} : memref<4x32x512xf32, #tpu.memory_space<vmem>>, vector<1x1x16xf32>,
        %parallel_loop3A_329 = vector.shape_cast %parallel_loop3A_328 : vector<1x1x16xf32> to vector<16xf32>
        %parallel_loop3A_330 = vector.shape_cast %parallel_loop3A_323 : vector<16xf32> to vector<1x1x16xf32>
        tpu.vector_store %arg12[%parallel_loop3A_325, %parallel_loop3A_326, %parallel_loop3A_327], %parallel_loop3A_330 {add = true, strides = array<i32>} : memref<4x32x512xf32, #tpu.memory_space<vmem>>, vector<1x1x16xf32>,
        %parallel_loop3A_331 = arith.index_cast %parallel_loop3A_297 : i32 to index
        %parallel_loop3A_332 = arith.constant 48 : index
        %parallel_loop3A_333 = tpu.vector_load %arg15[%parallel_loop3A_331, %parallel_loop3A_332] {strides = array<i32>} : memref<65x512xf32, #tpu.memory_space<vmem>>, vector<1x16xf32>,
        %parallel_loop3A_334 = vector.shape_cast %parallel_loop3A_333 : vector<1x16xf32> to vector<16xf32>
        %parallel_loop3A_335 = arith.constant 1 : i32
        %parallel_loop3A_336 = arith.index_cast %parallel_loop3A_335 : i32 to index
        %parallel_loop3A_337 = arith.index_cast %parallel_loop3A_289 : i32 to index
        %parallel_loop3A_338 = arith.constant 48 : index
        %parallel_loop3A_339 = tpu.vector_load %arg12[%parallel_loop3A_336, %parallel_loop3A_337, %parallel_loop3A_338] {strides = array<i32>} : memref<4x32x512xf32, #tpu.memory_space<vmem>>, vector<1x1x16xf32>,
        %parallel_loop3A_340 = vector.shape_cast %parallel_loop3A_339 : vector<1x1x16xf32> to vector<16xf32>
        %parallel_loop3A_341 = vector.shape_cast %parallel_loop3A_334 : vector<16xf32> to vector<1x1x16xf32>
        tpu.vector_store %arg12[%parallel_loop3A_336, %parallel_loop3A_337, %parallel_loop3A_338], %parallel_loop3A_341 {add = true, strides = array<i32>} : memref<4x32x512xf32, #tpu.memory_space<vmem>>, vector<1x1x16xf32>,
        %parallel_loop3A_342 = arith.index_cast %parallel_loop3A_297 : i32 to index
        %parallel_loop3A_343 = arith.constant 64 : index
        %parallel_loop3A_344 = tpu.vector_load %arg15[%parallel_loop3A_342, %parallel_loop3A_343] {strides = array<i32>} : memref<65x512xf32, #tpu.memory_space<vmem>>, vector<1x16xf32>,
        %parallel_loop3A_345 = vector.shape_cast %parallel_loop3A_344 : vector<1x16xf32> to vector<16xf32>
        %parallel_loop3A_346 = arith.constant 1 : i32
        %parallel_loop3A_347 = arith.index_cast %parallel_loop3A_346 : i32 to index
        %parallel_loop3A_348 = arith.index_cast %parallel_loop3A_289 : i32 to index
        %parallel_loop3A_349 = arith.constant 64 : index
        %parallel_loop3A_350 = tpu.vector_load %arg12[%parallel_loop3A_347, %parallel_loop3A_348, %parallel_loop3A_349] {strides = array<i32>} : memref<4x32x512xf32, #tpu.memory_space<vmem>>, vector<1x1x16xf32>,
        %parallel_loop3A_351 = vector.shape_cast %parallel_loop3A_350 : vector<1x1x16xf32> to vector<16xf32>
        %parallel_loop3A_352 = vector.shape_cast %parallel_loop3A_345 : vector<16xf32> to vector<1x1x16xf32>
        tpu.vector_store %arg12[%parallel_loop3A_347, %parallel_loop3A_348, %parallel_loop3A_349], %parallel_loop3A_352 {add = true, strides = array<i32>} : memref<4x32x512xf32, #tpu.memory_space<vmem>>, vector<1x1x16xf32>,
        %parallel_loop3A_353 = arith.index_cast %parallel_loop3A_297 : i32 to index
        %parallel_loop3A_354 = arith.constant 80 : index
        %parallel_loop3A_355 = tpu.vector_load %arg15[%parallel_loop3A_353, %parallel_loop3A_354] {strides = array<i32>} : memref<65x512xf32, #tpu.memory_space<vmem>>, vector<1x16xf32>,
        %parallel_loop3A_356 = vector.shape_cast %parallel_loop3A_355 : vector<1x16xf32> to vector<16xf32>
        %parallel_loop3A_357 = arith.constant 1 : i32
        %parallel_loop3A_358 = arith.index_cast %parallel_loop3A_357 : i32 to index
        %parallel_loop3A_359 = arith.index_cast %parallel_loop3A_289 : i32 to index
        %parallel_loop3A_360 = arith.constant 80 : index
        %parallel_loop3A_361 = tpu.vector_load %arg12[%parallel_loop3A_358, %parallel_loop3A_359, %parallel_loop3A_360] {strides = array<i32>} : memref<4x32x512xf32, #tpu.memory_space<vmem>>, vector<1x1x16xf32>,
        %parallel_loop3A_362 = vector.shape_cast %parallel_loop3A_361 : vector<1x1x16xf32> to vector<16xf32>
        %parallel_loop3A_363 = vector.shape_cast %parallel_loop3A_356 : vector<16xf32> to vector<1x1x16xf32>
        tpu.vector_store %arg12[%parallel_loop3A_358, %parallel_loop3A_359, %parallel_loop3A_360], %parallel_loop3A_363 {add = true, strides = array<i32>} : memref<4x32x512xf32, #tpu.memory_space<vmem>>, vector<1x1x16xf32>,
        %parallel_loop3A_364 = arith.index_cast %parallel_loop3A_297 : i32 to index
        %parallel_loop3A_365 = arith.constant 96 : index
        %parallel_loop3A_366 = tpu.vector_load %arg15[%parallel_loop3A_364, %parallel_loop3A_365] {strides = array<i32>} : memref<65x512xf32, #tpu.memory_space<vmem>>, vector<1x16xf32>,
        %parallel_loop3A_367 = vector.shape_cast %parallel_loop3A_366 : vector<1x16xf32> to vector<16xf32>
        %parallel_loop3A_368 = arith.constant 1 : i32
        %parallel_loop3A_369 = arith.index_cast %parallel_loop3A_368 : i32 to index
        %parallel_loop3A_370 = arith.index_cast %parallel_loop3A_289 : i32 to index
        %parallel_loop3A_371 = arith.constant 96 : index
        %parallel_loop3A_372 = tpu.vector_load %arg12[%parallel_loop3A_369, %parallel_loop3A_370, %parallel_loop3A_371] {strides = array<i32>} : memref<4x32x512xf32, #tpu.memory_space<vmem>>, vector<1x1x16xf32>,
        %parallel_loop3A_373 = vector.shape_cast %parallel_loop3A_372 : vector<1x1x16xf32> to vector<16xf32>
        %parallel_loop3A_374 = vector.shape_cast %parallel_loop3A_367 : vector<16xf32> to vector<1x1x16xf32>
        tpu.vector_store %arg12[%parallel_loop3A_369, %parallel_loop3A_370, %parallel_loop3A_371], %parallel_loop3A_374 {add = true, strides = array<i32>} : memref<4x32x512xf32, #tpu.memory_space<vmem>>, vector<1x1x16xf32>,
        %parallel_loop3A_375 = arith.index_cast %parallel_loop3A_297 : i32 to index
        %parallel_loop3A_376 = arith.constant 112 : index
        %parallel_loop3A_377 = tpu.vector_load %arg15[%parallel_loop3A_375, %parallel_loop3A_376] {strides = array<i32>} : memref<65x512xf32, #tpu.memory_space<vmem>>, vector<1x16xf32>,
        %parallel_loop3A_378 = vector.shape_cast %parallel_loop3A_377 : vector<1x16xf32> to vector<16xf32>
        %parallel_loop3A_379 = arith.constant 1 : i32
        %parallel_loop3A_380 = arith.index_cast %parallel_loop3A_379 : i32 to index
        %parallel_loop3A_381 = arith.index_cast %parallel_loop3A_289 : i32 to index
        %parallel_loop3A_382 = arith.constant 112 : index
        %parallel_loop3A_383 = tpu.vector_load %arg12[%parallel_loop3A_380, %parallel_loop3A_381, %parallel_loop3A_382] {strides = array<i32>} : memref<4x32x512xf32, #tpu.memory_space<vmem>>, vector<1x1x16xf32>,
        %parallel_loop3A_384 = vector.shape_cast %parallel_loop3A_383 : vector<1x1x16xf32> to vector<16xf32>
        %parallel_loop3A_385 = vector.shape_cast %parallel_loop3A_378 : vector<16xf32> to vector<1x1x16xf32>
        tpu.vector_store %arg12[%parallel_loop3A_380, %parallel_loop3A_381, %parallel_loop3A_382], %parallel_loop3A_385 {add = true, strides = array<i32>} : memref<4x32x512xf32, #tpu.memory_space<vmem>>, vector<1x1x16xf32>,
        %parallel_loop3A_386 = arith.index_cast %parallel_loop3A_297 : i32 to index
        %parallel_loop3A_387 = arith.constant 128 : index
        %parallel_loop3A_388 = tpu.vector_load %arg15[%parallel_loop3A_386, %parallel_loop3A_387] {strides = array<i32>} : memref<65x512xf32, #tpu.memory_space<vmem>>, vector<1x16xf32>,
        %parallel_loop3A_389 = vector.shape_cast %parallel_loop3A_388 : vector<1x16xf32> to vector<16xf32>
        %parallel_loop3A_390 = arith.constant 1 : i32
        %parallel_loop3A_391 = arith.index_cast %parallel_loop3A_390 : i32 to index
        %parallel_loop3A_392 = arith.index_cast %parallel_loop3A_289 : i32 to index
        %parallel_loop3A_393 = arith.constant 128 : index
        %parallel_loop3A_394 = tpu.vector_load %arg12[%parallel_loop3A_391, %parallel_loop3A_392, %parallel_loop3A_393] {strides = array<i32>} : memref<4x32x512xf32, #tpu.memory_space<vmem>>, vector<1x1x16xf32>,
        %parallel_loop3A_395 = vector.shape_cast %parallel_loop3A_394 : vector<1x1x16xf32> to vector<16xf32>
        %parallel_loop3A_396 = vector.shape_cast %parallel_loop3A_389 : vector<16xf32> to vector<1x1x16xf32>
        tpu.vector_store %arg12[%parallel_loop3A_391, %parallel_loop3A_392, %parallel_loop3A_393], %parallel_loop3A_396 {add = true, strides = array<i32>} : memref<4x32x512xf32, #tpu.memory_space<vmem>>, vector<1x1x16xf32>,
        %parallel_loop3A_397 = arith.index_cast %parallel_loop3A_297 : i32 to index
        %parallel_loop3A_398 = arith.constant 144 : index
        %parallel_loop3A_399 = tpu.vector_load %arg15[%parallel_loop3A_397, %parallel_loop3A_398] {strides = array<i32>} : memref<65x512xf32, #tpu.memory_space<vmem>>, vector<1x16xf32>,
        %parallel_loop3A_400 = vector.shape_cast %parallel_loop3A_399 : vector<1x16xf32> to vector<16xf32>
        %parallel_loop3A_401 = arith.constant 1 : i32
        %parallel_loop3A_402 = arith.index_cast %parallel_loop3A_401 : i32 to index
        %parallel_loop3A_403 = arith.index_cast %parallel_loop3A_289 : i32 to index
        %parallel_loop3A_404 = arith.constant 144 : index
        %parallel_loop3A_405 = tpu.vector_load %arg12[%parallel_loop3A_402, %parallel_loop3A_403, %parallel_loop3A_404] {strides = array<i32>} : memref<4x32x512xf32, #tpu.memory_space<vmem>>, vector<1x1x16xf32>,
        %parallel_loop3A_406 = vector.shape_cast %parallel_loop3A_405 : vector<1x1x16xf32> to vector<16xf32>
        %parallel_loop3A_407 = vector.shape_cast %parallel_loop3A_400 : vector<16xf32> to vector<1x1x16xf32>
        tpu.vector_store %arg12[%parallel_loop3A_402, %parallel_loop3A_403, %parallel_loop3A_404], %parallel_loop3A_407 {add = true, strides = array<i32>} : memref<4x32x512xf32, #tpu.memory_space<vmem>>, vector<1x1x16xf32>,
        %parallel_loop3A_408 = arith.index_cast %parallel_loop3A_297 : i32 to index
        %parallel_loop3A_409 = arith.constant 160 : index
        %parallel_loop3A_410 = tpu.vector_load %arg15[%parallel_loop3A_408, %parallel_loop3A_409] {strides = array<i32>} : memref<65x512xf32, #tpu.memory_space<vmem>>, vector<1x16xf32>,
        %parallel_loop3A_411 = vector.shape_cast %parallel_loop3A_410 : vector<1x16xf32> to vector<16xf32>
        %parallel_loop3A_412 = arith.constant 1 : i32
        %parallel_loop3A_413 = arith.index_cast %parallel_loop3A_412 : i32 to index
        %parallel_loop3A_414 = arith.index_cast %parallel_loop3A_289 : i32 to index
        %parallel_loop3A_415 = arith.constant 160 : index
        %parallel_loop3A_416 = tpu.vector_load %arg12[%parallel_loop3A_413, %parallel_loop3A_414, %parallel_loop3A_415] {strides = array<i32>} : memref<4x32x512xf32, #tpu.memory_space<vmem>>, vector<1x1x16xf32>,
        %parallel_loop3A_417 = vector.shape_cast %parallel_loop3A_416 : vector<1x1x16xf32> to vector<16xf32>
        %parallel_loop3A_418 = vector.shape_cast %parallel_loop3A_411 : vector<16xf32> to vector<1x1x16xf32>
        tpu.vector_store %arg12[%parallel_loop3A_413, %parallel_loop3A_414, %parallel_loop3A_415], %parallel_loop3A_418 {add = true, strides = array<i32>} : memref<4x32x512xf32, #tpu.memory_space<vmem>>, vector<1x1x16xf32>,
        %parallel_loop3A_419 = arith.index_cast %parallel_loop3A_297 : i32 to index
        %parallel_loop3A_420 = arith.constant 176 : index
        %parallel_loop3A_421 = tpu.vector_load %arg15[%parallel_loop3A_419, %parallel_loop3A_420] {strides = array<i32>} : memref<65x512xf32, #tpu.memory_space<vmem>>, vector<1x16xf32>,
        %parallel_loop3A_422 = vector.shape_cast %parallel_loop3A_421 : vector<1x16xf32> to vector<16xf32>
        %parallel_loop3A_423 = arith.constant 1 : i32
        %parallel_loop3A_424 = arith.index_cast %parallel_loop3A_423 : i32 to index
        %parallel_loop3A_425 = arith.index_cast %parallel_loop3A_289 : i32 to index
        %parallel_loop3A_426 = arith.constant 176 : index
        %parallel_loop3A_427 = tpu.vector_load %arg12[%parallel_loop3A_424, %parallel_loop3A_425, %parallel_loop3A_426] {strides = array<i32>} : memref<4x32x512xf32, #tpu.memory_space<vmem>>, vector<1x1x16xf32>,
        %parallel_loop3A_428 = vector.shape_cast %parallel_loop3A_427 : vector<1x1x16xf32> to vector<16xf32>
        %parallel_loop3A_429 = vector.shape_cast %parallel_loop3A_422 : vector<16xf32> to vector<1x1x16xf32>
        tpu.vector_store %arg12[%parallel_loop3A_424, %parallel_loop3A_425, %parallel_loop3A_426], %parallel_loop3A_429 {add = true, strides = array<i32>} : memref<4x32x512xf32, #tpu.memory_space<vmem>>, vector<1x1x16xf32>,
        %parallel_loop3A_430 = arith.index_cast %parallel_loop3A_297 : i32 to index
        %parallel_loop3A_431 = arith.constant 192 : index
        %parallel_loop3A_432 = tpu.vector_load %arg15[%parallel_loop3A_430, %parallel_loop3A_431] {strides = array<i32>} : memref<65x512xf32, #tpu.memory_space<vmem>>, vector<1x16xf32>,
        %parallel_loop3A_433 = vector.shape_cast %parallel_loop3A_432 : vector<1x16xf32> to vector<16xf32>
        %parallel_loop3A_434 = arith.constant 1 : i32
        %parallel_loop3A_435 = arith.index_cast %parallel_loop3A_434 : i32 to index
        %parallel_loop3A_436 = arith.index_cast %parallel_loop3A_289 : i32 to index
        %parallel_loop3A_437 = arith.constant 192 : index
        %parallel_loop3A_438 = tpu.vector_load %arg12[%parallel_loop3A_435, %parallel_loop3A_436, %parallel_loop3A_437] {strides = array<i32>} : memref<4x32x512xf32, #tpu.memory_space<vmem>>, vector<1x1x16xf32>,
        %parallel_loop3A_439 = vector.shape_cast %parallel_loop3A_438 : vector<1x1x16xf32> to vector<16xf32>
        %parallel_loop3A_440 = vector.shape_cast %parallel_loop3A_433 : vector<16xf32> to vector<1x1x16xf32>
        tpu.vector_store %arg12[%parallel_loop3A_435, %parallel_loop3A_436, %parallel_loop3A_437], %parallel_loop3A_440 {add = true, strides = array<i32>} : memref<4x32x512xf32, #tpu.memory_space<vmem>>, vector<1x1x16xf32>,
        %parallel_loop3A_441 = arith.index_cast %parallel_loop3A_297 : i32 to index
        %parallel_loop3A_442 = arith.constant 208 : index
        %parallel_loop3A_443 = tpu.vector_load %arg15[%parallel_loop3A_441, %parallel_loop3A_442] {strides = array<i32>} : memref<65x512xf32, #tpu.memory_space<vmem>>, vector<1x16xf32>,
        %parallel_loop3A_444 = vector.shape_cast %parallel_loop3A_443 : vector<1x16xf32> to vector<16xf32>
        %parallel_loop3A_445 = arith.constant 1 : i32
        %parallel_loop3A_446 = arith.index_cast %parallel_loop3A_445 : i32 to index
        %parallel_loop3A_447 = arith.index_cast %parallel_loop3A_289 : i32 to index
        %parallel_loop3A_448 = arith.constant 208 : index
        %parallel_loop3A_449 = tpu.vector_load %arg12[%parallel_loop3A_446, %parallel_loop3A_447, %parallel_loop3A_448] {strides = array<i32>} : memref<4x32x512xf32, #tpu.memory_space<vmem>>, vector<1x1x16xf32>,
        %parallel_loop3A_450 = vector.shape_cast %parallel_loop3A_449 : vector<1x1x16xf32> to vector<16xf32>
        %parallel_loop3A_451 = vector.shape_cast %parallel_loop3A_444 : vector<16xf32> to vector<1x1x16xf32>
        tpu.vector_store %arg12[%parallel_loop3A_446, %parallel_loop3A_447, %parallel_loop3A_448], %parallel_loop3A_451 {add = true, strides = array<i32>} : memref<4x32x512xf32, #tpu.memory_space<vmem>>, vector<1x1x16xf32>,
        %parallel_loop3A_452 = arith.index_cast %parallel_loop3A_297 : i32 to index
        %parallel_loop3A_453 = arith.constant 224 : index
        %parallel_loop3A_454 = tpu.vector_load %arg15[%parallel_loop3A_452, %parallel_loop3A_453] {strides = array<i32>} : memref<65x512xf32, #tpu.memory_space<vmem>>, vector<1x16xf32>,
        %parallel_loop3A_455 = vector.shape_cast %parallel_loop3A_454 : vector<1x16xf32> to vector<16xf32>
        %parallel_loop3A_456 = arith.constant 1 : i32
        %parallel_loop3A_457 = arith.index_cast %parallel_loop3A_456 : i32 to index
        %parallel_loop3A_458 = arith.index_cast %parallel_loop3A_289 : i32 to index
        %parallel_loop3A_459 = arith.constant 224 : index
        %parallel_loop3A_460 = tpu.vector_load %arg12[%parallel_loop3A_457, %parallel_loop3A_458, %parallel_loop3A_459] {strides = array<i32>} : memref<4x32x512xf32, #tpu.memory_space<vmem>>, vector<1x1x16xf32>,
        %parallel_loop3A_461 = vector.shape_cast %parallel_loop3A_460 : vector<1x1x16xf32> to vector<16xf32>
        %parallel_loop3A_462 = vector.shape_cast %parallel_loop3A_455 : vector<16xf32> to vector<1x1x16xf32>
        tpu.vector_store %arg12[%parallel_loop3A_457, %parallel_loop3A_458, %parallel_loop3A_459], %parallel_loop3A_462 {add = true, strides = array<i32>} : memref<4x32x512xf32, #tpu.memory_space<vmem>>, vector<1x1x16xf32>,
        %parallel_loop3A_463 = arith.index_cast %parallel_loop3A_297 : i32 to index
        %parallel_loop3A_464 = arith.constant 240 : index
        %parallel_loop3A_465 = tpu.vector_load %arg15[%parallel_loop3A_463, %parallel_loop3A_464] {strides = array<i32>} : memref<65x512xf32, #tpu.memory_space<vmem>>, vector<1x16xf32>,
        %parallel_loop3A_466 = vector.shape_cast %parallel_loop3A_465 : vector<1x16xf32> to vector<16xf32>
        %parallel_loop3A_467 = arith.constant 1 : i32
        %parallel_loop3A_468 = arith.index_cast %parallel_loop3A_467 : i32 to index
        %parallel_loop3A_469 = arith.index_cast %parallel_loop3A_289 : i32 to index
        %parallel_loop3A_470 = arith.constant 240 : index
        %parallel_loop3A_471 = tpu.vector_load %arg12[%parallel_loop3A_468, %parallel_loop3A_469, %parallel_loop3A_470] {strides = array<i32>} : memref<4x32x512xf32, #tpu.memory_space<vmem>>, vector<1x1x16xf32>,
        %parallel_loop3A_472 = vector.shape_cast %parallel_loop3A_471 : vector<1x1x16xf32> to vector<16xf32>
        %parallel_loop3A_473 = vector.shape_cast %parallel_loop3A_466 : vector<16xf32> to vector<1x1x16xf32>
        tpu.vector_store %arg12[%parallel_loop3A_468, %parallel_loop3A_469, %parallel_loop3A_470], %parallel_loop3A_473 {add = true, strides = array<i32>} : memref<4x32x512xf32, #tpu.memory_space<vmem>>, vector<1x1x16xf32>,
        %parallel_loop3A_474 = arith.index_cast %parallel_loop3A_297 : i32 to index
        %parallel_loop3A_475 = arith.constant 256 : index
        %parallel_loop3A_476 = tpu.vector_load %arg15[%parallel_loop3A_474, %parallel_loop3A_475] {strides = array<i32>} : memref<65x512xf32, #tpu.memory_space<vmem>>, vector<1x16xf32>,
        %parallel_loop3A_477 = vector.shape_cast %parallel_loop3A_476 : vector<1x16xf32> to vector<16xf32>
        %parallel_loop3A_478 = arith.constant 1 : i32
        %parallel_loop3A_479 = arith.index_cast %parallel_loop3A_478 : i32 to index
        %parallel_loop3A_480 = arith.index_cast %parallel_loop3A_289 : i32 to index
        %parallel_loop3A_481 = arith.constant 256 : index
        %parallel_loop3A_482 = tpu.vector_load %arg12[%parallel_loop3A_479, %parallel_loop3A_480, %parallel_loop3A_481] {strides = array<i32>} : memref<4x32x512xf32, #tpu.memory_space<vmem>>, vector<1x1x16xf32>,
        %parallel_loop3A_483 = vector.shape_cast %parallel_loop3A_482 : vector<1x1x16xf32> to vector<16xf32>
        %parallel_loop3A_484 = vector.shape_cast %parallel_loop3A_477 : vector<16xf32> to vector<1x1x16xf32>
        tpu.vector_store %arg12[%parallel_loop3A_479, %parallel_loop3A_480, %parallel_loop3A_481], %parallel_loop3A_484 {add = true, strides = array<i32>} : memref<4x32x512xf32, #tpu.memory_space<vmem>>, vector<1x1x16xf32>,
        %parallel_loop3A_485 = arith.index_cast %parallel_loop3A_297 : i32 to index
        %parallel_loop3A_486 = arith.constant 272 : index
        %parallel_loop3A_487 = tpu.vector_load %arg15[%parallel_loop3A_485, %parallel_loop3A_486] {strides = array<i32>} : memref<65x512xf32, #tpu.memory_space<vmem>>, vector<1x16xf32>,
        %parallel_loop3A_488 = vector.shape_cast %parallel_loop3A_487 : vector<1x16xf32> to vector<16xf32>
        %parallel_loop3A_489 = arith.constant 1 : i32
        %parallel_loop3A_490 = arith.index_cast %parallel_loop3A_489 : i32 to index
        %parallel_loop3A_491 = arith.index_cast %parallel_loop3A_289 : i32 to index
        %parallel_loop3A_492 = arith.constant 272 : index
        %parallel_loop3A_493 = tpu.vector_load %arg12[%parallel_loop3A_490, %parallel_loop3A_491, %parallel_loop3A_492] {strides = array<i32>} : memref<4x32x512xf32, #tpu.memory_space<vmem>>, vector<1x1x16xf32>,
        %parallel_loop3A_494 = vector.shape_cast %parallel_loop3A_493 : vector<1x1x16xf32> to vector<16xf32>
        %parallel_loop3A_495 = vector.shape_cast %parallel_loop3A_488 : vector<16xf32> to vector<1x1x16xf32>
        tpu.vector_store %arg12[%parallel_loop3A_490, %parallel_loop3A_491, %parallel_loop3A_492], %parallel_loop3A_495 {add = true, strides = array<i32>} : memref<4x32x512xf32, #tpu.memory_space<vmem>>, vector<1x1x16xf32>,
        %parallel_loop3A_496 = arith.index_cast %parallel_loop3A_297 : i32 to index
        %parallel_loop3A_497 = arith.constant 288 : index
        %parallel_loop3A_498 = tpu.vector_load %arg15[%parallel_loop3A_496, %parallel_loop3A_497] {strides = array<i32>} : memref<65x512xf32, #tpu.memory_space<vmem>>, vector<1x16xf32>,
        %parallel_loop3A_499 = vector.shape_cast %parallel_loop3A_498 : vector<1x16xf32> to vector<16xf32>
        %parallel_loop3A_500 = arith.constant 1 : i32
        %parallel_loop3A_501 = arith.index_cast %parallel_loop3A_500 : i32 to index
        %parallel_loop3A_502 = arith.index_cast %parallel_loop3A_289 : i32 to index
        %parallel_loop3A_503 = arith.constant 288 : index
        %parallel_loop3A_504 = tpu.vector_load %arg12[%parallel_loop3A_501, %parallel_loop3A_502, %parallel_loop3A_503] {strides = array<i32>} : memref<4x32x512xf32, #tpu.memory_space<vmem>>, vector<1x1x16xf32>,
        %parallel_loop3A_505 = vector.shape_cast %parallel_loop3A_504 : vector<1x1x16xf32> to vector<16xf32>
        %parallel_loop3A_506 = vector.shape_cast %parallel_loop3A_499 : vector<16xf32> to vector<1x1x16xf32>
        tpu.vector_store %arg12[%parallel_loop3A_501, %parallel_loop3A_502, %parallel_loop3A_503], %parallel_loop3A_506 {add = true, strides = array<i32>} : memref<4x32x512xf32, #tpu.memory_space<vmem>>, vector<1x1x16xf32>,
        %parallel_loop3A_507 = arith.index_cast %parallel_loop3A_297 : i32 to index
        %parallel_loop3A_508 = arith.constant 304 : index
        %parallel_loop3A_509 = tpu.vector_load %arg15[%parallel_loop3A_507, %parallel_loop3A_508] {strides = array<i32>} : memref<65x512xf32, #tpu.memory_space<vmem>>, vector<1x16xf32>,
        %parallel_loop3A_510 = vector.shape_cast %parallel_loop3A_509 : vector<1x16xf32> to vector<16xf32>
        %parallel_loop3A_511 = arith.constant 1 : i32
        %parallel_loop3A_512 = arith.index_cast %parallel_loop3A_511 : i32 to index
        %parallel_loop3A_513 = arith.index_cast %parallel_loop3A_289 : i32 to index
        %parallel_loop3A_514 = arith.constant 304 : index
        %parallel_loop3A_515 = tpu.vector_load %arg12[%parallel_loop3A_512, %parallel_loop3A_513, %parallel_loop3A_514] {strides = array<i32>} : memref<4x32x512xf32, #tpu.memory_space<vmem>>, vector<1x1x16xf32>,
        %parallel_loop3A_516 = vector.shape_cast %parallel_loop3A_515 : vector<1x1x16xf32> to vector<16xf32>
        %parallel_loop3A_517 = vector.shape_cast %parallel_loop3A_510 : vector<16xf32> to vector<1x1x16xf32>
        tpu.vector_store %arg12[%parallel_loop3A_512, %parallel_loop3A_513, %parallel_loop3A_514], %parallel_loop3A_517 {add = true, strides = array<i32>} : memref<4x32x512xf32, #tpu.memory_space<vmem>>, vector<1x1x16xf32>,
        %parallel_loop3A_518 = arith.index_cast %parallel_loop3A_297 : i32 to index
        %parallel_loop3A_519 = arith.constant 320 : index
        %parallel_loop3A_520 = tpu.vector_load %arg15[%parallel_loop3A_518, %parallel_loop3A_519] {strides = array<i32>} : memref<65x512xf32, #tpu.memory_space<vmem>>, vector<1x16xf32>,
        %parallel_loop3A_521 = vector.shape_cast %parallel_loop3A_520 : vector<1x16xf32> to vector<16xf32>
        %parallel_loop3A_522 = arith.constant 1 : i32
        %parallel_loop3A_523 = arith.index_cast %parallel_loop3A_522 : i32 to index
        %parallel_loop3A_524 = arith.index_cast %parallel_loop3A_289 : i32 to index
        %parallel_loop3A_525 = arith.constant 320 : index
        %parallel_loop3A_526 = tpu.vector_load %arg12[%parallel_loop3A_523, %parallel_loop3A_524, %parallel_loop3A_525] {strides = array<i32>} : memref<4x32x512xf32, #tpu.memory_space<vmem>>, vector<1x1x16xf32>,
        %parallel_loop3A_527 = vector.shape_cast %parallel_loop3A_526 : vector<1x1x16xf32> to vector<16xf32>
        %parallel_loop3A_528 = vector.shape_cast %parallel_loop3A_521 : vector<16xf32> to vector<1x1x16xf32>
        tpu.vector_store %arg12[%parallel_loop3A_523, %parallel_loop3A_524, %parallel_loop3A_525], %parallel_loop3A_528 {add = true, strides = array<i32>} : memref<4x32x512xf32, #tpu.memory_space<vmem>>, vector<1x1x16xf32>,
        %parallel_loop3A_529 = arith.index_cast %parallel_loop3A_297 : i32 to index
        %parallel_loop3A_530 = arith.constant 336 : index
        %parallel_loop3A_531 = tpu.vector_load %arg15[%parallel_loop3A_529, %parallel_loop3A_530] {strides = array<i32>} : memref<65x512xf32, #tpu.memory_space<vmem>>, vector<1x16xf32>,
        %parallel_loop3A_532 = vector.shape_cast %parallel_loop3A_531 : vector<1x16xf32> to vector<16xf32>
        %parallel_loop3A_533 = arith.constant 1 : i32
        %parallel_loop3A_534 = arith.index_cast %parallel_loop3A_533 : i32 to index
        %parallel_loop3A_535 = arith.index_cast %parallel_loop3A_289 : i32 to index
        %parallel_loop3A_536 = arith.constant 336 : index
        %parallel_loop3A_537 = tpu.vector_load %arg12[%parallel_loop3A_534, %parallel_loop3A_535, %parallel_loop3A_536] {strides = array<i32>} : memref<4x32x512xf32, #tpu.memory_space<vmem>>, vector<1x1x16xf32>,
        %parallel_loop3A_538 = vector.shape_cast %parallel_loop3A_537 : vector<1x1x16xf32> to vector<16xf32>
        %parallel_loop3A_539 = vector.shape_cast %parallel_loop3A_532 : vector<16xf32> to vector<1x1x16xf32>
        tpu.vector_store %arg12[%parallel_loop3A_534, %parallel_loop3A_535, %parallel_loop3A_536], %parallel_loop3A_539 {add = true, strides = array<i32>} : memref<4x32x512xf32, #tpu.memory_space<vmem>>, vector<1x1x16xf32>,
        %parallel_loop3A_540 = arith.index_cast %parallel_loop3A_297 : i32 to index
        %parallel_loop3A_541 = arith.constant 352 : index
        %parallel_loop3A_542 = tpu.vector_load %arg15[%parallel_loop3A_540, %parallel_loop3A_541] {strides = array<i32>} : memref<65x512xf32, #tpu.memory_space<vmem>>, vector<1x16xf32>,
        %parallel_loop3A_543 = vector.shape_cast %parallel_loop3A_542 : vector<1x16xf32> to vector<16xf32>
        %parallel_loop3A_544 = arith.constant 1 : i32
        %parallel_loop3A_545 = arith.index_cast %parallel_loop3A_544 : i32 to index
        %parallel_loop3A_546 = arith.index_cast %parallel_loop3A_289 : i32 to index
        %parallel_loop3A_547 = arith.constant 352 : index
        %parallel_loop3A_548 = tpu.vector_load %arg12[%parallel_loop3A_545, %parallel_loop3A_546, %parallel_loop3A_547] {strides = array<i32>} : memref<4x32x512xf32, #tpu.memory_space<vmem>>, vector<1x1x16xf32>,
        %parallel_loop3A_549 = vector.shape_cast %parallel_loop3A_548 : vector<1x1x16xf32> to vector<16xf32>
        %parallel_loop3A_550 = vector.shape_cast %parallel_loop3A_543 : vector<16xf32> to vector<1x1x16xf32>
        tpu.vector_store %arg12[%parallel_loop3A_545, %parallel_loop3A_546, %parallel_loop3A_547], %parallel_loop3A_550 {add = true, strides = array<i32>} : memref<4x32x512xf32, #tpu.memory_space<vmem>>, vector<1x1x16xf32>,
        %parallel_loop3A_551 = arith.index_cast %parallel_loop3A_297 : i32 to index
        %parallel_loop3A_552 = arith.constant 368 : index
        %parallel_loop3A_553 = tpu.vector_load %arg15[%parallel_loop3A_551, %parallel_loop3A_552] {strides = array<i32>} : memref<65x512xf32, #tpu.memory_space<vmem>>, vector<1x16xf32>,
        %parallel_loop3A_554 = vector.shape_cast %parallel_loop3A_553 : vector<1x16xf32> to vector<16xf32>
        %parallel_loop3A_555 = arith.constant 1 : i32
        %parallel_loop3A_556 = arith.index_cast %parallel_loop3A_555 : i32 to index
        %parallel_loop3A_557 = arith.index_cast %parallel_loop3A_289 : i32 to index
        %parallel_loop3A_558 = arith.constant 368 : index
        %parallel_loop3A_559 = tpu.vector_load %arg12[%parallel_loop3A_556, %parallel_loop3A_557, %parallel_loop3A_558] {strides = array<i32>} : memref<4x32x512xf32, #tpu.memory_space<vmem>>, vector<1x1x16xf32>,
        %parallel_loop3A_560 = vector.shape_cast %parallel_loop3A_559 : vector<1x1x16xf32> to vector<16xf32>
        %parallel_loop3A_561 = vector.shape_cast %parallel_loop3A_554 : vector<16xf32> to vector<1x1x16xf32>
        tpu.vector_store %arg12[%parallel_loop3A_556, %parallel_loop3A_557, %parallel_loop3A_558], %parallel_loop3A_561 {add = true, strides = array<i32>} : memref<4x32x512xf32, #tpu.memory_space<vmem>>, vector<1x1x16xf32>,
        %parallel_loop3A_562 = arith.index_cast %parallel_loop3A_297 : i32 to index
        %parallel_loop3A_563 = arith.constant 384 : index
        %parallel_loop3A_564 = tpu.vector_load %arg15[%parallel_loop3A_562, %parallel_loop3A_563] {strides = array<i32>} : memref<65x512xf32, #tpu.memory_space<vmem>>, vector<1x16xf32>,
        %parallel_loop3A_565 = vector.shape_cast %parallel_loop3A_564 : vector<1x16xf32> to vector<16xf32>
        %parallel_loop3A_566 = arith.constant 1 : i32
        %parallel_loop3A_567 = arith.index_cast %parallel_loop3A_566 : i32 to index
        %parallel_loop3A_568 = arith.index_cast %parallel_loop3A_289 : i32 to index
        %parallel_loop3A_569 = arith.constant 384 : index
        %parallel_loop3A_570 = tpu.vector_load %arg12[%parallel_loop3A_567, %parallel_loop3A_568, %parallel_loop3A_569] {strides = array<i32>} : memref<4x32x512xf32, #tpu.memory_space<vmem>>, vector<1x1x16xf32>,
        %parallel_loop3A_571 = vector.shape_cast %parallel_loop3A_570 : vector<1x1x16xf32> to vector<16xf32>
        %parallel_loop3A_572 = vector.shape_cast %parallel_loop3A_565 : vector<16xf32> to vector<1x1x16xf32>
        tpu.vector_store %arg12[%parallel_loop3A_567, %parallel_loop3A_568, %parallel_loop3A_569], %parallel_loop3A_572 {add = true, strides = array<i32>} : memref<4x32x512xf32, #tpu.memory_space<vmem>>, vector<1x1x16xf32>,
        %parallel_loop3A_573 = arith.index_cast %parallel_loop3A_297 : i32 to index
        %parallel_loop3A_574 = arith.constant 400 : index
        %parallel_loop3A_575 = tpu.vector_load %arg15[%parallel_loop3A_573, %parallel_loop3A_574] {strides = array<i32>} : memref<65x512xf32, #tpu.memory_space<vmem>>, vector<1x16xf32>,
        %parallel_loop3A_576 = vector.shape_cast %parallel_loop3A_575 : vector<1x16xf32> to vector<16xf32>
        %parallel_loop3A_577 = arith.constant 1 : i32
        %parallel_loop3A_578 = arith.index_cast %parallel_loop3A_577 : i32 to index
        %parallel_loop3A_579 = arith.index_cast %parallel_loop3A_289 : i32 to index
        %parallel_loop3A_580 = arith.constant 400 : index
        %parallel_loop3A_581 = tpu.vector_load %arg12[%parallel_loop3A_578, %parallel_loop3A_579, %parallel_loop3A_580] {strides = array<i32>} : memref<4x32x512xf32, #tpu.memory_space<vmem>>, vector<1x1x16xf32>,
        %parallel_loop3A_582 = vector.shape_cast %parallel_loop3A_581 : vector<1x1x16xf32> to vector<16xf32>
        %parallel_loop3A_583 = vector.shape_cast %parallel_loop3A_576 : vector<16xf32> to vector<1x1x16xf32>
        tpu.vector_store %arg12[%parallel_loop3A_578, %parallel_loop3A_579, %parallel_loop3A_580], %parallel_loop3A_583 {add = true, strides = array<i32>} : memref<4x32x512xf32, #tpu.memory_space<vmem>>, vector<1x1x16xf32>,
        %parallel_loop3A_584 = arith.index_cast %parallel_loop3A_297 : i32 to index
        %parallel_loop3A_585 = arith.constant 416 : index
        %parallel_loop3A_586 = tpu.vector_load %arg15[%parallel_loop3A_584, %parallel_loop3A_585] {strides = array<i32>} : memref<65x512xf32, #tpu.memory_space<vmem>>, vector<1x16xf32>,
        %parallel_loop3A_587 = vector.shape_cast %parallel_loop3A_586 : vector<1x16xf32> to vector<16xf32>
        %parallel_loop3A_588 = arith.constant 1 : i32
        %parallel_loop3A_589 = arith.index_cast %parallel_loop3A_588 : i32 to index
        %parallel_loop3A_590 = arith.index_cast %parallel_loop3A_289 : i32 to index
        %parallel_loop3A_591 = arith.constant 416 : index
        %parallel_loop3A_592 = tpu.vector_load %arg12[%parallel_loop3A_589, %parallel_loop3A_590, %parallel_loop3A_591] {strides = array<i32>} : memref<4x32x512xf32, #tpu.memory_space<vmem>>, vector<1x1x16xf32>,
        %parallel_loop3A_593 = vector.shape_cast %parallel_loop3A_592 : vector<1x1x16xf32> to vector<16xf32>
        %parallel_loop3A_594 = vector.shape_cast %parallel_loop3A_587 : vector<16xf32> to vector<1x1x16xf32>
        tpu.vector_store %arg12[%parallel_loop3A_589, %parallel_loop3A_590, %parallel_loop3A_591], %parallel_loop3A_594 {add = true, strides = array<i32>} : memref<4x32x512xf32, #tpu.memory_space<vmem>>, vector<1x1x16xf32>,
        %parallel_loop3A_595 = arith.index_cast %parallel_loop3A_297 : i32 to index
        %parallel_loop3A_596 = arith.constant 432 : index
        %parallel_loop3A_597 = tpu.vector_load %arg15[%parallel_loop3A_595, %parallel_loop3A_596] {strides = array<i32>} : memref<65x512xf32, #tpu.memory_space<vmem>>, vector<1x16xf32>,
        %parallel_loop3A_598 = vector.shape_cast %parallel_loop3A_597 : vector<1x16xf32> to vector<16xf32>
        %parallel_loop3A_599 = arith.constant 1 : i32
        %parallel_loop3A_600 = arith.index_cast %parallel_loop3A_599 : i32 to index
        %parallel_loop3A_601 = arith.index_cast %parallel_loop3A_289 : i32 to index
        %parallel_loop3A_602 = arith.constant 432 : index
        %parallel_loop3A_603 = tpu.vector_load %arg12[%parallel_loop3A_600, %parallel_loop3A_601, %parallel_loop3A_602] {strides = array<i32>} : memref<4x32x512xf32, #tpu.memory_space<vmem>>, vector<1x1x16xf32>,
        %parallel_loop3A_604 = vector.shape_cast %parallel_loop3A_603 : vector<1x1x16xf32> to vector<16xf32>
        %parallel_loop3A_605 = vector.shape_cast %parallel_loop3A_598 : vector<16xf32> to vector<1x1x16xf32>
        tpu.vector_store %arg12[%parallel_loop3A_600, %parallel_loop3A_601, %parallel_loop3A_602], %parallel_loop3A_605 {add = true, strides = array<i32>} : memref<4x32x512xf32, #tpu.memory_space<vmem>>, vector<1x1x16xf32>,
        %parallel_loop3A_606 = arith.index_cast %parallel_loop3A_297 : i32 to index
        %parallel_loop3A_607 = arith.constant 448 : index
        %parallel_loop3A_608 = tpu.vector_load %arg15[%parallel_loop3A_606, %parallel_loop3A_607] {strides = array<i32>} : memref<65x512xf32, #tpu.memory_space<vmem>>, vector<1x16xf32>,
        %parallel_loop3A_609 = vector.shape_cast %parallel_loop3A_608 : vector<1x16xf32> to vector<16xf32>
        %parallel_loop3A_610 = arith.constant 1 : i32
        %parallel_loop3A_611 = arith.index_cast %parallel_loop3A_610 : i32 to index
        %parallel_loop3A_612 = arith.index_cast %parallel_loop3A_289 : i32 to index
        %parallel_loop3A_613 = arith.constant 448 : index
        %parallel_loop3A_614 = tpu.vector_load %arg12[%parallel_loop3A_611, %parallel_loop3A_612, %parallel_loop3A_613] {strides = array<i32>} : memref<4x32x512xf32, #tpu.memory_space<vmem>>, vector<1x1x16xf32>,
        %parallel_loop3A_615 = vector.shape_cast %parallel_loop3A_614 : vector<1x1x16xf32> to vector<16xf32>
        %parallel_loop3A_616 = vector.shape_cast %parallel_loop3A_609 : vector<16xf32> to vector<1x1x16xf32>
        tpu.vector_store %arg12[%parallel_loop3A_611, %parallel_loop3A_612, %parallel_loop3A_613], %parallel_loop3A_616 {add = true, strides = array<i32>} : memref<4x32x512xf32, #tpu.memory_space<vmem>>, vector<1x1x16xf32>,
        %parallel_loop3A_617 = arith.index_cast %parallel_loop3A_297 : i32 to index
        %parallel_loop3A_618 = arith.constant 464 : index
        %parallel_loop3A_619 = tpu.vector_load %arg15[%parallel_loop3A_617, %parallel_loop3A_618] {strides = array<i32>} : memref<65x512xf32, #tpu.memory_space<vmem>>, vector<1x16xf32>,
        %parallel_loop3A_620 = vector.shape_cast %parallel_loop3A_619 : vector<1x16xf32> to vector<16xf32>
        %parallel_loop3A_621 = arith.constant 1 : i32
        %parallel_loop3A_622 = arith.index_cast %parallel_loop3A_621 : i32 to index
        %parallel_loop3A_623 = arith.index_cast %parallel_loop3A_289 : i32 to index
        %parallel_loop3A_624 = arith.constant 464 : index
        %parallel_loop3A_625 = tpu.vector_load %arg12[%parallel_loop3A_622, %parallel_loop3A_623, %parallel_loop3A_624] {strides = array<i32>} : memref<4x32x512xf32, #tpu.memory_space<vmem>>, vector<1x1x16xf32>,
        %parallel_loop3A_626 = vector.shape_cast %parallel_loop3A_625 : vector<1x1x16xf32> to vector<16xf32>
        %parallel_loop3A_627 = vector.shape_cast %parallel_loop3A_620 : vector<16xf32> to vector<1x1x16xf32>
        tpu.vector_store %arg12[%parallel_loop3A_622, %parallel_loop3A_623, %parallel_loop3A_624], %parallel_loop3A_627 {add = true, strides = array<i32>} : memref<4x32x512xf32, #tpu.memory_space<vmem>>, vector<1x1x16xf32>,
        %parallel_loop3A_628 = arith.index_cast %parallel_loop3A_297 : i32 to index
        %parallel_loop3A_629 = arith.constant 480 : index
        %parallel_loop3A_630 = tpu.vector_load %arg15[%parallel_loop3A_628, %parallel_loop3A_629] {strides = array<i32>} : memref<65x512xf32, #tpu.memory_space<vmem>>, vector<1x16xf32>,
        %parallel_loop3A_631 = vector.shape_cast %parallel_loop3A_630 : vector<1x16xf32> to vector<16xf32>
        %parallel_loop3A_632 = arith.constant 1 : i32
        %parallel_loop3A_633 = arith.index_cast %parallel_loop3A_632 : i32 to index
        %parallel_loop3A_634 = arith.index_cast %parallel_loop3A_289 : i32 to index
        %parallel_loop3A_635 = arith.constant 480 : index
        %parallel_loop3A_636 = tpu.vector_load %arg12[%parallel_loop3A_633, %parallel_loop3A_634, %parallel_loop3A_635] {strides = array<i32>} : memref<4x32x512xf32, #tpu.memory_space<vmem>>, vector<1x1x16xf32>,
        %parallel_loop3A_637 = vector.shape_cast %parallel_loop3A_636 : vector<1x1x16xf32> to vector<16xf32>
        %parallel_loop3A_638 = vector.shape_cast %parallel_loop3A_631 : vector<16xf32> to vector<1x1x16xf32>
        tpu.vector_store %arg12[%parallel_loop3A_633, %parallel_loop3A_634, %parallel_loop3A_635], %parallel_loop3A_638 {add = true, strides = array<i32>} : memref<4x32x512xf32, #tpu.memory_space<vmem>>, vector<1x1x16xf32>,
        %parallel_loop3A_639 = arith.index_cast %parallel_loop3A_297 : i32 to index
        %parallel_loop3A_640 = arith.constant 496 : index
        %parallel_loop3A_641 = tpu.vector_load %arg15[%parallel_loop3A_639, %parallel_loop3A_640] {strides = array<i32>} : memref<65x512xf32, #tpu.memory_space<vmem>>, vector<1x16xf32>,
        %parallel_loop3A_642 = vector.shape_cast %parallel_loop3A_641 : vector<1x16xf32> to vector<16xf32>
        %parallel_loop3A_643 = arith.constant 1 : i32
        %parallel_loop3A_644 = arith.index_cast %parallel_loop3A_643 : i32 to index
        %parallel_loop3A_645 = arith.index_cast %parallel_loop3A_289 : i32 to index
        %parallel_loop3A_646 = arith.constant 496 : index
        %parallel_loop3A_647 = tpu.vector_load %arg12[%parallel_loop3A_644, %parallel_loop3A_645, %parallel_loop3A_646] {strides = array<i32>} : memref<4x32x512xf32, #tpu.memory_space<vmem>>, vector<1x1x16xf32>,
        %parallel_loop3A_648 = vector.shape_cast %parallel_loop3A_647 : vector<1x1x16xf32> to vector<16xf32>
        %parallel_loop3A_649 = vector.shape_cast %parallel_loop3A_642 : vector<16xf32> to vector<1x1x16xf32>
        tpu.vector_store %arg12[%parallel_loop3A_644, %parallel_loop3A_645, %parallel_loop3A_646], %parallel_loop3A_649 {add = true, strides = array<i32>} : memref<4x32x512xf32, #tpu.memory_space<vmem>>, vector<1x1x16xf32>,
      } {sc.loop_unroll_factor = 1 : i64, sc.parallel_access}
      %mul3A_183 = arith.constant 32 : i32
      %mul3A_184 = arith.muli %add3A_157, %mul3A_183 : i32
      %add3A_185 = arith.addi %mul3A_2, %mul3A_184 : i32
      %dma_start3A_186 = arith.constant 1 : i32
      %dma_start3A_187 = arith.constant 0 : i32
      %dma_start3A_188 = arith.constant 0 : i32
      %dma_start3A_189 = tpu.memref_slice %arg12[%dma_start3A_186, %dma_start3A_187, %dma_start3A_188] : memref<4x32x512xf32, #tpu.memory_space<vmem>> -> memref<1x32x512xf32, #tpu.memory_space<vmem>>
      %dma_start3A_190 = tpu.memref_squeeze %dma_start3A_189 : memref<1x32x512xf32, #tpu.memory_space<vmem>> -> memref<32x512xf32, #tpu.memory_space<vmem>>
      %dma_start3A_191 = arith.constant 0 : i32
      %dma_start3A_192 = tpu.memref_slice %arg8[%add3A_185, %dma_start3A_191] : memref<131072x512xf32, #tpu.memory_space<hbm>> -> memref<32x512xf32, #tpu.memory_space<hbm>>
      %dma_start3A_193 = arith.constant 0 : i32
      %dma_start3A_194 = tpu.memref_slice %arg8[%add3A_185, %dma_start3A_193] : memref<131072x512xf32, #tpu.memory_space<hbm>> -> memref<32x512xf32, #tpu.memory_space<hbm>>
      %dma_start3A_195 = arith.constant 0 : i32
      %dma_start3A_196 = arith.constant 0 : i32
      %dma_start3A_197 = tpu.memref_slice %arg12[%dma_start3A_186, %dma_start3A_195, %dma_start3A_196] : memref<4x32x512xf32, #tpu.memory_space<vmem>> -> memref<1x32x512xf32, #tpu.memory_space<vmem>>
      %dma_start3A_198 = tpu.memref_squeeze %dma_start3A_197 : memref<1x32x512xf32, #tpu.memory_space<vmem>> -> memref<32x512xf32, #tpu.memory_space<vmem>>
      tpu.enqueue_dma source(%dma_start3A_198 : memref<32x512xf32, #tpu.memory_space<vmem>>) target(%dma_start3A_194 : memref<32x512xf32, #tpu.memory_space<hbm>>) target_semaphore(%arg21 : memref<!tpu.dma_semaphore, #tpu.memory_space<semaphore_mem>>)
      %mul3A_199 = arith.constant 4 : i32
      %mul3A_200 = arith.muli %scan3A_111, %mul3A_199 : i32
      %add3A_201 = arith.constant 2 : i32
      %add3A_202 = arith.addi %mul3A_200, %add3A_201 : i32
      %add3A_203 = arith.constant 2 : i32
      %add3A_204 = arith.addi %add3A_202, %add3A_203 : i32
      %lt3A_205 = arith.constant 128 : i32
      %lt3A_206 = arith.cmpi slt, %add3A_204, %lt3A_205 : i32
      %convert_element_type3A_207 = arith.extui %lt3A_206 : i1 to i32
      %cond3A_208 = arith.constant 0 : i32
      %cond3A_209 = arith.cmpi ne, %convert_element_type3A_207, %cond3A_208 : i32
      scf.if %cond3A_209 {
        %add3A_289 = arith.constant 2 : i32
        %add3A_290 = arith.addi %add3A_202, %add3A_289 : i32
        %ge3A = arith.constant 4 : i32
        %ge3A_291 = arith.cmpi sge, %add3A_290, %ge3A : i32
        %convert_element_type3A_292 = arith.extui %ge3A_291 : i1 to i32
        %cond3A_293 = arith.constant 0 : i32
        %cond3A_294 = arith.cmpi ne, %convert_element_type3A_292, %cond3A_293 : i32
        scf.if %cond3A_294 {
          %dma_wait3A_308 = arith.constant 0 : i32
          %dma_wait3A_309 = arith.constant 0 : i32
          %dma_wait3A_310 = arith.constant 0 : i32
          %dma_wait3A_311 = tpu.memref_slice %arg12[%dma_wait3A_308, %dma_wait3A_309, %dma_wait3A_310] : memref<4x32x512xf32, #tpu.memory_space<vmem>> -> memref<1x32x512xf32, #tpu.memory_space<vmem>>
          %dma_wait3A_312 = tpu.memref_squeeze %dma_wait3A_311 : memref<1x32x512xf32, #tpu.memory_space<vmem>> -> memref<32x512xf32, #tpu.memory_space<vmem>>
          %dma_wait3A_313 = arith.constant 0 : i32
          %dma_wait3A_314 = arith.constant 0 : i32
          %dma_wait3A_315 = tpu.memref_slice %arg8[%dma_wait3A_313, %dma_wait3A_314] : memref<131072x512xf32, #tpu.memory_space<hbm>> -> memref<32x512xf32, #tpu.memory_space<hbm>>
          %dma_wait3A_316 = arith.constant 0 : i32
          %dma_wait3A_317 = arith.constant 0 : i32
          %dma_wait3A_318 = tpu.memref_slice %arg8[%dma_wait3A_316, %dma_wait3A_317] : memref<131072x512xf32, #tpu.memory_space<hbm>> -> memref<32x512xf32, #tpu.memory_space<hbm>>
          %dma_wait3A_319 = arith.constant 0 : i32
          %dma_wait3A_320 = arith.constant 0 : i32
          %dma_wait3A_321 = tpu.memref_slice %arg12[%dma_wait3A_308, %dma_wait3A_319, %dma_wait3A_320] : memref<4x32x512xf32, #tpu.memory_space<vmem>> -> memref<1x32x512xf32, #tpu.memory_space<vmem>>
          %dma_wait3A_322 = tpu.memref_squeeze %dma_wait3A_321 : memref<1x32x512xf32, #tpu.memory_space<vmem>> -> memref<32x512xf32, #tpu.memory_space<vmem>>
          tpu.wait_dma2 semaphore(%arg20 : memref<!tpu.dma_semaphore, #tpu.memory_space<semaphore_mem>>) src(%dma_wait3A_322 : memref<32x512xf32, #tpu.memory_space<vmem>>) dst(%dma_wait3A_318 : memref<32x512xf32, #tpu.memory_space<hbm>>)
        } else {
        }
        %add3A_295 = arith.constant 2 : i32
        %add3A_296 = arith.addi %add3A_202, %add3A_295 : i32
        %mul3A_297 = arith.constant 32 : i32
        %mul3A_298 = arith.muli %add3A_296, %mul3A_297 : i32
        %dma_start3A_299 = arith.constant 0 : i32
        %dma_start3A_300 = arith.constant 0 : i32
        %dma_start3A_301 = arith.constant 0 : i32
        %dma_start3A_302 = tpu.memref_slice %arg12[%dma_start3A_299, %dma_start3A_300, %dma_start3A_301] : memref<4x32x512xf32, #tpu.memory_space<vmem>> -> memref<1x32x512xf32, #tpu.memory_space<vmem>>
        %dma_start3A_303 = tpu.memref_squeeze %dma_start3A_302 : memref<1x32x512xf32, #tpu.memory_space<vmem>> -> memref<32x512xf32, #tpu.memory_space<vmem>>
        %dma_start3A_304 = tpu.memref_slice %arg9[%mul3A_298] : memref<4096xi32, #tpu.memory_space<vmem>> -> memref<32xi32, #tpu.memory_space<vmem>>
        %dma_start3A_305 = arith.constant 0 : i32
        %dma_start3A_306 = arith.constant 0 : i32
        %dma_start3A_307 = tpu.memref_slice %arg5[%dma_start3A_305, %dma_start3A_306] : memref<10000x512xf32, #tpu.memory_space<hbm>> -> memref<10000x512xf32, #tpu.memory_space<hbm>>
        tpu.enqueue_indirect_dma source(%dma_start3A_307 : memref<10000x512xf32, #tpu.memory_space<hbm>>) target(%dma_start3A_303 : memref<32x512xf32, #tpu.memory_space<vmem>>) offsets(%dma_start3A_304 : memref<32xi32, #tpu.memory_space<vmem>>) semaphore(%arg16 : memref<!tpu.dma_semaphore, #tpu.memory_space<semaphore_mem>>)
      } else {
      }
      %dma_wait3A_210 = arith.constant 2 : i32
      %dma_wait3A_211 = arith.constant 0 : i32
      %dma_wait3A_212 = arith.constant 0 : i32
      %dma_wait3A_213 = tpu.memref_slice %arg12[%dma_wait3A_210, %dma_wait3A_211, %dma_wait3A_212] : memref<4x32x512xf32, #tpu.memory_space<vmem>> -> memref<1x32x512xf32, #tpu.memory_space<vmem>>
      %dma_wait3A_214 = tpu.memref_squeeze %dma_wait3A_213 : memref<1x32x512xf32, #tpu.memory_space<vmem>> -> memref<32x512xf32, #tpu.memory_space<vmem>>
      %dma_wait3A_215 = arith.constant 0 : i32
      %dma_wait3A_216 = arith.constant 0 : i32
      %dma_wait3A_217 = tpu.memref_slice %arg5[%dma_wait3A_215, %dma_wait3A_216] : memref<10000x512xf32, #tpu.memory_space<hbm>> -> memref<32x512xf32, #tpu.memory_space<hbm>>
      %dma_wait3A_218 = arith.constant 0 : i32
      %dma_wait3A_219 = arith.constant 0 : i32
      %dma_wait3A_220 = tpu.memref_slice %arg12[%dma_wait3A_210, %dma_wait3A_218, %dma_wait3A_219] : memref<4x32x512xf32, #tpu.memory_space<vmem>> -> memref<1x32x512xf32, #tpu.memory_space<vmem>>
      %dma_wait3A_221 = tpu.memref_squeeze %dma_wait3A_220 : memref<1x32x512xf32, #tpu.memory_space<vmem>> -> memref<32x512xf32, #tpu.memory_space<vmem>>
      %dma_wait3A_222 = arith.constant 0 : i32
      %dma_wait3A_223 = arith.constant 0 : i32
      %dma_wait3A_224 = tpu.memref_slice %arg5[%dma_wait3A_222, %dma_wait3A_223] : memref<10000x512xf32, #tpu.memory_space<hbm>> -> memref<32x512xf32, #tpu.memory_space<hbm>>
      tpu.wait_dma2 semaphore(%arg18 : memref<!tpu.dma_semaphore, #tpu.memory_space<semaphore_mem>>) src(%dma_wait3A_224 : memref<32x512xf32, #tpu.memory_space<hbm>>) dst(%dma_wait3A_221 : memref<32x512xf32, #tpu.memory_space<vmem>>)
      %parallel_loop3A_225 = arith.constant 0 : i32
      %parallel_loop3A_226 = arith.constant 32 : i32
      %parallel_loop3A_227 = arith.constant 1 : i32
      scf.for %parallel_loop3A_289 = %parallel_loop3A_225 to %parallel_loop3A_226 step %parallel_loop3A_227  : i32 {
        %parallel_loop3A_290 = arith.constant 32 : i32
        %parallel_loop3A_291 = arith.muli %add3A_202, %parallel_loop3A_290 : i32
        %parallel_loop3A_292 = arith.addi %parallel_loop3A_291, %parallel_loop3A_289 : i32
        %parallel_loop3A_293 = arith.index_cast %parallel_loop3A_292 : i32 to index
        %parallel_loop3A_294 = tpu.vector_load %arg10[%parallel_loop3A_293] {strides = array<i32>} : memref<4112xi32, #tpu.memory_space<vmem>>, vector<16xi32>,
        %parallel_loop3A_295 = vector.shape_cast %parallel_loop3A_294 : vector<16xi32> to vector<16xi32>
        %parallel_loop3A_296 = vector.extract_strided_slice %parallel_loop3A_295 {offsets = [0], sizes = [1], strides = [1]} : vector<16xi32> to vector<1xi32>
        %parallel_loop3A_297 = vector.extract %parallel_loop3A_296[0] : i32 from vector<1xi32>
        %parallel_loop3A_298 = arith.index_cast %parallel_loop3A_297 : i32 to index
        %parallel_loop3A_299 = arith.constant 0 : index
        %parallel_loop3A_300 = tpu.vector_load %arg15[%parallel_loop3A_298, %parallel_loop3A_299] {strides = array<i32>} : memref<65x512xf32, #tpu.memory_space<vmem>>, vector<1x16xf32>,
        %parallel_loop3A_301 = vector.shape_cast %parallel_loop3A_300 : vector<1x16xf32> to vector<16xf32>
        %parallel_loop3A_302 = arith.constant 2 : i32
        %parallel_loop3A_303 = arith.index_cast %parallel_loop3A_302 : i32 to index
        %parallel_loop3A_304 = arith.index_cast %parallel_loop3A_289 : i32 to index
        %parallel_loop3A_305 = arith.constant 0 : index
        %parallel_loop3A_306 = tpu.vector_load %arg12[%parallel_loop3A_303, %parallel_loop3A_304, %parallel_loop3A_305] {strides = array<i32>} : memref<4x32x512xf32, #tpu.memory_space<vmem>>, vector<1x1x16xf32>,
        %parallel_loop3A_307 = vector.shape_cast %parallel_loop3A_306 : vector<1x1x16xf32> to vector<16xf32>
        %parallel_loop3A_308 = vector.shape_cast %parallel_loop3A_301 : vector<16xf32> to vector<1x1x16xf32>
        tpu.vector_store %arg12[%parallel_loop3A_303, %parallel_loop3A_304, %parallel_loop3A_305], %parallel_loop3A_308 {add = true, strides = array<i32>} : memref<4x32x512xf32, #tpu.memory_space<vmem>>, vector<1x1x16xf32>,
        %parallel_loop3A_309 = arith.index_cast %parallel_loop3A_297 : i32 to index
        %parallel_loop3A_310 = arith.constant 16 : index
        %parallel_loop3A_311 = tpu.vector_load %arg15[%parallel_loop3A_309, %parallel_loop3A_310] {strides = array<i32>} : memref<65x512xf32, #tpu.memory_space<vmem>>, vector<1x16xf32>,
        %parallel_loop3A_312 = vector.shape_cast %parallel_loop3A_311 : vector<1x16xf32> to vector<16xf32>
        %parallel_loop3A_313 = arith.constant 2 : i32
        %parallel_loop3A_314 = arith.index_cast %parallel_loop3A_313 : i32 to index
        %parallel_loop3A_315 = arith.index_cast %parallel_loop3A_289 : i32 to index
        %parallel_loop3A_316 = arith.constant 16 : index
        %parallel_loop3A_317 = tpu.vector_load %arg12[%parallel_loop3A_314, %parallel_loop3A_315, %parallel_loop3A_316] {strides = array<i32>} : memref<4x32x512xf32, #tpu.memory_space<vmem>>, vector<1x1x16xf32>,
        %parallel_loop3A_318 = vector.shape_cast %parallel_loop3A_317 : vector<1x1x16xf32> to vector<16xf32>
        %parallel_loop3A_319 = vector.shape_cast %parallel_loop3A_312 : vector<16xf32> to vector<1x1x16xf32>
        tpu.vector_store %arg12[%parallel_loop3A_314, %parallel_loop3A_315, %parallel_loop3A_316], %parallel_loop3A_319 {add = true, strides = array<i32>} : memref<4x32x512xf32, #tpu.memory_space<vmem>>, vector<1x1x16xf32>,
        %parallel_loop3A_320 = arith.index_cast %parallel_loop3A_297 : i32 to index
        %parallel_loop3A_321 = arith.constant 32 : index
        %parallel_loop3A_322 = tpu.vector_load %arg15[%parallel_loop3A_320, %parallel_loop3A_321] {strides = array<i32>} : memref<65x512xf32, #tpu.memory_space<vmem>>, vector<1x16xf32>,
        %parallel_loop3A_323 = vector.shape_cast %parallel_loop3A_322 : vector<1x16xf32> to vector<16xf32>
        %parallel_loop3A_324 = arith.constant 2 : i32
        %parallel_loop3A_325 = arith.index_cast %parallel_loop3A_324 : i32 to index
        %parallel_loop3A_326 = arith.index_cast %parallel_loop3A_289 : i32 to index
        %parallel_loop3A_327 = arith.constant 32 : index
        %parallel_loop3A_328 = tpu.vector_load %arg12[%parallel_loop3A_325, %parallel_loop3A_326, %parallel_loop3A_327] {strides = array<i32>} : memref<4x32x512xf32, #tpu.memory_space<vmem>>, vector<1x1x16xf32>,
        %parallel_loop3A_329 = vector.shape_cast %parallel_loop3A_328 : vector<1x1x16xf32> to vector<16xf32>
        %parallel_loop3A_330 = vector.shape_cast %parallel_loop3A_323 : vector<16xf32> to vector<1x1x16xf32>
        tpu.vector_store %arg12[%parallel_loop3A_325, %parallel_loop3A_326, %parallel_loop3A_327], %parallel_loop3A_330 {add = true, strides = array<i32>} : memref<4x32x512xf32, #tpu.memory_space<vmem>>, vector<1x1x16xf32>,
        %parallel_loop3A_331 = arith.index_cast %parallel_loop3A_297 : i32 to index
        %parallel_loop3A_332 = arith.constant 48 : index
        %parallel_loop3A_333 = tpu.vector_load %arg15[%parallel_loop3A_331, %parallel_loop3A_332] {strides = array<i32>} : memref<65x512xf32, #tpu.memory_space<vmem>>, vector<1x16xf32>,
        %parallel_loop3A_334 = vector.shape_cast %parallel_loop3A_333 : vector<1x16xf32> to vector<16xf32>
        %parallel_loop3A_335 = arith.constant 2 : i32
        %parallel_loop3A_336 = arith.index_cast %parallel_loop3A_335 : i32 to index
        %parallel_loop3A_337 = arith.index_cast %parallel_loop3A_289 : i32 to index
        %parallel_loop3A_338 = arith.constant 48 : index
        %parallel_loop3A_339 = tpu.vector_load %arg12[%parallel_loop3A_336, %parallel_loop3A_337, %parallel_loop3A_338] {strides = array<i32>} : memref<4x32x512xf32, #tpu.memory_space<vmem>>, vector<1x1x16xf32>,
        %parallel_loop3A_340 = vector.shape_cast %parallel_loop3A_339 : vector<1x1x16xf32> to vector<16xf32>
        %parallel_loop3A_341 = vector.shape_cast %parallel_loop3A_334 : vector<16xf32> to vector<1x1x16xf32>
        tpu.vector_store %arg12[%parallel_loop3A_336, %parallel_loop3A_337, %parallel_loop3A_338], %parallel_loop3A_341 {add = true, strides = array<i32>} : memref<4x32x512xf32, #tpu.memory_space<vmem>>, vector<1x1x16xf32>,
        %parallel_loop3A_342 = arith.index_cast %parallel_loop3A_297 : i32 to index
        %parallel_loop3A_343 = arith.constant 64 : index
        %parallel_loop3A_344 = tpu.vector_load %arg15[%parallel_loop3A_342, %parallel_loop3A_343] {strides = array<i32>} : memref<65x512xf32, #tpu.memory_space<vmem>>, vector<1x16xf32>,
        %parallel_loop3A_345 = vector.shape_cast %parallel_loop3A_344 : vector<1x16xf32> to vector<16xf32>
        %parallel_loop3A_346 = arith.constant 2 : i32
        %parallel_loop3A_347 = arith.index_cast %parallel_loop3A_346 : i32 to index
        %parallel_loop3A_348 = arith.index_cast %parallel_loop3A_289 : i32 to index
        %parallel_loop3A_349 = arith.constant 64 : index
        %parallel_loop3A_350 = tpu.vector_load %arg12[%parallel_loop3A_347, %parallel_loop3A_348, %parallel_loop3A_349] {strides = array<i32>} : memref<4x32x512xf32, #tpu.memory_space<vmem>>, vector<1x1x16xf32>,
        %parallel_loop3A_351 = vector.shape_cast %parallel_loop3A_350 : vector<1x1x16xf32> to vector<16xf32>
        %parallel_loop3A_352 = vector.shape_cast %parallel_loop3A_345 : vector<16xf32> to vector<1x1x16xf32>
        tpu.vector_store %arg12[%parallel_loop3A_347, %parallel_loop3A_348, %parallel_loop3A_349], %parallel_loop3A_352 {add = true, strides = array<i32>} : memref<4x32x512xf32, #tpu.memory_space<vmem>>, vector<1x1x16xf32>,
        %parallel_loop3A_353 = arith.index_cast %parallel_loop3A_297 : i32 to index
        %parallel_loop3A_354 = arith.constant 80 : index
        %parallel_loop3A_355 = tpu.vector_load %arg15[%parallel_loop3A_353, %parallel_loop3A_354] {strides = array<i32>} : memref<65x512xf32, #tpu.memory_space<vmem>>, vector<1x16xf32>,
        %parallel_loop3A_356 = vector.shape_cast %parallel_loop3A_355 : vector<1x16xf32> to vector<16xf32>
        %parallel_loop3A_357 = arith.constant 2 : i32
        %parallel_loop3A_358 = arith.index_cast %parallel_loop3A_357 : i32 to index
        %parallel_loop3A_359 = arith.index_cast %parallel_loop3A_289 : i32 to index
        %parallel_loop3A_360 = arith.constant 80 : index
        %parallel_loop3A_361 = tpu.vector_load %arg12[%parallel_loop3A_358, %parallel_loop3A_359, %parallel_loop3A_360] {strides = array<i32>} : memref<4x32x512xf32, #tpu.memory_space<vmem>>, vector<1x1x16xf32>,
        %parallel_loop3A_362 = vector.shape_cast %parallel_loop3A_361 : vector<1x1x16xf32> to vector<16xf32>
        %parallel_loop3A_363 = vector.shape_cast %parallel_loop3A_356 : vector<16xf32> to vector<1x1x16xf32>
        tpu.vector_store %arg12[%parallel_loop3A_358, %parallel_loop3A_359, %parallel_loop3A_360], %parallel_loop3A_363 {add = true, strides = array<i32>} : memref<4x32x512xf32, #tpu.memory_space<vmem>>, vector<1x1x16xf32>,
        %parallel_loop3A_364 = arith.index_cast %parallel_loop3A_297 : i32 to index
        %parallel_loop3A_365 = arith.constant 96 : index
        %parallel_loop3A_366 = tpu.vector_load %arg15[%parallel_loop3A_364, %parallel_loop3A_365] {strides = array<i32>} : memref<65x512xf32, #tpu.memory_space<vmem>>, vector<1x16xf32>,
        %parallel_loop3A_367 = vector.shape_cast %parallel_loop3A_366 : vector<1x16xf32> to vector<16xf32>
        %parallel_loop3A_368 = arith.constant 2 : i32
        %parallel_loop3A_369 = arith.index_cast %parallel_loop3A_368 : i32 to index
        %parallel_loop3A_370 = arith.index_cast %parallel_loop3A_289 : i32 to index
        %parallel_loop3A_371 = arith.constant 96 : index
        %parallel_loop3A_372 = tpu.vector_load %arg12[%parallel_loop3A_369, %parallel_loop3A_370, %parallel_loop3A_371] {strides = array<i32>} : memref<4x32x512xf32, #tpu.memory_space<vmem>>, vector<1x1x16xf32>,
        %parallel_loop3A_373 = vector.shape_cast %parallel_loop3A_372 : vector<1x1x16xf32> to vector<16xf32>
        %parallel_loop3A_374 = vector.shape_cast %parallel_loop3A_367 : vector<16xf32> to vector<1x1x16xf32>
        tpu.vector_store %arg12[%parallel_loop3A_369, %parallel_loop3A_370, %parallel_loop3A_371], %parallel_loop3A_374 {add = true, strides = array<i32>} : memref<4x32x512xf32, #tpu.memory_space<vmem>>, vector<1x1x16xf32>,
        %parallel_loop3A_375 = arith.index_cast %parallel_loop3A_297 : i32 to index
        %parallel_loop3A_376 = arith.constant 112 : index
        %parallel_loop3A_377 = tpu.vector_load %arg15[%parallel_loop3A_375, %parallel_loop3A_376] {strides = array<i32>} : memref<65x512xf32, #tpu.memory_space<vmem>>, vector<1x16xf32>,
        %parallel_loop3A_378 = vector.shape_cast %parallel_loop3A_377 : vector<1x16xf32> to vector<16xf32>
        %parallel_loop3A_379 = arith.constant 2 : i32
        %parallel_loop3A_380 = arith.index_cast %parallel_loop3A_379 : i32 to index
        %parallel_loop3A_381 = arith.index_cast %parallel_loop3A_289 : i32 to index
        %parallel_loop3A_382 = arith.constant 112 : index
        %parallel_loop3A_383 = tpu.vector_load %arg12[%parallel_loop3A_380, %parallel_loop3A_381, %parallel_loop3A_382] {strides = array<i32>} : memref<4x32x512xf32, #tpu.memory_space<vmem>>, vector<1x1x16xf32>,
        %parallel_loop3A_384 = vector.shape_cast %parallel_loop3A_383 : vector<1x1x16xf32> to vector<16xf32>
        %parallel_loop3A_385 = vector.shape_cast %parallel_loop3A_378 : vector<16xf32> to vector<1x1x16xf32>
        tpu.vector_store %arg12[%parallel_loop3A_380, %parallel_loop3A_381, %parallel_loop3A_382], %parallel_loop3A_385 {add = true, strides = array<i32>} : memref<4x32x512xf32, #tpu.memory_space<vmem>>, vector<1x1x16xf32>,
        %parallel_loop3A_386 = arith.index_cast %parallel_loop3A_297 : i32 to index
        %parallel_loop3A_387 = arith.constant 128 : index
        %parallel_loop3A_388 = tpu.vector_load %arg15[%parallel_loop3A_386, %parallel_loop3A_387] {strides = array<i32>} : memref<65x512xf32, #tpu.memory_space<vmem>>, vector<1x16xf32>,
        %parallel_loop3A_389 = vector.shape_cast %parallel_loop3A_388 : vector<1x16xf32> to vector<16xf32>
        %parallel_loop3A_390 = arith.constant 2 : i32
        %parallel_loop3A_391 = arith.index_cast %parallel_loop3A_390 : i32 to index
        %parallel_loop3A_392 = arith.index_cast %parallel_loop3A_289 : i32 to index
        %parallel_loop3A_393 = arith.constant 128 : index
        %parallel_loop3A_394 = tpu.vector_load %arg12[%parallel_loop3A_391, %parallel_loop3A_392, %parallel_loop3A_393] {strides = array<i32>} : memref<4x32x512xf32, #tpu.memory_space<vmem>>, vector<1x1x16xf32>,
        %parallel_loop3A_395 = vector.shape_cast %parallel_loop3A_394 : vector<1x1x16xf32> to vector<16xf32>
        %parallel_loop3A_396 = vector.shape_cast %parallel_loop3A_389 : vector<16xf32> to vector<1x1x16xf32>
        tpu.vector_store %arg12[%parallel_loop3A_391, %parallel_loop3A_392, %parallel_loop3A_393], %parallel_loop3A_396 {add = true, strides = array<i32>} : memref<4x32x512xf32, #tpu.memory_space<vmem>>, vector<1x1x16xf32>,
        %parallel_loop3A_397 = arith.index_cast %parallel_loop3A_297 : i32 to index
        %parallel_loop3A_398 = arith.constant 144 : index
        %parallel_loop3A_399 = tpu.vector_load %arg15[%parallel_loop3A_397, %parallel_loop3A_398] {strides = array<i32>} : memref<65x512xf32, #tpu.memory_space<vmem>>, vector<1x16xf32>,
        %parallel_loop3A_400 = vector.shape_cast %parallel_loop3A_399 : vector<1x16xf32> to vector<16xf32>
        %parallel_loop3A_401 = arith.constant 2 : i32
        %parallel_loop3A_402 = arith.index_cast %parallel_loop3A_401 : i32 to index
        %parallel_loop3A_403 = arith.index_cast %parallel_loop3A_289 : i32 to index
        %parallel_loop3A_404 = arith.constant 144 : index
        %parallel_loop3A_405 = tpu.vector_load %arg12[%parallel_loop3A_402, %parallel_loop3A_403, %parallel_loop3A_404] {strides = array<i32>} : memref<4x32x512xf32, #tpu.memory_space<vmem>>, vector<1x1x16xf32>,
        %parallel_loop3A_406 = vector.shape_cast %parallel_loop3A_405 : vector<1x1x16xf32> to vector<16xf32>
        %parallel_loop3A_407 = vector.shape_cast %parallel_loop3A_400 : vector<16xf32> to vector<1x1x16xf32>
        tpu.vector_store %arg12[%parallel_loop3A_402, %parallel_loop3A_403, %parallel_loop3A_404], %parallel_loop3A_407 {add = true, strides = array<i32>} : memref<4x32x512xf32, #tpu.memory_space<vmem>>, vector<1x1x16xf32>,
        %parallel_loop3A_408 = arith.index_cast %parallel_loop3A_297 : i32 to index
        %parallel_loop3A_409 = arith.constant 160 : index
        %parallel_loop3A_410 = tpu.vector_load %arg15[%parallel_loop3A_408, %parallel_loop3A_409] {strides = array<i32>} : memref<65x512xf32, #tpu.memory_space<vmem>>, vector<1x16xf32>,
        %parallel_loop3A_411 = vector.shape_cast %parallel_loop3A_410 : vector<1x16xf32> to vector<16xf32>
        %parallel_loop3A_412 = arith.constant 2 : i32
        %parallel_loop3A_413 = arith.index_cast %parallel_loop3A_412 : i32 to index
        %parallel_loop3A_414 = arith.index_cast %parallel_loop3A_289 : i32 to index
        %parallel_loop3A_415 = arith.constant 160 : index
        %parallel_loop3A_416 = tpu.vector_load %arg12[%parallel_loop3A_413, %parallel_loop3A_414, %parallel_loop3A_415] {strides = array<i32>} : memref<4x32x512xf32, #tpu.memory_space<vmem>>, vector<1x1x16xf32>,
        %parallel_loop3A_417 = vector.shape_cast %parallel_loop3A_416 : vector<1x1x16xf32> to vector<16xf32>
        %parallel_loop3A_418 = vector.shape_cast %parallel_loop3A_411 : vector<16xf32> to vector<1x1x16xf32>
        tpu.vector_store %arg12[%parallel_loop3A_413, %parallel_loop3A_414, %parallel_loop3A_415], %parallel_loop3A_418 {add = true, strides = array<i32>} : memref<4x32x512xf32, #tpu.memory_space<vmem>>, vector<1x1x16xf32>,
        %parallel_loop3A_419 = arith.index_cast %parallel_loop3A_297 : i32 to index
        %parallel_loop3A_420 = arith.constant 176 : index
        %parallel_loop3A_421 = tpu.vector_load %arg15[%parallel_loop3A_419, %parallel_loop3A_420] {strides = array<i32>} : memref<65x512xf32, #tpu.memory_space<vmem>>, vector<1x16xf32>,
        %parallel_loop3A_422 = vector.shape_cast %parallel_loop3A_421 : vector<1x16xf32> to vector<16xf32>
        %parallel_loop3A_423 = arith.constant 2 : i32
        %parallel_loop3A_424 = arith.index_cast %parallel_loop3A_423 : i32 to index
        %parallel_loop3A_425 = arith.index_cast %parallel_loop3A_289 : i32 to index
        %parallel_loop3A_426 = arith.constant 176 : index
        %parallel_loop3A_427 = tpu.vector_load %arg12[%parallel_loop3A_424, %parallel_loop3A_425, %parallel_loop3A_426] {strides = array<i32>} : memref<4x32x512xf32, #tpu.memory_space<vmem>>, vector<1x1x16xf32>,
        %parallel_loop3A_428 = vector.shape_cast %parallel_loop3A_427 : vector<1x1x16xf32> to vector<16xf32>
        %parallel_loop3A_429 = vector.shape_cast %parallel_loop3A_422 : vector<16xf32> to vector<1x1x16xf32>
        tpu.vector_store %arg12[%parallel_loop3A_424, %parallel_loop3A_425, %parallel_loop3A_426], %parallel_loop3A_429 {add = true, strides = array<i32>} : memref<4x32x512xf32, #tpu.memory_space<vmem>>, vector<1x1x16xf32>,
        %parallel_loop3A_430 = arith.index_cast %parallel_loop3A_297 : i32 to index
        %parallel_loop3A_431 = arith.constant 192 : index
        %parallel_loop3A_432 = tpu.vector_load %arg15[%parallel_loop3A_430, %parallel_loop3A_431] {strides = array<i32>} : memref<65x512xf32, #tpu.memory_space<vmem>>, vector<1x16xf32>,
        %parallel_loop3A_433 = vector.shape_cast %parallel_loop3A_432 : vector<1x16xf32> to vector<16xf32>
        %parallel_loop3A_434 = arith.constant 2 : i32
        %parallel_loop3A_435 = arith.index_cast %parallel_loop3A_434 : i32 to index
        %parallel_loop3A_436 = arith.index_cast %parallel_loop3A_289 : i32 to index
        %parallel_loop3A_437 = arith.constant 192 : index
        %parallel_loop3A_438 = tpu.vector_load %arg12[%parallel_loop3A_435, %parallel_loop3A_436, %parallel_loop3A_437] {strides = array<i32>} : memref<4x32x512xf32, #tpu.memory_space<vmem>>, vector<1x1x16xf32>,
        %parallel_loop3A_439 = vector.shape_cast %parallel_loop3A_438 : vector<1x1x16xf32> to vector<16xf32>
        %parallel_loop3A_440 = vector.shape_cast %parallel_loop3A_433 : vector<16xf32> to vector<1x1x16xf32>
        tpu.vector_store %arg12[%parallel_loop3A_435, %parallel_loop3A_436, %parallel_loop3A_437], %parallel_loop3A_440 {add = true, strides = array<i32>} : memref<4x32x512xf32, #tpu.memory_space<vmem>>, vector<1x1x16xf32>,
        %parallel_loop3A_441 = arith.index_cast %parallel_loop3A_297 : i32 to index
        %parallel_loop3A_442 = arith.constant 208 : index
        %parallel_loop3A_443 = tpu.vector_load %arg15[%parallel_loop3A_441, %parallel_loop3A_442] {strides = array<i32>} : memref<65x512xf32, #tpu.memory_space<vmem>>, vector<1x16xf32>,
        %parallel_loop3A_444 = vector.shape_cast %parallel_loop3A_443 : vector<1x16xf32> to vector<16xf32>
        %parallel_loop3A_445 = arith.constant 2 : i32
        %parallel_loop3A_446 = arith.index_cast %parallel_loop3A_445 : i32 to index
        %parallel_loop3A_447 = arith.index_cast %parallel_loop3A_289 : i32 to index
        %parallel_loop3A_448 = arith.constant 208 : index
        %parallel_loop3A_449 = tpu.vector_load %arg12[%parallel_loop3A_446, %parallel_loop3A_447, %parallel_loop3A_448] {strides = array<i32>} : memref<4x32x512xf32, #tpu.memory_space<vmem>>, vector<1x1x16xf32>,
        %parallel_loop3A_450 = vector.shape_cast %parallel_loop3A_449 : vector<1x1x16xf32> to vector<16xf32>
        %parallel_loop3A_451 = vector.shape_cast %parallel_loop3A_444 : vector<16xf32> to vector<1x1x16xf32>
        tpu.vector_store %arg12[%parallel_loop3A_446, %parallel_loop3A_447, %parallel_loop3A_448], %parallel_loop3A_451 {add = true, strides = array<i32>} : memref<4x32x512xf32, #tpu.memory_space<vmem>>, vector<1x1x16xf32>,
        %parallel_loop3A_452 = arith.index_cast %parallel_loop3A_297 : i32 to index
        %parallel_loop3A_453 = arith.constant 224 : index
        %parallel_loop3A_454 = tpu.vector_load %arg15[%parallel_loop3A_452, %parallel_loop3A_453] {strides = array<i32>} : memref<65x512xf32, #tpu.memory_space<vmem>>, vector<1x16xf32>,
        %parallel_loop3A_455 = vector.shape_cast %parallel_loop3A_454 : vector<1x16xf32> to vector<16xf32>
        %parallel_loop3A_456 = arith.constant 2 : i32
        %parallel_loop3A_457 = arith.index_cast %parallel_loop3A_456 : i32 to index
        %parallel_loop3A_458 = arith.index_cast %parallel_loop3A_289 : i32 to index
        %parallel_loop3A_459 = arith.constant 224 : index
        %parallel_loop3A_460 = tpu.vector_load %arg12[%parallel_loop3A_457, %parallel_loop3A_458, %parallel_loop3A_459] {strides = array<i32>} : memref<4x32x512xf32, #tpu.memory_space<vmem>>, vector<1x1x16xf32>,
        %parallel_loop3A_461 = vector.shape_cast %parallel_loop3A_460 : vector<1x1x16xf32> to vector<16xf32>
        %parallel_loop3A_462 = vector.shape_cast %parallel_loop3A_455 : vector<16xf32> to vector<1x1x16xf32>
        tpu.vector_store %arg12[%parallel_loop3A_457, %parallel_loop3A_458, %parallel_loop3A_459], %parallel_loop3A_462 {add = true, strides = array<i32>} : memref<4x32x512xf32, #tpu.memory_space<vmem>>, vector<1x1x16xf32>,
        %parallel_loop3A_463 = arith.index_cast %parallel_loop3A_297 : i32 to index
        %parallel_loop3A_464 = arith.constant 240 : index
        %parallel_loop3A_465 = tpu.vector_load %arg15[%parallel_loop3A_463, %parallel_loop3A_464] {strides = array<i32>} : memref<65x512xf32, #tpu.memory_space<vmem>>, vector<1x16xf32>,
        %parallel_loop3A_466 = vector.shape_cast %parallel_loop3A_465 : vector<1x16xf32> to vector<16xf32>
        %parallel_loop3A_467 = arith.constant 2 : i32
        %parallel_loop3A_468 = arith.index_cast %parallel_loop3A_467 : i32 to index
        %parallel_loop3A_469 = arith.index_cast %parallel_loop3A_289 : i32 to index
        %parallel_loop3A_470 = arith.constant 240 : index
        %parallel_loop3A_471 = tpu.vector_load %arg12[%parallel_loop3A_468, %parallel_loop3A_469, %parallel_loop3A_470] {strides = array<i32>} : memref<4x32x512xf32, #tpu.memory_space<vmem>>, vector<1x1x16xf32>,
        %parallel_loop3A_472 = vector.shape_cast %parallel_loop3A_471 : vector<1x1x16xf32> to vector<16xf32>
        %parallel_loop3A_473 = vector.shape_cast %parallel_loop3A_466 : vector<16xf32> to vector<1x1x16xf32>
        tpu.vector_store %arg12[%parallel_loop3A_468, %parallel_loop3A_469, %parallel_loop3A_470], %parallel_loop3A_473 {add = true, strides = array<i32>} : memref<4x32x512xf32, #tpu.memory_space<vmem>>, vector<1x1x16xf32>,
        %parallel_loop3A_474 = arith.index_cast %parallel_loop3A_297 : i32 to index
        %parallel_loop3A_475 = arith.constant 256 : index
        %parallel_loop3A_476 = tpu.vector_load %arg15[%parallel_loop3A_474, %parallel_loop3A_475] {strides = array<i32>} : memref<65x512xf32, #tpu.memory_space<vmem>>, vector<1x16xf32>,
        %parallel_loop3A_477 = vector.shape_cast %parallel_loop3A_476 : vector<1x16xf32> to vector<16xf32>
        %parallel_loop3A_478 = arith.constant 2 : i32
        %parallel_loop3A_479 = arith.index_cast %parallel_loop3A_478 : i32 to index
        %parallel_loop3A_480 = arith.index_cast %parallel_loop3A_289 : i32 to index
        %parallel_loop3A_481 = arith.constant 256 : index
        %parallel_loop3A_482 = tpu.vector_load %arg12[%parallel_loop3A_479, %parallel_loop3A_480, %parallel_loop3A_481] {strides = array<i32>} : memref<4x32x512xf32, #tpu.memory_space<vmem>>, vector<1x1x16xf32>,
        %parallel_loop3A_483 = vector.shape_cast %parallel_loop3A_482 : vector<1x1x16xf32> to vector<16xf32>
        %parallel_loop3A_484 = vector.shape_cast %parallel_loop3A_477 : vector<16xf32> to vector<1x1x16xf32>
        tpu.vector_store %arg12[%parallel_loop3A_479, %parallel_loop3A_480, %parallel_loop3A_481], %parallel_loop3A_484 {add = true, strides = array<i32>} : memref<4x32x512xf32, #tpu.memory_space<vmem>>, vector<1x1x16xf32>,
        %parallel_loop3A_485 = arith.index_cast %parallel_loop3A_297 : i32 to index
        %parallel_loop3A_486 = arith.constant 272 : index
        %parallel_loop3A_487 = tpu.vector_load %arg15[%parallel_loop3A_485, %parallel_loop3A_486] {strides = array<i32>} : memref<65x512xf32, #tpu.memory_space<vmem>>, vector<1x16xf32>,
        %parallel_loop3A_488 = vector.shape_cast %parallel_loop3A_487 : vector<1x16xf32> to vector<16xf32>
        %parallel_loop3A_489 = arith.constant 2 : i32
        %parallel_loop3A_490 = arith.index_cast %parallel_loop3A_489 : i32 to index
        %parallel_loop3A_491 = arith.index_cast %parallel_loop3A_289 : i32 to index
        %parallel_loop3A_492 = arith.constant 272 : index
        %parallel_loop3A_493 = tpu.vector_load %arg12[%parallel_loop3A_490, %parallel_loop3A_491, %parallel_loop3A_492] {strides = array<i32>} : memref<4x32x512xf32, #tpu.memory_space<vmem>>, vector<1x1x16xf32>,
        %parallel_loop3A_494 = vector.shape_cast %parallel_loop3A_493 : vector<1x1x16xf32> to vector<16xf32>
        %parallel_loop3A_495 = vector.shape_cast %parallel_loop3A_488 : vector<16xf32> to vector<1x1x16xf32>
        tpu.vector_store %arg12[%parallel_loop3A_490, %parallel_loop3A_491, %parallel_loop3A_492], %parallel_loop3A_495 {add = true, strides = array<i32>} : memref<4x32x512xf32, #tpu.memory_space<vmem>>, vector<1x1x16xf32>,
        %parallel_loop3A_496 = arith.index_cast %parallel_loop3A_297 : i32 to index
        %parallel_loop3A_497 = arith.constant 288 : index
        %parallel_loop3A_498 = tpu.vector_load %arg15[%parallel_loop3A_496, %parallel_loop3A_497] {strides = array<i32>} : memref<65x512xf32, #tpu.memory_space<vmem>>, vector<1x16xf32>,
        %parallel_loop3A_499 = vector.shape_cast %parallel_loop3A_498 : vector<1x16xf32> to vector<16xf32>
        %parallel_loop3A_500 = arith.constant 2 : i32
        %parallel_loop3A_501 = arith.index_cast %parallel_loop3A_500 : i32 to index
        %parallel_loop3A_502 = arith.index_cast %parallel_loop3A_289 : i32 to index
        %parallel_loop3A_503 = arith.constant 288 : index
        %parallel_loop3A_504 = tpu.vector_load %arg12[%parallel_loop3A_501, %parallel_loop3A_502, %parallel_loop3A_503] {strides = array<i32>} : memref<4x32x512xf32, #tpu.memory_space<vmem>>, vector<1x1x16xf32>,
        %parallel_loop3A_505 = vector.shape_cast %parallel_loop3A_504 : vector<1x1x16xf32> to vector<16xf32>
        %parallel_loop3A_506 = vector.shape_cast %parallel_loop3A_499 : vector<16xf32> to vector<1x1x16xf32>
        tpu.vector_store %arg12[%parallel_loop3A_501, %parallel_loop3A_502, %parallel_loop3A_503], %parallel_loop3A_506 {add = true, strides = array<i32>} : memref<4x32x512xf32, #tpu.memory_space<vmem>>, vector<1x1x16xf32>,
        %parallel_loop3A_507 = arith.index_cast %parallel_loop3A_297 : i32 to index
        %parallel_loop3A_508 = arith.constant 304 : index
        %parallel_loop3A_509 = tpu.vector_load %arg15[%parallel_loop3A_507, %parallel_loop3A_508] {strides = array<i32>} : memref<65x512xf32, #tpu.memory_space<vmem>>, vector<1x16xf32>,
        %parallel_loop3A_510 = vector.shape_cast %parallel_loop3A_509 : vector<1x16xf32> to vector<16xf32>
        %parallel_loop3A_511 = arith.constant 2 : i32
        %parallel_loop3A_512 = arith.index_cast %parallel_loop3A_511 : i32 to index
        %parallel_loop3A_513 = arith.index_cast %parallel_loop3A_289 : i32 to index
        %parallel_loop3A_514 = arith.constant 304 : index
        %parallel_loop3A_515 = tpu.vector_load %arg12[%parallel_loop3A_512, %parallel_loop3A_513, %parallel_loop3A_514] {strides = array<i32>} : memref<4x32x512xf32, #tpu.memory_space<vmem>>, vector<1x1x16xf32>,
        %parallel_loop3A_516 = vector.shape_cast %parallel_loop3A_515 : vector<1x1x16xf32> to vector<16xf32>
        %parallel_loop3A_517 = vector.shape_cast %parallel_loop3A_510 : vector<16xf32> to vector<1x1x16xf32>
        tpu.vector_store %arg12[%parallel_loop3A_512, %parallel_loop3A_513, %parallel_loop3A_514], %parallel_loop3A_517 {add = true, strides = array<i32>} : memref<4x32x512xf32, #tpu.memory_space<vmem>>, vector<1x1x16xf32>,
        %parallel_loop3A_518 = arith.index_cast %parallel_loop3A_297 : i32 to index
        %parallel_loop3A_519 = arith.constant 320 : index
        %parallel_loop3A_520 = tpu.vector_load %arg15[%parallel_loop3A_518, %parallel_loop3A_519] {strides = array<i32>} : memref<65x512xf32, #tpu.memory_space<vmem>>, vector<1x16xf32>,
        %parallel_loop3A_521 = vector.shape_cast %parallel_loop3A_520 : vector<1x16xf32> to vector<16xf32>
        %parallel_loop3A_522 = arith.constant 2 : i32
        %parallel_loop3A_523 = arith.index_cast %parallel_loop3A_522 : i32 to index
        %parallel_loop3A_524 = arith.index_cast %parallel_loop3A_289 : i32 to index
        %parallel_loop3A_525 = arith.constant 320 : index
        %parallel_loop3A_526 = tpu.vector_load %arg12[%parallel_loop3A_523, %parallel_loop3A_524, %parallel_loop3A_525] {strides = array<i32>} : memref<4x32x512xf32, #tpu.memory_space<vmem>>, vector<1x1x16xf32>,
        %parallel_loop3A_527 = vector.shape_cast %parallel_loop3A_526 : vector<1x1x16xf32> to vector<16xf32>
        %parallel_loop3A_528 = vector.shape_cast %parallel_loop3A_521 : vector<16xf32> to vector<1x1x16xf32>
        tpu.vector_store %arg12[%parallel_loop3A_523, %parallel_loop3A_524, %parallel_loop3A_525], %parallel_loop3A_528 {add = true, strides = array<i32>} : memref<4x32x512xf32, #tpu.memory_space<vmem>>, vector<1x1x16xf32>,
        %parallel_loop3A_529 = arith.index_cast %parallel_loop3A_297 : i32 to index
        %parallel_loop3A_530 = arith.constant 336 : index
        %parallel_loop3A_531 = tpu.vector_load %arg15[%parallel_loop3A_529, %parallel_loop3A_530] {strides = array<i32>} : memref<65x512xf32, #tpu.memory_space<vmem>>, vector<1x16xf32>,
        %parallel_loop3A_532 = vector.shape_cast %parallel_loop3A_531 : vector<1x16xf32> to vector<16xf32>
        %parallel_loop3A_533 = arith.constant 2 : i32
        %parallel_loop3A_534 = arith.index_cast %parallel_loop3A_533 : i32 to index
        %parallel_loop3A_535 = arith.index_cast %parallel_loop3A_289 : i32 to index
        %parallel_loop3A_536 = arith.constant 336 : index
        %parallel_loop3A_537 = tpu.vector_load %arg12[%parallel_loop3A_534, %parallel_loop3A_535, %parallel_loop3A_536] {strides = array<i32>} : memref<4x32x512xf32, #tpu.memory_space<vmem>>, vector<1x1x16xf32>,
        %parallel_loop3A_538 = vector.shape_cast %parallel_loop3A_537 : vector<1x1x16xf32> to vector<16xf32>
        %parallel_loop3A_539 = vector.shape_cast %parallel_loop3A_532 : vector<16xf32> to vector<1x1x16xf32>
        tpu.vector_store %arg12[%parallel_loop3A_534, %parallel_loop3A_535, %parallel_loop3A_536], %parallel_loop3A_539 {add = true, strides = array<i32>} : memref<4x32x512xf32, #tpu.memory_space<vmem>>, vector<1x1x16xf32>,
        %parallel_loop3A_540 = arith.index_cast %parallel_loop3A_297 : i32 to index
        %parallel_loop3A_541 = arith.constant 352 : index
        %parallel_loop3A_542 = tpu.vector_load %arg15[%parallel_loop3A_540, %parallel_loop3A_541] {strides = array<i32>} : memref<65x512xf32, #tpu.memory_space<vmem>>, vector<1x16xf32>,
        %parallel_loop3A_543 = vector.shape_cast %parallel_loop3A_542 : vector<1x16xf32> to vector<16xf32>
        %parallel_loop3A_544 = arith.constant 2 : i32
        %parallel_loop3A_545 = arith.index_cast %parallel_loop3A_544 : i32 to index
        %parallel_loop3A_546 = arith.index_cast %parallel_loop3A_289 : i32 to index
        %parallel_loop3A_547 = arith.constant 352 : index
        %parallel_loop3A_548 = tpu.vector_load %arg12[%parallel_loop3A_545, %parallel_loop3A_546, %parallel_loop3A_547] {strides = array<i32>} : memref<4x32x512xf32, #tpu.memory_space<vmem>>, vector<1x1x16xf32>,
        %parallel_loop3A_549 = vector.shape_cast %parallel_loop3A_548 : vector<1x1x16xf32> to vector<16xf32>
        %parallel_loop3A_550 = vector.shape_cast %parallel_loop3A_543 : vector<16xf32> to vector<1x1x16xf32>
        tpu.vector_store %arg12[%parallel_loop3A_545, %parallel_loop3A_546, %parallel_loop3A_547], %parallel_loop3A_550 {add = true, strides = array<i32>} : memref<4x32x512xf32, #tpu.memory_space<vmem>>, vector<1x1x16xf32>,
        %parallel_loop3A_551 = arith.index_cast %parallel_loop3A_297 : i32 to index
        %parallel_loop3A_552 = arith.constant 368 : index
        %parallel_loop3A_553 = tpu.vector_load %arg15[%parallel_loop3A_551, %parallel_loop3A_552] {strides = array<i32>} : memref<65x512xf32, #tpu.memory_space<vmem>>, vector<1x16xf32>,
        %parallel_loop3A_554 = vector.shape_cast %parallel_loop3A_553 : vector<1x16xf32> to vector<16xf32>
        %parallel_loop3A_555 = arith.constant 2 : i32
        %parallel_loop3A_556 = arith.index_cast %parallel_loop3A_555 : i32 to index
        %parallel_loop3A_557 = arith.index_cast %parallel_loop3A_289 : i32 to index
        %parallel_loop3A_558 = arith.constant 368 : index
        %parallel_loop3A_559 = tpu.vector_load %arg12[%parallel_loop3A_556, %parallel_loop3A_557, %parallel_loop3A_558] {strides = array<i32>} : memref<4x32x512xf32, #tpu.memory_space<vmem>>, vector<1x1x16xf32>,
        %parallel_loop3A_560 = vector.shape_cast %parallel_loop3A_559 : vector<1x1x16xf32> to vector<16xf32>
        %parallel_loop3A_561 = vector.shape_cast %parallel_loop3A_554 : vector<16xf32> to vector<1x1x16xf32>
        tpu.vector_store %arg12[%parallel_loop3A_556, %parallel_loop3A_557, %parallel_loop3A_558], %parallel_loop3A_561 {add = true, strides = array<i32>} : memref<4x32x512xf32, #tpu.memory_space<vmem>>, vector<1x1x16xf32>,
        %parallel_loop3A_562 = arith.index_cast %parallel_loop3A_297 : i32 to index
        %parallel_loop3A_563 = arith.constant 384 : index
        %parallel_loop3A_564 = tpu.vector_load %arg15[%parallel_loop3A_562, %parallel_loop3A_563] {strides = array<i32>} : memref<65x512xf32, #tpu.memory_space<vmem>>, vector<1x16xf32>,
        %parallel_loop3A_565 = vector.shape_cast %parallel_loop3A_564 : vector<1x16xf32> to vector<16xf32>
        %parallel_loop3A_566 = arith.constant 2 : i32
        %parallel_loop3A_567 = arith.index_cast %parallel_loop3A_566 : i32 to index
        %parallel_loop3A_568 = arith.index_cast %parallel_loop3A_289 : i32 to index
        %parallel_loop3A_569 = arith.constant 384 : index
        %parallel_loop3A_570 = tpu.vector_load %arg12[%parallel_loop3A_567, %parallel_loop3A_568, %parallel_loop3A_569] {strides = array<i32>} : memref<4x32x512xf32, #tpu.memory_space<vmem>>, vector<1x1x16xf32>,
        %parallel_loop3A_571 = vector.shape_cast %parallel_loop3A_570 : vector<1x1x16xf32> to vector<16xf32>
        %parallel_loop3A_572 = vector.shape_cast %parallel_loop3A_565 : vector<16xf32> to vector<1x1x16xf32>
        tpu.vector_store %arg12[%parallel_loop3A_567, %parallel_loop3A_568, %parallel_loop3A_569], %parallel_loop3A_572 {add = true, strides = array<i32>} : memref<4x32x512xf32, #tpu.memory_space<vmem>>, vector<1x1x16xf32>,
        %parallel_loop3A_573 = arith.index_cast %parallel_loop3A_297 : i32 to index
        %parallel_loop3A_574 = arith.constant 400 : index
        %parallel_loop3A_575 = tpu.vector_load %arg15[%parallel_loop3A_573, %parallel_loop3A_574] {strides = array<i32>} : memref<65x512xf32, #tpu.memory_space<vmem>>, vector<1x16xf32>,
        %parallel_loop3A_576 = vector.shape_cast %parallel_loop3A_575 : vector<1x16xf32> to vector<16xf32>
        %parallel_loop3A_577 = arith.constant 2 : i32
        %parallel_loop3A_578 = arith.index_cast %parallel_loop3A_577 : i32 to index
        %parallel_loop3A_579 = arith.index_cast %parallel_loop3A_289 : i32 to index
        %parallel_loop3A_580 = arith.constant 400 : index
        %parallel_loop3A_581 = tpu.vector_load %arg12[%parallel_loop3A_578, %parallel_loop3A_579, %parallel_loop3A_580] {strides = array<i32>} : memref<4x32x512xf32, #tpu.memory_space<vmem>>, vector<1x1x16xf32>,
        %parallel_loop3A_582 = vector.shape_cast %parallel_loop3A_581 : vector<1x1x16xf32> to vector<16xf32>
        %parallel_loop3A_583 = vector.shape_cast %parallel_loop3A_576 : vector<16xf32> to vector<1x1x16xf32>
        tpu.vector_store %arg12[%parallel_loop3A_578, %parallel_loop3A_579, %parallel_loop3A_580], %parallel_loop3A_583 {add = true, strides = array<i32>} : memref<4x32x512xf32, #tpu.memory_space<vmem>>, vector<1x1x16xf32>,
        %parallel_loop3A_584 = arith.index_cast %parallel_loop3A_297 : i32 to index
        %parallel_loop3A_585 = arith.constant 416 : index
        %parallel_loop3A_586 = tpu.vector_load %arg15[%parallel_loop3A_584, %parallel_loop3A_585] {strides = array<i32>} : memref<65x512xf32, #tpu.memory_space<vmem>>, vector<1x16xf32>,
        %parallel_loop3A_587 = vector.shape_cast %parallel_loop3A_586 : vector<1x16xf32> to vector<16xf32>
        %parallel_loop3A_588 = arith.constant 2 : i32
        %parallel_loop3A_589 = arith.index_cast %parallel_loop3A_588 : i32 to index
        %parallel_loop3A_590 = arith.index_cast %parallel_loop3A_289 : i32 to index
        %parallel_loop3A_591 = arith.constant 416 : index
        %parallel_loop3A_592 = tpu.vector_load %arg12[%parallel_loop3A_589, %parallel_loop3A_590, %parallel_loop3A_591] {strides = array<i32>} : memref<4x32x512xf32, #tpu.memory_space<vmem>>, vector<1x1x16xf32>,
        %parallel_loop3A_593 = vector.shape_cast %parallel_loop3A_592 : vector<1x1x16xf32> to vector<16xf32>
        %parallel_loop3A_594 = vector.shape_cast %parallel_loop3A_587 : vector<16xf32> to vector<1x1x16xf32>
        tpu.vector_store %arg12[%parallel_loop3A_589, %parallel_loop3A_590, %parallel_loop3A_591], %parallel_loop3A_594 {add = true, strides = array<i32>} : memref<4x32x512xf32, #tpu.memory_space<vmem>>, vector<1x1x16xf32>,
        %parallel_loop3A_595 = arith.index_cast %parallel_loop3A_297 : i32 to index
        %parallel_loop3A_596 = arith.constant 432 : index
        %parallel_loop3A_597 = tpu.vector_load %arg15[%parallel_loop3A_595, %parallel_loop3A_596] {strides = array<i32>} : memref<65x512xf32, #tpu.memory_space<vmem>>, vector<1x16xf32>,
        %parallel_loop3A_598 = vector.shape_cast %parallel_loop3A_597 : vector<1x16xf32> to vector<16xf32>
        %parallel_loop3A_599 = arith.constant 2 : i32
        %parallel_loop3A_600 = arith.index_cast %parallel_loop3A_599 : i32 to index
        %parallel_loop3A_601 = arith.index_cast %parallel_loop3A_289 : i32 to index
        %parallel_loop3A_602 = arith.constant 432 : index
        %parallel_loop3A_603 = tpu.vector_load %arg12[%parallel_loop3A_600, %parallel_loop3A_601, %parallel_loop3A_602] {strides = array<i32>} : memref<4x32x512xf32, #tpu.memory_space<vmem>>, vector<1x1x16xf32>,
        %parallel_loop3A_604 = vector.shape_cast %parallel_loop3A_603 : vector<1x1x16xf32> to vector<16xf32>
        %parallel_loop3A_605 = vector.shape_cast %parallel_loop3A_598 : vector<16xf32> to vector<1x1x16xf32>
        tpu.vector_store %arg12[%parallel_loop3A_600, %parallel_loop3A_601, %parallel_loop3A_602], %parallel_loop3A_605 {add = true, strides = array<i32>} : memref<4x32x512xf32, #tpu.memory_space<vmem>>, vector<1x1x16xf32>,
        %parallel_loop3A_606 = arith.index_cast %parallel_loop3A_297 : i32 to index
        %parallel_loop3A_607 = arith.constant 448 : index
        %parallel_loop3A_608 = tpu.vector_load %arg15[%parallel_loop3A_606, %parallel_loop3A_607] {strides = array<i32>} : memref<65x512xf32, #tpu.memory_space<vmem>>, vector<1x16xf32>,
        %parallel_loop3A_609 = vector.shape_cast %parallel_loop3A_608 : vector<1x16xf32> to vector<16xf32>
        %parallel_loop3A_610 = arith.constant 2 : i32
        %parallel_loop3A_611 = arith.index_cast %parallel_loop3A_610 : i32 to index
        %parallel_loop3A_612 = arith.index_cast %parallel_loop3A_289 : i32 to index
        %parallel_loop3A_613 = arith.constant 448 : index
        %parallel_loop3A_614 = tpu.vector_load %arg12[%parallel_loop3A_611, %parallel_loop3A_612, %parallel_loop3A_613] {strides = array<i32>} : memref<4x32x512xf32, #tpu.memory_space<vmem>>, vector<1x1x16xf32>,
        %parallel_loop3A_615 = vector.shape_cast %parallel_loop3A_614 : vector<1x1x16xf32> to vector<16xf32>
        %parallel_loop3A_616 = vector.shape_cast %parallel_loop3A_609 : vector<16xf32> to vector<1x1x16xf32>
        tpu.vector_store %arg12[%parallel_loop3A_611, %parallel_loop3A_612, %parallel_loop3A_613], %parallel_loop3A_616 {add = true, strides = array<i32>} : memref<4x32x512xf32, #tpu.memory_space<vmem>>, vector<1x1x16xf32>,
        %parallel_loop3A_617 = arith.index_cast %parallel_loop3A_297 : i32 to index
        %parallel_loop3A_618 = arith.constant 464 : index
        %parallel_loop3A_619 = tpu.vector_load %arg15[%parallel_loop3A_617, %parallel_loop3A_618] {strides = array<i32>} : memref<65x512xf32, #tpu.memory_space<vmem>>, vector<1x16xf32>,
        %parallel_loop3A_620 = vector.shape_cast %parallel_loop3A_619 : vector<1x16xf32> to vector<16xf32>
        %parallel_loop3A_621 = arith.constant 2 : i32
        %parallel_loop3A_622 = arith.index_cast %parallel_loop3A_621 : i32 to index
        %parallel_loop3A_623 = arith.index_cast %parallel_loop3A_289 : i32 to index
        %parallel_loop3A_624 = arith.constant 464 : index
        %parallel_loop3A_625 = tpu.vector_load %arg12[%parallel_loop3A_622, %parallel_loop3A_623, %parallel_loop3A_624] {strides = array<i32>} : memref<4x32x512xf32, #tpu.memory_space<vmem>>, vector<1x1x16xf32>,
        %parallel_loop3A_626 = vector.shape_cast %parallel_loop3A_625 : vector<1x1x16xf32> to vector<16xf32>
        %parallel_loop3A_627 = vector.shape_cast %parallel_loop3A_620 : vector<16xf32> to vector<1x1x16xf32>
        tpu.vector_store %arg12[%parallel_loop3A_622, %parallel_loop3A_623, %parallel_loop3A_624], %parallel_loop3A_627 {add = true, strides = array<i32>} : memref<4x32x512xf32, #tpu.memory_space<vmem>>, vector<1x1x16xf32>,
        %parallel_loop3A_628 = arith.index_cast %parallel_loop3A_297 : i32 to index
        %parallel_loop3A_629 = arith.constant 480 : index
        %parallel_loop3A_630 = tpu.vector_load %arg15[%parallel_loop3A_628, %parallel_loop3A_629] {strides = array<i32>} : memref<65x512xf32, #tpu.memory_space<vmem>>, vector<1x16xf32>,
        %parallel_loop3A_631 = vector.shape_cast %parallel_loop3A_630 : vector<1x16xf32> to vector<16xf32>
        %parallel_loop3A_632 = arith.constant 2 : i32
        %parallel_loop3A_633 = arith.index_cast %parallel_loop3A_632 : i32 to index
        %parallel_loop3A_634 = arith.index_cast %parallel_loop3A_289 : i32 to index
        %parallel_loop3A_635 = arith.constant 480 : index
        %parallel_loop3A_636 = tpu.vector_load %arg12[%parallel_loop3A_633, %parallel_loop3A_634, %parallel_loop3A_635] {strides = array<i32>} : memref<4x32x512xf32, #tpu.memory_space<vmem>>, vector<1x1x16xf32>,
        %parallel_loop3A_637 = vector.shape_cast %parallel_loop3A_636 : vector<1x1x16xf32> to vector<16xf32>
        %parallel_loop3A_638 = vector.shape_cast %parallel_loop3A_631 : vector<16xf32> to vector<1x1x16xf32>
        tpu.vector_store %arg12[%parallel_loop3A_633, %parallel_loop3A_634, %parallel_loop3A_635], %parallel_loop3A_638 {add = true, strides = array<i32>} : memref<4x32x512xf32, #tpu.memory_space<vmem>>, vector<1x1x16xf32>,
        %parallel_loop3A_639 = arith.index_cast %parallel_loop3A_297 : i32 to index
        %parallel_loop3A_640 = arith.constant 496 : index
        %parallel_loop3A_641 = tpu.vector_load %arg15[%parallel_loop3A_639, %parallel_loop3A_640] {strides = array<i32>} : memref<65x512xf32, #tpu.memory_space<vmem>>, vector<1x16xf32>,
        %parallel_loop3A_642 = vector.shape_cast %parallel_loop3A_641 : vector<1x16xf32> to vector<16xf32>
        %parallel_loop3A_643 = arith.constant 2 : i32
        %parallel_loop3A_644 = arith.index_cast %parallel_loop3A_643 : i32 to index
        %parallel_loop3A_645 = arith.index_cast %parallel_loop3A_289 : i32 to index
        %parallel_loop3A_646 = arith.constant 496 : index
        %parallel_loop3A_647 = tpu.vector_load %arg12[%parallel_loop3A_644, %parallel_loop3A_645, %parallel_loop3A_646] {strides = array<i32>} : memref<4x32x512xf32, #tpu.memory_space<vmem>>, vector<1x1x16xf32>,
        %parallel_loop3A_648 = vector.shape_cast %parallel_loop3A_647 : vector<1x1x16xf32> to vector<16xf32>
        %parallel_loop3A_649 = vector.shape_cast %parallel_loop3A_642 : vector<16xf32> to vector<1x1x16xf32>
        tpu.vector_store %arg12[%parallel_loop3A_644, %parallel_loop3A_645, %parallel_loop3A_646], %parallel_loop3A_649 {add = true, strides = array<i32>} : memref<4x32x512xf32, #tpu.memory_space<vmem>>, vector<1x1x16xf32>,
      } {sc.loop_unroll_factor = 1 : i64, sc.parallel_access}
      %mul3A_228 = arith.constant 32 : i32
      %mul3A_229 = arith.muli %add3A_202, %mul3A_228 : i32
      %add3A_230 = arith.addi %mul3A_2, %mul3A_229 : i32
      %dma_start3A_231 = arith.constant 2 : i32
      %dma_start3A_232 = arith.constant 0 : i32
      %dma_start3A_233 = arith.constant 0 : i32
      %dma_start3A_234 = tpu.memref_slice %arg12[%dma_start3A_231, %dma_start3A_232, %dma_start3A_233] : memref<4x32x512xf32, #tpu.memory_space<vmem>> -> memref<1x32x512xf32, #tpu.memory_space<vmem>>
      %dma_start3A_235 = tpu.memref_squeeze %dma_start3A_234 : memref<1x32x512xf32, #tpu.memory_space<vmem>> -> memref<32x512xf32, #tpu.memory_space<vmem>>
      %dma_start3A_236 = arith.constant 0 : i32
      %dma_start3A_237 = tpu.memref_slice %arg8[%add3A_230, %dma_start3A_236] : memref<131072x512xf32, #tpu.memory_space<hbm>> -> memref<32x512xf32, #tpu.memory_space<hbm>>
      %dma_start3A_238 = arith.constant 0 : i32
      %dma_start3A_239 = tpu.memref_slice %arg8[%add3A_230, %dma_start3A_238] : memref<131072x512xf32, #tpu.memory_space<hbm>> -> memref<32x512xf32, #tpu.memory_space<hbm>>
      %dma_start3A_240 = arith.constant 0 : i32
      %dma_start3A_241 = arith.constant 0 : i32
      %dma_start3A_242 = tpu.memref_slice %arg12[%dma_start3A_231, %dma_start3A_240, %dma_start3A_241] : memref<4x32x512xf32, #tpu.memory_space<vmem>> -> memref<1x32x512xf32, #tpu.memory_space<vmem>>
      %dma_start3A_243 = tpu.memref_squeeze %dma_start3A_242 : memref<1x32x512xf32, #tpu.memory_space<vmem>> -> memref<32x512xf32, #tpu.memory_space<vmem>>
      tpu.enqueue_dma source(%dma_start3A_243 : memref<32x512xf32, #tpu.memory_space<vmem>>) target(%dma_start3A_239 : memref<32x512xf32, #tpu.memory_space<hbm>>) target_semaphore(%arg22 : memref<!tpu.dma_semaphore, #tpu.memory_space<semaphore_mem>>)
      %mul3A_244 = arith.constant 4 : i32
      %mul3A_245 = arith.muli %scan3A_111, %mul3A_244 : i32
      %add3A_246 = arith.constant 3 : i32
      %add3A_247 = arith.addi %mul3A_245, %add3A_246 : i32
      %add3A_248 = arith.constant 2 : i32
      %add3A_249 = arith.addi %add3A_247, %add3A_248 : i32
      %lt3A_250 = arith.constant 128 : i32
      %lt3A_251 = arith.cmpi slt, %add3A_249, %lt3A_250 : i32
      %convert_element_type3A_252 = arith.extui %lt3A_251 : i1 to i32
      %cond3A_253 = arith.constant 0 : i32
      %cond3A_254 = arith.cmpi ne, %convert_element_type3A_252, %cond3A_253 : i32
      scf.if %cond3A_254 {
        %add3A_289 = arith.constant 2 : i32
        %add3A_290 = arith.addi %add3A_247, %add3A_289 : i32
        %ge3A = arith.constant 4 : i32
        %ge3A_291 = arith.cmpi sge, %add3A_290, %ge3A : i32
        %convert_element_type3A_292 = arith.extui %ge3A_291 : i1 to i32
        %cond3A_293 = arith.constant 0 : i32
        %cond3A_294 = arith.cmpi ne, %convert_element_type3A_292, %cond3A_293 : i32
        scf.if %cond3A_294 {
          %dma_wait3A_308 = arith.constant 1 : i32
          %dma_wait3A_309 = arith.constant 0 : i32
          %dma_wait3A_310 = arith.constant 0 : i32
          %dma_wait3A_311 = tpu.memref_slice %arg12[%dma_wait3A_308, %dma_wait3A_309, %dma_wait3A_310] : memref<4x32x512xf32, #tpu.memory_space<vmem>> -> memref<1x32x512xf32, #tpu.memory_space<vmem>>
          %dma_wait3A_312 = tpu.memref_squeeze %dma_wait3A_311 : memref<1x32x512xf32, #tpu.memory_space<vmem>> -> memref<32x512xf32, #tpu.memory_space<vmem>>
          %dma_wait3A_313 = arith.constant 0 : i32
          %dma_wait3A_314 = arith.constant 0 : i32
          %dma_wait3A_315 = tpu.memref_slice %arg8[%dma_wait3A_313, %dma_wait3A_314] : memref<131072x512xf32, #tpu.memory_space<hbm>> -> memref<32x512xf32, #tpu.memory_space<hbm>>
          %dma_wait3A_316 = arith.constant 0 : i32
          %dma_wait3A_317 = arith.constant 0 : i32
          %dma_wait3A_318 = tpu.memref_slice %arg8[%dma_wait3A_316, %dma_wait3A_317] : memref<131072x512xf32, #tpu.memory_space<hbm>> -> memref<32x512xf32, #tpu.memory_space<hbm>>
          %dma_wait3A_319 = arith.constant 0 : i32
          %dma_wait3A_320 = arith.constant 0 : i32
          %dma_wait3A_321 = tpu.memref_slice %arg12[%dma_wait3A_308, %dma_wait3A_319, %dma_wait3A_320] : memref<4x32x512xf32, #tpu.memory_space<vmem>> -> memref<1x32x512xf32, #tpu.memory_space<vmem>>
          %dma_wait3A_322 = tpu.memref_squeeze %dma_wait3A_321 : memref<1x32x512xf32, #tpu.memory_space<vmem>> -> memref<32x512xf32, #tpu.memory_space<vmem>>
          tpu.wait_dma2 semaphore(%arg21 : memref<!tpu.dma_semaphore, #tpu.memory_space<semaphore_mem>>) src(%dma_wait3A_322 : memref<32x512xf32, #tpu.memory_space<vmem>>) dst(%dma_wait3A_318 : memref<32x512xf32, #tpu.memory_space<hbm>>)
        } else {
        }
        %add3A_295 = arith.constant 2 : i32
        %add3A_296 = arith.addi %add3A_247, %add3A_295 : i32
        %mul3A_297 = arith.constant 32 : i32
        %mul3A_298 = arith.muli %add3A_296, %mul3A_297 : i32
        %dma_start3A_299 = arith.constant 1 : i32
        %dma_start3A_300 = arith.constant 0 : i32
        %dma_start3A_301 = arith.constant 0 : i32
        %dma_start3A_302 = tpu.memref_slice %arg12[%dma_start3A_299, %dma_start3A_300, %dma_start3A_301] : memref<4x32x512xf32, #tpu.memory_space<vmem>> -> memref<1x32x512xf32, #tpu.memory_space<vmem>>
        %dma_start3A_303 = tpu.memref_squeeze %dma_start3A_302 : memref<1x32x512xf32, #tpu.memory_space<vmem>> -> memref<32x512xf32, #tpu.memory_space<vmem>>
        %dma_start3A_304 = tpu.memref_slice %arg9[%mul3A_298] : memref<4096xi32, #tpu.memory_space<vmem>> -> memref<32xi32, #tpu.memory_space<vmem>>
        %dma_start3A_305 = arith.constant 0 : i32
        %dma_start3A_306 = arith.constant 0 : i32
        %dma_start3A_307 = tpu.memref_slice %arg5[%dma_start3A_305, %dma_start3A_306] : memref<10000x512xf32, #tpu.memory_space<hbm>> -> memref<10000x512xf32, #tpu.memory_space<hbm>>
        tpu.enqueue_indirect_dma source(%dma_start3A_307 : memref<10000x512xf32, #tpu.memory_space<hbm>>) target(%dma_start3A_303 : memref<32x512xf32, #tpu.memory_space<vmem>>) offsets(%dma_start3A_304 : memref<32xi32, #tpu.memory_space<vmem>>) semaphore(%arg17 : memref<!tpu.dma_semaphore, #tpu.memory_space<semaphore_mem>>)
      } else {
      }
      %dma_wait3A_255 = arith.constant 3 : i32
      %dma_wait3A_256 = arith.constant 0 : i32
      %dma_wait3A_257 = arith.constant 0 : i32
      %dma_wait3A_258 = tpu.memref_slice %arg12[%dma_wait3A_255, %dma_wait3A_256, %dma_wait3A_257] : memref<4x32x512xf32, #tpu.memory_space<vmem>> -> memref<1x32x512xf32, #tpu.memory_space<vmem>>
      %dma_wait3A_259 = tpu.memref_squeeze %dma_wait3A_258 : memref<1x32x512xf32, #tpu.memory_space<vmem>> -> memref<32x512xf32, #tpu.memory_space<vmem>>
      %dma_wait3A_260 = arith.constant 0 : i32
      %dma_wait3A_261 = arith.constant 0 : i32
      %dma_wait3A_262 = tpu.memref_slice %arg5[%dma_wait3A_260, %dma_wait3A_261] : memref<10000x512xf32, #tpu.memory_space<hbm>> -> memref<32x512xf32, #tpu.memory_space<hbm>>
      %dma_wait3A_263 = arith.constant 0 : i32
      %dma_wait3A_264 = arith.constant 0 : i32
      %dma_wait3A_265 = tpu.memref_slice %arg12[%dma_wait3A_255, %dma_wait3A_263, %dma_wait3A_264] : memref<4x32x512xf32, #tpu.memory_space<vmem>> -> memref<1x32x512xf32, #tpu.memory_space<vmem>>
      %dma_wait3A_266 = tpu.memref_squeeze %dma_wait3A_265 : memref<1x32x512xf32, #tpu.memory_space<vmem>> -> memref<32x512xf32, #tpu.memory_space<vmem>>
      %dma_wait3A_267 = arith.constant 0 : i32
      %dma_wait3A_268 = arith.constant 0 : i32
      %dma_wait3A_269 = tpu.memref_slice %arg5[%dma_wait3A_267, %dma_wait3A_268] : memref<10000x512xf32, #tpu.memory_space<hbm>> -> memref<32x512xf32, #tpu.memory_space<hbm>>
      tpu.wait_dma2 semaphore(%arg19 : memref<!tpu.dma_semaphore, #tpu.memory_space<semaphore_mem>>) src(%dma_wait3A_269 : memref<32x512xf32, #tpu.memory_space<hbm>>) dst(%dma_wait3A_266 : memref<32x512xf32, #tpu.memory_space<vmem>>)
      %parallel_loop3A_270 = arith.constant 0 : i32
      %parallel_loop3A_271 = arith.constant 32 : i32
      %parallel_loop3A_272 = arith.constant 1 : i32
      scf.for %parallel_loop3A_289 = %parallel_loop3A_270 to %parallel_loop3A_271 step %parallel_loop3A_272  : i32 {
        %parallel_loop3A_290 = arith.constant 32 : i32
        %parallel_loop3A_291 = arith.muli %add3A_247, %parallel_loop3A_290 : i32
        %parallel_loop3A_292 = arith.addi %parallel_loop3A_291, %parallel_loop3A_289 : i32
        %parallel_loop3A_293 = arith.index_cast %parallel_loop3A_292 : i32 to index
        %parallel_loop3A_294 = tpu.vector_load %arg10[%parallel_loop3A_293] {strides = array<i32>} : memref<4112xi32, #tpu.memory_space<vmem>>, vector<16xi32>,
        %parallel_loop3A_295 = vector.shape_cast %parallel_loop3A_294 : vector<16xi32> to vector<16xi32>
        %parallel_loop3A_296 = vector.extract_strided_slice %parallel_loop3A_295 {offsets = [0], sizes = [1], strides = [1]} : vector<16xi32> to vector<1xi32>
        %parallel_loop3A_297 = vector.extract %parallel_loop3A_296[0] : i32 from vector<1xi32>
        %parallel_loop3A_298 = arith.index_cast %parallel_loop3A_297 : i32 to index
        %parallel_loop3A_299 = arith.constant 0 : index
        %parallel_loop3A_300 = tpu.vector_load %arg15[%parallel_loop3A_298, %parallel_loop3A_299] {strides = array<i32>} : memref<65x512xf32, #tpu.memory_space<vmem>>, vector<1x16xf32>,
        %parallel_loop3A_301 = vector.shape_cast %parallel_loop3A_300 : vector<1x16xf32> to vector<16xf32>
        %parallel_loop3A_302 = arith.constant 3 : i32
        %parallel_loop3A_303 = arith.index_cast %parallel_loop3A_302 : i32 to index
        %parallel_loop3A_304 = arith.index_cast %parallel_loop3A_289 : i32 to index
        %parallel_loop3A_305 = arith.constant 0 : index
        %parallel_loop3A_306 = tpu.vector_load %arg12[%parallel_loop3A_303, %parallel_loop3A_304, %parallel_loop3A_305] {strides = array<i32>} : memref<4x32x512xf32, #tpu.memory_space<vmem>>, vector<1x1x16xf32>,
        %parallel_loop3A_307 = vector.shape_cast %parallel_loop3A_306 : vector<1x1x16xf32> to vector<16xf32>
        %parallel_loop3A_308 = vector.shape_cast %parallel_loop3A_301 : vector<16xf32> to vector<1x1x16xf32>
        tpu.vector_store %arg12[%parallel_loop3A_303, %parallel_loop3A_304, %parallel_loop3A_305], %parallel_loop3A_308 {add = true, strides = array<i32>} : memref<4x32x512xf32, #tpu.memory_space<vmem>>, vector<1x1x16xf32>,
        %parallel_loop3A_309 = arith.index_cast %parallel_loop3A_297 : i32 to index
        %parallel_loop3A_310 = arith.constant 16 : index
        %parallel_loop3A_311 = tpu.vector_load %arg15[%parallel_loop3A_309, %parallel_loop3A_310] {strides = array<i32>} : memref<65x512xf32, #tpu.memory_space<vmem>>, vector<1x16xf32>,
        %parallel_loop3A_312 = vector.shape_cast %parallel_loop3A_311 : vector<1x16xf32> to vector<16xf32>
        %parallel_loop3A_313 = arith.constant 3 : i32
        %parallel_loop3A_314 = arith.index_cast %parallel_loop3A_313 : i32 to index
        %parallel_loop3A_315 = arith.index_cast %parallel_loop3A_289 : i32 to index
        %parallel_loop3A_316 = arith.constant 16 : index
        %parallel_loop3A_317 = tpu.vector_load %arg12[%parallel_loop3A_314, %parallel_loop3A_315, %parallel_loop3A_316] {strides = array<i32>} : memref<4x32x512xf32, #tpu.memory_space<vmem>>, vector<1x1x16xf32>,
        %parallel_loop3A_318 = vector.shape_cast %parallel_loop3A_317 : vector<1x1x16xf32> to vector<16xf32>
        %parallel_loop3A_319 = vector.shape_cast %parallel_loop3A_312 : vector<16xf32> to vector<1x1x16xf32>
        tpu.vector_store %arg12[%parallel_loop3A_314, %parallel_loop3A_315, %parallel_loop3A_316], %parallel_loop3A_319 {add = true, strides = array<i32>} : memref<4x32x512xf32, #tpu.memory_space<vmem>>, vector<1x1x16xf32>,
        %parallel_loop3A_320 = arith.index_cast %parallel_loop3A_297 : i32 to index
        %parallel_loop3A_321 = arith.constant 32 : index
        %parallel_loop3A_322 = tpu.vector_load %arg15[%parallel_loop3A_320, %parallel_loop3A_321] {strides = array<i32>} : memref<65x512xf32, #tpu.memory_space<vmem>>, vector<1x16xf32>,
        %parallel_loop3A_323 = vector.shape_cast %parallel_loop3A_322 : vector<1x16xf32> to vector<16xf32>
        %parallel_loop3A_324 = arith.constant 3 : i32
        %parallel_loop3A_325 = arith.index_cast %parallel_loop3A_324 : i32 to index
        %parallel_loop3A_326 = arith.index_cast %parallel_loop3A_289 : i32 to index
        %parallel_loop3A_327 = arith.constant 32 : index
        %parallel_loop3A_328 = tpu.vector_load %arg12[%parallel_loop3A_325, %parallel_loop3A_326, %parallel_loop3A_327] {strides = array<i32>} : memref<4x32x512xf32, #tpu.memory_space<vmem>>, vector<1x1x16xf32>,
        %parallel_loop3A_329 = vector.shape_cast %parallel_loop3A_328 : vector<1x1x16xf32> to vector<16xf32>
        %parallel_loop3A_330 = vector.shape_cast %parallel_loop3A_323 : vector<16xf32> to vector<1x1x16xf32>
        tpu.vector_store %arg12[%parallel_loop3A_325, %parallel_loop3A_326, %parallel_loop3A_327], %parallel_loop3A_330 {add = true, strides = array<i32>} : memref<4x32x512xf32, #tpu.memory_space<vmem>>, vector<1x1x16xf32>,
        %parallel_loop3A_331 = arith.index_cast %parallel_loop3A_297 : i32 to index
        %parallel_loop3A_332 = arith.constant 48 : index
        %parallel_loop3A_333 = tpu.vector_load %arg15[%parallel_loop3A_331, %parallel_loop3A_332] {strides = array<i32>} : memref<65x512xf32, #tpu.memory_space<vmem>>, vector<1x16xf32>,
        %parallel_loop3A_334 = vector.shape_cast %parallel_loop3A_333 : vector<1x16xf32> to vector<16xf32>
        %parallel_loop3A_335 = arith.constant 3 : i32
        %parallel_loop3A_336 = arith.index_cast %parallel_loop3A_335 : i32 to index
        %parallel_loop3A_337 = arith.index_cast %parallel_loop3A_289 : i32 to index
        %parallel_loop3A_338 = arith.constant 48 : index
        %parallel_loop3A_339 = tpu.vector_load %arg12[%parallel_loop3A_336, %parallel_loop3A_337, %parallel_loop3A_338] {strides = array<i32>} : memref<4x32x512xf32, #tpu.memory_space<vmem>>, vector<1x1x16xf32>,
        %parallel_loop3A_340 = vector.shape_cast %parallel_loop3A_339 : vector<1x1x16xf32> to vector<16xf32>
        %parallel_loop3A_341 = vector.shape_cast %parallel_loop3A_334 : vector<16xf32> to vector<1x1x16xf32>
        tpu.vector_store %arg12[%parallel_loop3A_336, %parallel_loop3A_337, %parallel_loop3A_338], %parallel_loop3A_341 {add = true, strides = array<i32>} : memref<4x32x512xf32, #tpu.memory_space<vmem>>, vector<1x1x16xf32>,
        %parallel_loop3A_342 = arith.index_cast %parallel_loop3A_297 : i32 to index
        %parallel_loop3A_343 = arith.constant 64 : index
        %parallel_loop3A_344 = tpu.vector_load %arg15[%parallel_loop3A_342, %parallel_loop3A_343] {strides = array<i32>} : memref<65x512xf32, #tpu.memory_space<vmem>>, vector<1x16xf32>,
        %parallel_loop3A_345 = vector.shape_cast %parallel_loop3A_344 : vector<1x16xf32> to vector<16xf32>
        %parallel_loop3A_346 = arith.constant 3 : i32
        %parallel_loop3A_347 = arith.index_cast %parallel_loop3A_346 : i32 to index
        %parallel_loop3A_348 = arith.index_cast %parallel_loop3A_289 : i32 to index
        %parallel_loop3A_349 = arith.constant 64 : index
        %parallel_loop3A_350 = tpu.vector_load %arg12[%parallel_loop3A_347, %parallel_loop3A_348, %parallel_loop3A_349] {strides = array<i32>} : memref<4x32x512xf32, #tpu.memory_space<vmem>>, vector<1x1x16xf32>,
        %parallel_loop3A_351 = vector.shape_cast %parallel_loop3A_350 : vector<1x1x16xf32> to vector<16xf32>
        %parallel_loop3A_352 = vector.shape_cast %parallel_loop3A_345 : vector<16xf32> to vector<1x1x16xf32>
        tpu.vector_store %arg12[%parallel_loop3A_347, %parallel_loop3A_348, %parallel_loop3A_349], %parallel_loop3A_352 {add = true, strides = array<i32>} : memref<4x32x512xf32, #tpu.memory_space<vmem>>, vector<1x1x16xf32>,
        %parallel_loop3A_353 = arith.index_cast %parallel_loop3A_297 : i32 to index
        %parallel_loop3A_354 = arith.constant 80 : index
        %parallel_loop3A_355 = tpu.vector_load %arg15[%parallel_loop3A_353, %parallel_loop3A_354] {strides = array<i32>} : memref<65x512xf32, #tpu.memory_space<vmem>>, vector<1x16xf32>,
        %parallel_loop3A_356 = vector.shape_cast %parallel_loop3A_355 : vector<1x16xf32> to vector<16xf32>
        %parallel_loop3A_357 = arith.constant 3 : i32
        %parallel_loop3A_358 = arith.index_cast %parallel_loop3A_357 : i32 to index
        %parallel_loop3A_359 = arith.index_cast %parallel_loop3A_289 : i32 to index
        %parallel_loop3A_360 = arith.constant 80 : index
        %parallel_loop3A_361 = tpu.vector_load %arg12[%parallel_loop3A_358, %parallel_loop3A_359, %parallel_loop3A_360] {strides = array<i32>} : memref<4x32x512xf32, #tpu.memory_space<vmem>>, vector<1x1x16xf32>,
        %parallel_loop3A_362 = vector.shape_cast %parallel_loop3A_361 : vector<1x1x16xf32> to vector<16xf32>
        %parallel_loop3A_363 = vector.shape_cast %parallel_loop3A_356 : vector<16xf32> to vector<1x1x16xf32>
        tpu.vector_store %arg12[%parallel_loop3A_358, %parallel_loop3A_359, %parallel_loop3A_360], %parallel_loop3A_363 {add = true, strides = array<i32>} : memref<4x32x512xf32, #tpu.memory_space<vmem>>, vector<1x1x16xf32>,
        %parallel_loop3A_364 = arith.index_cast %parallel_loop3A_297 : i32 to index
        %parallel_loop3A_365 = arith.constant 96 : index
        %parallel_loop3A_366 = tpu.vector_load %arg15[%parallel_loop3A_364, %parallel_loop3A_365] {strides = array<i32>} : memref<65x512xf32, #tpu.memory_space<vmem>>, vector<1x16xf32>,
        %parallel_loop3A_367 = vector.shape_cast %parallel_loop3A_366 : vector<1x16xf32> to vector<16xf32>
        %parallel_loop3A_368 = arith.constant 3 : i32
        %parallel_loop3A_369 = arith.index_cast %parallel_loop3A_368 : i32 to index
        %parallel_loop3A_370 = arith.index_cast %parallel_loop3A_289 : i32 to index
        %parallel_loop3A_371 = arith.constant 96 : index
        %parallel_loop3A_372 = tpu.vector_load %arg12[%parallel_loop3A_369, %parallel_loop3A_370, %parallel_loop3A_371] {strides = array<i32>} : memref<4x32x512xf32, #tpu.memory_space<vmem>>, vector<1x1x16xf32>,
        %parallel_loop3A_373 = vector.shape_cast %parallel_loop3A_372 : vector<1x1x16xf32> to vector<16xf32>
        %parallel_loop3A_374 = vector.shape_cast %parallel_loop3A_367 : vector<16xf32> to vector<1x1x16xf32>
        tpu.vector_store %arg12[%parallel_loop3A_369, %parallel_loop3A_370, %parallel_loop3A_371], %parallel_loop3A_374 {add = true, strides = array<i32>} : memref<4x32x512xf32, #tpu.memory_space<vmem>>, vector<1x1x16xf32>,
        %parallel_loop3A_375 = arith.index_cast %parallel_loop3A_297 : i32 to index
        %parallel_loop3A_376 = arith.constant 112 : index
        %parallel_loop3A_377 = tpu.vector_load %arg15[%parallel_loop3A_375, %parallel_loop3A_376] {strides = array<i32>} : memref<65x512xf32, #tpu.memory_space<vmem>>, vector<1x16xf32>,
        %parallel_loop3A_378 = vector.shape_cast %parallel_loop3A_377 : vector<1x16xf32> to vector<16xf32>
        %parallel_loop3A_379 = arith.constant 3 : i32
        %parallel_loop3A_380 = arith.index_cast %parallel_loop3A_379 : i32 to index
        %parallel_loop3A_381 = arith.index_cast %parallel_loop3A_289 : i32 to index
        %parallel_loop3A_382 = arith.constant 112 : index
        %parallel_loop3A_383 = tpu.vector_load %arg12[%parallel_loop3A_380, %parallel_loop3A_381, %parallel_loop3A_382] {strides = array<i32>} : memref<4x32x512xf32, #tpu.memory_space<vmem>>, vector<1x1x16xf32>,
        %parallel_loop3A_384 = vector.shape_cast %parallel_loop3A_383 : vector<1x1x16xf32> to vector<16xf32>
        %parallel_loop3A_385 = vector.shape_cast %parallel_loop3A_378 : vector<16xf32> to vector<1x1x16xf32>
        tpu.vector_store %arg12[%parallel_loop3A_380, %parallel_loop3A_381, %parallel_loop3A_382], %parallel_loop3A_385 {add = true, strides = array<i32>} : memref<4x32x512xf32, #tpu.memory_space<vmem>>, vector<1x1x16xf32>,
        %parallel_loop3A_386 = arith.index_cast %parallel_loop3A_297 : i32 to index
        %parallel_loop3A_387 = arith.constant 128 : index
        %parallel_loop3A_388 = tpu.vector_load %arg15[%parallel_loop3A_386, %parallel_loop3A_387] {strides = array<i32>} : memref<65x512xf32, #tpu.memory_space<vmem>>, vector<1x16xf32>,
        %parallel_loop3A_389 = vector.shape_cast %parallel_loop3A_388 : vector<1x16xf32> to vector<16xf32>
        %parallel_loop3A_390 = arith.constant 3 : i32
        %parallel_loop3A_391 = arith.index_cast %parallel_loop3A_390 : i32 to index
        %parallel_loop3A_392 = arith.index_cast %parallel_loop3A_289 : i32 to index
        %parallel_loop3A_393 = arith.constant 128 : index
        %parallel_loop3A_394 = tpu.vector_load %arg12[%parallel_loop3A_391, %parallel_loop3A_392, %parallel_loop3A_393] {strides = array<i32>} : memref<4x32x512xf32, #tpu.memory_space<vmem>>, vector<1x1x16xf32>,
        %parallel_loop3A_395 = vector.shape_cast %parallel_loop3A_394 : vector<1x1x16xf32> to vector<16xf32>
        %parallel_loop3A_396 = vector.shape_cast %parallel_loop3A_389 : vector<16xf32> to vector<1x1x16xf32>
        tpu.vector_store %arg12[%parallel_loop3A_391, %parallel_loop3A_392, %parallel_loop3A_393], %parallel_loop3A_396 {add = true, strides = array<i32>} : memref<4x32x512xf32, #tpu.memory_space<vmem>>, vector<1x1x16xf32>,
        %parallel_loop3A_397 = arith.index_cast %parallel_loop3A_297 : i32 to index
        %parallel_loop3A_398 = arith.constant 144 : index
        %parallel_loop3A_399 = tpu.vector_load %arg15[%parallel_loop3A_397, %parallel_loop3A_398] {strides = array<i32>} : memref<65x512xf32, #tpu.memory_space<vmem>>, vector<1x16xf32>,
        %parallel_loop3A_400 = vector.shape_cast %parallel_loop3A_399 : vector<1x16xf32> to vector<16xf32>
        %parallel_loop3A_401 = arith.constant 3 : i32
        %parallel_loop3A_402 = arith.index_cast %parallel_loop3A_401 : i32 to index
        %parallel_loop3A_403 = arith.index_cast %parallel_loop3A_289 : i32 to index
        %parallel_loop3A_404 = arith.constant 144 : index
        %parallel_loop3A_405 = tpu.vector_load %arg12[%parallel_loop3A_402, %parallel_loop3A_403, %parallel_loop3A_404] {strides = array<i32>} : memref<4x32x512xf32, #tpu.memory_space<vmem>>, vector<1x1x16xf32>,
        %parallel_loop3A_406 = vector.shape_cast %parallel_loop3A_405 : vector<1x1x16xf32> to vector<16xf32>
        %parallel_loop3A_407 = vector.shape_cast %parallel_loop3A_400 : vector<16xf32> to vector<1x1x16xf32>
        tpu.vector_store %arg12[%parallel_loop3A_402, %parallel_loop3A_403, %parallel_loop3A_404], %parallel_loop3A_407 {add = true, strides = array<i32>} : memref<4x32x512xf32, #tpu.memory_space<vmem>>, vector<1x1x16xf32>,
        %parallel_loop3A_408 = arith.index_cast %parallel_loop3A_297 : i32 to index
        %parallel_loop3A_409 = arith.constant 160 : index
        %parallel_loop3A_410 = tpu.vector_load %arg15[%parallel_loop3A_408, %parallel_loop3A_409] {strides = array<i32>} : memref<65x512xf32, #tpu.memory_space<vmem>>, vector<1x16xf32>,
        %parallel_loop3A_411 = vector.shape_cast %parallel_loop3A_410 : vector<1x16xf32> to vector<16xf32>
        %parallel_loop3A_412 = arith.constant 3 : i32
        %parallel_loop3A_413 = arith.index_cast %parallel_loop3A_412 : i32 to index
        %parallel_loop3A_414 = arith.index_cast %parallel_loop3A_289 : i32 to index
        %parallel_loop3A_415 = arith.constant 160 : index
        %parallel_loop3A_416 = tpu.vector_load %arg12[%parallel_loop3A_413, %parallel_loop3A_414, %parallel_loop3A_415] {strides = array<i32>} : memref<4x32x512xf32, #tpu.memory_space<vmem>>, vector<1x1x16xf32>,
        %parallel_loop3A_417 = vector.shape_cast %parallel_loop3A_416 : vector<1x1x16xf32> to vector<16xf32>
        %parallel_loop3A_418 = vector.shape_cast %parallel_loop3A_411 : vector<16xf32> to vector<1x1x16xf32>
        tpu.vector_store %arg12[%parallel_loop3A_413, %parallel_loop3A_414, %parallel_loop3A_415], %parallel_loop3A_418 {add = true, strides = array<i32>} : memref<4x32x512xf32, #tpu.memory_space<vmem>>, vector<1x1x16xf32>,
        %parallel_loop3A_419 = arith.index_cast %parallel_loop3A_297 : i32 to index
        %parallel_loop3A_420 = arith.constant 176 : index
        %parallel_loop3A_421 = tpu.vector_load %arg15[%parallel_loop3A_419, %parallel_loop3A_420] {strides = array<i32>} : memref<65x512xf32, #tpu.memory_space<vmem>>, vector<1x16xf32>,
        %parallel_loop3A_422 = vector.shape_cast %parallel_loop3A_421 : vector<1x16xf32> to vector<16xf32>
        %parallel_loop3A_423 = arith.constant 3 : i32
        %parallel_loop3A_424 = arith.index_cast %parallel_loop3A_423 : i32 to index
        %parallel_loop3A_425 = arith.index_cast %parallel_loop3A_289 : i32 to index
        %parallel_loop3A_426 = arith.constant 176 : index
        %parallel_loop3A_427 = tpu.vector_load %arg12[%parallel_loop3A_424, %parallel_loop3A_425, %parallel_loop3A_426] {strides = array<i32>} : memref<4x32x512xf32, #tpu.memory_space<vmem>>, vector<1x1x16xf32>,
        %parallel_loop3A_428 = vector.shape_cast %parallel_loop3A_427 : vector<1x1x16xf32> to vector<16xf32>
        %parallel_loop3A_429 = vector.shape_cast %parallel_loop3A_422 : vector<16xf32> to vector<1x1x16xf32>
        tpu.vector_store %arg12[%parallel_loop3A_424, %parallel_loop3A_425, %parallel_loop3A_426], %parallel_loop3A_429 {add = true, strides = array<i32>} : memref<4x32x512xf32, #tpu.memory_space<vmem>>, vector<1x1x16xf32>,
        %parallel_loop3A_430 = arith.index_cast %parallel_loop3A_297 : i32 to index
        %parallel_loop3A_431 = arith.constant 192 : index
        %parallel_loop3A_432 = tpu.vector_load %arg15[%parallel_loop3A_430, %parallel_loop3A_431] {strides = array<i32>} : memref<65x512xf32, #tpu.memory_space<vmem>>, vector<1x16xf32>,
        %parallel_loop3A_433 = vector.shape_cast %parallel_loop3A_432 : vector<1x16xf32> to vector<16xf32>
        %parallel_loop3A_434 = arith.constant 3 : i32
        %parallel_loop3A_435 = arith.index_cast %parallel_loop3A_434 : i32 to index
        %parallel_loop3A_436 = arith.index_cast %parallel_loop3A_289 : i32 to index
        %parallel_loop3A_437 = arith.constant 192 : index
        %parallel_loop3A_438 = tpu.vector_load %arg12[%parallel_loop3A_435, %parallel_loop3A_436, %parallel_loop3A_437] {strides = array<i32>} : memref<4x32x512xf32, #tpu.memory_space<vmem>>, vector<1x1x16xf32>,
        %parallel_loop3A_439 = vector.shape_cast %parallel_loop3A_438 : vector<1x1x16xf32> to vector<16xf32>
        %parallel_loop3A_440 = vector.shape_cast %parallel_loop3A_433 : vector<16xf32> to vector<1x1x16xf32>
        tpu.vector_store %arg12[%parallel_loop3A_435, %parallel_loop3A_436, %parallel_loop3A_437], %parallel_loop3A_440 {add = true, strides = array<i32>} : memref<4x32x512xf32, #tpu.memory_space<vmem>>, vector<1x1x16xf32>,
        %parallel_loop3A_441 = arith.index_cast %parallel_loop3A_297 : i32 to index
        %parallel_loop3A_442 = arith.constant 208 : index
        %parallel_loop3A_443 = tpu.vector_load %arg15[%parallel_loop3A_441, %parallel_loop3A_442] {strides = array<i32>} : memref<65x512xf32, #tpu.memory_space<vmem>>, vector<1x16xf32>,
        %parallel_loop3A_444 = vector.shape_cast %parallel_loop3A_443 : vector<1x16xf32> to vector<16xf32>
        %parallel_loop3A_445 = arith.constant 3 : i32
        %parallel_loop3A_446 = arith.index_cast %parallel_loop3A_445 : i32 to index
        %parallel_loop3A_447 = arith.index_cast %parallel_loop3A_289 : i32 to index
        %parallel_loop3A_448 = arith.constant 208 : index
        %parallel_loop3A_449 = tpu.vector_load %arg12[%parallel_loop3A_446, %parallel_loop3A_447, %parallel_loop3A_448] {strides = array<i32>} : memref<4x32x512xf32, #tpu.memory_space<vmem>>, vector<1x1x16xf32>,
        %parallel_loop3A_450 = vector.shape_cast %parallel_loop3A_449 : vector<1x1x16xf32> to vector<16xf32>
        %parallel_loop3A_451 = vector.shape_cast %parallel_loop3A_444 : vector<16xf32> to vector<1x1x16xf32>
        tpu.vector_store %arg12[%parallel_loop3A_446, %parallel_loop3A_447, %parallel_loop3A_448], %parallel_loop3A_451 {add = true, strides = array<i32>} : memref<4x32x512xf32, #tpu.memory_space<vmem>>, vector<1x1x16xf32>,
        %parallel_loop3A_452 = arith.index_cast %parallel_loop3A_297 : i32 to index
        %parallel_loop3A_453 = arith.constant 224 : index
        %parallel_loop3A_454 = tpu.vector_load %arg15[%parallel_loop3A_452, %parallel_loop3A_453] {strides = array<i32>} : memref<65x512xf32, #tpu.memory_space<vmem>>, vector<1x16xf32>,
        %parallel_loop3A_455 = vector.shape_cast %parallel_loop3A_454 : vector<1x16xf32> to vector<16xf32>
        %parallel_loop3A_456 = arith.constant 3 : i32
        %parallel_loop3A_457 = arith.index_cast %parallel_loop3A_456 : i32 to index
        %parallel_loop3A_458 = arith.index_cast %parallel_loop3A_289 : i32 to index
        %parallel_loop3A_459 = arith.constant 224 : index
        %parallel_loop3A_460 = tpu.vector_load %arg12[%parallel_loop3A_457, %parallel_loop3A_458, %parallel_loop3A_459] {strides = array<i32>} : memref<4x32x512xf32, #tpu.memory_space<vmem>>, vector<1x1x16xf32>,
        %parallel_loop3A_461 = vector.shape_cast %parallel_loop3A_460 : vector<1x1x16xf32> to vector<16xf32>
        %parallel_loop3A_462 = vector.shape_cast %parallel_loop3A_455 : vector<16xf32> to vector<1x1x16xf32>
        tpu.vector_store %arg12[%parallel_loop3A_457, %parallel_loop3A_458, %parallel_loop3A_459], %parallel_loop3A_462 {add = true, strides = array<i32>} : memref<4x32x512xf32, #tpu.memory_space<vmem>>, vector<1x1x16xf32>,
        %parallel_loop3A_463 = arith.index_cast %parallel_loop3A_297 : i32 to index
        %parallel_loop3A_464 = arith.constant 240 : index
        %parallel_loop3A_465 = tpu.vector_load %arg15[%parallel_loop3A_463, %parallel_loop3A_464] {strides = array<i32>} : memref<65x512xf32, #tpu.memory_space<vmem>>, vector<1x16xf32>,
        %parallel_loop3A_466 = vector.shape_cast %parallel_loop3A_465 : vector<1x16xf32> to vector<16xf32>
        %parallel_loop3A_467 = arith.constant 3 : i32
        %parallel_loop3A_468 = arith.index_cast %parallel_loop3A_467 : i32 to index
        %parallel_loop3A_469 = arith.index_cast %parallel_loop3A_289 : i32 to index
        %parallel_loop3A_470 = arith.constant 240 : index
        %parallel_loop3A_471 = tpu.vector_load %arg12[%parallel_loop3A_468, %parallel_loop3A_469, %parallel_loop3A_470] {strides = array<i32>} : memref<4x32x512xf32, #tpu.memory_space<vmem>>, vector<1x1x16xf32>,
        %parallel_loop3A_472 = vector.shape_cast %parallel_loop3A_471 : vector<1x1x16xf32> to vector<16xf32>
        %parallel_loop3A_473 = vector.shape_cast %parallel_loop3A_466 : vector<16xf32> to vector<1x1x16xf32>
        tpu.vector_store %arg12[%parallel_loop3A_468, %parallel_loop3A_469, %parallel_loop3A_470], %parallel_loop3A_473 {add = true, strides = array<i32>} : memref<4x32x512xf32, #tpu.memory_space<vmem>>, vector<1x1x16xf32>,
        %parallel_loop3A_474 = arith.index_cast %parallel_loop3A_297 : i32 to index
        %parallel_loop3A_475 = arith.constant 256 : index
        %parallel_loop3A_476 = tpu.vector_load %arg15[%parallel_loop3A_474, %parallel_loop3A_475] {strides = array<i32>} : memref<65x512xf32, #tpu.memory_space<vmem>>, vector<1x16xf32>,
        %parallel_loop3A_477 = vector.shape_cast %parallel_loop3A_476 : vector<1x16xf32> to vector<16xf32>
        %parallel_loop3A_478 = arith.constant 3 : i32
        %parallel_loop3A_479 = arith.index_cast %parallel_loop3A_478 : i32 to index
        %parallel_loop3A_480 = arith.index_cast %parallel_loop3A_289 : i32 to index
        %parallel_loop3A_481 = arith.constant 256 : index
        %parallel_loop3A_482 = tpu.vector_load %arg12[%parallel_loop3A_479, %parallel_loop3A_480, %parallel_loop3A_481] {strides = array<i32>} : memref<4x32x512xf32, #tpu.memory_space<vmem>>, vector<1x1x16xf32>,
        %parallel_loop3A_483 = vector.shape_cast %parallel_loop3A_482 : vector<1x1x16xf32> to vector<16xf32>
        %parallel_loop3A_484 = vector.shape_cast %parallel_loop3A_477 : vector<16xf32> to vector<1x1x16xf32>
        tpu.vector_store %arg12[%parallel_loop3A_479, %parallel_loop3A_480, %parallel_loop3A_481], %parallel_loop3A_484 {add = true, strides = array<i32>} : memref<4x32x512xf32, #tpu.memory_space<vmem>>, vector<1x1x16xf32>,
        %parallel_loop3A_485 = arith.index_cast %parallel_loop3A_297 : i32 to index
        %parallel_loop3A_486 = arith.constant 272 : index
        %parallel_loop3A_487 = tpu.vector_load %arg15[%parallel_loop3A_485, %parallel_loop3A_486] {strides = array<i32>} : memref<65x512xf32, #tpu.memory_space<vmem>>, vector<1x16xf32>,
        %parallel_loop3A_488 = vector.shape_cast %parallel_loop3A_487 : vector<1x16xf32> to vector<16xf32>
        %parallel_loop3A_489 = arith.constant 3 : i32
        %parallel_loop3A_490 = arith.index_cast %parallel_loop3A_489 : i32 to index
        %parallel_loop3A_491 = arith.index_cast %parallel_loop3A_289 : i32 to index
        %parallel_loop3A_492 = arith.constant 272 : index
        %parallel_loop3A_493 = tpu.vector_load %arg12[%parallel_loop3A_490, %parallel_loop3A_491, %parallel_loop3A_492] {strides = array<i32>} : memref<4x32x512xf32, #tpu.memory_space<vmem>>, vector<1x1x16xf32>,
        %parallel_loop3A_494 = vector.shape_cast %parallel_loop3A_493 : vector<1x1x16xf32> to vector<16xf32>
        %parallel_loop3A_495 = vector.shape_cast %parallel_loop3A_488 : vector<16xf32> to vector<1x1x16xf32>
        tpu.vector_store %arg12[%parallel_loop3A_490, %parallel_loop3A_491, %parallel_loop3A_492], %parallel_loop3A_495 {add = true, strides = array<i32>} : memref<4x32x512xf32, #tpu.memory_space<vmem>>, vector<1x1x16xf32>,
        %parallel_loop3A_496 = arith.index_cast %parallel_loop3A_297 : i32 to index
        %parallel_loop3A_497 = arith.constant 288 : index
        %parallel_loop3A_498 = tpu.vector_load %arg15[%parallel_loop3A_496, %parallel_loop3A_497] {strides = array<i32>} : memref<65x512xf32, #tpu.memory_space<vmem>>, vector<1x16xf32>,
        %parallel_loop3A_499 = vector.shape_cast %parallel_loop3A_498 : vector<1x16xf32> to vector<16xf32>
        %parallel_loop3A_500 = arith.constant 3 : i32
        %parallel_loop3A_501 = arith.index_cast %parallel_loop3A_500 : i32 to index
        %parallel_loop3A_502 = arith.index_cast %parallel_loop3A_289 : i32 to index
        %parallel_loop3A_503 = arith.constant 288 : index
        %parallel_loop3A_504 = tpu.vector_load %arg12[%parallel_loop3A_501, %parallel_loop3A_502, %parallel_loop3A_503] {strides = array<i32>} : memref<4x32x512xf32, #tpu.memory_space<vmem>>, vector<1x1x16xf32>,
        %parallel_loop3A_505 = vector.shape_cast %parallel_loop3A_504 : vector<1x1x16xf32> to vector<16xf32>
        %parallel_loop3A_506 = vector.shape_cast %parallel_loop3A_499 : vector<16xf32> to vector<1x1x16xf32>
        tpu.vector_store %arg12[%parallel_loop3A_501, %parallel_loop3A_502, %parallel_loop3A_503], %parallel_loop3A_506 {add = true, strides = array<i32>} : memref<4x32x512xf32, #tpu.memory_space<vmem>>, vector<1x1x16xf32>,
        %parallel_loop3A_507 = arith.index_cast %parallel_loop3A_297 : i32 to index
        %parallel_loop3A_508 = arith.constant 304 : index
        %parallel_loop3A_509 = tpu.vector_load %arg15[%parallel_loop3A_507, %parallel_loop3A_508] {strides = array<i32>} : memref<65x512xf32, #tpu.memory_space<vmem>>, vector<1x16xf32>,
        %parallel_loop3A_510 = vector.shape_cast %parallel_loop3A_509 : vector<1x16xf32> to vector<16xf32>
        %parallel_loop3A_511 = arith.constant 3 : i32
        %parallel_loop3A_512 = arith.index_cast %parallel_loop3A_511 : i32 to index
        %parallel_loop3A_513 = arith.index_cast %parallel_loop3A_289 : i32 to index
        %parallel_loop3A_514 = arith.constant 304 : index
        %parallel_loop3A_515 = tpu.vector_load %arg12[%parallel_loop3A_512, %parallel_loop3A_513, %parallel_loop3A_514] {strides = array<i32>} : memref<4x32x512xf32, #tpu.memory_space<vmem>>, vector<1x1x16xf32>,
        %parallel_loop3A_516 = vector.shape_cast %parallel_loop3A_515 : vector<1x1x16xf32> to vector<16xf32>
        %parallel_loop3A_517 = vector.shape_cast %parallel_loop3A_510 : vector<16xf32> to vector<1x1x16xf32>
        tpu.vector_store %arg12[%parallel_loop3A_512, %parallel_loop3A_513, %parallel_loop3A_514], %parallel_loop3A_517 {add = true, strides = array<i32>} : memref<4x32x512xf32, #tpu.memory_space<vmem>>, vector<1x1x16xf32>,
        %parallel_loop3A_518 = arith.index_cast %parallel_loop3A_297 : i32 to index
        %parallel_loop3A_519 = arith.constant 320 : index
        %parallel_loop3A_520 = tpu.vector_load %arg15[%parallel_loop3A_518, %parallel_loop3A_519] {strides = array<i32>} : memref<65x512xf32, #tpu.memory_space<vmem>>, vector<1x16xf32>,
        %parallel_loop3A_521 = vector.shape_cast %parallel_loop3A_520 : vector<1x16xf32> to vector<16xf32>
        %parallel_loop3A_522 = arith.constant 3 : i32
        %parallel_loop3A_523 = arith.index_cast %parallel_loop3A_522 : i32 to index
        %parallel_loop3A_524 = arith.index_cast %parallel_loop3A_289 : i32 to index
        %parallel_loop3A_525 = arith.constant 320 : index
        %parallel_loop3A_526 = tpu.vector_load %arg12[%parallel_loop3A_523, %parallel_loop3A_524, %parallel_loop3A_525] {strides = array<i32>} : memref<4x32x512xf32, #tpu.memory_space<vmem>>, vector<1x1x16xf32>,
        %parallel_loop3A_527 = vector.shape_cast %parallel_loop3A_526 : vector<1x1x16xf32> to vector<16xf32>
        %parallel_loop3A_528 = vector.shape_cast %parallel_loop3A_521 : vector<16xf32> to vector<1x1x16xf32>
        tpu.vector_store %arg12[%parallel_loop3A_523, %parallel_loop3A_524, %parallel_loop3A_525], %parallel_loop3A_528 {add = true, strides = array<i32>} : memref<4x32x512xf32, #tpu.memory_space<vmem>>, vector<1x1x16xf32>,
        %parallel_loop3A_529 = arith.index_cast %parallel_loop3A_297 : i32 to index
        %parallel_loop3A_530 = arith.constant 336 : index
        %parallel_loop3A_531 = tpu.vector_load %arg15[%parallel_loop3A_529, %parallel_loop3A_530] {strides = array<i32>} : memref<65x512xf32, #tpu.memory_space<vmem>>, vector<1x16xf32>,
        %parallel_loop3A_532 = vector.shape_cast %parallel_loop3A_531 : vector<1x16xf32> to vector<16xf32>
        %parallel_loop3A_533 = arith.constant 3 : i32
        %parallel_loop3A_534 = arith.index_cast %parallel_loop3A_533 : i32 to index
        %parallel_loop3A_535 = arith.index_cast %parallel_loop3A_289 : i32 to index
        %parallel_loop3A_536 = arith.constant 336 : index
        %parallel_loop3A_537 = tpu.vector_load %arg12[%parallel_loop3A_534, %parallel_loop3A_535, %parallel_loop3A_536] {strides = array<i32>} : memref<4x32x512xf32, #tpu.memory_space<vmem>>, vector<1x1x16xf32>,
        %parallel_loop3A_538 = vector.shape_cast %parallel_loop3A_537 : vector<1x1x16xf32> to vector<16xf32>
        %parallel_loop3A_539 = vector.shape_cast %parallel_loop3A_532 : vector<16xf32> to vector<1x1x16xf32>
        tpu.vector_store %arg12[%parallel_loop3A_534, %parallel_loop3A_535, %parallel_loop3A_536], %parallel_loop3A_539 {add = true, strides = array<i32>} : memref<4x32x512xf32, #tpu.memory_space<vmem>>, vector<1x1x16xf32>,
        %parallel_loop3A_540 = arith.index_cast %parallel_loop3A_297 : i32 to index
        %parallel_loop3A_541 = arith.constant 352 : index
        %parallel_loop3A_542 = tpu.vector_load %arg15[%parallel_loop3A_540, %parallel_loop3A_541] {strides = array<i32>} : memref<65x512xf32, #tpu.memory_space<vmem>>, vector<1x16xf32>,
        %parallel_loop3A_543 = vector.shape_cast %parallel_loop3A_542 : vector<1x16xf32> to vector<16xf32>
        %parallel_loop3A_544 = arith.constant 3 : i32
        %parallel_loop3A_545 = arith.index_cast %parallel_loop3A_544 : i32 to index
        %parallel_loop3A_546 = arith.index_cast %parallel_loop3A_289 : i32 to index
        %parallel_loop3A_547 = arith.constant 352 : index
        %parallel_loop3A_548 = tpu.vector_load %arg12[%parallel_loop3A_545, %parallel_loop3A_546, %parallel_loop3A_547] {strides = array<i32>} : memref<4x32x512xf32, #tpu.memory_space<vmem>>, vector<1x1x16xf32>,
        %parallel_loop3A_549 = vector.shape_cast %parallel_loop3A_548 : vector<1x1x16xf32> to vector<16xf32>
        %parallel_loop3A_550 = vector.shape_cast %parallel_loop3A_543 : vector<16xf32> to vector<1x1x16xf32>
        tpu.vector_store %arg12[%parallel_loop3A_545, %parallel_loop3A_546, %parallel_loop3A_547], %parallel_loop3A_550 {add = true, strides = array<i32>} : memref<4x32x512xf32, #tpu.memory_space<vmem>>, vector<1x1x16xf32>,
        %parallel_loop3A_551 = arith.index_cast %parallel_loop3A_297 : i32 to index
        %parallel_loop3A_552 = arith.constant 368 : index
        %parallel_loop3A_553 = tpu.vector_load %arg15[%parallel_loop3A_551, %parallel_loop3A_552] {strides = array<i32>} : memref<65x512xf32, #tpu.memory_space<vmem>>, vector<1x16xf32>,
        %parallel_loop3A_554 = vector.shape_cast %parallel_loop3A_553 : vector<1x16xf32> to vector<16xf32>
        %parallel_loop3A_555 = arith.constant 3 : i32
        %parallel_loop3A_556 = arith.index_cast %parallel_loop3A_555 : i32 to index
        %parallel_loop3A_557 = arith.index_cast %parallel_loop3A_289 : i32 to index
        %parallel_loop3A_558 = arith.constant 368 : index
        %parallel_loop3A_559 = tpu.vector_load %arg12[%parallel_loop3A_556, %parallel_loop3A_557, %parallel_loop3A_558] {strides = array<i32>} : memref<4x32x512xf32, #tpu.memory_space<vmem>>, vector<1x1x16xf32>,
        %parallel_loop3A_560 = vector.shape_cast %parallel_loop3A_559 : vector<1x1x16xf32> to vector<16xf32>
        %parallel_loop3A_561 = vector.shape_cast %parallel_loop3A_554 : vector<16xf32> to vector<1x1x16xf32>
        tpu.vector_store %arg12[%parallel_loop3A_556, %parallel_loop3A_557, %parallel_loop3A_558], %parallel_loop3A_561 {add = true, strides = array<i32>} : memref<4x32x512xf32, #tpu.memory_space<vmem>>, vector<1x1x16xf32>,
        %parallel_loop3A_562 = arith.index_cast %parallel_loop3A_297 : i32 to index
        %parallel_loop3A_563 = arith.constant 384 : index
        %parallel_loop3A_564 = tpu.vector_load %arg15[%parallel_loop3A_562, %parallel_loop3A_563] {strides = array<i32>} : memref<65x512xf32, #tpu.memory_space<vmem>>, vector<1x16xf32>,
        %parallel_loop3A_565 = vector.shape_cast %parallel_loop3A_564 : vector<1x16xf32> to vector<16xf32>
        %parallel_loop3A_566 = arith.constant 3 : i32
        %parallel_loop3A_567 = arith.index_cast %parallel_loop3A_566 : i32 to index
        %parallel_loop3A_568 = arith.index_cast %parallel_loop3A_289 : i32 to index
        %parallel_loop3A_569 = arith.constant 384 : index
        %parallel_loop3A_570 = tpu.vector_load %arg12[%parallel_loop3A_567, %parallel_loop3A_568, %parallel_loop3A_569] {strides = array<i32>} : memref<4x32x512xf32, #tpu.memory_space<vmem>>, vector<1x1x16xf32>,
        %parallel_loop3A_571 = vector.shape_cast %parallel_loop3A_570 : vector<1x1x16xf32> to vector<16xf32>
        %parallel_loop3A_572 = vector.shape_cast %parallel_loop3A_565 : vector<16xf32> to vector<1x1x16xf32>
        tpu.vector_store %arg12[%parallel_loop3A_567, %parallel_loop3A_568, %parallel_loop3A_569], %parallel_loop3A_572 {add = true, strides = array<i32>} : memref<4x32x512xf32, #tpu.memory_space<vmem>>, vector<1x1x16xf32>,
        %parallel_loop3A_573 = arith.index_cast %parallel_loop3A_297 : i32 to index
        %parallel_loop3A_574 = arith.constant 400 : index
        %parallel_loop3A_575 = tpu.vector_load %arg15[%parallel_loop3A_573, %parallel_loop3A_574] {strides = array<i32>} : memref<65x512xf32, #tpu.memory_space<vmem>>, vector<1x16xf32>,
        %parallel_loop3A_576 = vector.shape_cast %parallel_loop3A_575 : vector<1x16xf32> to vector<16xf32>
        %parallel_loop3A_577 = arith.constant 3 : i32
        %parallel_loop3A_578 = arith.index_cast %parallel_loop3A_577 : i32 to index
        %parallel_loop3A_579 = arith.index_cast %parallel_loop3A_289 : i32 to index
        %parallel_loop3A_580 = arith.constant 400 : index
        %parallel_loop3A_581 = tpu.vector_load %arg12[%parallel_loop3A_578, %parallel_loop3A_579, %parallel_loop3A_580] {strides = array<i32>} : memref<4x32x512xf32, #tpu.memory_space<vmem>>, vector<1x1x16xf32>,
        %parallel_loop3A_582 = vector.shape_cast %parallel_loop3A_581 : vector<1x1x16xf32> to vector<16xf32>
        %parallel_loop3A_583 = vector.shape_cast %parallel_loop3A_576 : vector<16xf32> to vector<1x1x16xf32>
        tpu.vector_store %arg12[%parallel_loop3A_578, %parallel_loop3A_579, %parallel_loop3A_580], %parallel_loop3A_583 {add = true, strides = array<i32>} : memref<4x32x512xf32, #tpu.memory_space<vmem>>, vector<1x1x16xf32>,
        %parallel_loop3A_584 = arith.index_cast %parallel_loop3A_297 : i32 to index
        %parallel_loop3A_585 = arith.constant 416 : index
        %parallel_loop3A_586 = tpu.vector_load %arg15[%parallel_loop3A_584, %parallel_loop3A_585] {strides = array<i32>} : memref<65x512xf32, #tpu.memory_space<vmem>>, vector<1x16xf32>,
        %parallel_loop3A_587 = vector.shape_cast %parallel_loop3A_586 : vector<1x16xf32> to vector<16xf32>
        %parallel_loop3A_588 = arith.constant 3 : i32
        %parallel_loop3A_589 = arith.index_cast %parallel_loop3A_588 : i32 to index
        %parallel_loop3A_590 = arith.index_cast %parallel_loop3A_289 : i32 to index
        %parallel_loop3A_591 = arith.constant 416 : index
        %parallel_loop3A_592 = tpu.vector_load %arg12[%parallel_loop3A_589, %parallel_loop3A_590, %parallel_loop3A_591] {strides = array<i32>} : memref<4x32x512xf32, #tpu.memory_space<vmem>>, vector<1x1x16xf32>,
        %parallel_loop3A_593 = vector.shape_cast %parallel_loop3A_592 : vector<1x1x16xf32> to vector<16xf32>
        %parallel_loop3A_594 = vector.shape_cast %parallel_loop3A_587 : vector<16xf32> to vector<1x1x16xf32>
        tpu.vector_store %arg12[%parallel_loop3A_589, %parallel_loop3A_590, %parallel_loop3A_591], %parallel_loop3A_594 {add = true, strides = array<i32>} : memref<4x32x512xf32, #tpu.memory_space<vmem>>, vector<1x1x16xf32>,
        %parallel_loop3A_595 = arith.index_cast %parallel_loop3A_297 : i32 to index
        %parallel_loop3A_596 = arith.constant 432 : index
        %parallel_loop3A_597 = tpu.vector_load %arg15[%parallel_loop3A_595, %parallel_loop3A_596] {strides = array<i32>} : memref<65x512xf32, #tpu.memory_space<vmem>>, vector<1x16xf32>,
        %parallel_loop3A_598 = vector.shape_cast %parallel_loop3A_597 : vector<1x16xf32> to vector<16xf32>
        %parallel_loop3A_599 = arith.constant 3 : i32
        %parallel_loop3A_600 = arith.index_cast %parallel_loop3A_599 : i32 to index
        %parallel_loop3A_601 = arith.index_cast %parallel_loop3A_289 : i32 to index
        %parallel_loop3A_602 = arith.constant 432 : index
        %parallel_loop3A_603 = tpu.vector_load %arg12[%parallel_loop3A_600, %parallel_loop3A_601, %parallel_loop3A_602] {strides = array<i32>} : memref<4x32x512xf32, #tpu.memory_space<vmem>>, vector<1x1x16xf32>,
        %parallel_loop3A_604 = vector.shape_cast %parallel_loop3A_603 : vector<1x1x16xf32> to vector<16xf32>
        %parallel_loop3A_605 = vector.shape_cast %parallel_loop3A_598 : vector<16xf32> to vector<1x1x16xf32>
        tpu.vector_store %arg12[%parallel_loop3A_600, %parallel_loop3A_601, %parallel_loop3A_602], %parallel_loop3A_605 {add = true, strides = array<i32>} : memref<4x32x512xf32, #tpu.memory_space<vmem>>, vector<1x1x16xf32>,
        %parallel_loop3A_606 = arith.index_cast %parallel_loop3A_297 : i32 to index
        %parallel_loop3A_607 = arith.constant 448 : index
        %parallel_loop3A_608 = tpu.vector_load %arg15[%parallel_loop3A_606, %parallel_loop3A_607] {strides = array<i32>} : memref<65x512xf32, #tpu.memory_space<vmem>>, vector<1x16xf32>,
        %parallel_loop3A_609 = vector.shape_cast %parallel_loop3A_608 : vector<1x16xf32> to vector<16xf32>
        %parallel_loop3A_610 = arith.constant 3 : i32
        %parallel_loop3A_611 = arith.index_cast %parallel_loop3A_610 : i32 to index
        %parallel_loop3A_612 = arith.index_cast %parallel_loop3A_289 : i32 to index
        %parallel_loop3A_613 = arith.constant 448 : index
        %parallel_loop3A_614 = tpu.vector_load %arg12[%parallel_loop3A_611, %parallel_loop3A_612, %parallel_loop3A_613] {strides = array<i32>} : memref<4x32x512xf32, #tpu.memory_space<vmem>>, vector<1x1x16xf32>,
        %parallel_loop3A_615 = vector.shape_cast %parallel_loop3A_614 : vector<1x1x16xf32> to vector<16xf32>
        %parallel_loop3A_616 = vector.shape_cast %parallel_loop3A_609 : vector<16xf32> to vector<1x1x16xf32>
        tpu.vector_store %arg12[%parallel_loop3A_611, %parallel_loop3A_612, %parallel_loop3A_613], %parallel_loop3A_616 {add = true, strides = array<i32>} : memref<4x32x512xf32, #tpu.memory_space<vmem>>, vector<1x1x16xf32>,
        %parallel_loop3A_617 = arith.index_cast %parallel_loop3A_297 : i32 to index
        %parallel_loop3A_618 = arith.constant 464 : index
        %parallel_loop3A_619 = tpu.vector_load %arg15[%parallel_loop3A_617, %parallel_loop3A_618] {strides = array<i32>} : memref<65x512xf32, #tpu.memory_space<vmem>>, vector<1x16xf32>,
        %parallel_loop3A_620 = vector.shape_cast %parallel_loop3A_619 : vector<1x16xf32> to vector<16xf32>
        %parallel_loop3A_621 = arith.constant 3 : i32
        %parallel_loop3A_622 = arith.index_cast %parallel_loop3A_621 : i32 to index
        %parallel_loop3A_623 = arith.index_cast %parallel_loop3A_289 : i32 to index
        %parallel_loop3A_624 = arith.constant 464 : index
        %parallel_loop3A_625 = tpu.vector_load %arg12[%parallel_loop3A_622, %parallel_loop3A_623, %parallel_loop3A_624] {strides = array<i32>} : memref<4x32x512xf32, #tpu.memory_space<vmem>>, vector<1x1x16xf32>,
        %parallel_loop3A_626 = vector.shape_cast %parallel_loop3A_625 : vector<1x1x16xf32> to vector<16xf32>
        %parallel_loop3A_627 = vector.shape_cast %parallel_loop3A_620 : vector<16xf32> to vector<1x1x16xf32>
        tpu.vector_store %arg12[%parallel_loop3A_622, %parallel_loop3A_623, %parallel_loop3A_624], %parallel_loop3A_627 {add = true, strides = array<i32>} : memref<4x32x512xf32, #tpu.memory_space<vmem>>, vector<1x1x16xf32>,
        %parallel_loop3A_628 = arith.index_cast %parallel_loop3A_297 : i32 to index
        %parallel_loop3A_629 = arith.constant 480 : index
        %parallel_loop3A_630 = tpu.vector_load %arg15[%parallel_loop3A_628, %parallel_loop3A_629] {strides = array<i32>} : memref<65x512xf32, #tpu.memory_space<vmem>>, vector<1x16xf32>,
        %parallel_loop3A_631 = vector.shape_cast %parallel_loop3A_630 : vector<1x16xf32> to vector<16xf32>
        %parallel_loop3A_632 = arith.constant 3 : i32
        %parallel_loop3A_633 = arith.index_cast %parallel_loop3A_632 : i32 to index
        %parallel_loop3A_634 = arith.index_cast %parallel_loop3A_289 : i32 to index
        %parallel_loop3A_635 = arith.constant 480 : index
        %parallel_loop3A_636 = tpu.vector_load %arg12[%parallel_loop3A_633, %parallel_loop3A_634, %parallel_loop3A_635] {strides = array<i32>} : memref<4x32x512xf32, #tpu.memory_space<vmem>>, vector<1x1x16xf32>,
        %parallel_loop3A_637 = vector.shape_cast %parallel_loop3A_636 : vector<1x1x16xf32> to vector<16xf32>
        %parallel_loop3A_638 = vector.shape_cast %parallel_loop3A_631 : vector<16xf32> to vector<1x1x16xf32>
        tpu.vector_store %arg12[%parallel_loop3A_633, %parallel_loop3A_634, %parallel_loop3A_635], %parallel_loop3A_638 {add = true, strides = array<i32>} : memref<4x32x512xf32, #tpu.memory_space<vmem>>, vector<1x1x16xf32>,
        %parallel_loop3A_639 = arith.index_cast %parallel_loop3A_297 : i32 to index
        %parallel_loop3A_640 = arith.constant 496 : index
        %parallel_loop3A_641 = tpu.vector_load %arg15[%parallel_loop3A_639, %parallel_loop3A_640] {strides = array<i32>} : memref<65x512xf32, #tpu.memory_space<vmem>>, vector<1x16xf32>,
        %parallel_loop3A_642 = vector.shape_cast %parallel_loop3A_641 : vector<1x16xf32> to vector<16xf32>
        %parallel_loop3A_643 = arith.constant 3 : i32
        %parallel_loop3A_644 = arith.index_cast %parallel_loop3A_643 : i32 to index
        %parallel_loop3A_645 = arith.index_cast %parallel_loop3A_289 : i32 to index
        %parallel_loop3A_646 = arith.constant 496 : index
        %parallel_loop3A_647 = tpu.vector_load %arg12[%parallel_loop3A_644, %parallel_loop3A_645, %parallel_loop3A_646] {strides = array<i32>} : memref<4x32x512xf32, #tpu.memory_space<vmem>>, vector<1x1x16xf32>,
        %parallel_loop3A_648 = vector.shape_cast %parallel_loop3A_647 : vector<1x1x16xf32> to vector<16xf32>
        %parallel_loop3A_649 = vector.shape_cast %parallel_loop3A_642 : vector<16xf32> to vector<1x1x16xf32>
        tpu.vector_store %arg12[%parallel_loop3A_644, %parallel_loop3A_645, %parallel_loop3A_646], %parallel_loop3A_649 {add = true, strides = array<i32>} : memref<4x32x512xf32, #tpu.memory_space<vmem>>, vector<1x1x16xf32>,
      } {sc.loop_unroll_factor = 1 : i64, sc.parallel_access}
      %mul3A_273 = arith.constant 32 : i32
      %mul3A_274 = arith.muli %add3A_247, %mul3A_273 : i32
      %add3A_275 = arith.addi %mul3A_2, %mul3A_274 : i32
      %dma_start3A_276 = arith.constant 3 : i32
      %dma_start3A_277 = arith.constant 0 : i32
      %dma_start3A_278 = arith.constant 0 : i32
      %dma_start3A_279 = tpu.memref_slice %arg12[%dma_start3A_276, %dma_start3A_277, %dma_start3A_278] : memref<4x32x512xf32, #tpu.memory_space<vmem>> -> memref<1x32x512xf32, #tpu.memory_space<vmem>>
      %dma_start3A_280 = tpu.memref_squeeze %dma_start3A_279 : memref<1x32x512xf32, #tpu.memory_space<vmem>> -> memref<32x512xf32, #tpu.memory_space<vmem>>
      %dma_start3A_281 = arith.constant 0 : i32
      %dma_start3A_282 = tpu.memref_slice %arg8[%add3A_275, %dma_start3A_281] : memref<131072x512xf32, #tpu.memory_space<hbm>> -> memref<32x512xf32, #tpu.memory_space<hbm>>
      %dma_start3A_283 = arith.constant 0 : i32
      %dma_start3A_284 = tpu.memref_slice %arg8[%add3A_275, %dma_start3A_283] : memref<131072x512xf32, #tpu.memory_space<hbm>> -> memref<32x512xf32, #tpu.memory_space<hbm>>
      %dma_start3A_285 = arith.constant 0 : i32
      %dma_start3A_286 = arith.constant 0 : i32
      %dma_start3A_287 = tpu.memref_slice %arg12[%dma_start3A_276, %dma_start3A_285, %dma_start3A_286] : memref<4x32x512xf32, #tpu.memory_space<vmem>> -> memref<1x32x512xf32, #tpu.memory_space<vmem>>
      %dma_start3A_288 = tpu.memref_squeeze %dma_start3A_287 : memref<1x32x512xf32, #tpu.memory_space<vmem>> -> memref<32x512xf32, #tpu.memory_space<vmem>>
      tpu.enqueue_dma source(%dma_start3A_288 : memref<32x512xf32, #tpu.memory_space<vmem>>) target(%dma_start3A_284 : memref<32x512xf32, #tpu.memory_space<hbm>>) target_semaphore(%arg23 : memref<!tpu.dma_semaphore, #tpu.memory_space<semaphore_mem>>)
    }
    %scan3A_50 = arith.constant 32 : i32
    %dma_wait3A_51 = arith.constant 0 : i32
    %dma_wait3A_52 = arith.constant 0 : i32
    %dma_wait3A_53 = arith.constant 0 : i32
    %dma_wait3A_54 = tpu.memref_slice %arg12[%dma_wait3A_51, %dma_wait3A_52, %dma_wait3A_53] : memref<4x32x512xf32, #tpu.memory_space<vmem>> -> memref<1x32x512xf32, #tpu.memory_space<vmem>>
    %dma_wait3A_55 = tpu.memref_squeeze %dma_wait3A_54 : memref<1x32x512xf32, #tpu.memory_space<vmem>> -> memref<32x512xf32, #tpu.memory_space<vmem>>
    %dma_wait3A_56 = arith.constant 0 : i32
    %dma_wait3A_57 = arith.constant 0 : i32
    %dma_wait3A_58 = tpu.memref_slice %arg8[%dma_wait3A_56, %dma_wait3A_57] : memref<131072x512xf32, #tpu.memory_space<hbm>> -> memref<32x512xf32, #tpu.memory_space<hbm>>
    %dma_wait3A_59 = arith.constant 0 : i32
    %dma_wait3A_60 = arith.constant 0 : i32
    %dma_wait3A_61 = tpu.memref_slice %arg8[%dma_wait3A_59, %dma_wait3A_60] : memref<131072x512xf32, #tpu.memory_space<hbm>> -> memref<32x512xf32, #tpu.memory_space<hbm>>
    %dma_wait3A_62 = arith.constant 0 : i32
    %dma_wait3A_63 = arith.constant 0 : i32
    %dma_wait3A_64 = tpu.memref_slice %arg12[%dma_wait3A_51, %dma_wait3A_62, %dma_wait3A_63] : memref<4x32x512xf32, #tpu.memory_space<vmem>> -> memref<1x32x512xf32, #tpu.memory_space<vmem>>
    %dma_wait3A_65 = tpu.memref_squeeze %dma_wait3A_64 : memref<1x32x512xf32, #tpu.memory_space<vmem>> -> memref<32x512xf32, #tpu.memory_space<vmem>>
    tpu.wait_dma2 semaphore(%arg20 : memref<!tpu.dma_semaphore, #tpu.memory_space<semaphore_mem>>) src(%dma_wait3A_65 : memref<32x512xf32, #tpu.memory_space<vmem>>) dst(%dma_wait3A_61 : memref<32x512xf32, #tpu.memory_space<hbm>>)
    %dma_wait3A_66 = arith.constant 1 : i32
    %dma_wait3A_67 = arith.constant 0 : i32
    %dma_wait3A_68 = arith.constant 0 : i32
    %dma_wait3A_69 = tpu.memref_slice %arg12[%dma_wait3A_66, %dma_wait3A_67, %dma_wait3A_68] : memref<4x32x512xf32, #tpu.memory_space<vmem>> -> memref<1x32x512xf32, #tpu.memory_space<vmem>>
    %dma_wait3A_70 = tpu.memref_squeeze %dma_wait3A_69 : memref<1x32x512xf32, #tpu.memory_space<vmem>> -> memref<32x512xf32, #tpu.memory_space<vmem>>
    %dma_wait3A_71 = arith.constant 0 : i32
    %dma_wait3A_72 = arith.constant 0 : i32
    %dma_wait3A_73 = tpu.memref_slice %arg8[%dma_wait3A_71, %dma_wait3A_72] : memref<131072x512xf32, #tpu.memory_space<hbm>> -> memref<32x512xf32, #tpu.memory_space<hbm>>
    %dma_wait3A_74 = arith.constant 0 : i32
    %dma_wait3A_75 = arith.constant 0 : i32
    %dma_wait3A_76 = tpu.memref_slice %arg8[%dma_wait3A_74, %dma_wait3A_75] : memref<131072x512xf32, #tpu.memory_space<hbm>> -> memref<32x512xf32, #tpu.memory_space<hbm>>
    %dma_wait3A_77 = arith.constant 0 : i32
    %dma_wait3A_78 = arith.constant 0 : i32
    %dma_wait3A_79 = tpu.memref_slice %arg12[%dma_wait3A_66, %dma_wait3A_77, %dma_wait3A_78] : memref<4x32x512xf32, #tpu.memory_space<vmem>> -> memref<1x32x512xf32, #tpu.memory_space<vmem>>
    %dma_wait3A_80 = tpu.memref_squeeze %dma_wait3A_79 : memref<1x32x512xf32, #tpu.memory_space<vmem>> -> memref<32x512xf32, #tpu.memory_space<vmem>>
    tpu.wait_dma2 semaphore(%arg21 : memref<!tpu.dma_semaphore, #tpu.memory_space<semaphore_mem>>) src(%dma_wait3A_80 : memref<32x512xf32, #tpu.memory_space<vmem>>) dst(%dma_wait3A_76 : memref<32x512xf32, #tpu.memory_space<hbm>>)
    %dma_wait3A_81 = arith.constant 2 : i32
    %dma_wait3A_82 = arith.constant 0 : i32
    %dma_wait3A_83 = arith.constant 0 : i32
    %dma_wait3A_84 = tpu.memref_slice %arg12[%dma_wait3A_81, %dma_wait3A_82, %dma_wait3A_83] : memref<4x32x512xf32, #tpu.memory_space<vmem>> -> memref<1x32x512xf32, #tpu.memory_space<vmem>>
    %dma_wait3A_85 = tpu.memref_squeeze %dma_wait3A_84 : memref<1x32x512xf32, #tpu.memory_space<vmem>> -> memref<32x512xf32, #tpu.memory_space<vmem>>
    %dma_wait3A_86 = arith.constant 0 : i32
    %dma_wait3A_87 = arith.constant 0 : i32
    %dma_wait3A_88 = tpu.memref_slice %arg8[%dma_wait3A_86, %dma_wait3A_87] : memref<131072x512xf32, #tpu.memory_space<hbm>> -> memref<32x512xf32, #tpu.memory_space<hbm>>
    %dma_wait3A_89 = arith.constant 0 : i32
    %dma_wait3A_90 = arith.constant 0 : i32
    %dma_wait3A_91 = tpu.memref_slice %arg8[%dma_wait3A_89, %dma_wait3A_90] : memref<131072x512xf32, #tpu.memory_space<hbm>> -> memref<32x512xf32, #tpu.memory_space<hbm>>
    %dma_wait3A_92 = arith.constant 0 : i32
    %dma_wait3A_93 = arith.constant 0 : i32
    %dma_wait3A_94 = tpu.memref_slice %arg12[%dma_wait3A_81, %dma_wait3A_92, %dma_wait3A_93] : memref<4x32x512xf32, #tpu.memory_space<vmem>> -> memref<1x32x512xf32, #tpu.memory_space<vmem>>
    %dma_wait3A_95 = tpu.memref_squeeze %dma_wait3A_94 : memref<1x32x512xf32, #tpu.memory_space<vmem>> -> memref<32x512xf32, #tpu.memory_space<vmem>>
    tpu.wait_dma2 semaphore(%arg22 : memref<!tpu.dma_semaphore, #tpu.memory_space<semaphore_mem>>) src(%dma_wait3A_95 : memref<32x512xf32, #tpu.memory_space<vmem>>) dst(%dma_wait3A_91 : memref<32x512xf32, #tpu.memory_space<hbm>>)
    %dma_wait3A_96 = arith.constant 3 : i32
    %dma_wait3A_97 = arith.constant 0 : i32
    %dma_wait3A_98 = arith.constant 0 : i32
    %dma_wait3A_99 = tpu.memref_slice %arg12[%dma_wait3A_96, %dma_wait3A_97, %dma_wait3A_98] : memref<4x32x512xf32, #tpu.memory_space<vmem>> -> memref<1x32x512xf32, #tpu.memory_space<vmem>>
    %dma_wait3A_100 = tpu.memref_squeeze %dma_wait3A_99 : memref<1x32x512xf32, #tpu.memory_space<vmem>> -> memref<32x512xf32, #tpu.memory_space<vmem>>
    %dma_wait3A_101 = arith.constant 0 : i32
    %dma_wait3A_102 = arith.constant 0 : i32
    %dma_wait3A_103 = tpu.memref_slice %arg8[%dma_wait3A_101, %dma_wait3A_102] : memref<131072x512xf32, #tpu.memory_space<hbm>> -> memref<32x512xf32, #tpu.memory_space<hbm>>
    %dma_wait3A_104 = arith.constant 0 : i32
    %dma_wait3A_105 = arith.constant 0 : i32
    %dma_wait3A_106 = tpu.memref_slice %arg8[%dma_wait3A_104, %dma_wait3A_105] : memref<131072x512xf32, #tpu.memory_space<hbm>> -> memref<32x512xf32, #tpu.memory_space<hbm>>
    %dma_wait3A_107 = arith.constant 0 : i32
    %dma_wait3A_108 = arith.constant 0 : i32
    %dma_wait3A_109 = tpu.memref_slice %arg12[%dma_wait3A_96, %dma_wait3A_107, %dma_wait3A_108] : memref<4x32x512xf32, #tpu.memory_space<vmem>> -> memref<1x32x512xf32, #tpu.memory_space<vmem>>
    %dma_wait3A_110 = tpu.memref_squeeze %dma_wait3A_109 : memref<1x32x512xf32, #tpu.memory_space<vmem>> -> memref<32x512xf32, #tpu.memory_space<vmem>>
    tpu.wait_dma2 semaphore(%arg23 : memref<!tpu.dma_semaphore, #tpu.memory_space<semaphore_mem>>) src(%dma_wait3A_110 : memref<32x512xf32, #tpu.memory_space<vmem>>) dst(%dma_wait3A_106 : memref<32x512xf32, #tpu.memory_space<hbm>>)
    return
  }
}

</mosaic_0001>

<sc_bundles>
// kernel: _run.3.cloned.1.call-start
scs
__scs_entry_jumppad:
0x0: {  	(pc) =	sbr.rel $0x88, $3  }
0x1: {  	(tag) =	ssettag $0x0;
	lr =	simm.s32 $0x1  }
0x2: {  	[smem:$0x3F9B] =	sst lr;
	_ =	strace $0xD0000000  }
0x3: {  	_ = 	snop  }
0x4: {  	_ = 	snop  }
0x5: {  	_ = 	snop  }
0x6: {  	_ = 	snop  }
0x7: {  	_ = 	snop  }
__scs_overlays_trampoline_lowered:
0x8: {  	[smem:$0x3FAA] =	sst s0  }
0x9: {  	[smem:$0x3FAB] =	sst s1  }
0xa: {  	[smem:$0x3FAC] =	sst s2  }
0xb: {  	[smem:$0x3FAD] =	sst s3  }
0xc: {  	[smem:$0x3FAE] =	sst s4  }
0xd: {  	[smem:$0x3FAF] =	sst s5  }
0xe: {  	[smem:$0x3FB0] =	sst s6  }
0xf: {  	[smem:$0x3FB1] =	sst s7  }
0x10: {  	[smem:$0x3FB2] =	sst s8  }
0x11: {  	[smem:$0x3FB3] =	sst s9;
	s0 =	simm.s32 @!p0 $0x0  }
0x12: {  	s1 =	sld [smem:$0x3F99];
	s0 =	simm.s32 @p0 $0x1  }
0x13: {  	[smem:$0x3FB4] =	sst s0;
	s0 =	simm.s32 @!p1 $0x0  }
0x14: {  	s2 =	sld [smem:$0x3F98];
	s0 =	simm.s32 @p1 $0x1  }
0x15: {  	[smem:$0x3FB5] =	sst s0;
	s0 =	simm.s32 @!p2 $0x0  }
0x16: {  	s3 =	sld [smem:$0x3FDB];
	s0 =	simm.s32 @p2 $0x1  }
0x17: {  	s4 =	simm.s32 $0x1BF5;
	[smem:$0x3FB7] =	sst s0  }
0x18: {  	s0 =	sld [smem:$0x3F9A];
	_ =	swait.ge [sflag:s4], $0x0  }
0x19: {  	s7 =	sld [smem:$0x3F9B]  }
0x1a: {  	s8 =	sadd.s32 $0xFFFFE003, lr  }
0x1b: {  	s9 =	sadd.s32 $0xFFFFFEF7, lr;
	s5 =	simm.s32 $0xFFFFFFFF;
	p2 =	slt.u32 s8, $0xFFFFF086  }
0x1c: {  	p1 =	slt.u32 s9, $0xF7A;
	s5 =	simm.s32 @!p2 $0x0  }
0x1d: {  	s5 =	simm.s32 @p1 $0x1;
	p0 =	seq.s32 s7, s2  }
0x1e: {  	s7 =	smul.u32 @!p0 $0xF7A, s2;
	p2 =	seq.s32 @!p0 s5, $0x0  }
0x1f: {  	s9 =	smul.u32 $0xF7A, s1;
	s8 =	simm.s32 @!p0 $0x1BF5;
	p2 =	por !p2, p0  }
0x20: {  	[sflag:s8] =	ssyncset.s32 @!p0 $0xFFFFF086;
	s6 =	sadd.s32 @!p0 s3, s7;
	s7 =	simm.s32 @!p0 $0x108  }
0x21: {  	s3 =	sadd.s32 s3, s9;
	s6 =	sadd.s32 @!p0 $0x88, s6;
	s7 =	simm.s32 @p2 $0x1082  }
0x22: {  	[simem:s7], [sflag:s8] =	dma.local @!p0 [hbm:s6], $0xF7A  }
0x23: {  	s9 =	sor.u32 $0xD0000000, s2;
	s6 =	simm.s32 $0x108;
	_ =	swait.ge @!p0 [sflag:s8], $0x0  }
0x24: {  	s3 =	sadd.s32 $0x88, s3;
	s6 =	simm.s32 @!p1 $0x1082;
	[sflag:s4] =	ssyncset.s32 $0xFFFFF086  }
0x25: {  	[simem:s6], [sflag:s4] =	dma.local [hbm:s3], $0xF7A  }
0x26: {  	[smem:$0x3F9B] =	sst s1;
	(tag) =	ssettag s2;
	_ =	strace s9  }
0x27: {  	s1 =	sld [smem:$0x3FAB]  }
0x28: {  	s2 =	sld [smem:$0x3FAC]  }
0x29: {  	s4 =	sld [smem:$0x3FAE]  }
0x2a: {  	p0 =	seq.s32 s5, $0x0;
	s5 =	sld [smem:$0x3FAF]  }
0x2b: {  	s6 =	sld [smem:$0x3FB0]  }
0x2c: {  	s7 =	sld [smem:$0x3FB1]  }
0x2d: {  	s3 =	simm.s32 $0x108;
	s8 =	sld [smem:$0x3FB2]  }
0x2e: {  	s3 =	simm.s32 @!p0 $0x1082;
	s9 =	sld [smem:$0x3FB3]  }
0x2f: {  	lr =	sadd.s32 s0, s3;
	s0 =	sld [smem:$0x3FAA]  }
0x30: {  	s3 =	sld [smem:$0x3FAD]  }
0x31: {  	[smem:$0x3FB6] =	sst s10  }
0x32: {  	s10 =	sld [smem:$0x3FB4];
	_ =	sdelay $0x3  }
0x33: {  	p0 =	seq.s32 s10, $0x1;
	s10 =	sld [smem:$0x3FB6];
	_ =	sdelay $0x3  }
0x34: {  	[smem:$0x3FB6] =	sst s10  }
0x35: {  	s10 =	sld [smem:$0x3FB5];
	_ =	sdelay $0x3  }
0x36: {  	p1 =	seq.s32 s10, $0x1;
	s10 =	sld [smem:$0x3FB6];
	_ =	sdelay $0x3  }
0x37: {  	[smem:$0x3FB6] =	sst s10  }
0x38: {  	s10 =	sld [smem:$0x3FB7]  }
0x39: {  	_ = 	snop;
	(pc) =	sbr.ind lr, $3  }
0x3a: {  	_ = 	snop  }
0x3b: {  	_ = 	snop  }
0x3c: {  	p2 =	seq.s32 s10, $0x1;
	s10 =	sld [smem:$0x3FB6]  }
0x3d: {  	_ =	shalt  }
0x3e: {  	_ =	shalt  }
0x3f: {  	_ =	shalt  }
0x40: {  	_ =	shalt  }
0x41: {  	_ =	shalt  }
0x42: {  	_ =	shalt  }
0x43: {  	_ =	shalt  }
0x44: {  	_ =	shalt  }
0x45: {  	_ =	shalt  }
0x46: {  	_ =	shalt  }
0x47: {  	_ =	shalt  }
0x48: {  	_ =	shalt  }
0x49: {  	_ =	shalt  }
0x4a: {  	_ =	shalt  }
0x4b: {  	_ =	shalt  }
0x4c: {  	_ =	shalt  }
0x4d: {  	_ =	shalt  }
0x4e: {  	_ =	shalt  }
0x4f: {  	_ =	shalt  }
0x50: {  	_ =	shalt  }
0x51: {  	_ =	shalt  }
0x52: {  	_ =	shalt  }
0x53: {  	_ =	shalt  }
0x54: {  	_ =	shalt  }
0x55: {  	_ =	shalt  }
0x56: {  	_ =	shalt  }
0x57: {  	_ =	shalt  }
0x58: {  	_ =	shalt  }
0x59: {  	_ =	shalt  }
0x5a: {  	_ =	shalt  }
0x5b: {  	_ =	shalt  }
0x5c: {  	_ =	shalt  }
0x5d: {  	_ =	shalt  }
0x5e: {  	_ =	shalt  }
0x5f: {  	_ =	shalt  }
0x60: {  	_ =	shalt  }
0x61: {  	_ =	shalt  }
0x62: {  	_ =	shalt  }
0x63: {  	_ =	shalt  }
0x64: {  	_ =	shalt  }
0x65: {  	_ =	shalt  }
0x66: {  	_ =	shalt  }
0x67: {  	_ =	shalt  }
0x68: {  	_ =	shalt  }
0x69: {  	_ =	shalt  }
0x6a: {  	_ =	shalt  }
0x6b: {  	_ =	shalt  }
0x6c: {  	_ =	shalt  }
0x6d: {  	_ =	shalt  }
0x6e: {  	_ =	shalt  }
0x6f: {  	_ =	shalt  }
0x70: {  	_ =	shalt  }
0x71: {  	_ =	shalt  }
0x72: {  	_ =	shalt  }
0x73: {  	_ =	shalt  }
0x74: {  	_ =	shalt  }
0x75: {  	_ =	shalt  }
0x76: {  	_ =	shalt  }
0x77: {  	_ =	shalt  }
0x78: {  	_ =	shalt  }
0x79: {  	_ =	shalt  }
0x7a: {  	_ =	shalt  }
0x7b: {  	_ =	shalt  }
0x7c: {  	_ =	shalt  }
0x7d: {  	_ =	shalt  }
0x7e: {  	_ =	shalt  }
0x7f: {  	_ =	shalt  }
0x80: {  	_ =	shalt  }
0x81: {  	_ =	shalt  }
0x82: {  	_ =	shalt  }
0x83: {  	_ =	shalt  }
0x84: {  	_ =	shalt  }
0x85: {  	_ =	shalt  }
0x86: {  	_ =	shalt  }
0x87: {  	_ =	shalt  }
.Lfunc_end0:
.L_simem_size_0:
called_computation_lowered:
.L_overlay_start_0:
0x88: {  	s2 =	sld [smem:$0x3FD9]  }
0x89: {  	s3 =	sld [smem:$0x3FFE];
	_ =	sdelay $0x1  }
0x8a: {  	s1 =	srdreg.scid  }
0x8b: {  	s0 =	sand.u32 $0x1, s1  }
0x8c: {  	s18 =	sshll.u32 s0, $0xA;
	s2 =	sadd.s32 s3, s2  }
0x8d: {  	s2 =	sadd.s32 s2, s18  }
0x8e: {  	[smem:$0x3FC2] =	sst s2  }
0x8f: {  	_ = 	snop  }
0x90: {  	s2 =	sld [smem:$0x3FC9]  }
0x91: {  	s19 =	sld [smem:$0x3FC8]  }
0x92: {  	s4 =	sld [smem:$0x3FC7]  }
0x93: {  	s5 =	sld [smem:$0x3FC6]  }
0x94: {  	s6 =	sld [smem:$0x3FC5]  }
0x95: {  	s7 =	sld [smem:$0x3FC4]  }
0x96: {  	s8 =	sld [smem:$0x3FD0];
	(tm) =	ssettm $0x1  }
0x97: {  	s9 =	sld [smem:$0x3FFB];
	_ =	sdelay $0x3  }
0x98: {  	_ =	strace s9  }
0x99: {  	s9 =	sld [smem:$0x3FFC];
	_ =	sdelay $0x3  }
0x9a: {  	_ =	strace s9  }
0x9b: {  	s9 =	sld [smem:$0x3FFD];
	_ =	sdelay $0x3  }
0x9c: {  	_ =	strace s9  }
0x9d: {  	_ =	strace $0x8FFFFFFF  }
0x9e: {  	s20 =	sld [smem:$0x3FDB];
	_ =	sdelay $0x1  }
0x9f: {  	s10 =	simm.s32 $_scs_section_size  }
0xa0: {  	s11 =	simm.s32 $_size__tile_overlayer_lowered;
	s12 =	simm.s32 $_tile_overlayer_lowered  }
0xa1: {  	s23 =	simm.s32 $0x1BFF;
	s22 =	sshll.u32 s12, $0x1;
	s9 =	sadd.s32 s10, s20  }
0xa2: {  	s13 =	simm.s32 $0x0;
	s21 =	sshll.u32 s11, $0x1;
	s11 =	sadd.s32 s22, s9  }
0xa3: {  	[timem:s13], [sflag:s23] =	dma.local [hbm:s11], s21  }
0xa4: {  	_ =	swait.ge [sflag:s23], s21  }
0xa5: {  	s10 =	ssub.s32 $0x0, s21;
	[sflag:s23] =	ssyncset.done $0x0  }
0xa6: {  	[sflag:s23] =	ssyncadd.s32 s10;
	_ =	sdelay $0x1  }
0xa7: {  	s24 =	simm.s32 $0x1B8B  }
0xa8: {  	_ =	swait.ge [sflag:s24], $0x1  }
0xa9: {  	[sflag:s24] =	ssyncset.done $0x0  }
0xaa: {  	s25 =	simm.s32 $0x1B8E;
	[sflag:s24] =	ssyncadd.s32 $0xFFFFFFFF  }
0xab: {  	s26 =	simm.s32 $execute0_lowered;
	[smem:$0x3FD2] =	sst s25  }
0xac: {  	s10 =	sshll.u32 s26, $0x1;
	_ =	strace $0x80000046;
	[dreg:$0x1] =	wrdreg $0xFFFFFFFF  }
0xad: {  	s28 =	simm.s32 $_size_execute0_lowered;
	s9 =	sadd.s32 s9, s10;
	[dreg:$0x0] =	wrdreg $0x0  }
0xae: {  	s10 =	sshll.u32 s28, $0x1;
	[dreg:$0x2] =	wrdreg s9  }
0xaf: {  	[dreg:$0x3] =	wrdreg s10  }
0xb0: {  	[dreg:$0x4] =	wrdreg $0xC0  }
0xb1: {  	_ =	task [dreg:s13], $0x5FFFF  }
0xb2: {  	[dreg:$0x1] =	wrdreg $0xFFFFFFFF  }
0xb3: {  	[dreg:$0x0] =	wrdreg $0x60  }
0xb4: {  	[dreg:$0x2] =	wrdreg s2  }
0xb5: {  	[dreg:$0x3] =	wrdreg s19  }
0xb6: {  	[dreg:$0x4] =	wrdreg s4  }
0xb7: {  	[dreg:$0x5] =	wrdreg s5  }
0xb8: {  	[dreg:$0x6] =	wrdreg s6  }
0xb9: {  	[dreg:$0x7] =	wrdreg s7  }
0xba: {  	[dreg:$0x8] =	wrdreg s8  }
0xbb: {  	[dreg:$0x9] =	wrdreg $0x9  }
0xbc: {  	_ =	task.clear_ibuf [dreg:s13], $0xAFFFF;
	_ =	strace $0x90000046  }
0xbd: {  	s29 =	simm.s32 $0x9;
	_ =	strace $0x80000048  }
0xbe: {  	_ =	swait.ge [sflag:s29], $0x1  }
0xbf: {  	[sflag:s29] =	ssyncadd.s32 $0xFFFFFFFF  }
0xc0: {  	_ =	strace $0x90000048  }
0xc1: {  	_ =	sfence  }
0xc2: {  	s30 =	sld [smem:$0x0];
	_ =	sdelay $0x2  }
0xc3: {  	s31 =	sshll.u32 s1, $0xD;
	s1 =	sshrl.u32 s1, $0x2  }
0xc4: {  	s3 =	sand.u32 $0x4000, s31;
	s1 =	sadd.s32 s1, s30  }
0xc5: {  	s0 =	sor.u32 s3, s0;
	s1 =	sshll.u32 s1, $0x11  }
0xc6: {  	s0 =	sor.u32 s1, s0  }
0xc7: {  	s0 =	sadd.s32 $0x8F2B, s0  }
0xc8: {  	[sflag:s0] =	ssyncadd.remote.s32 $0x1  }
0xc9: {  	_ =	sfence.sel $0xFFFF  }
0xca: {  	[dreg:$0x0] =	wrdreg $0xFFFFFFFF;
	(pc) =	sbr.abs _section_cstart, $3  }
0xcb: {  	[dreg:$0x1] =	wrdreg $0xFFFFFFFF  }
0xcc: {  	_ =	task.clear_ibuf [dreg:s13], $0x2FFFF;
	_ =	strace $0x9FFFFFFF  }
0xcd: {  	(tm) =	ssettm $0x7FFFFFFF  }
tec
execute0_lowered:
.L_overlay_start_1:
0x0: {  	(tag) =	ssettag $0x1  }
0x1: {  	s0 =	rddreg [dreg:$0x0]  }
0x2: {  	s2 =	rddreg [dreg:$0x1];
	s6 =	srdreg.scid  }
0x3: {  	s3 =	rddreg [dreg:$0x2];
	s5 =	stileid.u32;
	s6 =	sand.u32 $0x1, s6  }
0x4: {  	s8 =	sshll.u32 s5, $0xD;
	s7 =	ssub.s32 $0x2, s6;
	s6 =	sshll.u32 s6, $0xC  }
0x5: {  	s1 =	rddreg [dreg:$0x3];
	s30 =	simm.s32 $0x0;
	s6 =	sor.u32 s6, s8  }
0x6: {  	[smem:$0x7FF] =	sst s30;
	s8 =	sshrl.u32 s6, $0x3  }
0x7: {  	s4 =	rddreg [dreg:$0x6];
	_ =	strace $0x80000047;
	s0 =	sadd.s32 s0, s8  }
0x8: {  	s9 =	sshrl.u32 s7, $0x1;
	s25 =	sadd.s32 s2, s8;
	[dreg:$0x8] =	wrdreg s0  }
0x9: {  	s7 =	ssub.s32 s7, s9;
	s28 =	sadd.s32 s3, s8;
	[dreg:$0x9] =	wrdreg s25  }
0xa: {  	v2 =	vlaneseq.u32;
	s26 =	sshll.u32 s6, $0x6;
	s29 =	smax.u32 s7, $0x1;
	[dreg:$0xa] =	wrdreg s28  }
0xb: {  	vm0 =	vmmov $0xffff;
	v1 =	vshrl.u32 v2, $0x3;
	s31 =	sadd.s32 s4, s26;
	[dreg:$0xc] =	wrdreg s29  }
0xc: {  	v0 =	vand.u32 $0x7, v2;
	v2 =	vor.u32 $0x8, v2;
	v1 =	vmul.u32 $0x8, v1;
	s9 =	sadd.s32 $0x100, s1;
	s2 =	simm.s32 $0x0;
	[dreg:$0xb] =	wrdreg s31  }
.LBB2_1:
0xd: {  	[dreg:$0xd] =	wrdreg s2  }
0xe: {  	s0 =	rddreg [dreg:$0x8]  }
0xf: {  	s16 =	rddreg [dreg:$0x9]  }
0x10: {  	s1 =	simm.s32 $0x1000;
	s17 =	rddreg [dreg:$0xa]  }
0x11: {  	[tilespmem:s30], [sflag:$0x9] =	stream.linear.gather [hbm4b:s0+s30], $0x1000, $0x38;
	[tilespmem:$0x1F080] =	vst v63  }
0x12: {  	s18 =	simm.s32 $0x2080;
	s19 =	rddreg [dreg:$0x4];
	s25 =	simm.s32 $0x1  }
0x13: {  	[tilespmem:s1], [sflag:$0x9] =	stream.linear.gather [hbm4b:s16+s30], $0x1000, $0x38;
	[tilespmem:$0x1F080] =	vst v63  }
0x14: {  	s20 =	simm.s32 $0x13080;
	s24 =	simm.s32 $0xFFFFFFFE;
	s2 =	smulhi.u32 $0xCCCCCCCD, s25  }
0x15: {  	[tilespmem:s18], [sflag:$0x9] =	stream.linear.gather [hbm4b:s17+s30], $0x1000, $0x38;
	[tilespmem:$0x1F080] =	vst v63  }
0x16: {  	s21 =	simm.s32 $0xA;
	s3 =	smul.u32 $0xCD, s24;
	s26 =	sshrl.u32 s2, $0x2  }
0x17: {  	[tilespmem:s20], [sflag:$0xA] =	stream.linear.gather [hbm4b:s19+s30], $0x2000, $0x38;
	[tilespmem:$0x1F080] =	vst v63  }
0x18: {  	s23 =	simm.s32 $0x15080;
	s2 =	smul.u32 $0x280, s26;
	_ =	swait.ge [sflag:s21], $0x2000  }
0x19: {  	s4 =	sadd.s32 $0x267, s3;
	s0 =	smul.u32 $0xA00, s26;
	[sflag:s21] =	ssyncset.done $0x0  }
0x1a: {  	s6 =	sshrl.u32 s4, $0x1;
	s4 =	sshrl.u32 s4, $0x3;
	[sflag:s21] =	ssyncadd.s32 $0xFFFFE000  }
0x1b: {  	s6 =	sand.u32 $0x1000, s6;
	s4 =	sand.u32 $0x380, s4;
	s22 =	rddreg [dreg:$0x5]  }
0x1c: {  	[tilespmem:s23], [sflag:$0xA] =	stream.linear.gather [hbm4b:s22+s30], $0x1000, $0x38;
	[tilespmem:$0x1F080] =	vst v63  }
0x1d: {  	s2 =	ssub.s32 $0x0, s2;
	s0 =	ssub.s32 $0x200, s0;
	_ =	swait.ge [sflag:s21], $0x1000  }
0x1e: {  	s4 =	sor.u32 s4, s6;
	s2 =	sadd.s32 $0x80, s2;
	[sflag:s21] =	ssyncset.done $0x0  }
0x1f: {  	s0 =	sand.u32 $0xFFFFF000, s0;
	s2 =	sand.u32 $0x380, s2;
	[sflag:s21] =	ssyncadd.s32 $0xFFFFF000  }
0x20: {  	s5 =	sor.u32 s2, s0;
	v3 =	vld [tilespmem:s4+$0x13080]  }
0x21: {  	v4 =	vld [tilespmem:s5+$0x15080];
	_ =	sdelay $0x2  }
0x22: {  	s7 =	simm.s32 $0x0  }
0x23: {  	s8 =	simm.s32 $0x80;
	s0 =	sand.u32 $0x7000, s7  }
0x24: {  	s10 =	sand.u32 $0x380, s8;
	s7 =	sadd.s32 $0x16080, s0;
	v3 =	vadd.f32 v4, v3  }
0x25: {  	s2 =	sadd.s32 s10, s7  }
0x26: {  	s8 =	smulhi.u32 $0xCCCCCCCD, s30;
	s0 =	sadd.s32 $0x13080, s4;
	[tilespmem:s2+$0x0] =	vst v3  }
0x27: {  	s18 =	sadd.s32 $0x15080, s5;
	v3 =	vld [tilespmem:s0+$0x10]  }
0x28: {  	s11 =	sshrl.u32 s8, $0x2;
	v4 =	vld [tilespmem:s18+$0x10]  }
0x29: {  	s3 =	sadd.s32 $0x19A, s3;
	s12 =	smul.u32 $0xA00, s11  }
0x2a: {  	s13 =	sshrl.u32 s3, $0x1;
	s4 =	smul.u32 $0x280, s11  }
0x2b: {  	s3 =	sshrl.u32 s3, $0x3;
	s14 =	sand.u32 $0x1000, s13  }
0x2c: {  	s3 =	sand.u32 $0x380, s3;
	s6 =	ssub.s32 $0x0, s12;
	s4 =	ssub.s32 $0x0, s4  }
0x2d: {  	s3 =	sor.u32 s3, s14;
	s6 =	sand.u32 $0xFFFFF000, s6;
	s4 =	sand.u32 $0x380, s4;
	v3 =	vadd.f32 v4, v3  }
0x2e: {  	v5 =	vld [tilespmem:s3+$0x13080];
	s4 =	sor.u32 s4, s6  }
0x2f: {  	v4 =	vld [tilespmem:s4+$0x15080];
	[tilespmem:s2+$0x10] =	vst v3  }
0x30: {  	v3 =	vld [tilespmem:s0+$0x20]  }
0x31: {  	v6 =	vld [tilespmem:s18+$0x20];
	_ =	sdelay $0x1  }
0x32: {  	s15 =	simm.s32 $0x0  }
0x33: {  	s6 =	sand.u32 $0x300, s15;
	v4 =	vadd.f32 v4, v5  }
0x34: {  	s15 =	sor.u32 s6, s7  }
0x35: {  	s29 =	sadd.s32 $0x13080, s3;
	[tilespmem:s15+$0x0] =	vst v4;
	v3 =	vadd.f32 v6, v3  }
0x36: {  	s7 =	sadd.s32 $0x15080, s4;
	v4 =	vld [tilespmem:s29+$0x10]  }
0x37: {  	v5 =	vld [tilespmem:s7+$0x10];
	[tilespmem:s2+$0x20] =	vst v3  }
0x38: {  	v3 =	vld [tilespmem:s0+$0x30]  }
0x39: {  	v6 =	vld [tilespmem:s18+$0x30];
	_ =	sdelay $0x2  }
0x3a: {  	v4 =	vadd.f32 v5, v4;
	_ =	sdelay $0x1  }
0x3b: {  	[tilespmem:s15+$0x10] =	vst v4;
	v3 =	vadd.f32 v6, v3  }
0x3c: {  	v4 =	vld [tilespmem:s29+$0x20]  }
0x3d: {  	v5 =	vld [tilespmem:s7+$0x20];
	[tilespmem:s2+$0x30] =	vst v3  }
0x3e: {  	v3 =	vld [tilespmem:s0+$0x40]  }
0x3f: {  	v6 =	vld [tilespmem:s18+$0x40];
	_ =	sdelay $0x2  }
0x40: {  	v4 =	vadd.f32 v5, v4;
	_ =	sdelay $0x1  }
0x41: {  	[tilespmem:s15+$0x20] =	vst v4;
	v3 =	vadd.f32 v6, v3  }
0x42: {  	v4 =	vld [tilespmem:s29+$0x30]  }
0x43: {  	v5 =	vld [tilespmem:s7+$0x30];
	[tilespmem:s2+$0x40] =	vst v3  }
0x44: {  	v3 =	vld [tilespmem:s0+$0x50]  }
0x45: {  	v6 =	vld [tilespmem:s18+$0x50];
	_ =	sdelay $0x2  }
0x46: {  	v4 =	vadd.f32 v5, v4;
	_ =	sdelay $0x1  }
0x47: {  	[tilespmem:s15+$0x30] =	vst v4;
	v3 =	vadd.f32 v6, v3  }
0x48: {  	v4 =	vld [tilespmem:s29+$0x40]  }
0x49: {  	v5 =	vld [tilespmem:s7+$0x40];
	[tilespmem:s2+$0x50] =	vst v3  }
0x4a: {  	v3 =	vld [tilespmem:s0+$0x60]  }
0x4b: {  	v6 =	vld [tilespmem:s18+$0x60];
	_ =	sdelay $0x2  }
0x4c: {  	v4 =	vadd.f32 v5, v4;
	_ =	sdelay $0x1  }
0x4d: {  	[tilespmem:s15+$0x40] =	vst v4;
	v3 =	vadd.f32 v6, v3  }
0x4e: {  	v4 =	vld [tilespmem:s29+$0x50]  }
0x4f: {  	v5 =	vld [tilespmem:s7+$0x50];
	[tilespmem:s2+$0x60] =	vst v3  }
0x50: {  	v3 =	vld [tilespmem:s0+$0x70]  }
0x51: {  	v6 =	vld [tilespmem:s18+$0x70];
	_ =	sdelay $0x2  }
0x52: {  	v4 =	vadd.f32 v5, v4;
	_ =	sdelay $0x1  }
0x53: {  	[tilespmem:s15+$0x50] =	vst v4;
	v3 =	vadd.f32 v6, v3  }
0x54: {  	v4 =	vld [tilespmem:s29+$0x60]  }
0x55: {  	v5 =	vld [tilespmem:s7+$0x60];
	[tilespmem:s2+$0x70] =	vst v3  }
0x56: {  	v3 =	vld [tilespmem:s0+$0x400]  }
0x57: {  	v6 =	vld [tilespmem:s18+$0x400];
	_ =	sdelay $0x2  }
0x58: {  	v4 =	vadd.f32 v5, v4;
	_ =	sdelay $0x1  }
0x59: {  	[tilespmem:s15+$0x60] =	vst v4;
	v3 =	vadd.f32 v6, v3  }
0x5a: {  	v4 =	vld [tilespmem:s29+$0x70]  }
0x5b: {  	v5 =	vld [tilespmem:s7+$0x70];
	[tilespmem:s2+$0x400] =	vst v3  }
0x5c: {  	v3 =	vld [tilespmem:s0+$0x410]  }
0x5d: {  	v6 =	vld [tilespmem:s18+$0x410];
	_ =	sdelay $0x2  }
0x5e: {  	v4 =	vadd.f32 v5, v4;
	_ =	sdelay $0x1  }
0x5f: {  	[tilespmem:s15+$0x70] =	vst v4;
	v3 =	vadd.f32 v6, v3  }
0x60: {  	v4 =	vld [tilespmem:s29+$0x400]  }
0x61: {  	v5 =	vld [tilespmem:s7+$0x400];
	[tilespmem:s2+$0x410] =	vst v3  }
0x62: {  	v3 =	vld [tilespmem:s0+$0x420]  }
0x63: {  	v6 =	vld [tilespmem:s18+$0x420];
	_ =	sdelay $0x2  }
0x64: {  	v4 =	vadd.f32 v5, v4;
	_ =	sdelay $0x1  }
0x65: {  	[tilespmem:s15+$0x400] =	vst v4;
	v3 =	vadd.f32 v6, v3  }
0x66: {  	v4 =	vld [tilespmem:s29+$0x410]  }
0x67: {  	v5 =	vld [tilespmem:s7+$0x410];
	[tilespmem:s2+$0x420] =	vst v3  }
0x68: {  	v3 =	vld [tilespmem:s0+$0x430]  }
0x69: {  	v6 =	vld [tilespmem:s18+$0x430];
	_ =	sdelay $0x2  }
0x6a: {  	v4 =	vadd.f32 v5, v4;
	_ =	sdelay $0x1  }
0x6b: {  	[tilespmem:s15+$0x410] =	vst v4;
	v3 =	vadd.f32 v6, v3  }
0x6c: {  	v4 =	vld [tilespmem:s29+$0x420]  }
0x6d: {  	v5 =	vld [tilespmem:s7+$0x420];
	[tilespmem:s2+$0x430] =	vst v3  }
0x6e: {  	v3 =	vld [tilespmem:s0+$0x440]  }
0x6f: {  	v6 =	vld [tilespmem:s18+$0x440];
	_ =	sdelay $0x2  }
0x70: {  	v4 =	vadd.f32 v5, v4;
	_ =	sdelay $0x1  }
0x71: {  	[tilespmem:s15+$0x420] =	vst v4;
	v3 =	vadd.f32 v6, v3  }
0x72: {  	v4 =	vld [tilespmem:s29+$0x430]  }
0x73: {  	v5 =	vld [tilespmem:s7+$0x430];
	[tilespmem:s2+$0x440] =	vst v3  }
0x74: {  	v3 =	vld [tilespmem:s0+$0x450]  }
0x75: {  	s20 =	simm.s32 $0x0;
	v6 =	vld [tilespmem:s18+$0x450]  }
0x76: {  	s19 =	simm.s32 $0x3;
	s8 =	smul.u32 $0xCD, s20  }
0x77: {  	s14 =	simm.s32 $0x2;
	s6 =	smulhi.u32 $0xCCCCCCCD, s19  }
0x78: {  	s16 =	smulhi.u32 $0xCCCCCCCD, s14;
	s12 =	sadd.s32 $0x267, s8;
	v4 =	vadd.f32 v5, v4  }
0x79: {  	s8 =	sadd.s32 $0x19A, s8;
	s13 =	sshrl.u32 s12, $0x1;
	s6 =	sshrl.u32 s6, $0x2  }
0x7a: {  	s12 =	sshrl.u32 s12, $0x3;
	s13 =	sand.u32 $0x1000, s13;
	s11 =	smul.u32 $0x280, s6;
	[tilespmem:s15+$0x430] =	vst v4;
	v3 =	vadd.f32 v6, v3  }
0x7b: {  	s12 =	sand.u32 $0x380, s12;
	s3 =	sshrl.u32 s16, $0x2;
	s6 =	smul.u32 $0xA00, s6;
	v4 =	vld [tilespmem:s29+$0x440]  }
0x7c: {  	s12 =	sor.u32 s12, s13;
	s17 =	smul.u32 $0x280, s3;
	s11 =	ssub.s32 $0x100, s11;
	v5 =	vld [tilespmem:s7+$0x440];
	[tilespmem:s2+$0x450] =	vst v3  }
0x7d: {  	s3 =	smul.u32 $0xA00, s3;
	s6 =	ssub.s32 $0x600, s6;
	s11 =	sadd.s32 $0x80, s11;
	v3 =	vld [tilespmem:s0+$0x460]  }
0x7e: {  	s21 =	sshrl.u32 s8, $0x1;
	s6 =	sand.u32 $0xFFFFF000, s6;
	s11 =	sand.u32 $0x380, s11;
	v6 =	vld [tilespmem:s18+$0x460]  }
0x7f: {  	v7 =	vld [tilespmem:s12+$0x13080];
	s3 =	ssub.s32 $0x400, s3;
	s4 =	ssub.s32 $0x100, s17;
	s6 =	sor.u32 s11, s6  }
0x80: {  	s8 =	sshrl.u32 s8, $0x3;
	s3 =	sand.u32 $0xFFFFF000, s3;
	s4 =	sand.u32 $0x380, s4;
	v8 =	vld [tilespmem:s6+$0x15080]  }
0x81: {  	s22 =	sand.u32 $0x1000, s21;
	s23 =	sand.u32 $0x380, s8;
	s16 =	sor.u32 s4, s3;
	v4 =	vadd.f32 v5, v4  }
0x82: {  	s24 =	sor.u32 s23, s22;
	v5 =	vld [tilespmem:s16+$0x15080]  }
0x83: {  	s25 =	simm.s32 $0x400;
	[tilespmem:s15+$0x440] =	vst v4;
	v4 =	vld [tilespmem:s24+$0x13080];
	v3 =	vadd.f32 v6, v3  }
0x84: {  	s26 =	simm.s32 $0x180;
	s3 =	sand.u32 $0x7000, s25;
	v6 =	vld [tilespmem:s29+$0x450]  }
0x85: {  	s4 =	sand.u32 $0x380, s26;
	s3 =	sadd.s32 $0x16080, s3;
	v7 =	vadd.f32 v8, v7;
	v9 =	vld [tilespmem:s7+$0x450];
	[tilespmem:s2+$0x460] =	vst v3  }
0x86: {  	s4 =	sadd.s32 s4, s3;
	v3 =	vld [tilespmem:s0+$0x470]  }
0x87: {  	s1 =	simm.s32 $0x100;
	s11 =	sadd.s32 $0x15080, s6;
	[tilespmem:s4+$0x0] =	vst v7;
	v7 =	vld [tilespmem:s18+$0x470]  }
0x88: {  	s8 =	sadd.s32 $0x13080, s12;
	s5 =	sand.u32 $0x300, s1;
	v8 =	vld [tilespmem:s11+$0x10];
	v4 =	vadd.f32 v5, v4  }
0x89: {  	s3 =	sor.u32 s5, s3;
	v5 =	vld [tilespmem:s8+$0x10]  }
0x8a: {  	s13 =	sadd.s32 $0x13080, s24;
	v6 =	vadd.f32 v9, v6;
	[tilespmem:s3+$0x0] =	vst v4  }
0x8b: {  	s12 =	sadd.s32 $0x15080, s16;
	v4 =	vld [tilespmem:s13+$0x10]  }
0x8c: {  	[tilespmem:s15+$0x450] =	vst v6;
	v6 =	vld [tilespmem:s12+$0x10];
	v3 =	vadd.f32 v7, v3  }
0x8d: {  	v7 =	vld [tilespmem:s29+$0x460]  }
0x8e: {  	v9 =	vld [tilespmem:s7+$0x460];
	v5 =	vadd.f32 v8, v5;
	[tilespmem:s2+$0x470] =	vst v3  }
0x8f: {  	v3 =	vld [tilespmem:s0+$0x800]  }
0x90: {  	[tilespmem:s4+$0x10] =	vst v5;
	v5 =	vld [tilespmem:s18+$0x800]  }
0x91: {  	v4 =	vadd.f32 v6, v4;
	v6 =	vld [tilespmem:s8+$0x20]  }
0x92: {  	v8 =	vld [tilespmem:s11+$0x20]  }
0x93: {  	v7 =	vadd.f32 v9, v7;
	[tilespmem:s3+$0x10] =	vst v4  }
0x94: {  	v4 =	vld [tilespmem:s13+$0x20]  }
0x95: {  	[tilespmem:s15+$0x460] =	vst v7;
	v7 =	vld [tilespmem:s12+$0x20];
	v3 =	vadd.f32 v5, v3  }
0x96: {  	v5 =	vld [tilespmem:s29+$0x470]  }
0x97: {  	v9 =	vld [tilespmem:s7+$0x470];
	v6 =	vadd.f32 v8, v6;
	[tilespmem:s2+$0x800] =	vst v3  }
0x98: {  	v3 =	vld [tilespmem:s0+$0x810]  }
0x99: {  	[tilespmem:s4+$0x20] =	vst v6;
	v6 =	vld [tilespmem:s18+$0x810]  }
0x9a: {  	v4 =	vadd.f32 v7, v4;
	v7 =	vld [tilespmem:s8+$0x30]  }
0x9b: {  	v8 =	vld [tilespmem:s11+$0x30]  }
0x9c: {  	v5 =	vadd.f32 v9, v5;
	[tilespmem:s3+$0x20] =	vst v4  }
0x9d: {  	v4 =	vld [tilespmem:s13+$0x30]  }
0x9e: {  	[tilespmem:s15+$0x470] =	vst v5;
	v5 =	vld [tilespmem:s12+$0x30];
	v3 =	vadd.f32 v6, v3  }
0x9f: {  	v6 =	vld [tilespmem:s29+$0x800]  }
0xa0: {  	v9 =	vld [tilespmem:s7+$0x800];
	v7 =	vadd.f32 v8, v7;
	[tilespmem:s2+$0x810] =	vst v3  }
0xa1: {  	v3 =	vld [tilespmem:s0+$0x820]  }
0xa2: {  	[tilespmem:s4+$0x30] =	vst v7;
	v7 =	vld [tilespmem:s18+$0x820]  }
0xa3: {  	v4 =	vadd.f32 v5, v4;
	v5 =	vld [tilespmem:s8+$0x40]  }
0xa4: {  	v8 =	vld [tilespmem:s11+$0x40]  }
0xa5: {  	v6 =	vadd.f32 v9, v6;
	[tilespmem:s3+$0x30] =	vst v4  }
0xa6: {  	v4 =	vld [tilespmem:s13+$0x40]  }
0xa7: {  	[tilespmem:s15+$0x800] =	vst v6;
	v6 =	vld [tilespmem:s12+$0x40];
	v3 =	vadd.f32 v7, v3  }
0xa8: {  	v7 =	vld [tilespmem:s29+$0x810]  }
0xa9: {  	v5 =	vadd.f32 v8, v5;
	v8 =	vld [tilespmem:s7+$0x810];
	[tilespmem:s2+$0x820] =	vst v3  }
0xaa: {  	v3 =	vld [tilespmem:s0+$0x830]  }
0xab: {  	[tilespmem:s4+$0x40] =	vst v5;
	v5 =	vld [tilespmem:s18+$0x830]  }
0xac: {  	v4 =	vadd.f32 v6, v4;
	v6 =	vld [tilespmem:s8+$0x50]  }
0xad: {  	v9 =	vld [tilespmem:s11+$0x50]  }
0xae: {  	[tilespmem:s3+$0x40] =	vst v4;
	v4 =	vadd.f32 v8, v7  }
0xaf: {  	v7 =	vld [tilespmem:s13+$0x50]  }
0xb0: {  	v8 =	vld [tilespmem:s12+$0x50];
	[tilespmem:s15+$0x810] =	vst v4;
	v3 =	vadd.f32 v5, v3  }
0xb1: {  	v4 =	vld [tilespmem:s29+$0x820]  }
0xb2: {  	v5 =	vadd.f32 v9, v6;
	v6 =	vld [tilespmem:s7+$0x820];
	[tilespmem:s2+$0x830] =	vst v3  }
0xb3: {  	v3 =	vld [tilespmem:s0+$0x840]  }
0xb4: {  	[tilespmem:s4+$0x50] =	vst v5;
	v5 =	vld [tilespmem:s18+$0x840]  }
0xb5: {  	v7 =	vadd.f32 v8, v7;
	v8 =	vld [tilespmem:s8+$0x60]  }
0xb6: {  	v9 =	vld [tilespmem:s11+$0x60]  }
0xb7: {  	[tilespmem:s3+$0x50] =	vst v7;
	v4 =	vadd.f32 v6, v4  }
0xb8: {  	v6 =	vld [tilespmem:s13+$0x60]  }
0xb9: {  	v7 =	vld [tilespmem:s12+$0x60];
	[tilespmem:s15+$0x820] =	vst v4;
	v3 =	vadd.f32 v5, v3  }
0xba: {  	v4 =	vld [tilespmem:s29+$0x830]  }
0xbb: {  	v5 =	vadd.f32 v9, v8;
	v8 =	vld [tilespmem:s7+$0x830];
	[tilespmem:s2+$0x840] =	vst v3  }
0xbc: {  	v3 =	vld [tilespmem:s0+$0x850]  }
0xbd: {  	[tilespmem:s4+$0x60] =	vst v5;
	v5 =	vld [tilespmem:s18+$0x850]  }
0xbe: {  	v6 =	vadd.f32 v7, v6;
	v7 =	vld [tilespmem:s8+$0x70]  }
0xbf: {  	v9 =	vld [tilespmem:s11+$0x70]  }
0xc0: {  	[tilespmem:s3+$0x60] =	vst v6;
	v4 =	vadd.f32 v8, v4  }
0xc1: {  	v6 =	vld [tilespmem:s13+$0x70]  }
0xc2: {  	v8 =	vld [tilespmem:s12+$0x70];
	[tilespmem:s15+$0x830] =	vst v4;
	v3 =	vadd.f32 v5, v3  }
0xc3: {  	v4 =	vld [tilespmem:s29+$0x840]  }
0xc4: {  	v5 =	vadd.f32 v9, v7;
	v7 =	vld [tilespmem:s7+$0x840];
	[tilespmem:s2+$0x850] =	vst v3  }
0xc5: {  	v3 =	vld [tilespmem:s0+$0x860]  }
0xc6: {  	[tilespmem:s4+$0x70] =	vst v5;
	v5 =	vld [tilespmem:s18+$0x860]  }
0xc7: {  	v6 =	vadd.f32 v8, v6;
	v8 =	vld [tilespmem:s8+$0x400]  }
0xc8: {  	v9 =	vld [tilespmem:s11+$0x400]  }
0xc9: {  	[tilespmem:s3+$0x70] =	vst v6;
	v4 =	vadd.f32 v7, v4  }
0xca: {  	v6 =	vld [tilespmem:s13+$0x400]  }
0xcb: {  	v7 =	vld [tilespmem:s12+$0x400];
	[tilespmem:s15+$0x840] =	vst v4;
	v3 =	vadd.f32 v5, v3  }
0xcc: {  	v4 =	vld [tilespmem:s29+$0x850]  }
0xcd: {  	v5 =	vadd.f32 v9, v8;
	v8 =	vld [tilespmem:s7+$0x850];
	[tilespmem:s2+$0x860] =	vst v3  }
0xce: {  	v3 =	vld [tilespmem:s0+$0x870]  }
0xcf: {  	[tilespmem:s4+$0x400] =	vst v5;
	v5 =	vld [tilespmem:s18+$0x870]  }
0xd0: {  	v6 =	vadd.f32 v7, v6;
	v7 =	vld [tilespmem:s8+$0x410]  }
0xd1: {  	v9 =	vld [tilespmem:s11+$0x410]  }
0xd2: {  	[tilespmem:s3+$0x400] =	vst v6;
	v4 =	vadd.f32 v8, v4  }
0xd3: {  	v6 =	vld [tilespmem:s13+$0x410]  }
0xd4: {  	v8 =	vld [tilespmem:s12+$0x410];
	[tilespmem:s15+$0x850] =	vst v4;
	v3 =	vadd.f32 v5, v3  }
0xd5: {  	v4 =	vld [tilespmem:s29+$0x860]  }
0xd6: {  	v5 =	vadd.f32 v9, v7;
	v7 =	vld [tilespmem:s7+$0x860];
	[tilespmem:s2+$0x870] =	vst v3  }
0xd7: {  	v3 =	vld [tilespmem:s0+$0xC00]  }
0xd8: {  	[tilespmem:s4+$0x410] =	vst v5;
	v5 =	vld [tilespmem:s18+$0xC00]  }
0xd9: {  	v6 =	vadd.f32 v8, v6;
	v8 =	vld [tilespmem:s8+$0x420]  }
0xda: {  	v9 =	vld [tilespmem:s11+$0x420]  }
0xdb: {  	s10 =	sand.u32 $0x7, s30;
	[tilespmem:s3+$0x410] =	vst v6;
	v4 =	vadd.f32 v7, v4  }
0xdc: {  	s2 =	sshll.u32 s10, $0x7;
	v6 =	vld [tilespmem:s13+$0x420]  }
0xdd: {  	s2 =	sadd.s32 $0x80, s2;
	v7 =	vld [tilespmem:s12+$0x420];
	[tilespmem:s15+$0x860] =	vst v4;
	v3 =	vadd.f32 v5, v3  }
0xde: {  	s16 =	sor.u32 $0xC00, s2;
	v4 =	vld [tilespmem:s29+$0x870]  }
0xdf: {  	v5 =	vadd.f32 v9, v8;
	v8 =	vld [tilespmem:s7+$0x870];
	[tilespmem:s16+$0x16080] =	vst v3  }
0xe0: {  	v3 =	vld [tilespmem:s0+$0xC10]  }
0xe1: {  	[tilespmem:s4+$0x420] =	vst v5;
	v5 =	vld [tilespmem:s18+$0xC10]  }
0xe2: {  	v6 =	vadd.f32 v7, v6;
	v7 =	vld [tilespmem:s8+$0x430]  }
0xe3: {  	v9 =	vld [tilespmem:s11+$0x430]  }
0xe4: {  	[tilespmem:s3+$0x420] =	vst v6;
	v4 =	vadd.f32 v8, v4  }
0xe5: {  	v6 =	vld [tilespmem:s13+$0x430]  }
0xe6: {  	v8 =	vld [tilespmem:s12+$0x430];
	[tilespmem:s15+$0x870] =	vst v4;
	v3 =	vadd.f32 v5, v3  }
0xe7: {  	s17 =	sor.u32 $0xC10, s2;
	v4 =	vld [tilespmem:s29+$0xC00]  }
0xe8: {  	v5 =	vadd.f32 v9, v7;
	v7 =	vld [tilespmem:s7+$0xC00];
	[tilespmem:s17+$0x16080] =	vst v3  }
0xe9: {  	v3 =	vld [tilespmem:s0+$0xC20]  }
0xea: {  	[tilespmem:s4+$0x430] =	vst v5;
	v5 =	vld [tilespmem:s18+$0xC20]  }
0xeb: {  	s19 =	sand.u32 $0x3, s30;
	v6 =	vadd.f32 v8, v6;
	v8 =	vld [tilespmem:s8+$0x440]  }
0xec: {  	s20 =	simm.s32 $0x4;
	s6 =	sshll.u32 s19, $0x8;
	v9 =	vld [tilespmem:s11+$0x440]  }
0xed: {  	s21 =	smulhi.u32 $0xCCCCCCCD, s20;
	s15 =	sadd.s32 $0x0, s6;
	[tilespmem:s3+$0x430] =	vst v6;
	v4 =	vadd.f32 v7, v4  }
0xee: {  	s6 =	sor.u32 $0xC00, s15;
	v6 =	vld [tilespmem:s13+$0x440]  }
0xef: {  	s16 =	sshrl.u32 s21, $0x2;
	v7 =	vld [tilespmem:s12+$0x440];
	[tilespmem:s6+$0x16080] =	vst v4;
	v3 =	vadd.f32 v5, v3  }
0xf0: {  	s22 =	smul.u32 $0x280, s16;
	s17 =	sor.u32 $0xC20, s2;
	v4 =	vld [tilespmem:s29+$0xC10]  }
0xf1: {  	s16 =	smul.u32 $0xA00, s16;
	v5 =	vadd.f32 v9, v8;
	v8 =	vld [tilespmem:s7+$0xC10];
	[tilespmem:s17+$0x16080] =	vst v3  }
0xf2: {  	v3 =	vld [tilespmem:s0+$0xC30]  }
0xf3: {  	s16 =	ssub.s32 $0x800, s16;
	s6 =	ssub.s32 $0x200, s22;
	[tilespmem:s4+$0x440] =	vst v5;
	v5 =	vld [tilespmem:s18+$0xC30]  }
0xf4: {  	s16 =	sand.u32 $0xFFFFF000, s16;
	s6 =	sand.u32 $0x380, s6;
	v6 =	vadd.f32 v7, v6;
	v7 =	vld [tilespmem:s8+$0x450]  }
0xf5: {  	s25 =	simm.s32 $0x5;
	s6 =	sor.u32 s6, s16;
	v9 =	vld [tilespmem:s11+$0x450]  }
0xf6: {  	s24 =	smulhi.u32 $0xCCCCCCCD, s25;
	v10 =	vld [tilespmem:s6+$0x15080];
	[tilespmem:s3+$0x440] =	vst v6;
	v4 =	vadd.f32 v8, v4  }
0xf7: {  	s23 =	simm.s32 $0x2;
	s19 =	sor.u32 $0xC10, s15;
	v6 =	vld [tilespmem:s13+$0x450]  }
0xf8: {  	s16 =	smul.u32 $0xCD, s23;
	s17 =	sshrl.u32 s24, $0x2;
	v8 =	vld [tilespmem:s12+$0x450];
	[tilespmem:s19+$0x16080] =	vst v4;
	v3 =	vadd.f32 v5, v3  }
0xf9: {  	s26 =	sor.u32 $0xC30, s2;
	s20 =	smul.u32 $0x280, s17;
	v4 =	vld [tilespmem:s29+$0xC20]  }
0xfa: {  	s17 =	smul.u32 $0xA00, s17;
	s21 =	sadd.s32 $0x267, s16;
	v5 =	vadd.f32 v9, v7;
	v7 =	vld [tilespmem:s7+$0xC20];
	[tilespmem:s26+$0x16080] =	vst v3  }
0xfb: {  	s1 =	sshrl.u32 s21, $0x1;
	v3 =	vld [tilespmem:s0+$0xC40]  }
0xfc: {  	s21 =	sshrl.u32 s21, $0x3;
	s20 =	ssub.s32 $0x200, s20;
	s17 =	ssub.s32 $0xA00, s17;
	[tilespmem:s4+$0x450] =	vst v5;
	v5 =	vld [tilespmem:s18+$0xC40]  }
0xfd: {  	s21 =	sand.u32 $0x380, s21;
	s20 =	sadd.s32 $0x80, s20;
	s19 =	sand.u32 $0x1000, s1;
	v9 =	vld [tilespmem:s8+$0x460]  }
0xfe: {  	s17 =	sand.u32 $0xFFFFF000, s17;
	s20 =	sand.u32 $0x380, s20;
	s19 =	sor.u32 s21, s19;
	v6 =	vadd.f32 v8, v6;
	v8 =	vld [tilespmem:s11+$0x460]  }
0xff: {  	s16 =	sadd.s32 $0x19A, s16;
	s5 =	sor.u32 s20, s17;
	v11 =	vld [tilespmem:s19+$0x13080]  }
0x100: {  	s10 =	sshrl.u32 s16, $0x1;
	s16 =	sshrl.u32 s16, $0x3;
	[tilespmem:s3+$0x450] =	vst v6;
	v6 =	vld [tilespmem:s5+$0x15080]  }
0x101: {  	s16 =	sand.u32 $0x380, s16;
	s17 =	sand.u32 $0x1000, s10;
	v12 =	vld [tilespmem:s13+$0x460];
	v3 =	vadd.f32 v5, v3  }
0x102: {  	s22 =	sor.u32 s16, s17;
	s17 =	sor.u32 $0xC40, s2;
	v5 =	vld [tilespmem:s12+$0x460]  }
0x103: {  	s20 =	simm.s32 $0x800;
	v8 =	vadd.f32 v8, v9;
	v9 =	vld [tilespmem:s22+$0x13080];
	[tilespmem:s17+$0x16080] =	vst v3  }
0x104: {  	s28 =	simm.s32 $0x280;
	s23 =	sand.u32 $0x7000, s20;
	v3 =	vld [tilespmem:s0+$0xC50]  }
0x105: {  	s24 =	sand.u32 $0x380, s28;
	s23 =	sadd.s32 $0x16080, s23;
	v6 =	vadd.f32 v6, v11;
	[tilespmem:s4+$0x460] =	vst v8;
	v8 =	vld [tilespmem:s18+$0xC50]  }
0x106: {  	s20 =	sadd.s32 s24, s23;
	v11 =	vld [tilespmem:s8+$0x470]  }
0x107: {  	s26 =	simm.s32 $0x200;
	s17 =	sadd.s32 $0x13080, s19;
	[tilespmem:s20+$0x0] =	vst v6;
	v5 =	vadd.f32 v5, v12;
	v6 =	vld [tilespmem:s11+$0x470]  }
0x108: {  	s16 =	sadd.s32 $0x15080, s5;
	s1 =	sand.u32 $0x300, s26;
	v9 =	vadd.f32 v10, v9;
	v10 =	vld [tilespmem:s17+$0x10]  }
0x109: {  	s21 =	sor.u32 s1, s23;
	v48 =	vld [tilespmem:s16+$0x10];
	[tilespmem:s3+$0x460] =	vst v5  }
0x10a: {  	[tilespmem:s21+$0x0] =	vst v9;
	v9 =	vld [tilespmem:s13+$0x470]  }
0x10b: {  	s19 =	sadd.s32 $0x13080, s22;
	v3 =	vadd.f32 v8, v3;
	v13 =	vld [tilespmem:s12+$0x470]  }
0x10c: {  	s24 =	sadd.s32 $0x15080, s6;
	s5 =	sor.u32 $0xC50, s2;
	v5 =	vld [tilespmem:s19+$0x10]  }
0x10d: {  	v8 =	vld [tilespmem:s24+$0x10];
	v6 =	vadd.f32 v6, v11;
	[tilespmem:s5+$0x16080] =	vst v3  }
0x10e: {  	v3 =	vld [tilespmem:s0+$0xC60]  }
0x10f: {  	v10 =	vadd.f32 v48, v10;
	[tilespmem:s4+$0x470] =	vst v6;
	v6 =	vld [tilespmem:s18+$0xC60]  }
0x110: {  	v11 =	vld [tilespmem:s8+$0x800]  }
0x111: {  	[tilespmem:s20+$0x10] =	vst v10;
	v10 =	vld [tilespmem:s11+$0x800]  }
0x112: {  	v5 =	vadd.f32 v8, v5;
	v8 =	vld [tilespmem:s17+$0x20]  }
0x113: {  	v4 =	vadd.f32 v7, v4;
	v49 =	vld [tilespmem:s16+$0x20]  }
0x114: {  	s22 =	sor.u32 $0xC20, s15;
	v9 =	vadd.f32 v13, v9;
	[tilespmem:s21+$0x10] =	vst v5  }
0x115: {  	[tilespmem:s22+$0x16080] =	vst v4;
	v3 =	vadd.f32 v6, v3;
	v14 =	vld [tilespmem:s19+$0x20]  }
0x116: {  	s10 =	sor.u32 $0xC60, s2;
	[tilespmem:s3+$0x470] =	vst v9;
	v6 =	vadd.f32 v10, v11;
	v10 =	vld [tilespmem:s24+$0x20]  }
0x117: {  	v4 =	vld [tilespmem:s12+$0x800];
	[tilespmem:s10+$0x16080] =	vst v3  }
0x118: {  	v3 =	vadd.f32 v49, v8;
	v5 =	vld [tilespmem:s0+$0xC70];
	[tilespmem:s4+$0x800] =	vst v6  }
0x119: {  	v8 =	vld [tilespmem:s8+$0x810]  }
0x11a: {  	[tilespmem:s20+$0x20] =	vst v3;
	v3 =	vld [tilespmem:s11+$0x810]  }
0x11b: {  	v11 =	vld [tilespmem:s17+$0x30];
	v10 =	vadd.f32 v10, v14  }
0x11c: {  	v9 =	vld [tilespmem:s16+$0x30]  }
0x11d: {  	v6 =	vld [tilespmem:s18+$0xC70];
	[tilespmem:s21+$0x20] =	vst v10  }
0x11e: {  	v7 =	vld [tilespmem:s19+$0x30]  }
0x11f: {  	v50 =	vld [tilespmem:s24+$0x30];
	v3 =	vadd.f32 v3, v8  }
0x120: {  	v10 =	vld [tilespmem:s13+$0x800]  }
0x121: {  	v8 =	vadd.f32 v9, v11;
	[tilespmem:s4+$0x810] =	vst v3;
	v3 =	vld [tilespmem:s29+$0xC30]  }
0x122: {  	v9 =	vld [tilespmem:s8+$0x820]  }
0x123: {  	[tilespmem:s20+$0x30] =	vst v8;
	v8 =	vld [tilespmem:s11+$0x820]  }
0x124: {  	v11 =	vld [tilespmem:s17+$0x40];
	v7 =	vadd.f32 v50, v7  }
0x125: {  	v51 =	vld [tilespmem:s16+$0x40]  }
0x126: {  	v4 =	vadd.f32 v4, v10;
	[tilespmem:s21+$0x30] =	vst v7;
	v7 =	vld [tilespmem:s7+$0xC30]  }
0x127: {  	v10 =	vld [tilespmem:s19+$0x40]  }
0x128: {  	[tilespmem:s3+$0x800] =	vst v4;
	v4 =	vld [tilespmem:s24+$0x40];
	v8 =	vadd.f32 v8, v9  }
0x129: {  	v52 =	vld [tilespmem:s12+$0x810]  }
0x12a: {  	v9 =	vld [tilespmem:s13+$0x810];
	v11 =	vadd.f32 v51, v11;
	[tilespmem:s4+$0x820] =	vst v8  }
0x12b: {  	v8 =	vld [tilespmem:s8+$0x830]  }
0x12c: {  	[tilespmem:s20+$0x40] =	vst v11;
	v3 =	vadd.f32 v7, v3;
	v7 =	vld [tilespmem:s11+$0x830]  }
0x12d: {  	s23 =	sor.u32 $0xC30, s15;
	v4 =	vadd.f32 v4, v10;
	v10 =	vld [tilespmem:s17+$0x50]  }
0x12e: {  	[tilespmem:s23+$0x16080] =	vst v3;
	v3 =	vld [tilespmem:s16+$0x50]  }
0x12f: {  	[tilespmem:s21+$0x40] =	vst v4;
	v4 =	vadd.f32 v52, v9;
	v9 =	vld [tilespmem:s29+$0xC40]  }
0x130: {  	v11 =	vld [tilespmem:s19+$0x50]  }
0x131: {  	v53 =	vld [tilespmem:s24+$0x50];
	[tilespmem:s3+$0x810] =	vst v4;
	v4 =	vadd.f32 v7, v8  }
0x132: {  	v7 =	vld [tilespmem:s13+$0x820]  }
0x133: {  	v8 =	vld [tilespmem:s12+$0x820];
	v3 =	vadd.f32 v3, v10;
	[tilespmem:s4+$0x830] =	vst v4  }
0x134: {  	v4 =	vld [tilespmem:s8+$0x840]  }
0x135: {  	[tilespmem:s20+$0x50] =	vst v3;
	v3 =	vld [tilespmem:s11+$0x840]  }
0x136: {  	v10 =	vadd.f32 v53, v11;
	v11 =	vld [tilespmem:s17+$0x60]  }
0x137: {  	v54 =	vld [tilespmem:s16+$0x60]  }
0x138: {  	[tilespmem:s21+$0x50] =	vst v10;
	v7 =	vadd.f32 v8, v7;
	v8 =	vld [tilespmem:s7+$0xC40]  }
0x139: {  	v10 =	vld [tilespmem:s19+$0x60]  }
0x13a: {  	[tilespmem:s3+$0x820] =	vst v7;
	v7 =	vld [tilespmem:s24+$0x60];
	v3 =	vadd.f32 v3, v4  }
0x13b: {  	v4 =	vld [tilespmem:s13+$0x830]  }
0x13c: {  	v55 =	vld [tilespmem:s12+$0x830];
	v11 =	vadd.f32 v54, v11;
	[tilespmem:s4+$0x840] =	vst v3  }
0x13d: {  	v3 =	vld [tilespmem:s8+$0x850]  }
0x13e: {  	v8 =	vadd.f32 v8, v9;
	[tilespmem:s20+$0x60] =	vst v11;
	v9 =	vld [tilespmem:s11+$0x850]  }
0x13f: {  	s26 =	sor.u32 $0xC40, s15;
	v7 =	vadd.f32 v7, v10;
	v10 =	vld [tilespmem:s17+$0x70]  }
0x140: {  	[tilespmem:s26+$0x16080] =	vst v8;
	v8 =	vld [tilespmem:s16+$0x70]  }
0x141: {  	v4 =	vadd.f32 v55, v4;
	[tilespmem:s21+$0x60] =	vst v7;
	v7 =	vld [tilespmem:s29+$0xC50]  }
0x142: {  	v11 =	vld [tilespmem:s19+$0x70]  }
0x143: {  	v56 =	vld [tilespmem:s24+$0x70];
	[tilespmem:s3+$0x830] =	vst v4;
	v3 =	vadd.f32 v9, v3  }
0x144: {  	v4 =	vld [tilespmem:s13+$0x840]  }
0x145: {  	v9 =	vld [tilespmem:s12+$0x840];
	v8 =	vadd.f32 v8, v10;
	[tilespmem:s4+$0x850] =	vst v3  }
0x146: {  	v3 =	vld [tilespmem:s8+$0x860]  }
0x147: {  	[tilespmem:s20+$0x70] =	vst v8;
	v8 =	vld [tilespmem:s11+$0x860]  }
0x148: {  	v10 =	vadd.f32 v56, v11;
	v11 =	vld [tilespmem:s17+$0x400]  }
0x149: {  	v57 =	vld [tilespmem:s16+$0x400]  }
0x14a: {  	v4 =	vadd.f32 v9, v4;
	v9 =	vld [tilespmem:s7+$0xC50];
	[tilespmem:s21+$0x70] =	vst v10  }
0x14b: {  	v10 =	vld [tilespmem:s19+$0x400]  }
0x14c: {  	[tilespmem:s3+$0x840] =	vst v4;
	v4 =	vld [tilespmem:s24+$0x400];
	v3 =	vadd.f32 v8, v3  }
0x14d: {  	v8 =	vld [tilespmem:s13+$0x850]  }
0x14e: {  	v58 =	vld [tilespmem:s12+$0x850];
	v11 =	vadd.f32 v57, v11;
	[tilespmem:s4+$0x860] =	vst v3  }
0x14f: {  	v3 =	vld [tilespmem:s8+$0x870]  }
0x150: {  	v7 =	vadd.f32 v9, v7;
	[tilespmem:s20+$0x400] =	vst v11;
	v9 =	vld [tilespmem:s11+$0x870]  }
0x151: {  	s1 =	sor.u32 $0xC50, s15;
	v4 =	vadd.f32 v4, v10;
	v10 =	vld [tilespmem:s17+$0x410]  }
0x152: {  	[tilespmem:s1+$0x16080] =	vst v7;
	v7 =	vld [tilespmem:s16+$0x410]  }
0x153: {  	[tilespmem:s21+$0x400] =	vst v4;
	v4 =	vadd.f32 v58, v8;
	v8 =	vld [tilespmem:s29+$0xC60]  }
0x154: {  	v11 =	vld [tilespmem:s19+$0x410]  }
0x155: {  	v59 =	vld [tilespmem:s24+$0x410];
	[tilespmem:s3+$0x850] =	vst v4;
	v3 =	vadd.f32 v9, v3  }
0x156: {  	v4 =	vld [tilespmem:s13+$0x860]  }
0x157: {  	v7 =	vadd.f32 v7, v10;
	v9 =	vld [tilespmem:s12+$0x860];
	[tilespmem:s4+$0x870] =	vst v3  }
0x158: {  	v3 =	vld [tilespmem:s8+$0xC00]  }
0x159: {  	[tilespmem:s20+$0x410] =	vst v7;
	v7 =	vld [tilespmem:s11+$0xC00]  }
0x15a: {  	v10 =	vadd.f32 v59, v11;
	v11 =	vld [tilespmem:s17+$0x420]  }
0x15b: {  	v60 =	vld [tilespmem:s16+$0x420]  }
0x15c: {  	s4 =	sand.u32 $0x7, s14;
	[tilespmem:s21+$0x410] =	vst v10;
	v4 =	vadd.f32 v9, v4;
	v9 =	vld [tilespmem:s7+$0xC60]  }
0x15d: {  	s0 =	sshll.u32 s4, $0x7;
	v10 =	vld [tilespmem:s19+$0x420]  }
0x15e: {  	s18 =	sadd.s32 $0x480, s0;
	[tilespmem:s3+$0x860] =	vst v4;
	v4 =	vld [tilespmem:s24+$0x420];
	v3 =	vadd.f32 v7, v3  }
0x15f: {  	s0 =	sor.u32 $0xC00, s18;
	v7 =	vld [tilespmem:s13+$0x870]  }
0x160: {  	v11 =	vadd.f32 v60, v11;
	v61 =	vld [tilespmem:s12+$0x870];
	[tilespmem:s0+$0x16080] =	vst v3  }
0x161: {  	v62 =	vld [tilespmem:s8+$0xC10]  }
0x162: {  	v3 =	vadd.f32 v9, v8;
	[tilespmem:s20+$0x420] =	vst v11;
	v8 =	vld [tilespmem:s11+$0xC10]  }
0x163: {  	s5 =	sor.u32 $0xC60, s15;
	v9 =	vld [tilespmem:s17+$0x430];
	v4 =	vadd.f32 v4, v10  }
0x164: {  	[tilespmem:s5+$0x16080] =	vst v3;
	v10 =	vld [tilespmem:s16+$0x430]  }
0x165: {  	v3 =	vld [tilespmem:s29+$0xC70];
	[tilespmem:s21+$0x420] =	vst v4;
	v4 =	vadd.f32 v61, v7  }
0x166: {  	v11 =	vld [tilespmem:s19+$0x430]  }
0x167: {  	v63 =	vld [tilespmem:s24+$0x430];
	[tilespmem:s3+$0x870] =	vst v4;
	v4 =	vadd.f32 v8, v62  }
0x168: {  	s6 =	sor.u32 $0xC10, s18;
	v7 =	vld [tilespmem:s13+$0xC00]  }
0x169: {  	s30 =	simm.s32 $0x1;
	v9 =	vadd.f32 v10, v9;
	v8 =	vld [tilespmem:s12+$0xC00];
	[tilespmem:s6+$0x16080] =	vst v4  }
0x16a: {  	s22 =	sand.u32 $0x3, s30;
	v10 =	vadd.f32 v6, v5;
	v4 =	vld [tilespmem:s8+$0xC20]  }
0x16b: {  	s31 =	simm.s32 $0x400;
	s10 =	sor.u32 $0xC70, s2;
	s2 =	sshll.u32 s22, $0x8;
	[tilespmem:s20+$0x430] =	vst v9;
	v5 =	vld [tilespmem:s11+$0xC20]  }
0x16c: {  	s23 =	simm.s32 $0x4;
	s26 =	simm.s32 $0x200;
	s4 =	simm.s32 $0x6;
	[tilespmem:s10+$0x16080] =	vst v10;
	v6 =	vld [tilespmem:s17+$0x440];
	v10 =	vadd.f32 v63, v11  }
0x16d: {  	s0 =	simm.s32 $0x480;
	s29 =	simm.s32 $0x800;
	s3 =	simm.s32 $0xA00;
	v9 =	vld [tilespmem:s16+$0x440]  }
.LBB2_2:
0x16e: {  	s6 =	smulhi.u32 $0xCCCCCCCD, s4;
	[tilespmem:s21+$0x430] =	vst v10;
	s2 =	sadd.s32 s2, s31;
	v7 =	vadd.f32 v8, v7;
	v8 =	vld [tilespmem:s7+$0xC70];
	s31 =	smov.u32 s29  }
0x16f: {  	s7 =	smov.u32 s12;
	s12 =	smov.u32 s24;
	v10 =	vld [tilespmem:s19+$0x440];
	s22 =	sor.u32 $0xC00, s2  }
0x170: {  	s6 =	sshrl.u32 s6, $0x2;
	v11 =	vld [tilespmem:s12+$0x440];
	[tilespmem:s22+$0x16080] =	vst v7;
	v4 =	vadd.f32 v5, v4  }
0x171: {  	s24 =	sor.u32 $0xC20, s18;
	s22 =	smul.u32 $0x280, s6;
	v5 =	vld [tilespmem:s13+$0xC10]  }
0x172: {  	s6 =	smul.u32 $0xA00, s6;
	v6 =	vadd.f32 v9, v6;
	v7 =	vld [tilespmem:s7+$0xC10];
	[tilespmem:s24+$0x16080] =	vst v4  }
0x173: {  	s29 =	sadd.s32 $0x400, s29;
	s26 =	sadd.s32 $0x100, s26;
	v4 =	vld [tilespmem:s8+$0xC30];
	v3 =	vadd.f32 v8, v3  }
0x174: {  	s15 =	sor.u32 $0xC70, s15;
	s22 =	ssub.s32 s26, s22;
	s6 =	ssub.s32 s29, s6;
	[tilespmem:s20+$0x440] =	vst v6;
	v6 =	vld [tilespmem:s11+$0xC30]  }
0x175: {  	s6 =	sand.u32 $0xFFFFF000, s6;
	s22 =	sand.u32 $0x380, s22;
	v8 =	vadd.f32 v11, v10;
	v9 =	vld [tilespmem:s17+$0x450];
	[tilespmem:s15+$0x16080] =	vst v3;
	s15 =	smov.u32 s2  }
0x176: {  	s24 =	sor.u32 s22, s6;
	v3 =	vld [tilespmem:s16+$0x450]  }
0x177: {  	s25 =	sadd.s32 $0x2, s25;
	v10 =	vld [tilespmem:s24+$0x15080];
	[tilespmem:s21+$0x440] =	vst v8;
	v5 =	vadd.f32 v7, v5  }
0x178: {  	s2 =	smulhi.u32 $0xCCCCCCCD, s25;
	s6 =	sor.u32 $0xC10, s15;
	v7 =	vld [tilespmem:s19+$0x450]  }
0x179: {  	s22 =	smul.u32 $0xCD, s23;
	v8 =	vld [tilespmem:s12+$0x450];
	[tilespmem:s6+$0x16080] =	vst v5;
	v4 =	vadd.f32 v6, v4  }
0x17a: {  	s28 =	sadd.s32 $0x100, s28;
	s2 =	sshrl.u32 s2, $0x2;
	s6 =	sor.u32 $0xC30, s18;
	v5 =	vld [tilespmem:s13+$0xC20]  }
0x17b: {  	s3 =	sadd.s32 $0x400, s3;
	s10 =	sadd.s32 $0x267, s22;
	s5 =	smul.u32 $0x280, s2;
	v3 =	vadd.f32 v3, v9;
	v6 =	vld [tilespmem:s7+$0xC20];
	[tilespmem:s6+$0x16080] =	vst v4  }
0x17c: {  	s2 =	smul.u32 $0xA00, s2;
	s1 =	sshrl.u32 s10, $0x1;
	s6 =	sadd.s32 $0xFFFFFF80, s28;
	v4 =	vld [tilespmem:s8+$0xC40]  }
0x17d: {  	s10 =	sshrl.u32 s10, $0x3;
	s1 =	sand.u32 $0x1000, s1;
	s5 =	ssub.s32 s6, s5;
	[tilespmem:s20+$0x450] =	vst v3;
	v3 =	vld [tilespmem:s11+$0xC40]  }
0x17e: {  	s10 =	sand.u32 $0x380, s10;
	s2 =	ssub.s32 s3, s2;
	s5 =	sadd.s32 $0x80, s5;
	v7 =	vadd.f32 v8, v7;
	v8 =	vld [tilespmem:s17+$0x460]  }
0x17f: {  	s1 =	sor.u32 s10, s1;
	s2 =	sand.u32 $0xFFFFF000, s2;
	s5 =	sand.u32 $0x380, s5;
	v9 =	vld [tilespmem:s16+$0x460]  }
0x180: {  	s10 =	sadd.s32 $0x19A, s22;
	s6 =	sand.u32 $0x300, s6;
	s5 =	sor.u32 s5, s2;
	v11 =	vld [tilespmem:s1+$0x13080];
	[tilespmem:s21+$0x450] =	vst v7;
	v5 =	vadd.f32 v6, v5  }
0x181: {  	s22 =	sor.u32 $0xC20, s15;
	s2 =	sshrl.u32 s10, $0x1;
	s10 =	sshrl.u32 s10, $0x3;
	v6 =	vld [tilespmem:s5+$0x15080]  }
0x182: {  	s2 =	sand.u32 $0x1000, s2;
	s10 =	sand.u32 $0x380, s10;
	v7 =	vld [tilespmem:s19+$0x460];
	[tilespmem:s22+$0x16080] =	vst v5;
	v3 =	vadd.f32 v3, v4  }
0x183: {  	s10 =	sor.u32 s10, s2;
	s22 =	sor.u32 $0xC40, s18;
	v4 =	vld [tilespmem:s12+$0x460]  }
0x184: {  	s2 =	sadd.s32 $0x13080, s10;
	v5 =	vld [tilespmem:s10+$0x13080];
	s10 =	sadd.s32 $0xFFFFFE00, s3;
	v8 =	vadd.f32 v9, v8;
	[tilespmem:s22+$0x16080] =	vst v3  }
0x185: {  	s10 =	sand.u32 $0x7000, s10;
	v3 =	vld [tilespmem:s8+$0xC50]  }
0x186: {  	s22 =	sand.u32 $0x380, s28;
	s10 =	sadd.s32 $0x16080, s10;
	v6 =	vadd.f32 v6, v11;
	[tilespmem:s20+$0x460] =	vst v8;
	v8 =	vld [tilespmem:s11+$0xC50]  }
0x187: {  	s6 =	sor.u32 s6, s10;
	s22 =	sadd.s32 s22, s10;
	v9 =	vld [tilespmem:s17+$0x470]  }
0x188: {  	s1 =	sadd.s32 $0x13080, s1;
	[tilespmem:s22+$0x0] =	vst v6;
	v4 =	vadd.f32 v4, v7;
	v6 =	vld [tilespmem:s16+$0x470]  }
0x189: {  	s5 =	sadd.s32 $0x15080, s5;
	v5 =	vadd.f32 v10, v5;
	v7 =	vld [tilespmem:s1+$0x10]  }
0x18a: {  	v10 =	vld [tilespmem:s5+$0x10];
	[tilespmem:s21+$0x460] =	vst v4  }
0x18b: {  	[tilespmem:s6+$0x0] =	vst v5;
	v4 =	vld [tilespmem:s19+$0x470];
	v3 =	vadd.f32 v8, v3  }
0x18c: {  	s24 =	sadd.s32 $0x15080, s24;
	s10 =	sor.u32 $0xC50, s18;
	v5 =	vld [tilespmem:s2+$0x10]  }
0x18d: {  	v8 =	vld [tilespmem:s24+$0x10];
	v6 =	vadd.f32 v6, v9;
	[tilespmem:s10+$0x16080] =	vst v3  }
0x18e: {  	v3 =	vld [tilespmem:s8+$0xC60]  }
0x18f: {  	v7 =	vadd.f32 v10, v7;
	[tilespmem:s20+$0x470] =	vst v6;
	v6 =	vld [tilespmem:s11+$0xC60]  }
0x190: {  	v9 =	vld [tilespmem:s17+$0x800]  }
0x191: {  	[tilespmem:s22+$0x10] =	vst v7;
	v7 =	vld [tilespmem:s16+$0x800]  }
0x192: {  	v5 =	vadd.f32 v8, v5;
	v8 =	vld [tilespmem:s1+$0x20]  }
0x193: {  	v10 =	vld [tilespmem:s5+$0x20]  }
0x194: {  	[tilespmem:s6+$0x10] =	vst v5;
	v5 =	vld [tilespmem:s12+$0x470];
	v3 =	vadd.f32 v6, v3  }
0x195: {  	s10 =	sor.u32 $0xC60, s18;
	v6 =	vld [tilespmem:s2+$0x20]  }
0x196: {  	v11 =	vld [tilespmem:s24+$0x20];
	v7 =	vadd.f32 v7, v9;
	[tilespmem:s10+$0x16080] =	vst v3  }
0x197: {  	s23 =	sadd.s32 $0x2, s23;
	v3 =	vld [tilespmem:s8+$0xC70];
	s8 =	smov.u32 s17;
	s17 =	smov.u32 s1  }
0x198: {  	p0 =	slt.u32 s23, $0x3E;
	v8 =	vadd.f32 v10, v8;
	[tilespmem:s20+$0x800] =	vst v7;
	v7 =	vld [tilespmem:s11+$0xC70];
	s11 =	smov.u32 s16;
	s16 =	smov.u32 s5  }
0x199: {  	v4 =	vadd.f32 v5, v4;
	v5 =	vld [tilespmem:s8+$0x810]  }
0x19a: {  	[tilespmem:s22+$0x20] =	vst v8;
	v8 =	vld [tilespmem:s11+$0x810]  }
0x19b: {  	v6 =	vadd.f32 v11, v6;
	v9 =	vld [tilespmem:s17+$0x30];
	[tilespmem:s21+$0x470] =	vst v4  }
0x19c: {  	v4 =	vld [tilespmem:s16+$0x30]  }
0x19d: {  	[tilespmem:s6+$0x20] =	vst v6;
	v6 =	vld [tilespmem:s19+$0x800];
	v3 =	vadd.f32 v7, v3  }
0x19e: {  	s1 =	sor.u32 $0xC70, s18;
	v7 =	vld [tilespmem:s2+$0x30]  }
0x19f: {  	v10 =	vld [tilespmem:s24+$0x30];
	v5 =	vadd.f32 v8, v5;
	[tilespmem:s1+$0x16080] =	vst v3  }
0x1a0: {  	v3 =	vld [tilespmem:s12+$0x800]  }
0x1a1: {  	v4 =	vadd.f32 v4, v9;
	[tilespmem:s20+$0x810] =	vst v5;
	v5 =	vld [tilespmem:s13+$0xC30]  }
0x1a2: {  	v8 =	vld [tilespmem:s8+$0x820]  }
0x1a3: {  	[tilespmem:s22+$0x30] =	vst v4;
	v4 =	vld [tilespmem:s11+$0x820]  }
0x1a4: {  	v7 =	vadd.f32 v10, v7;
	v9 =	vld [tilespmem:s17+$0x40]  }
0x1a5: {  	v10 =	vld [tilespmem:s16+$0x40];
	v3 =	vadd.f32 v3, v6  }
0x1a6: {  	[tilespmem:s6+$0x30] =	vst v7;
	v6 =	vld [tilespmem:s7+$0xC30]  }
0x1a7: {  	v7 =	vld [tilespmem:s2+$0x40];
	[tilespmem:s21+$0x800] =	vst v3  }
0x1a8: {  	v3 =	vld [tilespmem:s24+$0x40];
	v4 =	vadd.f32 v4, v8  }
0x1a9: {  	v8 =	vld [tilespmem:s19+$0x810]  }
0x1aa: {  	v9 =	vadd.f32 v10, v9;
	v10 =	vld [tilespmem:s12+$0x810];
	[tilespmem:s20+$0x820] =	vst v4  }
0x1ab: {  	v4 =	vld [tilespmem:s8+$0x830];
	v5 =	vadd.f32 v6, v5  }
0x1ac: {  	s1 =	sor.u32 $0xC30, s15;
	[tilespmem:s22+$0x40] =	vst v9;
	v6 =	vld [tilespmem:s11+$0x830]  }
0x1ad: {  	v3 =	vadd.f32 v3, v7;
	v7 =	vld [tilespmem:s17+$0x50];
	[tilespmem:s1+$0x16080] =	vst v5  }
0x1ae: {  	v5 =	vld [tilespmem:s16+$0x50]  }
0x1af: {  	[tilespmem:s6+$0x40] =	vst v3;
	v3 =	vadd.f32 v10, v8;
	v8 =	vld [tilespmem:s13+$0xC40]  }
0x1b0: {  	v9 =	vld [tilespmem:s2+$0x50]  }
0x1b1: {  	v10 =	vld [tilespmem:s24+$0x50];
	[tilespmem:s21+$0x810] =	vst v3;
	v3 =	vadd.f32 v6, v4  }
0x1b2: {  	v4 =	vld [tilespmem:s19+$0x820]  }
0x1b3: {  	v5 =	vadd.f32 v5, v7;
	v6 =	vld [tilespmem:s12+$0x820];
	[tilespmem:s20+$0x830] =	vst v3  }
0x1b4: {  	v3 =	vld [tilespmem:s8+$0x840]  }
0x1b5: {  	[tilespmem:s22+$0x50] =	vst v5;
	v5 =	vld [tilespmem:s11+$0x840]  }
0x1b6: {  	v7 =	vadd.f32 v10, v9;
	v9 =	vld [tilespmem:s17+$0x60]  }
0x1b7: {  	v10 =	vld [tilespmem:s16+$0x60]  }
0x1b8: {  	[tilespmem:s6+$0x50] =	vst v7;
	v4 =	vadd.f32 v6, v4;
	v6 =	vld [tilespmem:s7+$0xC40]  }
0x1b9: {  	v7 =	vld [tilespmem:s2+$0x60]  }
0x1ba: {  	v11 =	vld [tilespmem:s24+$0x60];
	[tilespmem:s21+$0x820] =	vst v4;
	v3 =	vadd.f32 v5, v3  }
0x1bb: {  	v4 =	vld [tilespmem:s19+$0x830]  }
0x1bc: {  	v5 =	vadd.f32 v10, v9;
	v9 =	vld [tilespmem:s12+$0x830];
	[tilespmem:s20+$0x840] =	vst v3  }
0x1bd: {  	v3 =	vld [tilespmem:s8+$0x850];
	v6 =	vadd.f32 v6, v8  }
0x1be: {  	s1 =	sor.u32 $0xC40, s15;
	[tilespmem:s22+$0x60] =	vst v5;
	v5 =	vld [tilespmem:s11+$0x850]  }
0x1bf: {  	v7 =	vadd.f32 v11, v7;
	v8 =	vld [tilespmem:s17+$0x70];
	[tilespmem:s1+$0x16080] =	vst v6  }
0x1c0: {  	v6 =	vld [tilespmem:s16+$0x70]  }
0x1c1: {  	[tilespmem:s6+$0x60] =	vst v7;
	v4 =	vadd.f32 v9, v4;
	v7 =	vld [tilespmem:s13+$0xC50]  }
0x1c2: {  	v9 =	vld [tilespmem:s2+$0x70]  }
0x1c3: {  	v10 =	vld [tilespmem:s24+$0x70];
	[tilespmem:s21+$0x830] =	vst v4;
	v3 =	vadd.f32 v5, v3  }
0x1c4: {  	v4 =	vld [tilespmem:s19+$0x840]  }
0x1c5: {  	v5 =	vadd.f32 v6, v8;
	v6 =	vld [tilespmem:s12+$0x840];
	[tilespmem:s20+$0x850] =	vst v3  }
0x1c6: {  	v3 =	vld [tilespmem:s8+$0x860]  }
0x1c7: {  	[tilespmem:s22+$0x70] =	vst v5;
	v5 =	vld [tilespmem:s11+$0x860]  }
0x1c8: {  	v8 =	vadd.f32 v10, v9;
	v9 =	vld [tilespmem:s17+$0x400]  }
0x1c9: {  	v10 =	vld [tilespmem:s16+$0x400]  }
0x1ca: {  	[tilespmem:s6+$0x70] =	vst v8;
	v4 =	vadd.f32 v6, v4;
	v6 =	vld [tilespmem:s7+$0xC50]  }
0x1cb: {  	v8 =	vld [tilespmem:s2+$0x400]  }
0x1cc: {  	v11 =	vld [tilespmem:s24+$0x400];
	[tilespmem:s21+$0x840] =	vst v4;
	v3 =	vadd.f32 v5, v3  }
0x1cd: {  	v4 =	vld [tilespmem:s19+$0x850]  }
0x1ce: {  	v5 =	vadd.f32 v10, v9;
	v9 =	vld [tilespmem:s12+$0x850];
	[tilespmem:s20+$0x860] =	vst v3  }
0x1cf: {  	v3 =	vld [tilespmem:s8+$0x870];
	v6 =	vadd.f32 v6, v7  }
0x1d0: {  	s1 =	sor.u32 $0xC50, s15;
	[tilespmem:s22+$0x400] =	vst v5;
	v5 =	vld [tilespmem:s11+$0x870]  }
0x1d1: {  	v7 =	vadd.f32 v11, v8;
	v8 =	vld [tilespmem:s17+$0x410];
	[tilespmem:s1+$0x16080] =	vst v6  }
0x1d2: {  	v6 =	vld [tilespmem:s16+$0x410]  }
0x1d3: {  	[tilespmem:s6+$0x400] =	vst v7;
	v4 =	vadd.f32 v9, v4;
	v7 =	vld [tilespmem:s13+$0xC60]  }
0x1d4: {  	v9 =	vld [tilespmem:s2+$0x410]  }
0x1d5: {  	v10 =	vld [tilespmem:s24+$0x410];
	[tilespmem:s21+$0x850] =	vst v4;
	v3 =	vadd.f32 v5, v3  }
0x1d6: {  	v4 =	vld [tilespmem:s19+$0x860]  }
0x1d7: {  	v5 =	vadd.f32 v6, v8;
	v6 =	vld [tilespmem:s12+$0x860];
	[tilespmem:s20+$0x870] =	vst v3;
	s20 =	smov.u32 s22  }
0x1d8: {  	v3 =	vld [tilespmem:s8+$0xC00]  }
0x1d9: {  	[tilespmem:s20+$0x410] =	vst v5;
	v5 =	vld [tilespmem:s11+$0xC00]  }
0x1da: {  	v8 =	vadd.f32 v10, v9;
	v9 =	vld [tilespmem:s17+$0x420]  }
0x1db: {  	s14 =	sadd.s32 $0x2, s14;
	v10 =	vld [tilespmem:s16+$0x420]  }
0x1dc: {  	s1 =	sand.u32 $0x7, s14;
	[tilespmem:s6+$0x410] =	vst v8;
	v4 =	vadd.f32 v6, v4;
	v6 =	vld [tilespmem:s7+$0xC60]  }
0x1dd: {  	s0 =	sadd.s32 $0x400, s0;
	s1 =	sshll.u32 s1, $0x7;
	v8 =	vld [tilespmem:s2+$0x420]  }
0x1de: {  	s18 =	sadd.s32 s1, s0;
	v11 =	vld [tilespmem:s24+$0x420];
	[tilespmem:s21+$0x860] =	vst v4;
	v3 =	vadd.f32 v5, v3  }
0x1df: {  	s1 =	sor.u32 $0xC00, s18;
	v4 =	vld [tilespmem:s19+$0x870]  }
0x1e0: {  	v5 =	vadd.f32 v10, v9;
	v9 =	vld [tilespmem:s12+$0x870];
	[tilespmem:s1+$0x16080] =	vst v3  }
0x1e1: {  	v10 =	vld [tilespmem:s8+$0xC10];
	v3 =	vadd.f32 v6, v7  }
0x1e2: {  	s1 =	sor.u32 $0xC60, s15;
	[tilespmem:s20+$0x420] =	vst v5;
	v5 =	vld [tilespmem:s11+$0xC10]  }
0x1e3: {  	v6 =	vadd.f32 v11, v8;
	v8 =	vld [tilespmem:s17+$0x430];
	[tilespmem:s1+$0x16080] =	vst v3  }
0x1e4: {  	v11 =	vld [tilespmem:s16+$0x430]  }
0x1e5: {  	[tilespmem:s6+$0x420] =	vst v6;
	v4 =	vadd.f32 v9, v4;
	v3 =	vld [tilespmem:s13+$0xC70];
	s13 =	smov.u32 s19;
	s19 =	smov.u32 s2  }
0x1e6: {  	v6 =	vld [tilespmem:s19+$0x430]  }
0x1e7: {  	v9 =	vld [tilespmem:s24+$0x430];
	[tilespmem:s21+$0x870] =	vst v4;
	v4 =	vadd.f32 v5, v10;
	s21 =	smov.u32 s6  }
0x1e8: {  	s1 =	sor.u32 $0xC10, s18;
	v7 =	vld [tilespmem:s13+$0xC00]  }
.Ltmp0:
0x1e9: {  	v5 =	vadd.f32 v11, v8;
	v8 =	vld [tilespmem:s12+$0xC00];
	[tilespmem:s1+$0x16080] =	vst v4;
	(pc) =	sbr.rel @p0 .LBB2_2-.Ltmp0, $4  }
0x1ea: {  	v4 =	vld [tilespmem:s8+$0xC20]  }
0x1eb: {  	s30 =	sadd.s32 $0x1, s30;
	[tilespmem:s20+$0x430] =	vst v5;
	v5 =	vld [tilespmem:s11+$0xC20]  }
0x1ec: {  	s1 =	sand.u32 $0x3, s30;
	v10 =	vadd.f32 v9, v6;
	v6 =	vld [tilespmem:s17+$0x440]  }
0x1ed: {  	s4 =	sadd.s32 $0x2, s4;
	s2 =	sshll.u32 s1, $0x8;
	v9 =	vld [tilespmem:s16+$0x440]  }
0x1ee: {  	[tilespmem:s21+$0x430] =	vst v10  }
0x1ef: {  	v10 =	vld [tilespmem:s19+$0x440]  }
0x1f0: {  	v11 =	vld [tilespmem:s24+$0x440];
	_ =	sdelay $0x2  }
0x1f1: {  	v6 =	vadd.f32 v9, v6;
	_ =	sdelay $0x1  }
0x1f2: {  	[tilespmem:s20+$0x440] =	vst v6;
	v6 =	vadd.f32 v11, v10  }
0x1f3: {  	v9 =	vld [tilespmem:s17+$0x450]  }
0x1f4: {  	v10 =	vld [tilespmem:s16+$0x450];
	[tilespmem:s21+$0x440] =	vst v6  }
0x1f5: {  	v6 =	vld [tilespmem:s19+$0x450]  }
0x1f6: {  	v11 =	vld [tilespmem:s24+$0x450];
	_ =	sdelay $0x2  }
0x1f7: {  	v9 =	vadd.f32 v10, v9;
	_ =	sdelay $0x1  }
0x1f8: {  	[tilespmem:s20+$0x450] =	vst v9;
	v6 =	vadd.f32 v11, v6  }
0x1f9: {  	v9 =	vld [tilespmem:s17+$0x460]  }
0x1fa: {  	v10 =	vld [tilespmem:s16+$0x460];
	[tilespmem:s21+$0x450] =	vst v6  }
0x1fb: {  	v6 =	vld [tilespmem:s19+$0x460]  }
0x1fc: {  	v11 =	vld [tilespmem:s24+$0x460];
	_ =	sdelay $0x2  }
0x1fd: {  	v9 =	vadd.f32 v10, v9;
	_ =	sdelay $0x1  }
0x1fe: {  	[tilespmem:s20+$0x460] =	vst v9;
	v6 =	vadd.f32 v11, v6  }
0x1ff: {  	v9 =	vld [tilespmem:s17+$0x470]  }
0x200: {  	v10 =	vld [tilespmem:s16+$0x470];
	[tilespmem:s21+$0x460] =	vst v6  }
0x201: {  	v6 =	vld [tilespmem:s19+$0x470]  }
0x202: {  	v11 =	vld [tilespmem:s24+$0x470];
	_ =	sdelay $0x2  }
0x203: {  	v9 =	vadd.f32 v10, v9;
	_ =	sdelay $0x1  }
0x204: {  	[tilespmem:s20+$0x470] =	vst v9;
	v6 =	vadd.f32 v11, v6  }
0x205: {  	v9 =	vld [tilespmem:s17+$0x800]  }
0x206: {  	v10 =	vld [tilespmem:s16+$0x800];
	[tilespmem:s21+$0x470] =	vst v6  }
0x207: {  	v6 =	vld [tilespmem:s19+$0x800]  }
0x208: {  	v11 =	vld [tilespmem:s24+$0x800];
	_ =	sdelay $0x2  }
0x209: {  	v9 =	vadd.f32 v10, v9;
	_ =	sdelay $0x1  }
0x20a: {  	[tilespmem:s20+$0x800] =	vst v9;
	v6 =	vadd.f32 v11, v6  }
0x20b: {  	v9 =	vld [tilespmem:s17+$0x810]  }
0x20c: {  	v10 =	vld [tilespmem:s16+$0x810];
	[tilespmem:s21+$0x800] =	vst v6  }
0x20d: {  	v6 =	vld [tilespmem:s19+$0x810]  }
0x20e: {  	v11 =	vld [tilespmem:s24+$0x810];
	_ =	sdelay $0x2  }
0x20f: {  	v9 =	vadd.f32 v10, v9;
	_ =	sdelay $0x1  }
0x210: {  	[tilespmem:s20+$0x810] =	vst v9;
	v6 =	vadd.f32 v11, v6  }
0x211: {  	v9 =	vld [tilespmem:s17+$0x820]  }
0x212: {  	v10 =	vld [tilespmem:s16+$0x820];
	[tilespmem:s21+$0x810] =	vst v6  }
0x213: {  	v6 =	vld [tilespmem:s19+$0x820]  }
0x214: {  	v11 =	vld [tilespmem:s24+$0x820];
	_ =	sdelay $0x2  }
0x215: {  	v9 =	vadd.f32 v10, v9;
	_ =	sdelay $0x1  }
0x216: {  	[tilespmem:s20+$0x820] =	vst v9;
	v6 =	vadd.f32 v11, v6  }
0x217: {  	v9 =	vld [tilespmem:s17+$0x830]  }
0x218: {  	v10 =	vld [tilespmem:s16+$0x830];
	[tilespmem:s21+$0x820] =	vst v6  }
0x219: {  	v6 =	vld [tilespmem:s19+$0x830]  }
0x21a: {  	v11 =	vld [tilespmem:s24+$0x830];
	_ =	sdelay $0x2  }
0x21b: {  	v9 =	vadd.f32 v10, v9;
	_ =	sdelay $0x1  }
0x21c: {  	[tilespmem:s20+$0x830] =	vst v9;
	v6 =	vadd.f32 v11, v6  }
0x21d: {  	v9 =	vld [tilespmem:s17+$0x840]  }
0x21e: {  	v10 =	vld [tilespmem:s16+$0x840];
	[tilespmem:s21+$0x830] =	vst v6  }
0x21f: {  	v6 =	vld [tilespmem:s19+$0x840]  }
0x220: {  	v11 =	vld [tilespmem:s24+$0x840];
	_ =	sdelay $0x2  }
0x221: {  	v9 =	vadd.f32 v10, v9;
	_ =	sdelay $0x1  }
0x222: {  	[tilespmem:s20+$0x840] =	vst v9;
	v6 =	vadd.f32 v11, v6  }
0x223: {  	v9 =	vld [tilespmem:s17+$0x850]  }
0x224: {  	v10 =	vld [tilespmem:s16+$0x850];
	[tilespmem:s21+$0x840] =	vst v6  }
0x225: {  	v6 =	vld [tilespmem:s19+$0x850]  }
0x226: {  	v11 =	vld [tilespmem:s24+$0x850];
	_ =	sdelay $0x2  }
0x227: {  	v9 =	vadd.f32 v10, v9;
	_ =	sdelay $0x1  }
0x228: {  	[tilespmem:s20+$0x850] =	vst v9;
	v6 =	vadd.f32 v11, v6  }
0x229: {  	v9 =	vld [tilespmem:s17+$0x860]  }
0x22a: {  	v10 =	vld [tilespmem:s16+$0x860];
	[tilespmem:s21+$0x850] =	vst v6  }
0x22b: {  	v6 =	vld [tilespmem:s19+$0x860]  }
0x22c: {  	v11 =	vld [tilespmem:s24+$0x860];
	_ =	sdelay $0x2  }
0x22d: {  	v9 =	vadd.f32 v10, v9;
	_ =	sdelay $0x1  }
0x22e: {  	[tilespmem:s20+$0x860] =	vst v9;
	v6 =	vadd.f32 v11, v6  }
0x22f: {  	v9 =	vld [tilespmem:s17+$0x870]  }
0x230: {  	v10 =	vld [tilespmem:s16+$0x870];
	[tilespmem:s21+$0x860] =	vst v6  }
0x231: {  	v6 =	vld [tilespmem:s19+$0x870]  }
0x232: {  	v11 =	vld [tilespmem:s24+$0x870];
	_ =	sdelay $0x2  }
0x233: {  	v9 =	vadd.f32 v10, v9;
	_ =	sdelay $0x1  }
0x234: {  	[tilespmem:s20+$0x870] =	vst v9;
	v6 =	vadd.f32 v11, v6  }
0x235: {  	v9 =	vld [tilespmem:s17+$0xC00]  }
0x236: {  	v10 =	vld [tilespmem:s16+$0xC00];
	[tilespmem:s21+$0x870] =	vst v6  }
0x237: {  	v6 =	vld [tilespmem:s19+$0xC00]  }
0x238: {  	s1 =	sadd.s32 $0x2, s14;
	v11 =	vld [tilespmem:s24+$0xC00]  }
0x239: {  	s2 =	sadd.s32 s2, s31;
	v7 =	vadd.f32 v8, v7;
	s0 =	sadd.s32 $0x400, s0;
	s1 =	sand.u32 $0x7, s1  }
0x23a: {  	s4 =	sadd.s32 $0x1, s30;
	s3 =	sor.u32 $0xC00, s2;
	s1 =	sshll.u32 s1, $0x7  }
0x23b: {  	s4 =	sand.u32 $0x3, s4;
	[tilespmem:s3+$0x16080] =	vst v7;
	s0 =	sadd.s32 s1, s0;
	v7 =	vadd.f32 v10, v9  }
0x23c: {  	v8 =	vld [tilespmem:s13+$0xC10];
	s1 =	sshll.u32 s4, $0x8;
	s5 =	sor.u32 $0xC00, s0  }
0x23d: {  	s3 =	sadd.s32 s1, s29;
	v9 =	vld [tilespmem:s12+$0xC10];
	[tilespmem:s5+$0x16080] =	vst v7;
	v6 =	vadd.f32 v11, v6  }
0x23e: {  	s1 =	sor.u32 $0xC00, s3;
	v7 =	vld [tilespmem:s17+$0xC10]  }
0x23f: {  	v10 =	vld [tilespmem:s16+$0xC10];
	[tilespmem:s1+$0x16080] =	vst v6  }
0x240: {  	v6 =	vld [tilespmem:s19+$0xC10]  }
0x241: {  	v11 =	vld [tilespmem:s24+$0xC10]  }
0x242: {  	v8 =	vadd.f32 v9, v8  }
0x243: {  	s6 =	sor.u32 $0xC10, s2  }
0x244: {  	[tilespmem:s6+$0x16080] =	vst v8;
	v7 =	vadd.f32 v10, v7  }
0x245: {  	s10 =	sor.u32 $0xC10, s0;
	v8 =	vld [tilespmem:s13+$0xC20]  }
0x246: {  	v9 =	vld [tilespmem:s12+$0xC20];
	[tilespmem:s10+$0x16080] =	vst v7;
	v6 =	vadd.f32 v11, v6  }
0x247: {  	s14 =	sor.u32 $0xC10, s3;
	v7 =	vld [tilespmem:s17+$0xC20]  }
0x248: {  	v10 =	vld [tilespmem:s16+$0xC20];
	[tilespmem:s14+$0x16080] =	vst v6  }
0x249: {  	v4 =	vadd.f32 v5, v4;
	v5 =	vld [tilespmem:s19+$0xC20]  }
0x24a: {  	s20 =	sor.u32 $0xC20, s18;
	v6 =	vld [tilespmem:s24+$0xC20]  }
0x24b: {  	[tilespmem:s20+$0x16080] =	vst v4;
	v4 =	vadd.f32 v9, v8  }
0x24c: {  	s21 =	sor.u32 $0xC20, s2;
	v8 =	vld [tilespmem:s8+$0xC30]  }
0x24d: {  	v9 =	vld [tilespmem:s11+$0xC30];
	[tilespmem:s21+$0x16080] =	vst v4;
	v4 =	vadd.f32 v10, v7  }
0x24e: {  	s22 =	sor.u32 $0xC20, s0;
	v7 =	vld [tilespmem:s13+$0xC30]  }
0x24f: {  	v10 =	vld [tilespmem:s12+$0xC30];
	[tilespmem:s22+$0x16080] =	vst v4;
	v4 =	vadd.f32 v6, v5  }
0x250: {  	s23 =	sor.u32 $0xC20, s3;
	v5 =	vld [tilespmem:s17+$0xC30]  }
0x251: {  	v6 =	vld [tilespmem:s16+$0xC30];
	[tilespmem:s23+$0x16080] =	vst v4  }
0x252: {  	v4 =	vadd.f32 v9, v8;
	v8 =	vld [tilespmem:s19+$0xC30]  }
0x253: {  	s25 =	sor.u32 $0xC30, s18;
	v9 =	vld [tilespmem:s24+$0xC30]  }
0x254: {  	[tilespmem:s25+$0x16080] =	vst v4;
	v4 =	vadd.f32 v10, v7  }
0x255: {  	s26 =	sor.u32 $0xC30, s2;
	v7 =	vld [tilespmem:s8+$0xC40]  }
0x256: {  	v10 =	vld [tilespmem:s11+$0xC40];
	[tilespmem:s26+$0x16080] =	vst v4;
	v4 =	vadd.f32 v6, v5  }
0x257: {  	s28 =	sor.u32 $0xC30, s0;
	v5 =	vld [tilespmem:s13+$0xC40]  }
0x258: {  	v6 =	vld [tilespmem:s12+$0xC40];
	[tilespmem:s28+$0x16080] =	vst v4;
	v4 =	vadd.f32 v9, v8  }
0x259: {  	s29 =	sor.u32 $0xC30, s3;
	v8 =	vld [tilespmem:s17+$0xC40]  }
0x25a: {  	v9 =	vld [tilespmem:s16+$0xC40];
	[tilespmem:s29+$0x16080] =	vst v4  }
0x25b: {  	v4 =	vadd.f32 v10, v7;
	v7 =	vld [tilespmem:s19+$0xC40]  }
0x25c: {  	s30 =	sor.u32 $0xC40, s18;
	v10 =	vld [tilespmem:s24+$0xC40]  }
0x25d: {  	[tilespmem:s30+$0x16080] =	vst v4;
	v4 =	vadd.f32 v6, v5  }
0x25e: {  	s31 =	sor.u32 $0xC40, s2;
	v5 =	vld [tilespmem:s8+$0xC50]  }
0x25f: {  	v6 =	vld [tilespmem:s11+$0xC50];
	[tilespmem:s31+$0x16080] =	vst v4;
	v4 =	vadd.f32 v9, v8  }
0x260: {  	s4 =	sor.u32 $0xC40, s0;
	v8 =	vld [tilespmem:s13+$0xC50]  }
0x261: {  	v9 =	vld [tilespmem:s12+$0xC50];
	[tilespmem:s4+$0x16080] =	vst v4;
	v4 =	vadd.f32 v10, v7  }
0x262: {  	s5 =	sor.u32 $0xC40, s3;
	v7 =	vld [tilespmem:s17+$0xC50]  }
0x263: {  	v10 =	vld [tilespmem:s16+$0xC50];
	[tilespmem:s5+$0x16080] =	vst v4  }
0x264: {  	v4 =	vadd.f32 v6, v5;
	v5 =	vld [tilespmem:s19+$0xC50]  }
0x265: {  	s6 =	sor.u32 $0xC50, s18;
	v6 =	vld [tilespmem:s24+$0xC50]  }
0x266: {  	[tilespmem:s6+$0x16080] =	vst v4;
	v4 =	vadd.f32 v9, v8  }
0x267: {  	s10 =	sor.u32 $0xC50, s2;
	v8 =	vld [tilespmem:s8+$0xC60]  }
0x268: {  	v9 =	vld [tilespmem:s11+$0xC60];
	[tilespmem:s10+$0x16080] =	vst v4;
	v4 =	vadd.f32 v10, v7  }
0x269: {  	s14 =	sor.u32 $0xC50, s0;
	v7 =	vld [tilespmem:s13+$0xC60]  }
0x26a: {  	v10 =	vld [tilespmem:s12+$0xC60];
	[tilespmem:s14+$0x16080] =	vst v4;
	v4 =	vadd.f32 v6, v5  }
0x26b: {  	s20 =	sor.u32 $0xC50, s3;
	v5 =	vld [tilespmem:s17+$0xC60]  }
0x26c: {  	v6 =	vld [tilespmem:s16+$0xC60];
	[tilespmem:s20+$0x16080] =	vst v4  }
0x26d: {  	v4 =	vadd.f32 v9, v8;
	v8 =	vld [tilespmem:s19+$0xC60]  }
0x26e: {  	s21 =	sor.u32 $0xC60, s18;
	v9 =	vld [tilespmem:s24+$0xC60]  }
0x26f: {  	v11 =	vld [tilespmem:s7+$0xC70];
	[tilespmem:s21+$0x16080] =	vst v4;
	v4 =	vadd.f32 v10, v7  }
0x270: {  	s22 =	sor.u32 $0xC60, s2;
	v7 =	vld [tilespmem:s8+$0xC70]  }
0x271: {  	v10 =	vld [tilespmem:s11+$0xC70];
	[tilespmem:s22+$0x16080] =	vst v4;
	v4 =	vadd.f32 v6, v5  }
0x272: {  	s23 =	sor.u32 $0xC60, s0;
	v5 =	vld [tilespmem:s13+$0xC70]  }
0x273: {  	v6 =	vld [tilespmem:s12+$0xC70];
	[tilespmem:s23+$0x16080] =	vst v4;
	v4 =	vadd.f32 v9, v8  }
0x274: {  	s25 =	sor.u32 $0xC60, s3;
	v8 =	vld [tilespmem:s17+$0xC70]  }
0x275: {  	v9 =	vld [tilespmem:s16+$0xC70];
	[tilespmem:s25+$0x16080] =	vst v4  }
0x276: {  	v4 =	vld [tilespmem:s19+$0xC70]  }
0x277: {  	v12 =	vld [tilespmem:s24+$0xC70]  }
0x278: {  	v3 =	vadd.f32 v11, v3  }
0x279: {  	s26 =	sor.u32 $0xC70, s15;
	v7 =	vadd.f32 v10, v7  }
0x27a: {  	[tilespmem:s26+$0x16080] =	vst v3;
	s28 =	sor.u32 $0xC70, s18;
	v3 =	vadd.f32 v6, v5  }
0x27b: {  	s29 =	sor.u32 $0xC70, s2;
	[tilespmem:s28+$0x16080] =	vst v7;
	v5 =	vadd.f32 v9, v8  }
0x27c: {  	s0 =	sor.u32 $0xC70, s0;
	[tilespmem:s29+$0x16080] =	vst v3;
	v3 =	vadd.f32 v12, v4  }
0x27d: {  	s30 =	sor.u32 $0xC70, s3;
	[tilespmem:s0+$0x16080] =	vst v5  }
0x27e: {  	[tilespmem:s30+$0x16080] =	vst v3  }
0x27f: {  	v3 =	vld [tilespmem:$0x14280]  }
0x280: {  	v4 =	vld [tilespmem:$0x15280]  }
0x281: {  	v5 =	vld [tilespmem:$0x14290]  }
0x282: {  	v6 =	vld [tilespmem:$0x15290]  }
0x283: {  	v7 =	vld [tilespmem:$0x142A0]  }
0x284: {  	v8 =	vld [tilespmem:$0x152A0]  }
0x285: {  	v9 =	vld [tilespmem:$0x142B0]  }
0x286: {  	v10 =	vld [tilespmem:$0x152B0]  }
0x287: {  	v11 =	vld [tilespmem:$0x142C0]  }
0x288: {  	v50 =	vld [tilespmem:$0x152C0]  }
0x289: {  	v13 =	vld [tilespmem:$0x142D0]  }
0x28a: {  	v14 =	vld [tilespmem:$0x152D0]  }
0x28b: {  	v15 =	vld [tilespmem:$0x142E0]  }
0x28c: {  	v16 =	vld [tilespmem:$0x152E0]  }
0x28d: {  	v17 =	vld [tilespmem:$0x142F0]  }
0x28e: {  	v18 =	vld [tilespmem:$0x152F0]  }
0x28f: {  	v19 =	vld [tilespmem:$0x14680]  }
0x290: {  	v20 =	vld [tilespmem:$0x15680]  }
0x291: {  	v21 =	vld [tilespmem:$0x14690]  }
0x292: {  	v22 =	vld [tilespmem:$0x15690]  }
0x293: {  	v23 =	vld [tilespmem:$0x146A0]  }
0x294: {  	v24 =	vld [tilespmem:$0x156A0]  }
0x295: {  	v25 =	vld [tilespmem:$0x146B0]  }
0x296: {  	v26 =	vld [tilespmem:$0x156B0]  }
0x297: {  	v27 =	vld [tilespmem:$0x146C0]  }
0x298: {  	v28 =	vld [tilespmem:$0x156C0]  }
0x299: {  	v29 =	vld [tilespmem:$0x146D0]  }
0x29a: {  	v30 =	vld [tilespmem:$0x156D0]  }
0x29b: {  	v31 =	vld [tilespmem:$0x146E0]  }
0x29c: {  	v32 =	vld [tilespmem:$0x156E0]  }
0x29d: {  	v33 =	vld [tilespmem:$0x146F0]  }
0x29e: {  	v34 =	vld [tilespmem:$0x156F0]  }
0x29f: {  	v35 =	vld [tilespmem:$0x14A80]  }
0x2a0: {  	v36 =	vld [tilespmem:$0x15A80]  }
0x2a1: {  	v37 =	vld [tilespmem:$0x14A90]  }
0x2a2: {  	v38 =	vld [tilespmem:$0x15A90]  }
0x2a3: {  	v39 =	vld [tilespmem:$0x14AA0]  }
0x2a4: {  	v51 =	vld [tilespmem:$0x14AE0];
	v3 =	vadd.f32 v4, v3  }
0x2a5: {  	v52 =	vld [tilespmem:$0x15AE0];
	v5 =	vadd.f32 v6, v5  }
0x2a6: {  	v53 =	vld [tilespmem:$0x14AF0];
	[tilespmem:$0x1E080] =	vst v3;
	v3 =	vadd.f32 v8, v7  }
0x2a7: {  	v54 =	vld [tilespmem:$0x15AF0];
	[tilespmem:$0x1E090] =	vst v5;
	v5 =	vadd.f32 v10, v9  }
0x2a8: {  	v55 =	vld [tilespmem:$0x14E80];
	[tilespmem:$0x1E0A0] =	vst v3;
	v3 =	vadd.f32 v50, v11  }
0x2a9: {  	v56 =	vld [tilespmem:$0x15E80];
	[tilespmem:$0x1E0B0] =	vst v5;
	v5 =	vadd.f32 v14, v13  }
0x2aa: {  	v57 =	vld [tilespmem:$0x14E90];
	[tilespmem:$0x1E0C0] =	vst v3;
	v3 =	vadd.f32 v16, v15  }
0x2ab: {  	v58 =	vld [tilespmem:$0x15E90];
	[tilespmem:$0x1E0D0] =	vst v5;
	v5 =	vadd.f32 v18, v17  }
0x2ac: {  	v59 =	vld [tilespmem:$0x14EA0];
	[tilespmem:$0x1E0E0] =	vst v3;
	v3 =	vadd.f32 v20, v19  }
0x2ad: {  	v60 =	vld [tilespmem:$0x15EA0];
	[tilespmem:$0x1E0F0] =	vst v5;
	v5 =	vadd.f32 v22, v21  }
0x2ae: {  	v4 =	vld [tilespmem:$0x15AA0];
	[tilespmem:$0x1E480] =	vst v3;
	v3 =	vadd.f32 v24, v23  }
0x2af: {  	v6 =	vld [tilespmem:$0x14AB0];
	[tilespmem:$0x1E490] =	vst v5;
	v5 =	vadd.f32 v26, v25  }
0x2b0: {  	v7 =	vld [tilespmem:$0x15AB0];
	[tilespmem:$0x1E4A0] =	vst v3;
	v3 =	vadd.f32 v28, v27  }
0x2b1: {  	v8 =	vld [tilespmem:$0x14AC0];
	[tilespmem:$0x1E4B0] =	vst v5;
	v5 =	vadd.f32 v30, v29  }
0x2b2: {  	v9 =	vld [tilespmem:$0x15AC0];
	[tilespmem:$0x1E4C0] =	vst v3;
	v3 =	vadd.f32 v32, v31  }
0x2b3: {  	v10 =	vld [tilespmem:$0x14AD0];
	[tilespmem:$0x1E4D0] =	vst v5;
	v5 =	vadd.f32 v34, v33  }
0x2b4: {  	v11 =	vld [tilespmem:$0x15AD0];
	[tilespmem:$0x1E4E0] =	vst v3;
	v3 =	vadd.f32 v36, v35  }
0x2b5: {  	v61 =	vld [tilespmem:$0x14EB0];
	[tilespmem:$0x1E4F0] =	vst v5;
	v5 =	vadd.f32 v38, v37  }
0x2b6: {  	v62 =	vld [tilespmem:$0x14EF0];
	[tilespmem:$0x1E880] =	vst v3;
	v3 =	vadd.f32 v4, v39  }
0x2b7: {  	v4 =	vld [tilespmem:$0x15EB0];
	[tilespmem:$0x1E890] =	vst v5;
	v5 =	vadd.f32 v7, v6  }
0x2b8: {  	v63 =	vld [tilespmem:$0x15EF0];
	[tilespmem:$0x1E8A0] =	vst v3;
	v3 =	vadd.f32 v9, v8  }
0x2b9: {  	v6 =	vld [tilespmem:$0x14EC0];
	[tilespmem:$0x1E8B0] =	vst v5;
	v5 =	vadd.f32 v11, v10  }
0x2ba: {  	v8 =	vld [tilespmem:$0x14ED0];
	[tilespmem:$0x1E8C0] =	vst v3;
	v3 =	vadd.f32 v52, v51  }
0x2bb: {  	v9 =	vld [tilespmem:$0x15ED0];
	[tilespmem:$0x1E8D0] =	vst v5;
	v5 =	vadd.f32 v54, v53  }
0x2bc: {  	v7 =	vld [tilespmem:$0x15EC0];
	v4 =	vadd.f32 v4, v61;
	[tilespmem:$0x1E8E0] =	vst v3  }
0x2bd: {  	v10 =	vld [tilespmem:$0x14EE0];
	v3 =	vadd.f32 v56, v55;
	[tilespmem:$0x1E8F0] =	vst v5  }
0x2be: {  	v11 =	vld [tilespmem:$0x15EE0];
	v5 =	vadd.f32 v58, v57;
	[tilespmem:$0x1ECB0] =	vst v4  }
0x2bf: {  	[tilespmem:$0x1EC80] =	vst v3;
	v3 =	vadd.f32 v60, v59  }
0x2c0: {  	v4 =	vadd.f32 v9, v8;
	[tilespmem:$0x1EC90] =	vst v5  }
0x2c1: {  	[tilespmem:$0x1ECA0] =	vst v3;
	v3 =	vadd.f32 v7, v6  }
0x2c2: {  	[tilespmem:$0x1ECD0] =	vst v4;
	v4 =	vadd.f32 v63, v62  }
0x2c3: {  	[tilespmem:$0x1ECC0] =	vst v3;
	v3 =	vadd.f32 v11, v10  }
0x2c4: {  	[tilespmem:$0x1ECF0] =	vst v4  }
0x2c5: {  	s31 =	simm.s32 $0x9;
	[tilespmem:$0x1ECE0] =	vst v3  }
0x2c6: {  	_ =	swait.ge [sflag:s31], $0x1000  }
0x2c7: {  	[sflag:s31] =	ssyncset.done $0x0  }
0x2c8: {  	[sflag:s31] =	ssyncadd.s32 $0xFFFFF000  }
0x2c9: {  	_ =	swait.ge [sflag:s31], $0x1000  }
0x2ca: {  	[sflag:s31] =	ssyncset.done $0x0  }
0x2cb: {  	[sflag:s31] =	ssyncadd.s32 $0xFFFFF000  }
0x2cc: {  	_ =	swait.ge [sflag:s31], $0x1000  }
0x2cd: {  	[sflag:s31] =	ssyncset.done $0x0  }
0x2ce: {  	s0 =	simm.s32 $0x1020;
	[sflag:s31] =	ssyncadd.s32 $0xFFFFF000  }
0x2cf: {  	v6 =	vld [tilespmem:s0+$0x10]  }
0x2d0: {  	s2 =	simm.s32 $0x20A0;
	v7 =	vld [tilespmem:s0+$0xFFFFFFF0]  }
0x2d1: {  	v9 =	vld [tilespmem:s2+$0x10]  }
0x2d2: {  	v4 =	vld [tilespmem:s0+$0x0]  }
0x2d3: {  	v5 =	vld [tilespmem:s0+$0xFFFFFFE0]  }
0x2d4: {  	v3 =	vld [tilespmem:s2+$0xFFFFFFE0];
	v10 =	vmul.u32 $0x5, v6  }
0x2d5: {  	v6 =	vld [tilespmem:s2+$0xFFFFFFF0]  }
0x2d6: {  	s3 =	simm.s32 $0x0;
	s4 =	simm.s32 $0x1060;
	v8 =	vld [tilespmem:s2+$0x0];
	v7 =	vmul.u32 $0x5, v7;
	v9 =	vadd.s32 v9, v10  }
.LBB2_4:
0x2d7: {  	v10 =	vld [tilespmem:s4+$0x10];
	s3 =	sadd.s32 $0x4, s3;
	v11 =	vmul.u32 $0x5, v4;
	[tilespmem:s0+$0x10] =	vst v9  }
0x2d8: {  	s2 =	sadd.s32 $0x40, s2;
	v9 =	vld [tilespmem:s4+$0xFFFFFFF0];
	p0 =	slt.u32 s3, $0xFC;
	v5 =	vmul.u32 $0x5, v5  }
0x2d9: {  	v12 =	vld [tilespmem:s2+$0x10]  }
.Ltmp1:
0x2da: {  	v4 =	vld [tilespmem:s4+$0x0];
	v3 =	vadd.s32 v3, v5;
	v6 =	vadd.s32 v6, v7;
	(pc) =	sbr.rel @p0 .LBB2_4-.Ltmp1, $4  }
0x2db: {  	v5 =	vld [tilespmem:s4+$0xFFFFFFE0];
	[tilespmem:s0+$0xFFFFFFE0] =	vst v3;
	v8 =	vadd.s32 v8, v11  }
0x2dc: {  	v3 =	vld [tilespmem:s2+$0xFFFFFFE0];
	v10 =	vmul.u32 $0x5, v10;
	[tilespmem:s0+$0xFFFFFFF0] =	vst v6  }
0x2dd: {  	v7 =	vmul.u32 $0x5, v9;
	v6 =	vld [tilespmem:s2+$0xFFFFFFF0];
	[tilespmem:s0+$0x0] =	vst v8;
	s0 =	smov.u32 s4  }
0x2de: {  	s4 =	sadd.s32 $0x40, s4;
	v8 =	vld [tilespmem:s2+$0x0];
	v9 =	vadd.s32 v12, v10  }
0x2df: {  	_ = 	snop  }
0x2e0: {  	v5 =	vmul.u32 $0x5, v5;
	_ =	sdelay $0x1  }
0x2e1: {  	v4 =	vmul.u32 $0x5, v4;
	[tilespmem:s0+$0x10] =	vst v9;
	v3 =	vadd.s32 v3, v5  }
0x2e2: {  	v59 =	vadd.s32 v6, v7;
	[tilespmem:s0+$0xFFFFFFE0] =	vst v3  }
0x2e3: {  	v3 =	vadd.s32 v8, v4;
	[tilespmem:s0+$0xFFFFFFF0] =	vst v59  }
0x2e4: {  	[tilespmem:s0+$0x0] =	vst v3  }
0x2e5: {  	v3 =	vld [tilespmem:$0x0];
	_ =	sdelay $0x4  }
0x2e6: {  	v60 =	vshll.u32 v3, $0x2  }
0x2e7: {  	v3 =	vand.u32 $0x7, v3;
	v4 =	vand.u32 $0xFFFFFFE0, v60  }
0x2e8: {  	v3 =	vor.u32 v3, v4  }
0x2e9: {  	v4 =	vperm.xlane v3, v0;
	_ =	sdelay $0x1  }
0x2ea: {  	v4 =	vadd.s32 v1, v4;
	_ =	sdelay $0x1  }
0x2eb: {  	v3 =	vperm.xlane v3, v2;
	_ =	sdelay $0x1  }
0x2ec: {  	s11 =	simm.s32 $0x0;
	s29 =	rddreg [dreg:$0x3];
	s12 =	simm.s32 $0x3080;
	v3 =	vadd.s32 v1, v3  }
0x2ed: {  	[tilespmem:s12], [sflag:$0x1] =	stream.indirect_vreg.gather [hbm4b:s29+s11], $0x80, v4, vm0, $0xb8;
	[tilespmem:$0x1F080] =	vst v63  }
0x2ee: {  	s13 =	simm.s32 $0x3880  }
0x2ef: {  	[tilespmem:s13], [sflag:$0x1] =	stream.indirect_vreg.gather [hbm4b:s9+s11], $0x80, v4, vm0, $0xb8;
	[tilespmem:$0x1F080] =	vst v63  }
0x2f0: {  	s14 =	simm.s32 $0x4080  }
0x2f1: {  	[tilespmem:s14], [sflag:$0x1] =	stream.indirect_vreg.gather [hbm4b:s29+s11], $0x80, v3, vm0, $0xb8;
	[tilespmem:$0x1F080] =	vst v63  }
0x2f2: {  	s15 =	simm.s32 $0x4880  }
0x2f3: {  	[tilespmem:s15], [sflag:$0x1] =	stream.indirect_vreg.gather [hbm4b:s9+s11], $0x80, v3, vm0, $0xb8;
	[tilespmem:$0x1F080] =	vst v63  }
0x2f4: {  	v3 =	vld [tilespmem:$0x10];
	_ =	sdelay $0x4  }
0x2f5: {  	v61 =	vshll.u32 v3, $0x2  }
0x2f6: {  	v3 =	vand.u32 $0x7, v3;
	v4 =	vand.u32 $0xFFFFFFE0, v61  }
0x2f7: {  	v3 =	vor.u32 v3, v4  }
0x2f8: {  	v4 =	vperm.xlane v3, v0;
	_ =	sdelay $0x1  }
0x2f9: {  	v4 =	vadd.s32 v1, v4;
	_ =	sdelay $0x1  }
0x2fa: {  	v3 =	vperm.xlane v3, v2;
	_ =	sdelay $0x1  }
0x2fb: {  	s16 =	simm.s32 $0x5080;
	v3 =	vadd.s32 v1, v3  }
0x2fc: {  	[tilespmem:s16], [sflag:$0x1] =	stream.indirect_vreg.gather [hbm4b:s29+s11], $0x80, v4, vm0, $0xb8;
	[tilespmem:$0x1F080] =	vst v63  }
0x2fd: {  	s17 =	simm.s32 $0x5880  }
0x2fe: {  	[tilespmem:s17], [sflag:$0x1] =	stream.indirect_vreg.gather [hbm4b:s9+s11], $0x80, v4, vm0, $0xb8;
	[tilespmem:$0x1F080] =	vst v63  }
0x2ff: {  	s18 =	simm.s32 $0x6080  }
0x300: {  	[tilespmem:s18], [sflag:$0x1] =	stream.indirect_vreg.gather [hbm4b:s29+s11], $0x80, v3, vm0, $0xb8;
	[tilespmem:$0x1F080] =	vst v63  }
0x301: {  	s19 =	simm.s32 $0x6880  }
0x302: {  	[tilespmem:s19], [sflag:$0x1] =	stream.indirect_vreg.gather [hbm4b:s9+s11], $0x80, v3, vm0, $0xb8;
	[tilespmem:$0x1F080] =	vst v63  }
0x303: {  	v3 =	vld [tilespmem:$0x20];
	_ =	sdelay $0x4  }
0x304: {  	v62 =	vshll.u32 v3, $0x2  }
0x305: {  	v3 =	vand.u32 $0x7, v3;
	v4 =	vand.u32 $0xFFFFFFE0, v62  }
0x306: {  	v3 =	vor.u32 v3, v4  }
0x307: {  	v4 =	vperm.xlane v3, v0;
	_ =	sdelay $0x1  }
0x308: {  	v4 =	vadd.s32 v1, v4;
	_ =	sdelay $0x1  }
0x309: {  	v3 =	vperm.xlane v3, v2;
	_ =	sdelay $0x1  }
0x30a: {  	s20 =	simm.s32 $0x7080;
	v3 =	vadd.s32 v1, v3  }
0x30b: {  	[tilespmem:s20], [sflag:$0x2] =	stream.indirect_vreg.gather [hbm4b:s29+s11], $0x80, v4, vm0, $0xb8;
	[tilespmem:$0x1F080] =	vst v63  }
0x30c: {  	s21 =	simm.s32 $0x7880  }
0x30d: {  	[tilespmem:s21], [sflag:$0x2] =	stream.indirect_vreg.gather [hbm4b:s9+s11], $0x80, v4, vm0, $0xb8;
	[tilespmem:$0x1F080] =	vst v63  }
0x30e: {  	s22 =	simm.s32 $0x8080  }
0x30f: {  	[tilespmem:s22], [sflag:$0x2] =	stream.indirect_vreg.gather [hbm4b:s29+s11], $0x80, v3, vm0, $0xb8;
	[tilespmem:$0x1F080] =	vst v63  }
0x310: {  	s23 =	simm.s32 $0x8880  }
0x311: {  	[tilespmem:s23], [sflag:$0x2] =	stream.indirect_vreg.gather [hbm4b:s9+s11], $0x80, v3, vm0, $0xb8;
	[tilespmem:$0x1F080] =	vst v63  }
0x312: {  	v3 =	vld [tilespmem:$0x30];
	_ =	sdelay $0x4  }
0x313: {  	v63 =	vshll.u32 v3, $0x2  }
0x314: {  	v3 =	vand.u32 $0x7, v3;
	v4 =	vand.u32 $0xFFFFFFE0, v63  }
0x315: {  	v3 =	vor.u32 v3, v4  }
0x316: {  	v4 =	vperm.xlane v3, v0;
	_ =	sdelay $0x1  }
0x317: {  	v4 =	vadd.s32 v1, v4;
	_ =	sdelay $0x1  }
0x318: {  	v3 =	vperm.xlane v3, v2;
	_ =	sdelay $0x1  }
0x319: {  	s24 =	simm.s32 $0x9080;
	s25 =	simm.s32 $0x9880;
	v3 =	vadd.s32 v1, v3  }
0x31a: {  	[tilespmem:s24], [sflag:$0x2] =	stream.indirect_vreg.gather [hbm4b:s29+s11], $0x80, v4, vm0, $0xb8;
	[tilespmem:$0x1F080] =	vst v63  }
0x31b: {  	s26 =	simm.s32 $0xA080;
	s28 =	simm.s32 $0xA880;
	s7 =	simm.s32 $0x1000  }
0x31c: {  	[tilespmem:s25], [sflag:$0x2] =	stream.indirect_vreg.gather [hbm4b:s9+s11], $0x80, v4, vm0, $0xb8;
	[tilespmem:$0x1F080] =	vst v63  }
0x31d: {  	s8 =	simm.s32 $0x1060;
	s30 =	simm.s32 $0x0;
	s31 =	rddreg [dreg:$0xb]  }
0x31e: {  	[tilespmem:s26], [sflag:$0x2] =	stream.indirect_vreg.gather [hbm4b:s29+s11], $0x80, v3, vm0, $0xb8;
	[tilespmem:$0x1F080] =	vst v63  }
0x31f: {  	s12 =	simm.s32 $0x0;
	s15 =	simm.s32 $0x1020;
	s17 =	simm.s32 $0x1040  }
0x320: {  	[tilespmem:s28], [sflag:$0x2] =	stream.indirect_vreg.gather [hbm4b:s9+s11], $0x80, v3, vm0, $0xb8;
	[tilespmem:$0x1F080] =	vst v63  }
.LBB2_6:
0x321: {  	p0 =	seq.s32 s12, $0x0  }
0x322: {  	s19 =	sshll.u32 s12, $0x2;
	s0 =	simm.s32 @!p0 $0x7  }
0x323: {  	s14 =	sor.u32 $0x2, s19;
	_ =	swait.ge @!p0 [sflag:s0], $0x4000  }
0x324: {  	s1 =	sshll.u32 s14, $0x5;
	[sflag:s0] =	ssyncset.done @!p0 $0x0  }
0x325: {  	s25 =	sand.u32 $0x3FFFFFE0, s1;
	[sflag:s0] =	ssyncadd.s32 @!p0 $0xFFFFC000  }
0x326: {  	v3 =	vld [tilespmem:s25+$0x0];
	_ =	sdelay $0x4  }
0x327: {  	v4 =	vshll.u32 v3, $0x2  }
0x328: {  	v3 =	vand.u32 $0x7, v3;
	v4 =	vand.u32 $0xFFFFFFE0, v4  }
0x329: {  	v3 =	vor.u32 v3, v4  }
0x32a: {  	v4 =	vperm.xlane v3, v0;
	_ =	sdelay $0x1  }
0x32b: {  	v4 =	vadd.s32 v1, v4;
	_ =	sdelay $0x1  }
0x32c: {  	v3 =	vperm.xlane v3, v2;
	_ =	sdelay $0x1  }
0x32d: {  	s26 =	simm.s32 $0xB080;
	v3 =	vadd.s32 v1, v3  }
0x32e: {  	[tilespmem:s26], [sflag:$0x3] =	stream.indirect_vreg.gather [hbm4b:s29+s11], $0x80, v4, vm0, $0xb8;
	[tilespmem:$0x1F080] =	vst v63  }
0x32f: {  	s28 =	simm.s32 $0xB880  }
0x330: {  	[tilespmem:s28], [sflag:$0x3] =	stream.indirect_vreg.gather [hbm4b:s9+s11], $0x80, v4, vm0, $0xb8;
	[tilespmem:$0x1F080] =	vst v63  }
0x331: {  	s2 =	simm.s32 $0xC080  }
0x332: {  	[tilespmem:s2], [sflag:$0x3] =	stream.indirect_vreg.gather [hbm4b:s29+s11], $0x80, v3, vm0, $0xb8;
	[tilespmem:$0x1F080] =	vst v63  }
0x333: {  	s3 =	simm.s32 $0xC880  }
0x334: {  	[tilespmem:s3], [sflag:$0x3] =	stream.indirect_vreg.gather [hbm4b:s9+s11], $0x80, v3, vm0, $0xb8;
	[tilespmem:$0x1F080] =	vst v63  }
0x335: {  	v3 =	vld [tilespmem:s25+$0x10];
	_ =	sdelay $0x4  }
0x336: {  	v4 =	vshll.u32 v3, $0x2  }
0x337: {  	v3 =	vand.u32 $0x7, v3;
	v4 =	vand.u32 $0xFFFFFFE0, v4  }
0x338: {  	v3 =	vor.u32 v3, v4  }
0x339: {  	v4 =	vperm.xlane v3, v0;
	_ =	sdelay $0x1  }
0x33a: {  	v4 =	vadd.s32 v1, v4;
	_ =	sdelay $0x1  }
0x33b: {  	v3 =	vperm.xlane v3, v2;
	_ =	sdelay $0x1  }
0x33c: {  	s4 =	simm.s32 $0xD080;
	v3 =	vadd.s32 v1, v3  }
0x33d: {  	[tilespmem:s4], [sflag:$0x3] =	stream.indirect_vreg.gather [hbm4b:s29+s11], $0x80, v4, vm0, $0xb8;
	[tilespmem:$0x1F080] =	vst v63  }
0x33e: {  	s5 =	simm.s32 $0xD880  }
0x33f: {  	[tilespmem:s5], [sflag:$0x3] =	stream.indirect_vreg.gather [hbm4b:s9+s11], $0x80, v4, vm0, $0xb8;
	[tilespmem:$0x1F080] =	vst v63  }
0x340: {  	s6 =	simm.s32 $0xE080  }
0x341: {  	[tilespmem:s6], [sflag:$0x3] =	stream.indirect_vreg.gather [hbm4b:s29+s11], $0x80, v3, vm0, $0xb8;
	[tilespmem:$0x1F080] =	vst v63  }
0x342: {  	s10 =	simm.s32 $0xE880;
	s13 =	simm.s32 $0x1  }
0x343: {  	[tilespmem:s10], [sflag:$0x3] =	stream.indirect_vreg.gather [hbm4b:s9+s11], $0x80, v3, vm0, $0xb8;
	[tilespmem:$0x1F080] =	vst v63  }
0x344: {  	_ =	swait.ge [sflag:s13], $0x4000  }
0x345: {  	[sflag:s13] =	ssyncset.done $0x0  }
0x346: {  	[sflag:s13] =	ssyncadd.s32 $0xFFFFC000  }
0x347: {  	v3 =	vld [tilespmem:s7+$0x0];
	_ =	sdelay $0x4  }
0x348: {  	(v2sf) =	vpush v3, $0x0;
	_ =	sdelay $0xe  }
0x349: {  	s16 =	spop (v2sf)  }
0x34a: {  	s18 =	sshll.u32 s16, $0x9;
	s0 =	sshll.u32 s16, $0x7  }
0x34b: {  	s1 =	sand.u32 $0xFFFFF000, s18;
	s0 =	sand.u32 $0x380, s0  }
0x34c: {  	s1 =	sor.u32 s0, s1  }
0x34d: {  	v3 =	vld [tilespmem:s1+$0x16080];
	_ =	sdelay $0x2  }
0x34e: {  	s20 =	sand.u32 $0x3000, s11;
	s2 =	sand.u32 $0x380, s11  }
0x34f: {  	s0 =	sor.u32 s2, s20  }
0x350: {  	s13 =	sadd.s32 $0x16080, s1;
	[tilespmem:s0+$0x3080] =	vst.add.f32.msk $0xffff, v3  }
0x351: {  	v3 =	vld [tilespmem:s13+$0x10];
	_ =	sdelay $0x4  }
0x352: {  	[tilespmem:s0+$0x3090] =	vst.add.f32.msk $0xffff, v3  }
0x353: {  	v3 =	vld [tilespmem:s13+$0x20];
	_ =	sdelay $0x4  }
0x354: {  	[tilespmem:s0+$0x30A0] =	vst.add.f32.msk $0xffff, v3  }
0x355: {  	v3 =	vld [tilespmem:s13+$0x30];
	_ =	sdelay $0x4  }
0x356: {  	[tilespmem:s0+$0x30B0] =	vst.add.f32.msk $0xffff, v3  }
0x357: {  	v3 =	vld [tilespmem:s13+$0x40];
	_ =	sdelay $0x4  }
0x358: {  	[tilespmem:s0+$0x30C0] =	vst.add.f32.msk $0xffff, v3  }
0x359: {  	v3 =	vld [tilespmem:s13+$0x50];
	_ =	sdelay $0x4  }
0x35a: {  	[tilespmem:s0+$0x30D0] =	vst.add.f32.msk $0xffff, v3  }
0x35b: {  	v3 =	vld [tilespmem:s13+$0x60];
	_ =	sdelay $0x2  }
0x35c: {  	s21 =	sadd.s32 $0x1, s7  }
0x35d: {  	v4 =	vld [tilespmem:s21+$0x0]  }
0x35e: {  	[tilespmem:s0+$0x30E0] =	vst.add.f32.msk $0xffff, v3  }
0x35f: {  	v3 =	vld [tilespmem:s13+$0x70];
	_ =	sdelay $0x2  }
0x360: {  	(v2sf) =	vpush v4, $0x0;
	_ =	sdelay $0x1  }
0x361: {  	[tilespmem:s0+$0x30F0] =	vst.add.f32.msk $0xffff, v3  }
0x362: {  	v3 =	vld [tilespmem:s13+$0x400];
	_ =	sdelay $0x4  }
0x363: {  	[tilespmem:s0+$0x3480] =	vst.add.f32.msk $0xffff, v3  }
0x364: {  	v3 =	vld [tilespmem:s13+$0x410];
	_ =	sdelay $0x4  }
0x365: {  	[tilespmem:s0+$0x3490] =	vst.add.f32.msk $0xffff, v3  }
0x366: {  	s22 =	spop (v2sf);
	v3 =	vld [tilespmem:s13+$0x420]  }
0x367: {  	s3 =	sshll.u32 s22, $0x9;
	s2 =	sshll.u32 s22, $0x7  }
0x368: {  	s3 =	sand.u32 $0xFFFFF000, s3;
	s2 =	sand.u32 $0x380, s2  }
0x369: {  	s2 =	sor.u32 s2, s3  }
0x36a: {  	v4 =	vld [tilespmem:s2+$0x16080]  }
0x36b: {  	[tilespmem:s0+$0x34A0] =	vst.add.f32.msk $0xffff, v3  }
0x36c: {  	s23 =	simm.s32 $0x200;
	s4 =	simm.s32 $0x80;
	v3 =	vld [tilespmem:s13+$0x430]  }
0x36d: {  	s4 =	sand.u32 $0x380, s4;
	s3 =	sand.u32 $0x3000, s23  }
0x36e: {  	s3 =	sor.u32 s4, s3  }
0x36f: {  	s4 =	sadd.s32 $0x16080, s2;
	[tilespmem:s3+$0x3080] =	vst.add.f32.msk $0xffff, v4  }
0x370: {  	v4 =	vld [tilespmem:s4+$0x10]  }
0x371: {  	[tilespmem:s0+$0x34B0] =	vst.add.f32.msk $0xffff, v3  }
0x372: {  	v3 =	vld [tilespmem:s13+$0x440];
	_ =	sdelay $0x2  }
0x373: {  	[tilespmem:s3+$0x3090] =	vst.add.f32.msk $0xffff, v4  }
0x374: {  	v4 =	vld [tilespmem:s4+$0x20]  }
0x375: {  	[tilespmem:s0+$0x34C0] =	vst.add.f32.msk $0xffff, v3  }
0x376: {  	v3 =	vld [tilespmem:s13+$0x450];
	_ =	sdelay $0x2  }
0x377: {  	[tilespmem:s3+$0x30A0] =	vst.add.f32.msk $0xffff, v4  }
0x378: {  	v4 =	vld [tilespmem:s4+$0x30]  }
0x379: {  	[tilespmem:s0+$0x34D0] =	vst.add.f32.msk $0xffff, v3  }
0x37a: {  	v3 =	vld [tilespmem:s13+$0x460];
	_ =	sdelay $0x2  }
0x37b: {  	[tilespmem:s3+$0x30B0] =	vst.add.f32.msk $0xffff, v4  }
0x37c: {  	v4 =	vld [tilespmem:s4+$0x40]  }
0x37d: {  	[tilespmem:s0+$0x34E0] =	vst.add.f32.msk $0xffff, v3  }
0x37e: {  	v3 =	vld [tilespmem:s13+$0x470];
	_ =	sdelay $0x2  }
0x37f: {  	[tilespmem:s3+$0x30C0] =	vst.add.f32.msk $0xffff, v4  }
0x380: {  	v4 =	vld [tilespmem:s4+$0x50]  }
0x381: {  	[tilespmem:s0+$0x34F0] =	vst.add.f32.msk $0xffff, v3  }
0x382: {  	v3 =	vld [tilespmem:s13+$0x800]  }
0x383: {  	s1 =	sadd.s32 $0x1, s21  }
0x384: {  	v5 =	vld [tilespmem:s1+$0x0]  }
0x385: {  	[tilespmem:s3+$0x30D0] =	vst.add.f32.msk $0xffff, v4  }
0x386: {  	v4 =	vld [tilespmem:s4+$0x60]  }
0x387: {  	[tilespmem:s0+$0x3880] =	vst.add.f32.msk $0xffff, v3  }
0x388: {  	v3 =	vld [tilespmem:s13+$0x810]  }
0x389: {  	(v2sf) =	vpush v5, $0x0;
	_ =	sdelay $0x1  }
0x38a: {  	[tilespmem:s3+$0x30E0] =	vst.add.f32.msk $0xffff, v4  }
0x38b: {  	v4 =	vld [tilespmem:s4+$0x70]  }
0x38c: {  	[tilespmem:s0+$0x3890] =	vst.add.f32.msk $0xffff, v3  }
0x38d: {  	v3 =	vld [tilespmem:s13+$0x820];
	_ =	sdelay $0x2  }
0x38e: {  	[tilespmem:s3+$0x30F0] =	vst.add.f32.msk $0xffff, v4  }
0x38f: {  	v4 =	vld [tilespmem:s4+$0x400]  }
0x390: {  	[tilespmem:s0+$0x38A0] =	vst.add.f32.msk $0xffff, v3  }
0x391: {  	v3 =	vld [tilespmem:s13+$0x830];
	_ =	sdelay $0x2  }
0x392: {  	[tilespmem:s3+$0x3480] =	vst.add.f32.msk $0xffff, v4  }
0x393: {  	s24 =	spop (v2sf);
	v4 =	vld [tilespmem:s4+$0x410]  }
0x394: {  	s5 =	sshll.u32 s24, $0x9;
	s2 =	sshll.u32 s24, $0x7;
	[tilespmem:s0+$0x38B0] =	vst.add.f32.msk $0xffff, v3  }
0x395: {  	s5 =	sand.u32 $0xFFFFF000, s5;
	s2 =	sand.u32 $0x380, s2;
	v3 =	vld [tilespmem:s13+$0x840]  }
0x396: {  	s25 =	sor.u32 s2, s5  }
0x397: {  	v6 =	vld [tilespmem:s25+$0x16080]  }
0x398: {  	[tilespmem:s3+$0x3490] =	vst.add.f32.msk $0xffff, v4  }
0x399: {  	s26 =	simm.s32 $0x400;
	s18 =	simm.s32 $0x100;
	v4 =	vld [tilespmem:s4+$0x420]  }
0x39a: {  	s28 =	sand.u32 $0x380, s18;
	s2 =	sand.u32 $0x3000, s26;
	[tilespmem:s0+$0x38C0] =	vst.add.f32.msk $0xffff, v3  }
0x39b: {  	s2 =	sor.u32 s28, s2;
	v5 =	vld [tilespmem:s13+$0x850]  }
0x39c: {  	s6 =	sadd.s32 $0x16080, s25;
	[tilespmem:s2+$0x3080] =	vst.add.f32.msk $0xffff, v6  }
0x39d: {  	v6 =	vld [tilespmem:s6+$0x10]  }
0x39e: {  	[tilespmem:s3+$0x34A0] =	vst.add.f32.msk $0xffff, v4  }
0x39f: {  	v4 =	vld [tilespmem:s4+$0x430]  }
0x3a0: {  	[tilespmem:s0+$0x38D0] =	vst.add.f32.msk $0xffff, v5  }
0x3a1: {  	v5 =	vld [tilespmem:s13+$0x860]  }
0x3a2: {  	[tilespmem:s2+$0x3090] =	vst.add.f32.msk $0xffff, v6  }
0x3a3: {  	v6 =	vld [tilespmem:s6+$0x20]  }
0x3a4: {  	[tilespmem:s3+$0x34B0] =	vst.add.f32.msk $0xffff, v4  }
0x3a5: {  	v4 =	vld [tilespmem:s4+$0x440]  }
0x3a6: {  	[tilespmem:s0+$0x38E0] =	vst.add.f32.msk $0xffff, v5  }
0x3a7: {  	v5 =	vld [tilespmem:s13+$0x870]  }
0x3a8: {  	[tilespmem:s2+$0x30A0] =	vst.add.f32.msk $0xffff, v6  }
0x3a9: {  	v6 =	vld [tilespmem:s6+$0x30]  }
0x3aa: {  	[tilespmem:s3+$0x34C0] =	vst.add.f32.msk $0xffff, v4  }
0x3ab: {  	v4 =	vld [tilespmem:s4+$0x450]  }
0x3ac: {  	[tilespmem:s0+$0x38F0] =	vst.add.f32.msk $0xffff, v5  }
0x3ad: {  	v5 =	vld [tilespmem:s13+$0xC00]  }
0x3ae: {  	[tilespmem:s2+$0x30B0] =	vst.add.f32.msk $0xffff, v6  }
0x3af: {  	v6 =	vld [tilespmem:s6+$0x40]  }
0x3b0: {  	[tilespmem:s3+$0x34D0] =	vst.add.f32.msk $0xffff, v4  }
0x3b1: {  	v4 =	vld [tilespmem:s4+$0x460]  }
0x3b2: {  	[tilespmem:s0+$0x3C80] =	vst.add.f32.msk $0xffff, v5  }
0x3b3: {  	v5 =	vld [tilespmem:s13+$0xC10]  }
0x3b4: {  	[tilespmem:s2+$0x30C0] =	vst.add.f32.msk $0xffff, v6  }
0x3b5: {  	v6 =	vld [tilespmem:s6+$0x50]  }
0x3b6: {  	[tilespmem:s3+$0x34E0] =	vst.add.f32.msk $0xffff, v4  }
0x3b7: {  	v4 =	vld [tilespmem:s4+$0x470]  }
0x3b8: {  	[tilespmem:s0+$0x3C90] =	vst.add.f32.msk $0xffff, v5  }
0x3b9: {  	v5 =	vld [tilespmem:s13+$0xC20]  }
0x3ba: {  	[tilespmem:s2+$0x30D0] =	vst.add.f32.msk $0xffff, v6  }
0x3bb: {  	v6 =	vld [tilespmem:s6+$0x60]  }
0x3bc: {  	[tilespmem:s3+$0x34F0] =	vst.add.f32.msk $0xffff, v4  }
0x3bd: {  	v4 =	vld [tilespmem:s4+$0x800]  }
0x3be: {  	[tilespmem:s0+$0x3CA0] =	vst.add.f32.msk $0xffff, v5  }
0x3bf: {  	v5 =	vld [tilespmem:s13+$0xC30];
	_ =	sdelay $0x1  }
0x3c0: {  	[tilespmem:s2+$0x30E0] =	vst.add.f32.msk $0xffff, v6  }
0x3c1: {  	[tilespmem:s3+$0x3880] =	vst.add.f32.msk $0xffff, v4  }
0x3c2: {  	v7 =	vld [tilespmem:s4+$0x810]  }
0x3c3: {  	[tilespmem:s0+$0x3CB0] =	vst.add.f32.msk $0xffff, v5  }
0x3c4: {  	s20 =	sadd.s32 $0x1, s1;
	v4 =	vld [tilespmem:s13+$0xC40]  }
0x3c5: {  	v3 =	vld [tilespmem:s20+$0x0]  }
0x3c6: {  	v5 =	vld [tilespmem:s6+$0x70]  }
0x3c7: {  	s16 =	sshll.u32 s12, $0x9;
	s21 =	simm.s32 $0x600;
	s22 =	simm.s32 $0x800;
	[tilespmem:s3+$0x3890] =	vst.add.f32.msk $0xffff, v7  }
.LBB2_7:
0x3c8: {  	p1 =	sne.s32 s22, $0x3E00;
	v6 =	vld [tilespmem:s4+$0x820]  }
0x3c9: {  	[tilespmem:s0+$0x3CC0] =	vst.add.f32.msk $0xffff, v4  }
0x3ca: {  	(v2sf) =	vpush v3, $0x0;
	v3 =	vld [tilespmem:s13+$0xC50]  }
0x3cb: {  	[tilespmem:s2+$0x30F0] =	vst.add.f32.msk $0xffff, v5  }
0x3cc: {  	v4 =	vld [tilespmem:s6+$0x400]  }
0x3cd: {  	[tilespmem:s3+$0x38A0] =	vst.add.f32.msk $0xffff, v6  }
0x3ce: {  	v5 =	vld [tilespmem:s4+$0x830]  }
0x3cf: {  	[tilespmem:s0+$0x3CD0] =	vst.add.f32.msk $0xffff, v3  }
0x3d0: {  	v3 =	vld [tilespmem:s13+$0xC60]  }
0x3d1: {  	[tilespmem:s2+$0x3480] =	vst.add.f32.msk $0xffff, v4  }
0x3d2: {  	v4 =	vld [tilespmem:s6+$0x410]  }
0x3d3: {  	[tilespmem:s3+$0x38B0] =	vst.add.f32.msk $0xffff, v5  }
0x3d4: {  	v5 =	vld [tilespmem:s4+$0x840]  }
0x3d5: {  	[tilespmem:s0+$0x3CE0] =	vst.add.f32.msk $0xffff, v3  }
0x3d6: {  	v3 =	vld [tilespmem:s13+$0xC70];
	s13 =	smov.u32 s4;
	s4 =	smov.u32 s6  }
0x3d7: {  	[tilespmem:s2+$0x3490] =	vst.add.f32.msk $0xffff, v4  }
0x3d8: {  	v4 =	vld [tilespmem:s4+$0x420]  }
0x3d9: {  	s1 =	spop (v2sf);
	[tilespmem:s3+$0x38C0] =	vst.add.f32.msk $0xffff, v5  }
0x3da: {  	s5 =	sshll.u32 s1, $0x9;
	s1 =	sshll.u32 s1, $0x7;
	v5 =	vld [tilespmem:s13+$0x850]  }
0x3db: {  	s20 =	sadd.s32 $0x1, s20;
	s5 =	sand.u32 $0xFFFFF000, s5;
	s1 =	sand.u32 $0x380, s1;
	[tilespmem:s0+$0x3CF0] =	vst.add.f32.msk $0xffff, v3  }
0x3dc: {  	s0 =	smov.u32 s3;
	s3 =	smov.u32 s2;
	v3 =	vld [tilespmem:s20+$0x0];
	s1 =	sor.u32 s1, s5  }
0x3dd: {  	v6 =	vld [tilespmem:s1+$0x16080]  }
0x3de: {  	[tilespmem:s3+$0x34A0] =	vst.add.f32.msk $0xffff, v4  }
0x3df: {  	s18 =	sadd.s32 $0x80, s18;
	v4 =	vld [tilespmem:s4+$0x430]  }
0x3e0: {  	s2 =	sand.u32 $0x3000, s21;
	s21 =	smov.u32 s22;
	s5 =	sand.u32 $0x380, s18;
	[tilespmem:s0+$0x38D0] =	vst.add.f32.msk $0xffff, v5  }
0x3e1: {  	s2 =	sor.u32 s5, s2;
	v5 =	vld [tilespmem:s13+$0x860]  }
0x3e2: {  	s6 =	sadd.s32 $0x16080, s1;
	[tilespmem:s2+$0x3080] =	vst.add.f32.msk $0xffff, v6  }
0x3e3: {  	v6 =	vld [tilespmem:s6+$0x10]  }
0x3e4: {  	[tilespmem:s3+$0x34B0] =	vst.add.f32.msk $0xffff, v4  }
0x3e5: {  	v4 =	vld [tilespmem:s4+$0x440]  }
0x3e6: {  	[tilespmem:s0+$0x38E0] =	vst.add.f32.msk $0xffff, v5  }
0x3e7: {  	v5 =	vld [tilespmem:s13+$0x870]  }
0x3e8: {  	[tilespmem:s2+$0x3090] =	vst.add.f32.msk $0xffff, v6  }
0x3e9: {  	v6 =	vld [tilespmem:s6+$0x20]  }
0x3ea: {  	[tilespmem:s3+$0x34C0] =	vst.add.f32.msk $0xffff, v4  }
0x3eb: {  	v4 =	vld [tilespmem:s4+$0x450]  }
0x3ec: {  	[tilespmem:s0+$0x38F0] =	vst.add.f32.msk $0xffff, v5  }
0x3ed: {  	v5 =	vld [tilespmem:s13+$0xC00]  }
0x3ee: {  	[tilespmem:s2+$0x30A0] =	vst.add.f32.msk $0xffff, v6  }
0x3ef: {  	v6 =	vld [tilespmem:s6+$0x30]  }
0x3f0: {  	[tilespmem:s3+$0x34D0] =	vst.add.f32.msk $0xffff, v4  }
0x3f1: {  	v4 =	vld [tilespmem:s4+$0x460]  }
0x3f2: {  	[tilespmem:s0+$0x3C80] =	vst.add.f32.msk $0xffff, v5  }
0x3f3: {  	v5 =	vld [tilespmem:s13+$0xC10]  }
0x3f4: {  	[tilespmem:s2+$0x30B0] =	vst.add.f32.msk $0xffff, v6  }
0x3f5: {  	v6 =	vld [tilespmem:s6+$0x40]  }
0x3f6: {  	[tilespmem:s3+$0x34E0] =	vst.add.f32.msk $0xffff, v4  }
0x3f7: {  	v4 =	vld [tilespmem:s4+$0x470]  }
0x3f8: {  	[tilespmem:s0+$0x3C90] =	vst.add.f32.msk $0xffff, v5  }
0x3f9: {  	v5 =	vld [tilespmem:s13+$0xC20]  }
0x3fa: {  	[tilespmem:s2+$0x30C0] =	vst.add.f32.msk $0xffff, v6  }
0x3fb: {  	v6 =	vld [tilespmem:s6+$0x50]  }
0x3fc: {  	[tilespmem:s3+$0x34F0] =	vst.add.f32.msk $0xffff, v4  }
0x3fd: {  	v4 =	vld [tilespmem:s4+$0x800]  }
0x3fe: {  	[tilespmem:s0+$0x3CA0] =	vst.add.f32.msk $0xffff, v5  }
0x3ff: {  	v5 =	vld [tilespmem:s13+$0xC30]  }
0x400: {  	[tilespmem:s2+$0x30D0] =	vst.add.f32.msk $0xffff, v6  }
0x401: {  	v6 =	vld [tilespmem:s6+$0x60]  }
0x402: {  	[tilespmem:s3+$0x3880] =	vst.add.f32.msk $0xffff, v4  }
0x403: {  	v7 =	vld [tilespmem:s4+$0x810]  }
.Ltmp2:
0x404: {  	[tilespmem:s0+$0x3CB0] =	vst.add.f32.msk $0xffff, v5;
	(pc) =	sbr.rel @p1 .LBB2_7-.Ltmp2, $4  }
0x405: {  	v4 =	vld [tilespmem:s13+$0xC40]  }
0x406: {  	[tilespmem:s2+$0x30E0] =	vst.add.f32.msk $0xffff, v6  }
0x407: {  	v5 =	vld [tilespmem:s6+$0x70]  }
0x408: {  	s22 =	sadd.s32 $0x200, s22;
	[tilespmem:s3+$0x3890] =	vst.add.f32.msk $0xffff, v7  }
0x409: {  	(v2sf) =	vpush v3, $0x0;
	_ =	sdelay $0xe  }
0x40a: {  	s1 =	spop (v2sf)  }
0x40b: {  	s5 =	sshll.u32 s1, $0x9;
	s1 =	sshll.u32 s1, $0x7  }
0x40c: {  	s5 =	sand.u32 $0xFFFFF000, s5;
	s1 =	sand.u32 $0x380, s1  }
0x40d: {  	s1 =	sor.u32 s1, s5  }
0x40e: {  	v3 =	vld [tilespmem:s1+$0x16080];
	_ =	sdelay $0x1  }
0x40f: {  	s25 =	sadd.s32 $0x80, s18  }
0x410: {  	s10 =	sand.u32 $0x3000, s21;
	s5 =	sand.u32 $0x380, s25  }
0x411: {  	s26 =	sor.u32 s5, s10  }
0x412: {  	s20 =	sadd.s32 $0x16080, s1;
	[tilespmem:s26+$0x3080] =	vst.add.f32.msk $0xffff, v3  }
0x413: {  	v3 =	vld [tilespmem:s20+$0x10];
	_ =	sdelay $0x4  }
0x414: {  	[tilespmem:s26+$0x3090] =	vst.add.f32.msk $0xffff, v3  }
0x415: {  	v3 =	vld [tilespmem:s20+$0x20];
	_ =	sdelay $0x4  }
0x416: {  	[tilespmem:s26+$0x30A0] =	vst.add.f32.msk $0xffff, v3  }
0x417: {  	v3 =	vld [tilespmem:s20+$0x30];
	_ =	sdelay $0x4  }
0x418: {  	[tilespmem:s26+$0x30B0] =	vst.add.f32.msk $0xffff, v3  }
0x419: {  	v3 =	vld [tilespmem:s20+$0x40];
	_ =	sdelay $0x4  }
0x41a: {  	[tilespmem:s26+$0x30C0] =	vst.add.f32.msk $0xffff, v3  }
0x41b: {  	v3 =	vld [tilespmem:s20+$0x50];
	_ =	sdelay $0x4  }
0x41c: {  	[tilespmem:s26+$0x30D0] =	vst.add.f32.msk $0xffff, v3  }
0x41d: {  	v3 =	vld [tilespmem:s20+$0x60];
	_ =	sdelay $0x4  }
0x41e: {  	[tilespmem:s26+$0x30E0] =	vst.add.f32.msk $0xffff, v3  }
0x41f: {  	v3 =	vld [tilespmem:s20+$0x70];
	_ =	sdelay $0x2  }
0x420: {  	[tilespmem:s2+$0x30F0] =	vst.add.f32.msk $0xffff, v5  }
0x421: {  	v5 =	vld [tilespmem:s6+$0x400]  }
0x422: {  	[tilespmem:s26+$0x30F0] =	vst.add.f32.msk $0xffff, v3  }
0x423: {  	v3 =	vld [tilespmem:s20+$0x400];
	_ =	sdelay $0x2  }
0x424: {  	[tilespmem:s2+$0x3480] =	vst.add.f32.msk $0xffff, v5  }
0x425: {  	v5 =	vld [tilespmem:s6+$0x410]  }
0x426: {  	[tilespmem:s26+$0x3480] =	vst.add.f32.msk $0xffff, v3  }
0x427: {  	v3 =	vld [tilespmem:s20+$0x410];
	_ =	sdelay $0x2  }
0x428: {  	[tilespmem:s2+$0x3490] =	vst.add.f32.msk $0xffff, v5  }
0x429: {  	v5 =	vld [tilespmem:s6+$0x420]  }
0x42a: {  	[tilespmem:s26+$0x3490] =	vst.add.f32.msk $0xffff, v3  }
0x42b: {  	v3 =	vld [tilespmem:s20+$0x420];
	_ =	sdelay $0x2  }
0x42c: {  	[tilespmem:s2+$0x34A0] =	vst.add.f32.msk $0xffff, v5  }
0x42d: {  	v5 =	vld [tilespmem:s6+$0x430]  }
0x42e: {  	[tilespmem:s26+$0x34A0] =	vst.add.f32.msk $0xffff, v3  }
0x42f: {  	v3 =	vld [tilespmem:s20+$0x430];
	_ =	sdelay $0x2  }
0x430: {  	[tilespmem:s2+$0x34B0] =	vst.add.f32.msk $0xffff, v5  }
0x431: {  	v5 =	vld [tilespmem:s6+$0x440]  }
0x432: {  	[tilespmem:s26+$0x34B0] =	vst.add.f32.msk $0xffff, v3  }
0x433: {  	v3 =	vld [tilespmem:s20+$0x440];
	_ =	sdelay $0x2  }
0x434: {  	[tilespmem:s2+$0x34C0] =	vst.add.f32.msk $0xffff, v5  }
0x435: {  	v5 =	vld [tilespmem:s6+$0x450]  }
0x436: {  	[tilespmem:s26+$0x34C0] =	vst.add.f32.msk $0xffff, v3  }
0x437: {  	v3 =	vld [tilespmem:s20+$0x450];
	_ =	sdelay $0x2  }
0x438: {  	[tilespmem:s2+$0x34D0] =	vst.add.f32.msk $0xffff, v5  }
0x439: {  	v5 =	vld [tilespmem:s6+$0x460]  }
0x43a: {  	[tilespmem:s26+$0x34D0] =	vst.add.f32.msk $0xffff, v3  }
0x43b: {  	v3 =	vld [tilespmem:s20+$0x460];
	_ =	sdelay $0x1  }
0x43c: {  	v6 =	vld [tilespmem:s4+$0x820]  }
0x43d: {  	[tilespmem:s2+$0x34E0] =	vst.add.f32.msk $0xffff, v5  }
0x43e: {  	v5 =	vld [tilespmem:s6+$0x470]  }
0x43f: {  	[tilespmem:s26+$0x34E0] =	vst.add.f32.msk $0xffff, v3  }
0x440: {  	v3 =	vld [tilespmem:s20+$0x470]  }
0x441: {  	[tilespmem:s0+$0x3CC0] =	vst.add.f32.msk $0xffff, v4  }
0x442: {  	v4 =	vld [tilespmem:s13+$0xC50]  }
0x443: {  	[tilespmem:s2+$0x34F0] =	vst.add.f32.msk $0xffff, v5  }
0x444: {  	v5 =	vld [tilespmem:s6+$0x800]  }
0x445: {  	[tilespmem:s26+$0x34F0] =	vst.add.f32.msk $0xffff, v3  }
0x446: {  	v3 =	vld [tilespmem:s20+$0x800]  }
0x447: {  	[tilespmem:s3+$0x38A0] =	vst.add.f32.msk $0xffff, v6  }
0x448: {  	v6 =	vld [tilespmem:s4+$0x830]  }
0x449: {  	[tilespmem:s2+$0x3880] =	vst.add.f32.msk $0xffff, v5  }
0x44a: {  	v5 =	vld [tilespmem:s6+$0x810]  }
0x44b: {  	[tilespmem:s26+$0x3880] =	vst.add.f32.msk $0xffff, v3  }
0x44c: {  	v3 =	vld [tilespmem:s20+$0x810]  }
0x44d: {  	[tilespmem:s0+$0x3CD0] =	vst.add.f32.msk $0xffff, v4  }
0x44e: {  	v4 =	vld [tilespmem:s13+$0xC60]  }
0x44f: {  	[tilespmem:s2+$0x3890] =	vst.add.f32.msk $0xffff, v5  }
0x450: {  	v5 =	vld [tilespmem:s6+$0x820]  }
0x451: {  	[tilespmem:s26+$0x3890] =	vst.add.f32.msk $0xffff, v3  }
0x452: {  	v3 =	vld [tilespmem:s20+$0x820]  }
0x453: {  	[tilespmem:s3+$0x38B0] =	vst.add.f32.msk $0xffff, v6  }
0x454: {  	v6 =	vld [tilespmem:s4+$0x840]  }
0x455: {  	[tilespmem:s2+$0x38A0] =	vst.add.f32.msk $0xffff, v5  }
0x456: {  	v5 =	vld [tilespmem:s6+$0x830]  }
0x457: {  	[tilespmem:s26+$0x38A0] =	vst.add.f32.msk $0xffff, v3  }
0x458: {  	v3 =	vld [tilespmem:s20+$0x830]  }
0x459: {  	[tilespmem:s0+$0x3CE0] =	vst.add.f32.msk $0xffff, v4  }
0x45a: {  	v4 =	vld [tilespmem:s13+$0xC70]  }
0x45b: {  	[tilespmem:s2+$0x38B0] =	vst.add.f32.msk $0xffff, v5  }
0x45c: {  	v5 =	vld [tilespmem:s6+$0x840]  }
0x45d: {  	[tilespmem:s26+$0x38B0] =	vst.add.f32.msk $0xffff, v3  }
0x45e: {  	v3 =	vld [tilespmem:s20+$0x840]  }
0x45f: {  	[tilespmem:s3+$0x38C0] =	vst.add.f32.msk $0xffff, v6  }
0x460: {  	v6 =	vld [tilespmem:s4+$0x850]  }
0x461: {  	[tilespmem:s2+$0x38C0] =	vst.add.f32.msk $0xffff, v5  }
0x462: {  	v5 =	vld [tilespmem:s6+$0x850]  }
0x463: {  	[tilespmem:s26+$0x38C0] =	vst.add.f32.msk $0xffff, v3  }
0x464: {  	v3 =	vld [tilespmem:s20+$0x850]  }
0x465: {  	[tilespmem:s3+$0x38D0] =	vst.add.f32.msk $0xffff, v6  }
0x466: {  	v6 =	vld [tilespmem:s4+$0x860]  }
0x467: {  	[tilespmem:s2+$0x38D0] =	vst.add.f32.msk $0xffff, v5  }
0x468: {  	v5 =	vld [tilespmem:s6+$0x860]  }
0x469: {  	[tilespmem:s26+$0x38D0] =	vst.add.f32.msk $0xffff, v3  }
0x46a: {  	v3 =	vld [tilespmem:s20+$0x860]  }
0x46b: {  	[tilespmem:s3+$0x38E0] =	vst.add.f32.msk $0xffff, v6  }
0x46c: {  	v6 =	vld [tilespmem:s4+$0x870]  }
0x46d: {  	[tilespmem:s2+$0x38E0] =	vst.add.f32.msk $0xffff, v5  }
0x46e: {  	v5 =	vld [tilespmem:s6+$0x870]  }
0x46f: {  	[tilespmem:s26+$0x38E0] =	vst.add.f32.msk $0xffff, v3  }
0x470: {  	v3 =	vld [tilespmem:s20+$0x870]  }
0x471: {  	[tilespmem:s3+$0x38F0] =	vst.add.f32.msk $0xffff, v6  }
0x472: {  	v6 =	vld [tilespmem:s4+$0xC00]  }
0x473: {  	[tilespmem:s2+$0x38F0] =	vst.add.f32.msk $0xffff, v5  }
0x474: {  	v5 =	vld [tilespmem:s6+$0xC00]  }
0x475: {  	[tilespmem:s26+$0x38F0] =	vst.add.f32.msk $0xffff, v3  }
0x476: {  	v3 =	vld [tilespmem:s20+$0xC00]  }
0x477: {  	[tilespmem:s3+$0x3C80] =	vst.add.f32.msk $0xffff, v6  }
0x478: {  	v6 =	vld [tilespmem:s4+$0xC10]  }
0x479: {  	[tilespmem:s2+$0x3C80] =	vst.add.f32.msk $0xffff, v5  }
0x47a: {  	v5 =	vld [tilespmem:s6+$0xC10]  }
0x47b: {  	[tilespmem:s26+$0x3C80] =	vst.add.f32.msk $0xffff, v3  }
0x47c: {  	v3 =	vld [tilespmem:s20+$0xC10]  }
0x47d: {  	[tilespmem:s3+$0x3C90] =	vst.add.f32.msk $0xffff, v6  }
0x47e: {  	v6 =	vld [tilespmem:s4+$0xC20]  }
0x47f: {  	[tilespmem:s2+$0x3C90] =	vst.add.f32.msk $0xffff, v5  }
0x480: {  	v5 =	vld [tilespmem:s6+$0xC20]  }
0x481: {  	[tilespmem:s26+$0x3C90] =	vst.add.f32.msk $0xffff, v3  }
0x482: {  	v3 =	vld [tilespmem:s20+$0xC20]  }
0x483: {  	[tilespmem:s3+$0x3CA0] =	vst.add.f32.msk $0xffff, v6  }
0x484: {  	v6 =	vld [tilespmem:s4+$0xC30]  }
0x485: {  	[tilespmem:s2+$0x3CA0] =	vst.add.f32.msk $0xffff, v5  }
0x486: {  	v5 =	vld [tilespmem:s6+$0xC30]  }
0x487: {  	[tilespmem:s26+$0x3CA0] =	vst.add.f32.msk $0xffff, v3  }
0x488: {  	v3 =	vld [tilespmem:s20+$0xC30]  }
0x489: {  	[tilespmem:s3+$0x3CB0] =	vst.add.f32.msk $0xffff, v6  }
0x48a: {  	v6 =	vld [tilespmem:s4+$0xC40]  }
0x48b: {  	[tilespmem:s2+$0x3CB0] =	vst.add.f32.msk $0xffff, v5  }
0x48c: {  	v5 =	vld [tilespmem:s6+$0xC40]  }
0x48d: {  	[tilespmem:s26+$0x3CB0] =	vst.add.f32.msk $0xffff, v3  }
0x48e: {  	v3 =	vld [tilespmem:s20+$0xC40]  }
0x48f: {  	[tilespmem:s3+$0x3CC0] =	vst.add.f32.msk $0xffff, v6  }
0x490: {  	v6 =	vld [tilespmem:s4+$0xC50]  }
0x491: {  	[tilespmem:s2+$0x3CC0] =	vst.add.f32.msk $0xffff, v5  }
0x492: {  	v5 =	vld [tilespmem:s6+$0xC50]  }
0x493: {  	[tilespmem:s26+$0x3CC0] =	vst.add.f32.msk $0xffff, v3  }
0x494: {  	v3 =	vld [tilespmem:s20+$0xC50]  }
0x495: {  	[tilespmem:s3+$0x3CD0] =	vst.add.f32.msk $0xffff, v6  }
0x496: {  	v6 =	vld [tilespmem:s4+$0xC60]  }
0x497: {  	[tilespmem:s2+$0x3CD0] =	vst.add.f32.msk $0xffff, v5  }
0x498: {  	v5 =	vld [tilespmem:s6+$0xC60]  }
0x499: {  	[tilespmem:s26+$0x3CD0] =	vst.add.f32.msk $0xffff, v3  }
0x49a: {  	v3 =	vld [tilespmem:s20+$0xC60]  }
0x49b: {  	[tilespmem:s3+$0x3CE0] =	vst.add.f32.msk $0xffff, v6  }
0x49c: {  	v6 =	vld [tilespmem:s4+$0xC70]  }
0x49d: {  	[tilespmem:s2+$0x3CE0] =	vst.add.f32.msk $0xffff, v5  }
0x49e: {  	v5 =	vld [tilespmem:s6+$0xC70]  }
0x49f: {  	[tilespmem:s26+$0x3CE0] =	vst.add.f32.msk $0xffff, v3  }
0x4a0: {  	v3 =	vld [tilespmem:s20+$0xC70];
	_ =	sdelay $0x1  }
0x4a1: {  	[tilespmem:s0+$0x3CF0] =	vst.add.f32.msk $0xffff, v4  }
0x4a2: {  	[tilespmem:s3+$0x3CF0] =	vst.add.f32.msk $0xffff, v6  }
0x4a3: {  	s5 =	sshll.u32 s12, $0xD;
	[tilespmem:s2+$0x3CF0] =	vst.add.f32.msk $0xffff, v5  }
0x4a4: {  	s0 =	sadd.s32 s5, s31;
	s6 =	simm.s32 $0x3080;
	[tilespmem:s26+$0x3CF0] =	vst.add.f32.msk $0xffff, v3  }
0x4a5: {  	[hbm4b:s0+s30] =	stream.linear.scatter [tilespmem:s6], [sflag:$0x5], $0x4000, $0x38;
	[tilespmem:$0x1F080] =	vst v63  }
0x4a6: {  	s0 =	simm.s32 @!p0 $0x8  }
0x4a7: {  	s13 =	sor.u32 $0x3, s19;
	_ =	swait.ge @!p0 [sflag:s0], $0x4000  }
0x4a8: {  	s10 =	sshll.u32 s13, $0x5;
	[sflag:s0] =	ssyncset.done @!p0 $0x0  }
0x4a9: {  	s18 =	sand.u32 $0x3FFFFFE0, s10;
	[sflag:s0] =	ssyncadd.s32 @!p0 $0xFFFFC000  }
0x4aa: {  	v3 =	vld [tilespmem:s18+$0x0];
	_ =	sdelay $0x4  }
0x4ab: {  	v4 =	vshll.u32 v3, $0x2  }
0x4ac: {  	v3 =	vand.u32 $0x7, v3;
	v4 =	vand.u32 $0xFFFFFFE0, v4  }
0x4ad: {  	v3 =	vor.u32 v3, v4  }
0x4ae: {  	v4 =	vperm.xlane v3, v0;
	_ =	sdelay $0x1  }
0x4af: {  	v4 =	vadd.s32 v1, v4;
	_ =	sdelay $0x1  }
0x4b0: {  	v3 =	vperm.xlane v3, v2;
	_ =	sdelay $0x1  }
0x4b1: {  	s2 =	simm.s32 $0x0;
	s20 =	simm.s32 $0xF080;
	v3 =	vadd.s32 v1, v3  }
0x4b2: {  	[tilespmem:s20], [sflag:$0x4] =	stream.indirect_vreg.gather [hbm4b:s29+s2], $0x80, v4, vm0, $0xb8;
	[tilespmem:$0x1F080] =	vst v63  }
0x4b3: {  	s21 =	simm.s32 $0xF880  }
0x4b4: {  	[tilespmem:s21], [sflag:$0x4] =	stream.indirect_vreg.gather [hbm4b:s9+s2], $0x80, v4, vm0, $0xb8;
	[tilespmem:$0x1F080] =	vst v63  }
0x4b5: {  	s22 =	simm.s32 $0x10080  }
0x4b6: {  	[tilespmem:s22], [sflag:$0x4] =	stream.indirect_vreg.gather [hbm4b:s29+s2], $0x80, v3, vm0, $0xb8;
	[tilespmem:$0x1F080] =	vst v63  }
0x4b7: {  	s23 =	simm.s32 $0x10880  }
0x4b8: {  	[tilespmem:s23], [sflag:$0x4] =	stream.indirect_vreg.gather [hbm4b:s9+s2], $0x80, v3, vm0, $0xb8;
	[tilespmem:$0x1F080] =	vst v63  }
0x4b9: {  	v3 =	vld [tilespmem:s18+$0x10];
	_ =	sdelay $0x4  }
0x4ba: {  	v4 =	vshll.u32 v3, $0x2  }
0x4bb: {  	v3 =	vand.u32 $0x7, v3;
	v4 =	vand.u32 $0xFFFFFFE0, v4  }
0x4bc: {  	v3 =	vor.u32 v3, v4  }
0x4bd: {  	v4 =	vperm.xlane v3, v0;
	_ =	sdelay $0x1  }
0x4be: {  	v4 =	vadd.s32 v1, v4;
	_ =	sdelay $0x1  }
0x4bf: {  	v3 =	vperm.xlane v3, v2;
	_ =	sdelay $0x1  }
0x4c0: {  	s24 =	simm.s32 $0x11080;
	v3 =	vadd.s32 v1, v3  }
0x4c1: {  	[tilespmem:s24], [sflag:$0x4] =	stream.indirect_vreg.gather [hbm4b:s29+s2], $0x80, v4, vm0, $0xb8;
	[tilespmem:$0x1F080] =	vst v63  }
0x4c2: {  	s25 =	simm.s32 $0x11880  }
0x4c3: {  	[tilespmem:s25], [sflag:$0x4] =	stream.indirect_vreg.gather [hbm4b:s9+s2], $0x80, v4, vm0, $0xb8;
	[tilespmem:$0x1F080] =	vst v63  }
0x4c4: {  	s26 =	simm.s32 $0x12080  }
0x4c5: {  	[tilespmem:s26], [sflag:$0x4] =	stream.indirect_vreg.gather [hbm4b:s29+s2], $0x80, v3, vm0, $0xb8;
	[tilespmem:$0x1F080] =	vst v63  }
0x4c6: {  	s1 =	simm.s32 $0x12880;
	s3 =	simm.s32 $0x2  }
0x4c7: {  	[tilespmem:s1], [sflag:$0x4] =	stream.indirect_vreg.gather [hbm4b:s9+s2], $0x80, v3, vm0, $0xb8;
	[tilespmem:$0x1F080] =	vst v63  }
0x4c8: {  	_ =	swait.ge [sflag:s3], $0x4000  }
0x4c9: {  	[sflag:s3] =	ssyncset.done $0x0  }
0x4ca: {  	[sflag:s3] =	ssyncadd.s32 $0xFFFFC000  }
0x4cb: {  	v3 =	vld [tilespmem:s15+$0x0];
	_ =	sdelay $0x4  }
0x4cc: {  	(v2sf) =	vpush v3, $0x0;
	_ =	sdelay $0xe  }
0x4cd: {  	s4 =	spop (v2sf)  }
0x4ce: {  	s5 =	sshll.u32 s4, $0x9;
	s0 =	sshll.u32 s4, $0x7  }
0x4cf: {  	s1 =	sand.u32 $0xFFFFF000, s5;
	s0 =	sand.u32 $0x380, s0  }
0x4d0: {  	s0 =	sor.u32 s0, s1  }
0x4d1: {  	v3 =	vld [tilespmem:s0+$0x16080];
	_ =	sdelay $0x2  }
0x4d2: {  	s6 =	sand.u32 $0x380, s2;
	s24 =	sand.u32 $0x3000, s2  }
0x4d3: {  	s26 =	sor.u32 s6, s24  }
0x4d4: {  	s4 =	sadd.s32 $0x16080, s0;
	[tilespmem:s26+$0x7080] =	vst.add.f32.msk $0xffff, v3  }
0x4d5: {  	v3 =	vld [tilespmem:s4+$0x10];
	_ =	sdelay $0x4  }
0x4d6: {  	[tilespmem:s26+$0x7090] =	vst.add.f32.msk $0xffff, v3  }
0x4d7: {  	v3 =	vld [tilespmem:s4+$0x20];
	_ =	sdelay $0x4  }
0x4d8: {  	[tilespmem:s26+$0x70A0] =	vst.add.f32.msk $0xffff, v3  }
0x4d9: {  	v3 =	vld [tilespmem:s4+$0x30];
	_ =	sdelay $0x4  }
0x4da: {  	[tilespmem:s26+$0x70B0] =	vst.add.f32.msk $0xffff, v3  }
0x4db: {  	v3 =	vld [tilespmem:s4+$0x40];
	_ =	sdelay $0x4  }
0x4dc: {  	[tilespmem:s26+$0x70C0] =	vst.add.f32.msk $0xffff, v3  }
0x4dd: {  	v3 =	vld [tilespmem:s4+$0x50];
	_ =	sdelay $0x4  }
0x4de: {  	[tilespmem:s26+$0x70D0] =	vst.add.f32.msk $0xffff, v3  }
0x4df: {  	v3 =	vld [tilespmem:s4+$0x60];
	_ =	sdelay $0x2  }
0x4e0: {  	s10 =	sadd.s32 $0x1, s15  }
0x4e1: {  	v4 =	vld [tilespmem:s10+$0x0]  }
0x4e2: {  	[tilespmem:s26+$0x70E0] =	vst.add.f32.msk $0xffff, v3  }
0x4e3: {  	v3 =	vld [tilespmem:s4+$0x70];
	_ =	sdelay $0x2  }
0x4e4: {  	(v2sf) =	vpush v4, $0x0;
	_ =	sdelay $0x1  }
0x4e5: {  	[tilespmem:s26+$0x70F0] =	vst.add.f32.msk $0xffff, v3  }
0x4e6: {  	v3 =	vld [tilespmem:s4+$0x400];
	_ =	sdelay $0x4  }
0x4e7: {  	[tilespmem:s26+$0x7480] =	vst.add.f32.msk $0xffff, v3  }
0x4e8: {  	v3 =	vld [tilespmem:s4+$0x410];
	_ =	sdelay $0x4  }
0x4e9: {  	[tilespmem:s26+$0x7490] =	vst.add.f32.msk $0xffff, v3  }
0x4ea: {  	s18 =	spop (v2sf);
	v3 =	vld [tilespmem:s4+$0x420]  }
0x4eb: {  	s20 =	sshll.u32 s18, $0x9;
	s0 =	sshll.u32 s18, $0x7  }
0x4ec: {  	s3 =	sand.u32 $0xFFFFF000, s20;
	s0 =	sand.u32 $0x380, s0  }
0x4ed: {  	s0 =	sor.u32 s0, s3  }
0x4ee: {  	v4 =	vld [tilespmem:s0+$0x16080]  }
0x4ef: {  	[tilespmem:s26+$0x74A0] =	vst.add.f32.msk $0xffff, v3  }
0x4f0: {  	s21 =	simm.s32 $0x200;
	s3 =	simm.s32 $0x80;
	v3 =	vld [tilespmem:s4+$0x430]  }
0x4f1: {  	s18 =	sand.u32 $0x3000, s21;
	s22 =	sand.u32 $0x380, s3  }
0x4f2: {  	s20 =	sor.u32 s22, s18  }
0x4f3: {  	s0 =	sadd.s32 $0x16080, s0;
	[tilespmem:s20+$0x7080] =	vst.add.f32.msk $0xffff, v4  }
0x4f4: {  	v4 =	vld [tilespmem:s0+$0x10]  }
0x4f5: {  	[tilespmem:s26+$0x74B0] =	vst.add.f32.msk $0xffff, v3  }
0x4f6: {  	v3 =	vld [tilespmem:s4+$0x440];
	_ =	sdelay $0x2  }
0x4f7: {  	[tilespmem:s20+$0x7090] =	vst.add.f32.msk $0xffff, v4  }
0x4f8: {  	v4 =	vld [tilespmem:s0+$0x20]  }
0x4f9: {  	[tilespmem:s26+$0x74C0] =	vst.add.f32.msk $0xffff, v3  }
0x4fa: {  	v3 =	vld [tilespmem:s4+$0x450];
	_ =	sdelay $0x2  }
0x4fb: {  	[tilespmem:s20+$0x70A0] =	vst.add.f32.msk $0xffff, v4  }
0x4fc: {  	v4 =	vld [tilespmem:s0+$0x30]  }
0x4fd: {  	[tilespmem:s26+$0x74D0] =	vst.add.f32.msk $0xffff, v3  }
0x4fe: {  	v3 =	vld [tilespmem:s4+$0x460];
	_ =	sdelay $0x2  }
0x4ff: {  	[tilespmem:s20+$0x70B0] =	vst.add.f32.msk $0xffff, v4  }
0x500: {  	v4 =	vld [tilespmem:s0+$0x40]  }
0x501: {  	[tilespmem:s26+$0x74E0] =	vst.add.f32.msk $0xffff, v3  }
0x502: {  	v3 =	vld [tilespmem:s4+$0x470];
	_ =	sdelay $0x2  }
0x503: {  	[tilespmem:s20+$0x70C0] =	vst.add.f32.msk $0xffff, v4  }
0x504: {  	v4 =	vld [tilespmem:s0+$0x50]  }
0x505: {  	[tilespmem:s26+$0x74F0] =	vst.add.f32.msk $0xffff, v3  }
0x506: {  	v3 =	vld [tilespmem:s4+$0x800]  }
0x507: {  	s1 =	sadd.s32 $0x1, s10  }
0x508: {  	v5 =	vld [tilespmem:s1+$0x0]  }
0x509: {  	[tilespmem:s20+$0x70D0] =	vst.add.f32.msk $0xffff, v4  }
0x50a: {  	v4 =	vld [tilespmem:s0+$0x60]  }
0x50b: {  	[tilespmem:s26+$0x7880] =	vst.add.f32.msk $0xffff, v3  }
0x50c: {  	v3 =	vld [tilespmem:s4+$0x810]  }
0x50d: {  	(v2sf) =	vpush v5, $0x0;
	_ =	sdelay $0x1  }
0x50e: {  	[tilespmem:s20+$0x70E0] =	vst.add.f32.msk $0xffff, v4  }
0x50f: {  	v4 =	vld [tilespmem:s0+$0x70]  }
0x510: {  	[tilespmem:s26+$0x7890] =	vst.add.f32.msk $0xffff, v3  }
0x511: {  	v3 =	vld [tilespmem:s4+$0x820];
	_ =	sdelay $0x2  }
0x512: {  	[tilespmem:s20+$0x70F0] =	vst.add.f32.msk $0xffff, v4  }
0x513: {  	v4 =	vld [tilespmem:s0+$0x400]  }
0x514: {  	[tilespmem:s26+$0x78A0] =	vst.add.f32.msk $0xffff, v3  }
0x515: {  	v3 =	vld [tilespmem:s4+$0x830];
	_ =	sdelay $0x2  }
0x516: {  	[tilespmem:s20+$0x7480] =	vst.add.f32.msk $0xffff, v4  }
0x517: {  	s23 =	spop (v2sf);
	v4 =	vld [tilespmem:s0+$0x410]  }
0x518: {  	s25 =	sshll.u32 s23, $0x9;
	s5 =	sshll.u32 s23, $0x7;
	[tilespmem:s26+$0x78B0] =	vst.add.f32.msk $0xffff, v3  }
0x519: {  	s6 =	sand.u32 $0xFFFFF000, s25;
	s5 =	sand.u32 $0x380, s5;
	v3 =	vld [tilespmem:s4+$0x840]  }
0x51a: {  	s25 =	sadd.s32 $0x1, s1;
	s1 =	sor.u32 s5, s6  }
0x51b: {  	v6 =	vld [tilespmem:s1+$0x16080]  }
0x51c: {  	[tilespmem:s20+$0x7490] =	vst.add.f32.msk $0xffff, v4  }
0x51d: {  	s10 =	simm.s32 $0x400;
	s22 =	simm.s32 $0x100;
	v4 =	vld [tilespmem:s0+$0x420]  }
0x51e: {  	s21 =	sand.u32 $0x380, s22;
	s23 =	sand.u32 $0x3000, s10;
	[tilespmem:s26+$0x78C0] =	vst.add.f32.msk $0xffff, v3  }
0x51f: {  	s6 =	sor.u32 s21, s23;
	v5 =	vld [tilespmem:s4+$0x850]  }
0x520: {  	s21 =	sadd.s32 $0x16080, s1;
	[tilespmem:s6+$0x7080] =	vst.add.f32.msk $0xffff, v6  }
0x521: {  	v6 =	vld [tilespmem:s21+$0x10]  }
0x522: {  	[tilespmem:s20+$0x74A0] =	vst.add.f32.msk $0xffff, v4  }
0x523: {  	v4 =	vld [tilespmem:s0+$0x430]  }
0x524: {  	[tilespmem:s26+$0x78D0] =	vst.add.f32.msk $0xffff, v5  }
0x525: {  	v5 =	vld [tilespmem:s4+$0x860]  }
0x526: {  	[tilespmem:s6+$0x7090] =	vst.add.f32.msk $0xffff, v6  }
0x527: {  	v6 =	vld [tilespmem:s21+$0x20]  }
0x528: {  	[tilespmem:s20+$0x74B0] =	vst.add.f32.msk $0xffff, v4  }
0x529: {  	v4 =	vld [tilespmem:s0+$0x440]  }
0x52a: {  	[tilespmem:s26+$0x78E0] =	vst.add.f32.msk $0xffff, v5  }
0x52b: {  	v5 =	vld [tilespmem:s4+$0x870]  }
0x52c: {  	[tilespmem:s6+$0x70A0] =	vst.add.f32.msk $0xffff, v6  }
0x52d: {  	v6 =	vld [tilespmem:s21+$0x30]  }
0x52e: {  	[tilespmem:s20+$0x74C0] =	vst.add.f32.msk $0xffff, v4  }
0x52f: {  	v4 =	vld [tilespmem:s0+$0x450]  }
0x530: {  	[tilespmem:s26+$0x78F0] =	vst.add.f32.msk $0xffff, v5  }
0x531: {  	v5 =	vld [tilespmem:s4+$0xC00]  }
0x532: {  	[tilespmem:s6+$0x70B0] =	vst.add.f32.msk $0xffff, v6  }
0x533: {  	v6 =	vld [tilespmem:s21+$0x40]  }
0x534: {  	[tilespmem:s20+$0x74D0] =	vst.add.f32.msk $0xffff, v4;
	s26 =	sor.u32 s24, s2  }
0x535: {  	v4 =	vld [tilespmem:s0+$0x460];
	s24 =	sor.u32 $0x4C00, s26  }
0x536: {  	[tilespmem:s24+$0x3080] =	vst.add.f32.msk $0xffff, v5  }
0x537: {  	v5 =	vld [tilespmem:s4+$0xC10]  }
0x538: {  	[tilespmem:s6+$0x70C0] =	vst.add.f32.msk $0xffff, v6  }
0x539: {  	v6 =	vld [tilespmem:s21+$0x50]  }
0x53a: {  	[tilespmem:s20+$0x74E0] =	vst.add.f32.msk $0xffff, v4  }
0x53b: {  	v4 =	vld [tilespmem:s0+$0x470]  }
0x53c: {  	[tilespmem:s24+$0x3090] =	vst.add.f32.msk $0xffff, v5  }
0x53d: {  	v5 =	vld [tilespmem:s4+$0xC20]  }
0x53e: {  	[tilespmem:s6+$0x70D0] =	vst.add.f32.msk $0xffff, v6  }
0x53f: {  	v6 =	vld [tilespmem:s21+$0x60]  }
0x540: {  	[tilespmem:s20+$0x74F0] =	vst.add.f32.msk $0xffff, v4  }
0x541: {  	v4 =	vld [tilespmem:s0+$0x800]  }
0x542: {  	[tilespmem:s24+$0x30A0] =	vst.add.f32.msk $0xffff, v5  }
0x543: {  	v5 =	vld [tilespmem:s4+$0xC30];
	_ =	sdelay $0x1  }
0x544: {  	[tilespmem:s6+$0x70E0] =	vst.add.f32.msk $0xffff, v6  }
0x545: {  	[tilespmem:s20+$0x7880] =	vst.add.f32.msk $0xffff, v4  }
0x546: {  	v7 =	vld [tilespmem:s0+$0x810]  }
0x547: {  	[tilespmem:s24+$0x30B0] =	vst.add.f32.msk $0xffff, v5  }
0x548: {  	v4 =	vld [tilespmem:s4+$0xC40]  }
0x549: {  	v3 =	vld [tilespmem:s25+$0x0]  }
0x54a: {  	s28 =	simm.s32 $0x800;
	v5 =	vld [tilespmem:s21+$0x70]  }
0x54b: {  	[tilespmem:s20+$0x7890] =	vst.add.f32.msk $0xffff, v7;
	s2 =	sor.u32 $0x1, s19;
	s19 =	simm.s32 $0x100;
	s26 =	simm.s32 $0x600  }
.LBB2_9:
0x54c: {  	p0 =	sne.s32 s28, $0x3E00;
	v6 =	vld [tilespmem:s0+$0x820]  }
0x54d: {  	[tilespmem:s24+$0x30C0] =	vst.add.f32.msk $0xffff, v4  }
0x54e: {  	(v2sf) =	vpush v3, $0x0;
	v3 =	vld [tilespmem:s4+$0xC50]  }
0x54f: {  	[tilespmem:s6+$0x70F0] =	vst.add.f32.msk $0xffff, v5  }
0x550: {  	v4 =	vld [tilespmem:s21+$0x400]  }
0x551: {  	[tilespmem:s20+$0x78A0] =	vst.add.f32.msk $0xffff, v6  }
0x552: {  	v5 =	vld [tilespmem:s0+$0x830]  }
0x553: {  	[tilespmem:s24+$0x30D0] =	vst.add.f32.msk $0xffff, v3  }
0x554: {  	v3 =	vld [tilespmem:s4+$0xC60]  }
0x555: {  	[tilespmem:s6+$0x7480] =	vst.add.f32.msk $0xffff, v4  }
0x556: {  	v4 =	vld [tilespmem:s21+$0x410]  }
0x557: {  	[tilespmem:s20+$0x78B0] =	vst.add.f32.msk $0xffff, v5  }
0x558: {  	v5 =	vld [tilespmem:s0+$0x840]  }
0x559: {  	[tilespmem:s24+$0x30E0] =	vst.add.f32.msk $0xffff, v3  }
0x55a: {  	v3 =	vld [tilespmem:s4+$0xC70];
	s4 =	smov.u32 s0;
	s0 =	smov.u32 s21  }
0x55b: {  	[tilespmem:s6+$0x7490] =	vst.add.f32.msk $0xffff, v4  }
0x55c: {  	v4 =	vld [tilespmem:s0+$0x420]  }
0x55d: {  	s1 =	spop (v2sf);
	[tilespmem:s20+$0x78C0] =	vst.add.f32.msk $0xffff, v5  }
0x55e: {  	s5 =	sshll.u32 s1, $0x9;
	s1 =	sshll.u32 s1, $0x7;
	v5 =	vld [tilespmem:s4+$0x850]  }
0x55f: {  	s25 =	sadd.s32 $0x1, s25;
	s5 =	sand.u32 $0xFFFFF000, s5;
	s1 =	sand.u32 $0x380, s1;
	[tilespmem:s24+$0x30F0] =	vst.add.f32.msk $0xffff, v3  }
0x560: {  	v3 =	vld [tilespmem:s25+$0x0];
	s1 =	sor.u32 s1, s5  }
0x561: {  	v6 =	vld [tilespmem:s1+$0x16080]  }
0x562: {  	[tilespmem:s6+$0x74A0] =	vst.add.f32.msk $0xffff, v4  }
0x563: {  	s22 =	sadd.s32 $0x80, s22;
	v4 =	vld [tilespmem:s0+$0x430]  }
0x564: {  	s10 =	sand.u32 $0x380, s22;
	s5 =	sand.u32 $0x3000, s26;
	s26 =	smov.u32 s28;
	[tilespmem:s20+$0x78D0] =	vst.add.f32.msk $0xffff, v5  }
0x565: {  	s10 =	sor.u32 s10, s5;
	v5 =	vld [tilespmem:s4+$0x860]  }
0x566: {  	s21 =	sadd.s32 $0x16080, s1;
	[tilespmem:s10+$0x7080] =	vst.add.f32.msk $0xffff, v6  }
0x567: {  	v6 =	vld [tilespmem:s21+$0x10]  }
0x568: {  	[tilespmem:s6+$0x74B0] =	vst.add.f32.msk $0xffff, v4  }
0x569: {  	v4 =	vld [tilespmem:s0+$0x440]  }
0x56a: {  	[tilespmem:s20+$0x78E0] =	vst.add.f32.msk $0xffff, v5  }
0x56b: {  	v5 =	vld [tilespmem:s4+$0x870]  }
0x56c: {  	[tilespmem:s10+$0x7090] =	vst.add.f32.msk $0xffff, v6  }
0x56d: {  	v6 =	vld [tilespmem:s21+$0x20]  }
0x56e: {  	[tilespmem:s6+$0x74C0] =	vst.add.f32.msk $0xffff, v4  }
0x56f: {  	v4 =	vld [tilespmem:s0+$0x450]  }
0x570: {  	[tilespmem:s20+$0x78F0] =	vst.add.f32.msk $0xffff, v5;
	s20 =	smov.u32 s6;
	s6 =	smov.u32 s10  }
0x571: {  	v5 =	vld [tilespmem:s4+$0xC00]  }
0x572: {  	[tilespmem:s6+$0x70A0] =	vst.add.f32.msk $0xffff, v6  }
0x573: {  	v6 =	vld [tilespmem:s21+$0x30]  }
0x574: {  	s1 =	sor.u32 s18, s3;
	s3 =	smov.u32 s19;
	s19 =	smov.u32 s22;
	[tilespmem:s20+$0x74D0] =	vst.add.f32.msk $0xffff, v4  }
0x575: {  	s18 =	smov.u32 s23;
	s23 =	smov.u32 s5;
	s24 =	sor.u32 $0x4C00, s1;
	v4 =	vld [tilespmem:s0+$0x460]  }
0x576: {  	[tilespmem:s24+$0x3080] =	vst.add.f32.msk $0xffff, v5  }
0x577: {  	v5 =	vld [tilespmem:s4+$0xC10]  }
0x578: {  	[tilespmem:s6+$0x70B0] =	vst.add.f32.msk $0xffff, v6  }
0x579: {  	v6 =	vld [tilespmem:s21+$0x40]  }
0x57a: {  	[tilespmem:s20+$0x74E0] =	vst.add.f32.msk $0xffff, v4  }
0x57b: {  	v4 =	vld [tilespmem:s0+$0x470]  }
0x57c: {  	[tilespmem:s24+$0x3090] =	vst.add.f32.msk $0xffff, v5  }
0x57d: {  	v5 =	vld [tilespmem:s4+$0xC20]  }
0x57e: {  	[tilespmem:s6+$0x70C0] =	vst.add.f32.msk $0xffff, v6  }
0x57f: {  	v6 =	vld [tilespmem:s21+$0x50]  }
0x580: {  	[tilespmem:s20+$0x74F0] =	vst.add.f32.msk $0xffff, v4  }
0x581: {  	v4 =	vld [tilespmem:s0+$0x800]  }
0x582: {  	[tilespmem:s24+$0x30A0] =	vst.add.f32.msk $0xffff, v5  }
0x583: {  	v5 =	vld [tilespmem:s4+$0xC30]  }
0x584: {  	[tilespmem:s6+$0x70D0] =	vst.add.f32.msk $0xffff, v6  }
0x585: {  	v6 =	vld [tilespmem:s21+$0x60]  }
0x586: {  	[tilespmem:s20+$0x7880] =	vst.add.f32.msk $0xffff, v4  }
0x587: {  	v7 =	vld [tilespmem:s0+$0x810]  }
.Ltmp3:
0x588: {  	[tilespmem:s24+$0x30B0] =	vst.add.f32.msk $0xffff, v5;
	(pc) =	sbr.rel @p0 .LBB2_9-.Ltmp3, $4  }
0x589: {  	v4 =	vld [tilespmem:s4+$0xC40]  }
0x58a: {  	[tilespmem:s6+$0x70E0] =	vst.add.f32.msk $0xffff, v6  }
0x58b: {  	v5 =	vld [tilespmem:s21+$0x70]  }
0x58c: {  	s28 =	sadd.s32 $0x200, s28;
	[tilespmem:s20+$0x7890] =	vst.add.f32.msk $0xffff, v7  }
0x58d: {  	(v2sf) =	vpush v3, $0x0;
	_ =	sdelay $0xe  }
0x58e: {  	s1 =	spop (v2sf)  }
0x58f: {  	s5 =	sshll.u32 s1, $0x9;
	s1 =	sshll.u32 s1, $0x7  }
0x590: {  	s5 =	sand.u32 $0xFFFFF000, s5;
	s1 =	sand.u32 $0x380, s1  }
0x591: {  	s1 =	sor.u32 s1, s5  }
0x592: {  	v3 =	vld [tilespmem:s1+$0x16080];
	_ =	sdelay $0x1  }
0x593: {  	s25 =	sadd.s32 $0x80, s22  }
0x594: {  	s26 =	sand.u32 $0x3000, s26;
	s28 =	sand.u32 $0x380, s25  }
0x595: {  	s28 =	sor.u32 s28, s26  }
0x596: {  	s10 =	sadd.s32 $0x16080, s1;
	[tilespmem:s28+$0x7080] =	vst.add.f32.msk $0xffff, v3  }
0x597: {  	v3 =	vld [tilespmem:s10+$0x10];
	_ =	sdelay $0x4  }
0x598: {  	[tilespmem:s28+$0x7090] =	vst.add.f32.msk $0xffff, v3  }
0x599: {  	v3 =	vld [tilespmem:s10+$0x20];
	_ =	sdelay $0x4  }
0x59a: {  	[tilespmem:s28+$0x70A0] =	vst.add.f32.msk $0xffff, v3  }
0x59b: {  	v3 =	vld [tilespmem:s10+$0x30];
	_ =	sdelay $0x4  }
0x59c: {  	[tilespmem:s28+$0x70B0] =	vst.add.f32.msk $0xffff, v3  }
0x59d: {  	v3 =	vld [tilespmem:s10+$0x40];
	_ =	sdelay $0x4  }
0x59e: {  	[tilespmem:s28+$0x70C0] =	vst.add.f32.msk $0xffff, v3  }
0x59f: {  	v3 =	vld [tilespmem:s10+$0x50];
	_ =	sdelay $0x4  }
0x5a0: {  	[tilespmem:s28+$0x70D0] =	vst.add.f32.msk $0xffff, v3  }
0x5a1: {  	v3 =	vld [tilespmem:s10+$0x60];
	_ =	sdelay $0x4  }
0x5a2: {  	[tilespmem:s28+$0x70E0] =	vst.add.f32.msk $0xffff, v3  }
0x5a3: {  	v3 =	vld [tilespmem:s10+$0x70];
	_ =	sdelay $0x2  }
0x5a4: {  	[tilespmem:s6+$0x70F0] =	vst.add.f32.msk $0xffff, v5  }
0x5a5: {  	v5 =	vld [tilespmem:s21+$0x400]  }
0x5a6: {  	[tilespmem:s28+$0x70F0] =	vst.add.f32.msk $0xffff, v3  }
0x5a7: {  	v3 =	vld [tilespmem:s10+$0x400];
	_ =	sdelay $0x2  }
0x5a8: {  	[tilespmem:s6+$0x7480] =	vst.add.f32.msk $0xffff, v5  }
0x5a9: {  	v5 =	vld [tilespmem:s21+$0x410]  }
0x5aa: {  	[tilespmem:s28+$0x7480] =	vst.add.f32.msk $0xffff, v3  }
0x5ab: {  	v3 =	vld [tilespmem:s10+$0x410];
	_ =	sdelay $0x2  }
0x5ac: {  	[tilespmem:s6+$0x7490] =	vst.add.f32.msk $0xffff, v5  }
0x5ad: {  	v5 =	vld [tilespmem:s21+$0x420]  }
0x5ae: {  	[tilespmem:s28+$0x7490] =	vst.add.f32.msk $0xffff, v3  }
0x5af: {  	v3 =	vld [tilespmem:s10+$0x420];
	_ =	sdelay $0x2  }
0x5b0: {  	[tilespmem:s6+$0x74A0] =	vst.add.f32.msk $0xffff, v5  }
0x5b1: {  	v5 =	vld [tilespmem:s21+$0x430]  }
0x5b2: {  	[tilespmem:s28+$0x74A0] =	vst.add.f32.msk $0xffff, v3  }
0x5b3: {  	v3 =	vld [tilespmem:s10+$0x430];
	_ =	sdelay $0x2  }
0x5b4: {  	[tilespmem:s6+$0x74B0] =	vst.add.f32.msk $0xffff, v5  }
0x5b5: {  	v5 =	vld [tilespmem:s21+$0x440]  }
0x5b6: {  	[tilespmem:s28+$0x74B0] =	vst.add.f32.msk $0xffff, v3  }
0x5b7: {  	v3 =	vld [tilespmem:s10+$0x440];
	_ =	sdelay $0x2  }
0x5b8: {  	[tilespmem:s6+$0x74C0] =	vst.add.f32.msk $0xffff, v5  }
0x5b9: {  	v5 =	vld [tilespmem:s21+$0x450]  }
0x5ba: {  	[tilespmem:s28+$0x74C0] =	vst.add.f32.msk $0xffff, v3  }
0x5bb: {  	v3 =	vld [tilespmem:s10+$0x450];
	_ =	sdelay $0x2  }
0x5bc: {  	[tilespmem:s6+$0x74D0] =	vst.add.f32.msk $0xffff, v5  }
0x5bd: {  	v5 =	vld [tilespmem:s21+$0x460]  }
0x5be: {  	[tilespmem:s28+$0x74D0] =	vst.add.f32.msk $0xffff, v3  }
0x5bf: {  	v3 =	vld [tilespmem:s10+$0x460]  }
0x5c0: {  	[tilespmem:s24+$0x30C0] =	vst.add.f32.msk $0xffff, v4  }
0x5c1: {  	v4 =	vld [tilespmem:s4+$0xC50]  }
0x5c2: {  	[tilespmem:s6+$0x74E0] =	vst.add.f32.msk $0xffff, v5  }
0x5c3: {  	v5 =	vld [tilespmem:s21+$0x470]  }
0x5c4: {  	[tilespmem:s28+$0x74E0] =	vst.add.f32.msk $0xffff, v3  }
0x5c5: {  	v3 =	vld [tilespmem:s10+$0x470]  }
0x5c6: {  	[tilespmem:s24+$0x30D0] =	vst.add.f32.msk $0xffff, v4  }
0x5c7: {  	v4 =	vld [tilespmem:s4+$0xC60]  }
0x5c8: {  	[tilespmem:s6+$0x74F0] =	vst.add.f32.msk $0xffff, v5  }
0x5c9: {  	v5 =	vld [tilespmem:s21+$0x800]  }
0x5ca: {  	[tilespmem:s28+$0x74F0] =	vst.add.f32.msk $0xffff, v3  }
0x5cb: {  	v3 =	vld [tilespmem:s10+$0x800]  }
0x5cc: {  	v6 =	vld [tilespmem:s0+$0x820]  }
0x5cd: {  	[tilespmem:s24+$0x30E0] =	vst.add.f32.msk $0xffff, v4  }
0x5ce: {  	[tilespmem:s6+$0x7880] =	vst.add.f32.msk $0xffff, v5  }
0x5cf: {  	v4 =	vld [tilespmem:s21+$0x810]  }
0x5d0: {  	[tilespmem:s28+$0x7880] =	vst.add.f32.msk $0xffff, v3  }
0x5d1: {  	v3 =	vld [tilespmem:s10+$0x810]  }
0x5d2: {  	[tilespmem:s20+$0x78A0] =	vst.add.f32.msk $0xffff, v6  }
0x5d3: {  	v6 =	vld [tilespmem:s0+$0x830]  }
0x5d4: {  	[tilespmem:s6+$0x7890] =	vst.add.f32.msk $0xffff, v4  }
0x5d5: {  	v4 =	vld [tilespmem:s21+$0x820]  }
0x5d6: {  	[tilespmem:s28+$0x7890] =	vst.add.f32.msk $0xffff, v3  }
0x5d7: {  	v3 =	vld [tilespmem:s10+$0x820]  }
0x5d8: {  	[tilespmem:s20+$0x78B0] =	vst.add.f32.msk $0xffff, v6  }
0x5d9: {  	v6 =	vld [tilespmem:s0+$0x840]  }
0x5da: {  	[tilespmem:s6+$0x78A0] =	vst.add.f32.msk $0xffff, v4  }
0x5db: {  	v4 =	vld [tilespmem:s21+$0x830]  }
0x5dc: {  	[tilespmem:s28+$0x78A0] =	vst.add.f32.msk $0xffff, v3  }
0x5dd: {  	v3 =	vld [tilespmem:s10+$0x830]  }
0x5de: {  	[tilespmem:s20+$0x78C0] =	vst.add.f32.msk $0xffff, v6  }
0x5df: {  	v6 =	vld [tilespmem:s0+$0x850]  }
0x5e0: {  	[tilespmem:s6+$0x78B0] =	vst.add.f32.msk $0xffff, v4  }
0x5e1: {  	v4 =	vld [tilespmem:s21+$0x840]  }
0x5e2: {  	[tilespmem:s28+$0x78B0] =	vst.add.f32.msk $0xffff, v3  }
0x5e3: {  	v3 =	vld [tilespmem:s10+$0x840]  }
0x5e4: {  	[tilespmem:s20+$0x78D0] =	vst.add.f32.msk $0xffff, v6  }
0x5e5: {  	v6 =	vld [tilespmem:s0+$0x860]  }
0x5e6: {  	[tilespmem:s6+$0x78C0] =	vst.add.f32.msk $0xffff, v4  }
0x5e7: {  	v4 =	vld [tilespmem:s21+$0x850]  }
0x5e8: {  	[tilespmem:s28+$0x78C0] =	vst.add.f32.msk $0xffff, v3  }
0x5e9: {  	v3 =	vld [tilespmem:s10+$0x850]  }
0x5ea: {  	[tilespmem:s20+$0x78E0] =	vst.add.f32.msk $0xffff, v6  }
0x5eb: {  	v6 =	vld [tilespmem:s0+$0x870]  }
0x5ec: {  	[tilespmem:s6+$0x78D0] =	vst.add.f32.msk $0xffff, v4  }
0x5ed: {  	v4 =	vld [tilespmem:s21+$0x860]  }
0x5ee: {  	[tilespmem:s28+$0x78D0] =	vst.add.f32.msk $0xffff, v3  }
0x5ef: {  	v3 =	vld [tilespmem:s10+$0x860]  }
0x5f0: {  	[tilespmem:s20+$0x78F0] =	vst.add.f32.msk $0xffff, v6  }
0x5f1: {  	v6 =	vld [tilespmem:s0+$0xC00]  }
0x5f2: {  	[tilespmem:s6+$0x78E0] =	vst.add.f32.msk $0xffff, v4  }
0x5f3: {  	v4 =	vld [tilespmem:s21+$0x870]  }
0x5f4: {  	[tilespmem:s28+$0x78E0] =	vst.add.f32.msk $0xffff, v3  }
0x5f5: {  	s20 =	sor.u32 s18, s3;
	v3 =	vld [tilespmem:s10+$0x870]  }
0x5f6: {  	s1 =	sor.u32 $0x4C00, s20  }
0x5f7: {  	[tilespmem:s1+$0x3080] =	vst.add.f32.msk $0xffff, v6  }
0x5f8: {  	[tilespmem:s6+$0x78F0] =	vst.add.f32.msk $0xffff, v4  }
0x5f9: {  	v4 =	vld [tilespmem:s21+$0xC00]  }
0x5fa: {  	[tilespmem:s28+$0x78F0] =	vst.add.f32.msk $0xffff, v3  }
0x5fb: {  	v3 =	vld [tilespmem:s10+$0xC00]  }
0x5fc: {  	s23 =	sor.u32 s23, s19;
	v6 =	vld [tilespmem:s0+$0xC10]  }
0x5fd: {  	s3 =	sor.u32 $0x4C00, s23;
	v5 =	vld [tilespmem:s4+$0xC70]  }
0x5fe: {  	[tilespmem:s3+$0x3080] =	vst.add.f32.msk $0xffff, v4;
	s28 =	sor.u32 s26, s25  }
0x5ff: {  	v4 =	vld [tilespmem:s21+$0xC10];
	s4 =	sor.u32 $0x4C00, s28  }
0x600: {  	[tilespmem:s4+$0x3080] =	vst.add.f32.msk $0xffff, v3  }
0x601: {  	v3 =	vld [tilespmem:s10+$0xC10]  }
0x602: {  	[tilespmem:s1+$0x3090] =	vst.add.f32.msk $0xffff, v6  }
0x603: {  	v6 =	vld [tilespmem:s0+$0xC20]  }
0x604: {  	[tilespmem:s3+$0x3090] =	vst.add.f32.msk $0xffff, v4  }
0x605: {  	v4 =	vld [tilespmem:s21+$0xC20]  }
0x606: {  	[tilespmem:s4+$0x3090] =	vst.add.f32.msk $0xffff, v3  }
0x607: {  	v3 =	vld [tilespmem:s10+$0xC20]  }
0x608: {  	[tilespmem:s1+$0x30A0] =	vst.add.f32.msk $0xffff, v6  }
0x609: {  	v6 =	vld [tilespmem:s0+$0xC30]  }
0x60a: {  	[tilespmem:s3+$0x30A0] =	vst.add.f32.msk $0xffff, v4  }
0x60b: {  	v4 =	vld [tilespmem:s21+$0xC30]  }
0x60c: {  	[tilespmem:s4+$0x30A0] =	vst.add.f32.msk $0xffff, v3  }
0x60d: {  	v3 =	vld [tilespmem:s10+$0xC30]  }
0x60e: {  	[tilespmem:s1+$0x30B0] =	vst.add.f32.msk $0xffff, v6  }
0x60f: {  	v6 =	vld [tilespmem:s0+$0xC40]  }
0x610: {  	[tilespmem:s3+$0x30B0] =	vst.add.f32.msk $0xffff, v4  }
0x611: {  	v4 =	vld [tilespmem:s21+$0xC40]  }
0x612: {  	[tilespmem:s4+$0x30B0] =	vst.add.f32.msk $0xffff, v3  }
0x613: {  	v3 =	vld [tilespmem:s10+$0xC40]  }
0x614: {  	[tilespmem:s1+$0x30C0] =	vst.add.f32.msk $0xffff, v6  }
0x615: {  	v6 =	vld [tilespmem:s0+$0xC50]  }
0x616: {  	[tilespmem:s3+$0x30C0] =	vst.add.f32.msk $0xffff, v4  }
0x617: {  	v4 =	vld [tilespmem:s21+$0xC50]  }
0x618: {  	[tilespmem:s4+$0x30C0] =	vst.add.f32.msk $0xffff, v3  }
0x619: {  	v3 =	vld [tilespmem:s10+$0xC50]  }
0x61a: {  	[tilespmem:s1+$0x30D0] =	vst.add.f32.msk $0xffff, v6  }
0x61b: {  	v6 =	vld [tilespmem:s0+$0xC60]  }
0x61c: {  	[tilespmem:s3+$0x30D0] =	vst.add.f32.msk $0xffff, v4  }
0x61d: {  	v4 =	vld [tilespmem:s21+$0xC60]  }
0x61e: {  	[tilespmem:s4+$0x30D0] =	vst.add.f32.msk $0xffff, v3  }
0x61f: {  	v3 =	vld [tilespmem:s10+$0xC60]  }
0x620: {  	[tilespmem:s1+$0x30E0] =	vst.add.f32.msk $0xffff, v6  }
0x621: {  	v6 =	vld [tilespmem:s0+$0xC70]  }
0x622: {  	[tilespmem:s3+$0x30E0] =	vst.add.f32.msk $0xffff, v4  }
0x623: {  	v4 =	vld [tilespmem:s21+$0xC70]  }
0x624: {  	[tilespmem:s4+$0x30E0] =	vst.add.f32.msk $0xffff, v3  }
0x625: {  	v3 =	vld [tilespmem:s10+$0xC70];
	_ =	sdelay $0x1  }
0x626: {  	[tilespmem:s24+$0x30F0] =	vst.add.f32.msk $0xffff, v5  }
0x627: {  	[tilespmem:s1+$0x30F0] =	vst.add.f32.msk $0xffff, v6  }
0x628: {  	s5 =	sshll.u32 s2, $0xB;
	[tilespmem:s3+$0x30F0] =	vst.add.f32.msk $0xffff, v4  }
0x629: {  	p0 =	seq.s32 s12, $0x1F;
	s0 =	sadd.s32 s5, s31;
	s6 =	simm.s32 $0x7080;
	[tilespmem:s4+$0x30F0] =	vst.add.f32.msk $0xffff, v3  }
0x62a: {  	[hbm4b:s0+s30] =	stream.linear.scatter [tilespmem:s6], [sflag:$0x6], $0x4000, $0x38;
	[tilespmem:$0x1F080] =	vst v63  }
0x62b: {  	s0 =	simm.s32 @!p0 $0x5  }
0x62c: {  	_ =	swait.ge @!p0 [sflag:s0], $0x4000  }
0x62d: {  	[sflag:s0] =	ssyncset.done @!p0 $0x0  }
0x62e: {  	[sflag:s0] =	ssyncadd.s32 @!p0 $0xFFFFC000;
	s0 =	sshrl.u32 @!p0 s16, $0x2  }
0x62f: {  	v3 =	vld @!p0 [tilespmem:s0+$0x80];
	_ =	sdelay $0x4  }
0x630: {  	v4 =	vshll.u32 @!p0 v3, $0x2  }
0x631: {  	v5 =	vlaneseq.u32 @!p0;
	v3 =	vand.u32 @!p0 $0x7, v3;
	v4 =	vand.u32 @!p0 $0xFFFFFFE0, v4  }
0x632: {  	v6 =	vshrl.u32 @!p0 v5, $0x3;
	v3 =	vor.u32 @!p0 v3, v4;
	v4 =	vand.u32 @!p0 $0x7, v5  }
0x633: {  	v6 =	vmul.u32 @!p0 $0x8, v6;
	v7 =	vperm.xlane @!p0 v3, v4;
	_ =	sdelay $0x1  }
0x634: {  	v7 =	vadd.s32 @!p0 v6, v7  }
0x635: {  	v5 =	vor.u32 @!p0 $0x8, v5  }
0x636: {  	v3 =	vperm.xlane @!p0 v3, v5;
	_ =	sdelay $0x1  }
0x637: {  	vm1 =	vmmov @!p0 $0xffff;
	s2 =	simm.s32 @!p0 $0x3080;
	s1 =	simm.s32 @!p0 $0x0;
	v3 =	vadd.s32 @!p0 v6, v3  }
0x638: {  	[tilespmem:s2], [sflag:$0x1] =	stream.indirect_vreg.gather @!p0 [hbm4b:s29+s1], $0x80, v7, vm1, $0xb8;
	[tilespmem:$0x1F080] =	vst v63  }
0x639: {  	s2 =	simm.s32 @!p0 $0x3880  }
0x63a: {  	[tilespmem:s2], [sflag:$0x1] =	stream.indirect_vreg.gather @!p0 [hbm4b:s9+s1], $0x80, v7, vm1, $0xb8;
	[tilespmem:$0x1F080] =	vst v63  }
0x63b: {  	s2 =	simm.s32 @!p0 $0x4080  }
0x63c: {  	[tilespmem:s2], [sflag:$0x1] =	stream.indirect_vreg.gather @!p0 [hbm4b:s29+s1], $0x80, v3, vm1, $0xb8;
	[tilespmem:$0x1F080] =	vst v63  }
0x63d: {  	s2 =	simm.s32 @!p0 $0x4880  }
0x63e: {  	[tilespmem:s2], [sflag:$0x1] =	stream.indirect_vreg.gather @!p0 [hbm4b:s9+s1], $0x80, v3, vm1, $0xb8;
	[tilespmem:$0x1F080] =	vst v63  }
0x63f: {  	v3 =	vld @!p0 [tilespmem:s0+$0x90];
	_ =	sdelay $0x4  }
0x640: {  	v7 =	vshll.u32 @!p0 v3, $0x2  }
0x641: {  	v3 =	vand.u32 @!p0 $0x7, v3;
	v7 =	vand.u32 @!p0 $0xFFFFFFE0, v7  }
0x642: {  	v3 =	vor.u32 @!p0 v3, v7  }
0x643: {  	v4 =	vperm.xlane @!p0 v3, v4;
	_ =	sdelay $0x1  }
0x644: {  	v4 =	vadd.s32 @!p0 v6, v4;
	_ =	sdelay $0x1  }
0x645: {  	v3 =	vperm.xlane @!p0 v3, v5;
	_ =	sdelay $0x1  }
0x646: {  	s2 =	simm.s32 @!p0 $0x5080;
	v3 =	vadd.s32 @!p0 v6, v3  }
0x647: {  	[tilespmem:s2], [sflag:$0x1] =	stream.indirect_vreg.gather @!p0 [hbm4b:s29+s1], $0x80, v4, vm1, $0xb8;
	[tilespmem:$0x1F080] =	vst v63  }
0x648: {  	s2 =	simm.s32 @!p0 $0x5880  }
0x649: {  	[tilespmem:s2], [sflag:$0x1] =	stream.indirect_vreg.gather @!p0 [hbm4b:s9+s1], $0x80, v4, vm1, $0xb8;
	[tilespmem:$0x1F080] =	vst v63  }
0x64a: {  	s2 =	simm.s32 @!p0 $0x6080  }
0x64b: {  	[tilespmem:s2], [sflag:$0x1] =	stream.indirect_vreg.gather @!p0 [hbm4b:s29+s1], $0x80, v3, vm1, $0xb8;
	[tilespmem:$0x1F080] =	vst v63  }
0x64c: {  	s10 =	simm.s32 $0x3;
	s2 =	simm.s32 @!p0 $0x6880  }
0x64d: {  	[tilespmem:s2], [sflag:$0x1] =	stream.indirect_vreg.gather @!p0 [hbm4b:s9+s1], $0x80, v3, vm1, $0xb8;
	[tilespmem:$0x1F080] =	vst v63  }
0x64e: {  	_ =	swait.ge [sflag:s10], $0x4000  }
0x64f: {  	[sflag:s10] =	ssyncset.done $0x0  }
0x650: {  	[sflag:s10] =	ssyncadd.s32 $0xFFFFC000  }
0x651: {  	v3 =	vld [tilespmem:s17+$0x0];
	_ =	sdelay $0x4  }
0x652: {  	(v2sf) =	vpush v3, $0x0;
	_ =	sdelay $0xe  }
0x653: {  	s16 =	spop (v2sf)  }
0x654: {  	s18 =	sshll.u32 s16, $0x9;
	s1 =	sshll.u32 s16, $0x7  }
0x655: {  	s2 =	sand.u32 $0xFFFFF000, s18;
	s1 =	sand.u32 $0x380, s1  }
0x656: {  	s1 =	sor.u32 s1, s2  }
0x657: {  	v3 =	vld [tilespmem:s1+$0x16080];
	_ =	sdelay $0x1  }
0x658: {  	s21 =	simm.s32 $0x0  }
0x659: {  	s23 =	sand.u32 $0x3000, s21;
	s19 =	sand.u32 $0x380, s21  }
0x65a: {  	s25 =	sor.u32 s19, s23  }
0x65b: {  	s16 =	sadd.s32 $0x16080, s1;
	[tilespmem:s25+$0xB080] =	vst.add.f32.msk $0xffff, v3  }
0x65c: {  	v3 =	vld [tilespmem:s16+$0x10];
	_ =	sdelay $0x4  }
0x65d: {  	[tilespmem:s25+$0xB090] =	vst.add.f32.msk $0xffff, v3  }
0x65e: {  	v3 =	vld [tilespmem:s16+$0x20];
	_ =	sdelay $0x4  }
0x65f: {  	[tilespmem:s25+$0xB0A0] =	vst.add.f32.msk $0xffff, v3  }
0x660: {  	v3 =	vld [tilespmem:s16+$0x30];
	_ =	sdelay $0x4  }
0x661: {  	[tilespmem:s25+$0xB0B0] =	vst.add.f32.msk $0xffff, v3  }
0x662: {  	v3 =	vld [tilespmem:s16+$0x40];
	_ =	sdelay $0x4  }
0x663: {  	[tilespmem:s25+$0xB0C0] =	vst.add.f32.msk $0xffff, v3  }
0x664: {  	v3 =	vld [tilespmem:s16+$0x50];
	_ =	sdelay $0x4  }
0x665: {  	[tilespmem:s25+$0xB0D0] =	vst.add.f32.msk $0xffff, v3  }
0x666: {  	v3 =	vld [tilespmem:s16+$0x60];
	_ =	sdelay $0x2  }
0x667: {  	s20 =	sadd.s32 $0x1, s17  }
0x668: {  	v4 =	vld [tilespmem:s20+$0x0]  }
0x669: {  	[tilespmem:s25+$0xB0E0] =	vst.add.f32.msk $0xffff, v3  }
0x66a: {  	v3 =	vld [tilespmem:s16+$0x70];
	_ =	sdelay $0x2  }
0x66b: {  	(v2sf) =	vpush v4, $0x0;
	_ =	sdelay $0x1  }
0x66c: {  	[tilespmem:s25+$0xB0F0] =	vst.add.f32.msk $0xffff, v3  }
0x66d: {  	v3 =	vld [tilespmem:s16+$0x400];
	_ =	sdelay $0x4  }
0x66e: {  	[tilespmem:s25+$0xB480] =	vst.add.f32.msk $0xffff, v3  }
0x66f: {  	v3 =	vld [tilespmem:s16+$0x410];
	_ =	sdelay $0x4  }
0x670: {  	[tilespmem:s25+$0xB490] =	vst.add.f32.msk $0xffff, v3  }
0x671: {  	s22 =	spop (v2sf);
	v3 =	vld [tilespmem:s16+$0x420]  }
0x672: {  	s24 =	sshll.u32 s22, $0x9;
	s2 =	sshll.u32 s22, $0x7  }
0x673: {  	s3 =	sand.u32 $0xFFFFF000, s24;
	s2 =	sand.u32 $0x380, s2  }
0x674: {  	s2 =	sor.u32 s2, s3  }
0x675: {  	v4 =	vld [tilespmem:s2+$0x16080]  }
0x676: {  	[tilespmem:s25+$0xB4A0] =	vst.add.f32.msk $0xffff, v3  }
0x677: {  	s26 =	simm.s32 $0x200;
	s4 =	simm.s32 $0x80;
	v3 =	vld [tilespmem:s16+$0x430]  }
0x678: {  	s28 =	sand.u32 $0x380, s4;
	s18 =	sand.u32 $0x3000, s26  }
0x679: {  	s19 =	sor.u32 s28, s18  }
0x67a: {  	s3 =	sadd.s32 $0x16080, s2;
	[tilespmem:s19+$0xB080] =	vst.add.f32.msk $0xffff, v4  }
0x67b: {  	v4 =	vld [tilespmem:s3+$0x10]  }
0x67c: {  	[tilespmem:s25+$0xB4B0] =	vst.add.f32.msk $0xffff, v3  }
0x67d: {  	v3 =	vld [tilespmem:s16+$0x440];
	_ =	sdelay $0x2  }
0x67e: {  	[tilespmem:s19+$0xB090] =	vst.add.f32.msk $0xffff, v4  }
0x67f: {  	v4 =	vld [tilespmem:s3+$0x20]  }
0x680: {  	[tilespmem:s25+$0xB4C0] =	vst.add.f32.msk $0xffff, v3  }
0x681: {  	v3 =	vld [tilespmem:s16+$0x450];
	_ =	sdelay $0x2  }
0x682: {  	[tilespmem:s19+$0xB0A0] =	vst.add.f32.msk $0xffff, v4  }
0x683: {  	v4 =	vld [tilespmem:s3+$0x30]  }
0x684: {  	[tilespmem:s25+$0xB4D0] =	vst.add.f32.msk $0xffff, v3  }
0x685: {  	v3 =	vld [tilespmem:s16+$0x460];
	_ =	sdelay $0x2  }
0x686: {  	[tilespmem:s19+$0xB0B0] =	vst.add.f32.msk $0xffff, v4  }
0x687: {  	v4 =	vld [tilespmem:s3+$0x40]  }
0x688: {  	[tilespmem:s25+$0xB4E0] =	vst.add.f32.msk $0xffff, v3  }
0x689: {  	v3 =	vld [tilespmem:s16+$0x470];
	_ =	sdelay $0x2  }
0x68a: {  	[tilespmem:s19+$0xB0C0] =	vst.add.f32.msk $0xffff, v4  }
0x68b: {  	v4 =	vld [tilespmem:s3+$0x50]  }
0x68c: {  	[tilespmem:s25+$0xB4F0] =	vst.add.f32.msk $0xffff, v3  }
0x68d: {  	v3 =	vld [tilespmem:s16+$0x800]  }
0x68e: {  	s1 =	sadd.s32 $0x1, s20  }
0x68f: {  	v5 =	vld [tilespmem:s1+$0x0]  }
0x690: {  	[tilespmem:s19+$0xB0D0] =	vst.add.f32.msk $0xffff, v4  }
0x691: {  	v4 =	vld [tilespmem:s3+$0x60]  }
0x692: {  	[tilespmem:s25+$0xB880] =	vst.add.f32.msk $0xffff, v3  }
0x693: {  	v3 =	vld [tilespmem:s16+$0x810]  }
0x694: {  	(v2sf) =	vpush v5, $0x0;
	_ =	sdelay $0x1  }
0x695: {  	[tilespmem:s19+$0xB0E0] =	vst.add.f32.msk $0xffff, v4  }
0x696: {  	v4 =	vld [tilespmem:s3+$0x70]  }
0x697: {  	[tilespmem:s25+$0xB890] =	vst.add.f32.msk $0xffff, v3  }
0x698: {  	v3 =	vld [tilespmem:s16+$0x820];
	_ =	sdelay $0x2  }
0x699: {  	[tilespmem:s19+$0xB0F0] =	vst.add.f32.msk $0xffff, v4  }
0x69a: {  	v4 =	vld [tilespmem:s3+$0x400]  }
0x69b: {  	[tilespmem:s25+$0xB8A0] =	vst.add.f32.msk $0xffff, v3  }
0x69c: {  	v3 =	vld [tilespmem:s16+$0x830];
	_ =	sdelay $0x2  }
0x69d: {  	[tilespmem:s19+$0xB480] =	vst.add.f32.msk $0xffff, v4  }
0x69e: {  	s5 =	spop (v2sf);
	v4 =	vld [tilespmem:s3+$0x410]  }
0x69f: {  	s6 =	sshll.u32 s5, $0x9;
	s2 =	sshll.u32 s5, $0x7;
	[tilespmem:s25+$0xB8B0] =	vst.add.f32.msk $0xffff, v3  }
0x6a0: {  	s5 =	sand.u32 $0xFFFFF000, s6;
	s2 =	sand.u32 $0x380, s2;
	v3 =	vld [tilespmem:s16+$0x840]  }
0x6a1: {  	s10 =	sor.u32 s2, s5  }
0x6a2: {  	v6 =	vld [tilespmem:s10+$0x16080]  }
0x6a3: {  	[tilespmem:s19+$0xB490] =	vst.add.f32.msk $0xffff, v4  }
0x6a4: {  	s20 =	simm.s32 $0x400;
	s22 =	simm.s32 $0x100;
	v4 =	vld [tilespmem:s3+$0x420]  }
0x6a5: {  	s20 =	sand.u32 $0x3000, s20;
	s26 =	sand.u32 $0x380, s22;
	[tilespmem:s25+$0xB8C0] =	vst.add.f32.msk $0xffff, v3  }
0x6a6: {  	s6 =	sor.u32 s26, s20;
	v5 =	vld [tilespmem:s16+$0x850]  }
0x6a7: {  	s2 =	sadd.s32 $0x16080, s10;
	[tilespmem:s6+$0xB080] =	vst.add.f32.msk $0xffff, v6  }
0x6a8: {  	v6 =	vld [tilespmem:s2+$0x10]  }
0x6a9: {  	[tilespmem:s19+$0xB4A0] =	vst.add.f32.msk $0xffff, v4  }
0x6aa: {  	v4 =	vld [tilespmem:s3+$0x430]  }
0x6ab: {  	[tilespmem:s25+$0xB8D0] =	vst.add.f32.msk $0xffff, v5  }
0x6ac: {  	v5 =	vld [tilespmem:s16+$0x860]  }
0x6ad: {  	[tilespmem:s6+$0xB090] =	vst.add.f32.msk $0xffff, v6  }
0x6ae: {  	v6 =	vld [tilespmem:s2+$0x20]  }
0x6af: {  	[tilespmem:s19+$0xB4B0] =	vst.add.f32.msk $0xffff, v4  }
0x6b0: {  	v4 =	vld [tilespmem:s3+$0x440]  }
0x6b1: {  	[tilespmem:s25+$0xB8E0] =	vst.add.f32.msk $0xffff, v5  }
0x6b2: {  	v5 =	vld [tilespmem:s16+$0x870]  }
0x6b3: {  	[tilespmem:s6+$0xB0A0] =	vst.add.f32.msk $0xffff, v6  }
0x6b4: {  	v6 =	vld [tilespmem:s2+$0x30]  }
0x6b5: {  	[tilespmem:s19+$0xB4C0] =	vst.add.f32.msk $0xffff, v4  }
0x6b6: {  	v4 =	vld [tilespmem:s3+$0x450]  }
0x6b7: {  	[tilespmem:s25+$0xB8F0] =	vst.add.f32.msk $0xffff, v5  }
0x6b8: {  	v5 =	vld [tilespmem:s16+$0xC00]  }
0x6b9: {  	[tilespmem:s6+$0xB0B0] =	vst.add.f32.msk $0xffff, v6  }
0x6ba: {  	v6 =	vld [tilespmem:s2+$0x40]  }
0x6bb: {  	s28 =	sor.u32 s23, s21;
	[tilespmem:s19+$0xB4D0] =	vst.add.f32.msk $0xffff, v4  }
0x6bc: {  	s21 =	sor.u32 $0x8C00, s28;
	v4 =	vld [tilespmem:s3+$0x460]  }
0x6bd: {  	[tilespmem:s21+$0x3080] =	vst.add.f32.msk $0xffff, v5  }
0x6be: {  	v5 =	vld [tilespmem:s16+$0xC10]  }
0x6bf: {  	[tilespmem:s6+$0xB0C0] =	vst.add.f32.msk $0xffff, v6  }
0x6c0: {  	v6 =	vld [tilespmem:s2+$0x50]  }
0x6c1: {  	[tilespmem:s19+$0xB4E0] =	vst.add.f32.msk $0xffff, v4  }
0x6c2: {  	v4 =	vld [tilespmem:s3+$0x470]  }
0x6c3: {  	[tilespmem:s21+$0x3090] =	vst.add.f32.msk $0xffff, v5  }
0x6c4: {  	v5 =	vld [tilespmem:s16+$0xC20]  }
0x6c5: {  	[tilespmem:s6+$0xB0D0] =	vst.add.f32.msk $0xffff, v6  }
0x6c6: {  	v6 =	vld [tilespmem:s2+$0x60]  }
0x6c7: {  	[tilespmem:s19+$0xB4F0] =	vst.add.f32.msk $0xffff, v4  }
0x6c8: {  	v4 =	vld [tilespmem:s3+$0x800]  }
0x6c9: {  	[tilespmem:s21+$0x30A0] =	vst.add.f32.msk $0xffff, v5  }
0x6ca: {  	v5 =	vld [tilespmem:s16+$0xC30];
	_ =	sdelay $0x1  }
0x6cb: {  	[tilespmem:s6+$0xB0E0] =	vst.add.f32.msk $0xffff, v6  }
0x6cc: {  	[tilespmem:s19+$0xB880] =	vst.add.f32.msk $0xffff, v4  }
0x6cd: {  	v7 =	vld [tilespmem:s3+$0x810]  }
0x6ce: {  	[tilespmem:s21+$0x30B0] =	vst.add.f32.msk $0xffff, v5  }
0x6cf: {  	s24 =	sadd.s32 $0x1, s1;
	v4 =	vld [tilespmem:s16+$0xC40]  }
0x6d0: {  	v3 =	vld [tilespmem:s24+$0x0]  }
0x6d1: {  	v5 =	vld [tilespmem:s2+$0x70]  }
0x6d2: {  	s23 =	simm.s32 $0x100;
	s26 =	simm.s32 $0x800;
	[tilespmem:s19+$0xB890] =	vst.add.f32.msk $0xffff, v7;
	s25 =	simm.s32 $0x600  }
.LBB2_11:
0x6d3: {  	p1 =	sne.s32 s26, $0x3E00;
	v6 =	vld [tilespmem:s3+$0x820]  }
0x6d4: {  	[tilespmem:s21+$0x30C0] =	vst.add.f32.msk $0xffff, v4  }
0x6d5: {  	(v2sf) =	vpush v3, $0x0;
	v3 =	vld [tilespmem:s16+$0xC50]  }
0x6d6: {  	[tilespmem:s6+$0xB0F0] =	vst.add.f32.msk $0xffff, v5  }
0x6d7: {  	v4 =	vld [tilespmem:s2+$0x400]  }
0x6d8: {  	[tilespmem:s19+$0xB8A0] =	vst.add.f32.msk $0xffff, v6  }
0x6d9: {  	v5 =	vld [tilespmem:s3+$0x830]  }
0x6da: {  	[tilespmem:s21+$0x30D0] =	vst.add.f32.msk $0xffff, v3  }
0x6db: {  	v3 =	vld [tilespmem:s16+$0xC60]  }
0x6dc: {  	[tilespmem:s6+$0xB480] =	vst.add.f32.msk $0xffff, v4  }
0x6dd: {  	v4 =	vld [tilespmem:s2+$0x410]  }
0x6de: {  	[tilespmem:s19+$0xB8B0] =	vst.add.f32.msk $0xffff, v5  }
0x6df: {  	v5 =	vld [tilespmem:s3+$0x840]  }
0x6e0: {  	[tilespmem:s21+$0x30E0] =	vst.add.f32.msk $0xffff, v3  }
0x6e1: {  	v3 =	vld [tilespmem:s16+$0xC70];
	s16 =	smov.u32 s3;
	s3 =	smov.u32 s2  }
0x6e2: {  	[tilespmem:s6+$0xB490] =	vst.add.f32.msk $0xffff, v4  }
0x6e3: {  	v4 =	vld [tilespmem:s3+$0x420]  }
0x6e4: {  	s1 =	spop (v2sf);
	[tilespmem:s19+$0xB8C0] =	vst.add.f32.msk $0xffff, v5  }
0x6e5: {  	s2 =	sshll.u32 s1, $0x9;
	s1 =	sshll.u32 s1, $0x7;
	v5 =	vld [tilespmem:s16+$0x850]  }
0x6e6: {  	s24 =	sadd.s32 $0x1, s24;
	s2 =	sand.u32 $0xFFFFF000, s2;
	s1 =	sand.u32 $0x380, s1;
	[tilespmem:s21+$0x30F0] =	vst.add.f32.msk $0xffff, v3  }
0x6e7: {  	v3 =	vld [tilespmem:s24+$0x0];
	s1 =	sor.u32 s1, s2  }
0x6e8: {  	v6 =	vld [tilespmem:s1+$0x16080]  }
0x6e9: {  	[tilespmem:s6+$0xB4A0] =	vst.add.f32.msk $0xffff, v4  }
0x6ea: {  	s22 =	sadd.s32 $0x80, s22;
	v4 =	vld [tilespmem:s3+$0x430]  }
0x6eb: {  	s5 =	sand.u32 $0x3000, s25;
	s25 =	smov.u32 s26;
	s2 =	sand.u32 $0x380, s22;
	[tilespmem:s19+$0xB8D0] =	vst.add.f32.msk $0xffff, v5  }
0x6ec: {  	s10 =	sor.u32 s2, s5;
	v5 =	vld [tilespmem:s16+$0x860]  }
0x6ed: {  	s2 =	sadd.s32 $0x16080, s1;
	[tilespmem:s10+$0xB080] =	vst.add.f32.msk $0xffff, v6  }
0x6ee: {  	v6 =	vld [tilespmem:s2+$0x10]  }
0x6ef: {  	[tilespmem:s6+$0xB4B0] =	vst.add.f32.msk $0xffff, v4  }
0x6f0: {  	v4 =	vld [tilespmem:s3+$0x440]  }
0x6f1: {  	[tilespmem:s19+$0xB8E0] =	vst.add.f32.msk $0xffff, v5  }
0x6f2: {  	v5 =	vld [tilespmem:s16+$0x870]  }
0x6f3: {  	[tilespmem:s10+$0xB090] =	vst.add.f32.msk $0xffff, v6  }
0x6f4: {  	v6 =	vld [tilespmem:s2+$0x20]  }
0x6f5: {  	[tilespmem:s6+$0xB4C0] =	vst.add.f32.msk $0xffff, v4  }
0x6f6: {  	v4 =	vld [tilespmem:s3+$0x450]  }
0x6f7: {  	[tilespmem:s19+$0xB8F0] =	vst.add.f32.msk $0xffff, v5;
	s19 =	smov.u32 s6;
	s6 =	smov.u32 s10  }
0x6f8: {  	v5 =	vld [tilespmem:s16+$0xC00]  }
0x6f9: {  	[tilespmem:s6+$0xB0A0] =	vst.add.f32.msk $0xffff, v6  }
0x6fa: {  	v6 =	vld [tilespmem:s2+$0x30]  }
0x6fb: {  	s1 =	sor.u32 s18, s4;
	s4 =	smov.u32 s23;
	s23 =	smov.u32 s22;
	[tilespmem:s19+$0xB4D0] =	vst.add.f32.msk $0xffff, v4  }
0x6fc: {  	s18 =	smov.u32 s20;
	s20 =	smov.u32 s5;
	s21 =	sor.u32 $0x8C00, s1;
	v4 =	vld [tilespmem:s3+$0x460]  }
0x6fd: {  	[tilespmem:s21+$0x3080] =	vst.add.f32.msk $0xffff, v5  }
0x6fe: {  	v5 =	vld [tilespmem:s16+$0xC10]  }
0x6ff: {  	[tilespmem:s6+$0xB0B0] =	vst.add.f32.msk $0xffff, v6  }
0x700: {  	v6 =	vld [tilespmem:s2+$0x40]  }
0x701: {  	[tilespmem:s19+$0xB4E0] =	vst.add.f32.msk $0xffff, v4  }
0x702: {  	v4 =	vld [tilespmem:s3+$0x470]  }
0x703: {  	[tilespmem:s21+$0x3090] =	vst.add.f32.msk $0xffff, v5  }
0x704: {  	v5 =	vld [tilespmem:s16+$0xC20]  }
0x705: {  	[tilespmem:s6+$0xB0C0] =	vst.add.f32.msk $0xffff, v6  }
0x706: {  	v6 =	vld [tilespmem:s2+$0x50]  }
0x707: {  	[tilespmem:s19+$0xB4F0] =	vst.add.f32.msk $0xffff, v4  }
0x708: {  	v4 =	vld [tilespmem:s3+$0x800]  }
0x709: {  	[tilespmem:s21+$0x30A0] =	vst.add.f32.msk $0xffff, v5  }
0x70a: {  	v5 =	vld [tilespmem:s16+$0xC30]  }
0x70b: {  	[tilespmem:s6+$0xB0D0] =	vst.add.f32.msk $0xffff, v6  }
0x70c: {  	v6 =	vld [tilespmem:s2+$0x60]  }
0x70d: {  	[tilespmem:s19+$0xB880] =	vst.add.f32.msk $0xffff, v4  }
0x70e: {  	v7 =	vld [tilespmem:s3+$0x810]  }
.Ltmp4:
0x70f: {  	[tilespmem:s21+$0x30B0] =	vst.add.f32.msk $0xffff, v5;
	(pc) =	sbr.rel @p1 .LBB2_11-.Ltmp4, $4  }
0x710: {  	v4 =	vld [tilespmem:s16+$0xC40]  }
0x711: {  	[tilespmem:s6+$0xB0E0] =	vst.add.f32.msk $0xffff, v6  }
0x712: {  	v5 =	vld [tilespmem:s2+$0x70]  }
0x713: {  	s26 =	sadd.s32 $0x200, s26;
	[tilespmem:s19+$0xB890] =	vst.add.f32.msk $0xffff, v7  }
0x714: {  	(v2sf) =	vpush v3, $0x0;
	_ =	sdelay $0xe  }
0x715: {  	s1 =	spop (v2sf)  }
0x716: {  	s5 =	sshll.u32 s1, $0x9;
	s1 =	sshll.u32 s1, $0x7  }
0x717: {  	s5 =	sand.u32 $0xFFFFF000, s5;
	s1 =	sand.u32 $0x380, s1  }
0x718: {  	s1 =	sor.u32 s1, s5  }
0x719: {  	v3 =	vld [tilespmem:s1+$0x16080];
	_ =	sdelay $0x1  }
0x71a: {  	s24 =	sadd.s32 $0x80, s22  }
0x71b: {  	s25 =	sand.u32 $0x3000, s25;
	s28 =	sand.u32 $0x380, s24  }
0x71c: {  	s26 =	sor.u32 s28, s25  }
0x71d: {  	s10 =	sadd.s32 $0x16080, s1;
	[tilespmem:s26+$0xB080] =	vst.add.f32.msk $0xffff, v3  }
0x71e: {  	v3 =	vld [tilespmem:s10+$0x10];
	_ =	sdelay $0x4  }
0x71f: {  	[tilespmem:s26+$0xB090] =	vst.add.f32.msk $0xffff, v3  }
0x720: {  	v3 =	vld [tilespmem:s10+$0x20];
	_ =	sdelay $0x4  }
0x721: {  	[tilespmem:s26+$0xB0A0] =	vst.add.f32.msk $0xffff, v3  }
0x722: {  	v3 =	vld [tilespmem:s10+$0x30];
	_ =	sdelay $0x4  }
0x723: {  	[tilespmem:s26+$0xB0B0] =	vst.add.f32.msk $0xffff, v3  }
0x724: {  	v3 =	vld [tilespmem:s10+$0x40];
	_ =	sdelay $0x4  }
0x725: {  	[tilespmem:s26+$0xB0C0] =	vst.add.f32.msk $0xffff, v3  }
0x726: {  	v3 =	vld [tilespmem:s10+$0x50];
	_ =	sdelay $0x4  }
0x727: {  	[tilespmem:s26+$0xB0D0] =	vst.add.f32.msk $0xffff, v3  }
0x728: {  	v3 =	vld [tilespmem:s10+$0x60];
	_ =	sdelay $0x4  }
0x729: {  	[tilespmem:s26+$0xB0E0] =	vst.add.f32.msk $0xffff, v3  }
0x72a: {  	v3 =	vld [tilespmem:s10+$0x70];
	_ =	sdelay $0x2  }
0x72b: {  	[tilespmem:s6+$0xB0F0] =	vst.add.f32.msk $0xffff, v5  }
0x72c: {  	v5 =	vld [tilespmem:s2+$0x400]  }
0x72d: {  	[tilespmem:s26+$0xB0F0] =	vst.add.f32.msk $0xffff, v3  }
0x72e: {  	v3 =	vld [tilespmem:s10+$0x400];
	_ =	sdelay $0x2  }
0x72f: {  	[tilespmem:s6+$0xB480] =	vst.add.f32.msk $0xffff, v5  }
0x730: {  	v5 =	vld [tilespmem:s2+$0x410]  }
0x731: {  	[tilespmem:s26+$0xB480] =	vst.add.f32.msk $0xffff, v3  }
0x732: {  	v3 =	vld [tilespmem:s10+$0x410];
	_ =	sdelay $0x2  }
0x733: {  	[tilespmem:s6+$0xB490] =	vst.add.f32.msk $0xffff, v5  }
0x734: {  	v5 =	vld [tilespmem:s2+$0x420]  }
0x735: {  	[tilespmem:s26+$0xB490] =	vst.add.f32.msk $0xffff, v3  }
0x736: {  	v3 =	vld [tilespmem:s10+$0x420];
	_ =	sdelay $0x2  }
0x737: {  	[tilespmem:s6+$0xB4A0] =	vst.add.f32.msk $0xffff, v5  }
0x738: {  	v5 =	vld [tilespmem:s2+$0x430]  }
0x739: {  	[tilespmem:s26+$0xB4A0] =	vst.add.f32.msk $0xffff, v3  }
0x73a: {  	v3 =	vld [tilespmem:s10+$0x430];
	_ =	sdelay $0x2  }
0x73b: {  	[tilespmem:s6+$0xB4B0] =	vst.add.f32.msk $0xffff, v5  }
0x73c: {  	v5 =	vld [tilespmem:s2+$0x440]  }
0x73d: {  	[tilespmem:s26+$0xB4B0] =	vst.add.f32.msk $0xffff, v3  }
0x73e: {  	v3 =	vld [tilespmem:s10+$0x440];
	_ =	sdelay $0x2  }
0x73f: {  	[tilespmem:s6+$0xB4C0] =	vst.add.f32.msk $0xffff, v5  }
0x740: {  	v5 =	vld [tilespmem:s2+$0x450]  }
0x741: {  	[tilespmem:s26+$0xB4C0] =	vst.add.f32.msk $0xffff, v3  }
0x742: {  	v3 =	vld [tilespmem:s10+$0x450];
	_ =	sdelay $0x2  }
0x743: {  	[tilespmem:s6+$0xB4D0] =	vst.add.f32.msk $0xffff, v5  }
0x744: {  	v5 =	vld [tilespmem:s2+$0x460]  }
0x745: {  	[tilespmem:s26+$0xB4D0] =	vst.add.f32.msk $0xffff, v3  }
0x746: {  	v3 =	vld [tilespmem:s10+$0x460]  }
0x747: {  	[tilespmem:s21+$0x30C0] =	vst.add.f32.msk $0xffff, v4  }
0x748: {  	v4 =	vld [tilespmem:s16+$0xC50]  }
0x749: {  	[tilespmem:s6+$0xB4E0] =	vst.add.f32.msk $0xffff, v5  }
0x74a: {  	v5 =	vld [tilespmem:s2+$0x470]  }
0x74b: {  	[tilespmem:s26+$0xB4E0] =	vst.add.f32.msk $0xffff, v3  }
0x74c: {  	v3 =	vld [tilespmem:s10+$0x470]  }
0x74d: {  	[tilespmem:s21+$0x30D0] =	vst.add.f32.msk $0xffff, v4  }
0x74e: {  	v4 =	vld [tilespmem:s16+$0xC60]  }
0x74f: {  	[tilespmem:s6+$0xB4F0] =	vst.add.f32.msk $0xffff, v5  }
0x750: {  	v5 =	vld [tilespmem:s2+$0x800]  }
0x751: {  	[tilespmem:s26+$0xB4F0] =	vst.add.f32.msk $0xffff, v3  }
0x752: {  	v3 =	vld [tilespmem:s10+$0x800]  }
0x753: {  	v6 =	vld [tilespmem:s3+$0x820]  }
0x754: {  	[tilespmem:s21+$0x30E0] =	vst.add.f32.msk $0xffff, v4  }
0x755: {  	[tilespmem:s6+$0xB880] =	vst.add.f32.msk $0xffff, v5  }
0x756: {  	v4 =	vld [tilespmem:s2+$0x810]  }
0x757: {  	[tilespmem:s26+$0xB880] =	vst.add.f32.msk $0xffff, v3  }
0x758: {  	v3 =	vld [tilespmem:s10+$0x810]  }
0x759: {  	[tilespmem:s19+$0xB8A0] =	vst.add.f32.msk $0xffff, v6  }
0x75a: {  	v6 =	vld [tilespmem:s3+$0x830]  }
0x75b: {  	[tilespmem:s6+$0xB890] =	vst.add.f32.msk $0xffff, v4  }
0x75c: {  	v4 =	vld [tilespmem:s2+$0x820]  }
0x75d: {  	[tilespmem:s26+$0xB890] =	vst.add.f32.msk $0xffff, v3  }
0x75e: {  	v3 =	vld [tilespmem:s10+$0x820]  }
0x75f: {  	[tilespmem:s19+$0xB8B0] =	vst.add.f32.msk $0xffff, v6  }
0x760: {  	v6 =	vld [tilespmem:s3+$0x840]  }
0x761: {  	[tilespmem:s6+$0xB8A0] =	vst.add.f32.msk $0xffff, v4  }
0x762: {  	v4 =	vld [tilespmem:s2+$0x830]  }
0x763: {  	[tilespmem:s26+$0xB8A0] =	vst.add.f32.msk $0xffff, v3  }
0x764: {  	v3 =	vld [tilespmem:s10+$0x830]  }
0x765: {  	[tilespmem:s19+$0xB8C0] =	vst.add.f32.msk $0xffff, v6  }
0x766: {  	v6 =	vld [tilespmem:s3+$0x850]  }
0x767: {  	[tilespmem:s6+$0xB8B0] =	vst.add.f32.msk $0xffff, v4  }
0x768: {  	v4 =	vld [tilespmem:s2+$0x840]  }
0x769: {  	[tilespmem:s26+$0xB8B0] =	vst.add.f32.msk $0xffff, v3  }
0x76a: {  	v3 =	vld [tilespmem:s10+$0x840]  }
0x76b: {  	[tilespmem:s19+$0xB8D0] =	vst.add.f32.msk $0xffff, v6  }
0x76c: {  	v6 =	vld [tilespmem:s3+$0x860]  }
0x76d: {  	[tilespmem:s6+$0xB8C0] =	vst.add.f32.msk $0xffff, v4  }
0x76e: {  	v4 =	vld [tilespmem:s2+$0x850]  }
0x76f: {  	[tilespmem:s26+$0xB8C0] =	vst.add.f32.msk $0xffff, v3  }
0x770: {  	v3 =	vld [tilespmem:s10+$0x850]  }
0x771: {  	[tilespmem:s19+$0xB8E0] =	vst.add.f32.msk $0xffff, v6  }
0x772: {  	v6 =	vld [tilespmem:s3+$0x870]  }
0x773: {  	[tilespmem:s6+$0xB8D0] =	vst.add.f32.msk $0xffff, v4  }
0x774: {  	v4 =	vld [tilespmem:s2+$0x860]  }
0x775: {  	[tilespmem:s26+$0xB8D0] =	vst.add.f32.msk $0xffff, v3  }
0x776: {  	v3 =	vld [tilespmem:s10+$0x860]  }
0x777: {  	[tilespmem:s19+$0xB8F0] =	vst.add.f32.msk $0xffff, v6  }
0x778: {  	v6 =	vld [tilespmem:s3+$0xC00]  }
0x779: {  	[tilespmem:s6+$0xB8E0] =	vst.add.f32.msk $0xffff, v4  }
0x77a: {  	v4 =	vld [tilespmem:s2+$0x870]  }
0x77b: {  	s18 =	sor.u32 s18, s4;
	[tilespmem:s26+$0xB8E0] =	vst.add.f32.msk $0xffff, v3  }
0x77c: {  	s1 =	sor.u32 $0x8C00, s18;
	v3 =	vld [tilespmem:s10+$0x870]  }
0x77d: {  	[tilespmem:s1+$0x3080] =	vst.add.f32.msk $0xffff, v6  }
0x77e: {  	v6 =	vld [tilespmem:s3+$0xC10]  }
0x77f: {  	[tilespmem:s6+$0xB8F0] =	vst.add.f32.msk $0xffff, v4  }
0x780: {  	v4 =	vld [tilespmem:s2+$0xC00]  }
0x781: {  	[tilespmem:s26+$0xB8F0] =	vst.add.f32.msk $0xffff, v3  }
0x782: {  	v3 =	vld [tilespmem:s10+$0xC00]  }
0x783: {  	s19 =	sor.u32 s20, s23;
	[tilespmem:s1+$0x3090] =	vst.add.f32.msk $0xffff, v6  }
0x784: {  	s4 =	sor.u32 $0x8C00, s19;
	v6 =	vld [tilespmem:s3+$0xC20]  }
0x785: {  	s20 =	sor.u32 s25, s24;
	[tilespmem:s4+$0x3080] =	vst.add.f32.msk $0xffff, v4  }
0x786: {  	s5 =	sor.u32 $0x8C00, s20;
	v4 =	vld [tilespmem:s2+$0xC10]  }
0x787: {  	[tilespmem:s5+$0x3080] =	vst.add.f32.msk $0xffff, v3  }
0x788: {  	v3 =	vld [tilespmem:s10+$0xC10];
	_ =	sdelay $0x1  }
0x789: {  	[tilespmem:s1+$0x30A0] =	vst.add.f32.msk $0xffff, v6  }
0x78a: {  	[tilespmem:s4+$0x3090] =	vst.add.f32.msk $0xffff, v4  }
0x78b: {  	v4 =	vld [tilespmem:s2+$0xC20]  }
0x78c: {  	[tilespmem:s5+$0x3090] =	vst.add.f32.msk $0xffff, v3  }
0x78d: {  	v3 =	vld [tilespmem:s10+$0xC20]  }
0x78e: {  	v6 =	vld [tilespmem:s3+$0xC30]  }
0x78f: {  	v5 =	vld [tilespmem:s16+$0xC70]  }
0x790: {  	[tilespmem:s4+$0x30A0] =	vst.add.f32.msk $0xffff, v4  }
0x791: {  	v4 =	vld [tilespmem:s2+$0xC30]  }
0x792: {  	[tilespmem:s5+$0x30A0] =	vst.add.f32.msk $0xffff, v3  }
0x793: {  	v3 =	vld [tilespmem:s10+$0xC30]  }
0x794: {  	[tilespmem:s1+$0x30B0] =	vst.add.f32.msk $0xffff, v6  }
0x795: {  	v6 =	vld [tilespmem:s3+$0xC40]  }
0x796: {  	[tilespmem:s4+$0x30B0] =	vst.add.f32.msk $0xffff, v4  }
0x797: {  	v4 =	vld [tilespmem:s2+$0xC40]  }
0x798: {  	[tilespmem:s5+$0x30B0] =	vst.add.f32.msk $0xffff, v3  }
0x799: {  	v3 =	vld [tilespmem:s10+$0xC40]  }
0x79a: {  	[tilespmem:s1+$0x30C0] =	vst.add.f32.msk $0xffff, v6  }
0x79b: {  	v6 =	vld [tilespmem:s3+$0xC50]  }
0x79c: {  	[tilespmem:s4+$0x30C0] =	vst.add.f32.msk $0xffff, v4  }
0x79d: {  	v4 =	vld [tilespmem:s2+$0xC50]  }
0x79e: {  	[tilespmem:s5+$0x30C0] =	vst.add.f32.msk $0xffff, v3  }
0x79f: {  	v3 =	vld [tilespmem:s10+$0xC50]  }
0x7a0: {  	[tilespmem:s1+$0x30D0] =	vst.add.f32.msk $0xffff, v6  }
0x7a1: {  	v6 =	vld [tilespmem:s3+$0xC60]  }
0x7a2: {  	[tilespmem:s4+$0x30D0] =	vst.add.f32.msk $0xffff, v4  }
0x7a3: {  	v4 =	vld [tilespmem:s2+$0xC60]  }
0x7a4: {  	[tilespmem:s5+$0x30D0] =	vst.add.f32.msk $0xffff, v3  }
0x7a5: {  	v3 =	vld [tilespmem:s10+$0xC60]  }
0x7a6: {  	[tilespmem:s1+$0x30E0] =	vst.add.f32.msk $0xffff, v6  }
0x7a7: {  	v6 =	vld [tilespmem:s3+$0xC70]  }
0x7a8: {  	[tilespmem:s4+$0x30E0] =	vst.add.f32.msk $0xffff, v4  }
0x7a9: {  	v4 =	vld [tilespmem:s2+$0xC70]  }
0x7aa: {  	[tilespmem:s5+$0x30E0] =	vst.add.f32.msk $0xffff, v3  }
0x7ab: {  	v3 =	vld [tilespmem:s10+$0xC70];
	_ =	sdelay $0x1  }
0x7ac: {  	[tilespmem:s21+$0x30F0] =	vst.add.f32.msk $0xffff, v5  }
0x7ad: {  	[tilespmem:s1+$0x30F0] =	vst.add.f32.msk $0xffff, v6  }
0x7ae: {  	s21 =	sshll.u32 s14, $0xB;
	[tilespmem:s4+$0x30F0] =	vst.add.f32.msk $0xffff, v4  }
0x7af: {  	s22 =	simm.s32 $0xB080;
	s1 =	sadd.s32 s21, s31;
	[tilespmem:s5+$0x30F0] =	vst.add.f32.msk $0xffff, v3  }
0x7b0: {  	[hbm4b:s1+s30] =	stream.linear.scatter [tilespmem:s22], [sflag:$0x7], $0x4000, $0x38;
	[tilespmem:$0x1F080] =	vst v63  }
0x7b1: {  	s1 =	simm.s32 @!p0 $0x6  }
0x7b2: {  	_ =	swait.ge @!p0 [sflag:s1], $0x4000  }
0x7b3: {  	[sflag:s1] =	ssyncset.done @!p0 $0x0  }
0x7b4: {  	[sflag:s1] =	ssyncadd.s32 @!p0 $0xFFFFC000  }
0x7b5: {  	v3 =	vld @!p0 [tilespmem:s0+$0xA0];
	_ =	sdelay $0x4  }
0x7b6: {  	v4 =	vshll.u32 @!p0 v3, $0x2  }
0x7b7: {  	v5 =	vlaneseq.u32 @!p0;
	v3 =	vand.u32 @!p0 $0x7, v3;
	v4 =	vand.u32 @!p0 $0xFFFFFFE0, v4  }
0x7b8: {  	v6 =	vshrl.u32 @!p0 v5, $0x3;
	v3 =	vor.u32 @!p0 v3, v4;
	v4 =	vand.u32 @!p0 $0x7, v5  }
0x7b9: {  	v6 =	vmul.u32 @!p0 $0x8, v6;
	v7 =	vperm.xlane @!p0 v3, v4;
	_ =	sdelay $0x1  }
0x7ba: {  	v7 =	vadd.s32 @!p0 v6, v7  }
0x7bb: {  	v5 =	vor.u32 @!p0 $0x8, v5  }
0x7bc: {  	v3 =	vperm.xlane @!p0 v3, v5;
	_ =	sdelay $0x1  }
0x7bd: {  	s2 =	simm.s32 @!p0 $0x7080;
	s1 =	simm.s32 @!p0 $0x0;
	v3 =	vadd.s32 @!p0 v6, v3  }
0x7be: {  	[tilespmem:s2], [sflag:$0x2] =	stream.indirect_vreg.gather @!p0 [hbm4b:s29+s1], $0x80, v7, vm1, $0xb8;
	[tilespmem:$0x1F080] =	vst v63  }
0x7bf: {  	s2 =	simm.s32 @!p0 $0x7880  }
0x7c0: {  	[tilespmem:s2], [sflag:$0x2] =	stream.indirect_vreg.gather @!p0 [hbm4b:s9+s1], $0x80, v7, vm1, $0xb8;
	[tilespmem:$0x1F080] =	vst v63  }
0x7c1: {  	s2 =	simm.s32 @!p0 $0x8080  }
0x7c2: {  	[tilespmem:s2], [sflag:$0x2] =	stream.indirect_vreg.gather @!p0 [hbm4b:s29+s1], $0x80, v3, vm1, $0xb8;
	[tilespmem:$0x1F080] =	vst v63  }
0x7c3: {  	s2 =	simm.s32 @!p0 $0x8880  }
0x7c4: {  	[tilespmem:s2], [sflag:$0x2] =	stream.indirect_vreg.gather @!p0 [hbm4b:s9+s1], $0x80, v3, vm1, $0xb8;
	[tilespmem:$0x1F080] =	vst v63  }
0x7c5: {  	v3 =	vld @!p0 [tilespmem:s0+$0xB0];
	_ =	sdelay $0x4  }
0x7c6: {  	v7 =	vshll.u32 @!p0 v3, $0x2  }
0x7c7: {  	v3 =	vand.u32 @!p0 $0x7, v3;
	v7 =	vand.u32 @!p0 $0xFFFFFFE0, v7  }
0x7c8: {  	v3 =	vor.u32 @!p0 v3, v7  }
0x7c9: {  	v4 =	vperm.xlane @!p0 v3, v4;
	_ =	sdelay $0x1  }
0x7ca: {  	v4 =	vadd.s32 @!p0 v6, v4;
	_ =	sdelay $0x1  }
0x7cb: {  	v3 =	vperm.xlane @!p0 v3, v5;
	_ =	sdelay $0x1  }
0x7cc: {  	s0 =	simm.s32 @!p0 $0x9080;
	v3 =	vadd.s32 @!p0 v6, v3  }
0x7cd: {  	[tilespmem:s0], [sflag:$0x2] =	stream.indirect_vreg.gather @!p0 [hbm4b:s29+s1], $0x80, v4, vm1, $0xb8;
	[tilespmem:$0x1F080] =	vst v63  }
0x7ce: {  	s0 =	simm.s32 @!p0 $0x9880  }
0x7cf: {  	[tilespmem:s0], [sflag:$0x2] =	stream.indirect_vreg.gather @!p0 [hbm4b:s9+s1], $0x80, v4, vm1, $0xb8;
	[tilespmem:$0x1F080] =	vst v63  }
0x7d0: {  	s0 =	simm.s32 @!p0 $0xA080  }
0x7d1: {  	[tilespmem:s0], [sflag:$0x2] =	stream.indirect_vreg.gather @!p0 [hbm4b:s29+s1], $0x80, v3, vm1, $0xb8;
	[tilespmem:$0x1F080] =	vst v63  }
0x7d2: {  	s23 =	simm.s32 $0x4;
	s0 =	simm.s32 @!p0 $0xA880  }
0x7d3: {  	[tilespmem:s0], [sflag:$0x2] =	stream.indirect_vreg.gather @!p0 [hbm4b:s9+s1], $0x80, v3, vm1, $0xb8;
	[tilespmem:$0x1F080] =	vst v63  }
0x7d4: {  	_ =	swait.ge [sflag:s23], $0x4000  }
0x7d5: {  	[sflag:s23] =	ssyncset.done $0x0  }
0x7d6: {  	[sflag:s23] =	ssyncadd.s32 $0xFFFFC000  }
0x7d7: {  	v3 =	vld [tilespmem:s8+$0x0];
	_ =	sdelay $0x4  }
0x7d8: {  	(v2sf) =	vpush v3, $0x0;
	_ =	sdelay $0xe  }
0x7d9: {  	s24 =	spop (v2sf)  }
0x7da: {  	s25 =	sshll.u32 s24, $0x9;
	s0 =	sshll.u32 s24, $0x7  }
0x7db: {  	s1 =	sand.u32 $0xFFFFF000, s25;
	s0 =	sand.u32 $0x380, s0  }
0x7dc: {  	s0 =	sor.u32 s0, s1  }
0x7dd: {  	v3 =	vld [tilespmem:s0+$0x16080];
	_ =	sdelay $0x1  }
0x7de: {  	s19 =	simm.s32 $0x0  }
0x7df: {  	s20 =	sand.u32 $0x3000, s19;
	s26 =	sand.u32 $0x380, s19  }
0x7e0: {  	s28 =	sor.u32 s26, s20  }
0x7e1: {  	s4 =	sadd.s32 $0x16080, s0;
	[tilespmem:s28+$0xF080] =	vst.add.f32.msk $0xffff, v3  }
0x7e2: {  	v3 =	vld [tilespmem:s4+$0x10];
	_ =	sdelay $0x4  }
0x7e3: {  	[tilespmem:s28+$0xF090] =	vst.add.f32.msk $0xffff, v3  }
0x7e4: {  	v3 =	vld [tilespmem:s4+$0x20];
	_ =	sdelay $0x4  }
0x7e5: {  	[tilespmem:s28+$0xF0A0] =	vst.add.f32.msk $0xffff, v3  }
0x7e6: {  	v3 =	vld [tilespmem:s4+$0x30];
	_ =	sdelay $0x4  }
0x7e7: {  	[tilespmem:s28+$0xF0B0] =	vst.add.f32.msk $0xffff, v3  }
0x7e8: {  	v3 =	vld [tilespmem:s4+$0x40];
	_ =	sdelay $0x4  }
0x7e9: {  	[tilespmem:s28+$0xF0C0] =	vst.add.f32.msk $0xffff, v3  }
0x7ea: {  	v3 =	vld [tilespmem:s4+$0x50];
	_ =	sdelay $0x4  }
0x7eb: {  	[tilespmem:s28+$0xF0D0] =	vst.add.f32.msk $0xffff, v3  }
0x7ec: {  	v3 =	vld [tilespmem:s4+$0x60];
	_ =	sdelay $0x2  }
0x7ed: {  	s6 =	sadd.s32 $0x1, s8  }
0x7ee: {  	v4 =	vld [tilespmem:s6+$0x0]  }
0x7ef: {  	[tilespmem:s28+$0xF0E0] =	vst.add.f32.msk $0xffff, v3  }
0x7f0: {  	v3 =	vld [tilespmem:s4+$0x70];
	_ =	sdelay $0x2  }
0x7f1: {  	(v2sf) =	vpush v4, $0x0;
	_ =	sdelay $0x1  }
0x7f2: {  	[tilespmem:s28+$0xF0F0] =	vst.add.f32.msk $0xffff, v3  }
0x7f3: {  	v3 =	vld [tilespmem:s4+$0x400];
	_ =	sdelay $0x4  }
0x7f4: {  	[tilespmem:s28+$0xF480] =	vst.add.f32.msk $0xffff, v3  }
0x7f5: {  	v3 =	vld [tilespmem:s4+$0x410];
	_ =	sdelay $0x4  }
0x7f6: {  	[tilespmem:s28+$0xF490] =	vst.add.f32.msk $0xffff, v3  }
0x7f7: {  	s10 =	spop (v2sf);
	v3 =	vld [tilespmem:s4+$0x420]  }
0x7f8: {  	s14 =	sshll.u32 s10, $0x9;
	s0 =	sshll.u32 s10, $0x7  }
0x7f9: {  	s2 =	sand.u32 $0xFFFFF000, s14;
	s0 =	sand.u32 $0x380, s0  }
0x7fa: {  	s0 =	sor.u32 s0, s2  }
0x7fb: {  	v4 =	vld [tilespmem:s0+$0x16080]  }
0x7fc: {  	[tilespmem:s28+$0xF4A0] =	vst.add.f32.msk $0xffff, v3  }
0x7fd: {  	s16 =	simm.s32 $0x200;
	s3 =	simm.s32 $0x80;
	v3 =	vld [tilespmem:s4+$0x430]  }
0x7fe: {  	s18 =	sand.u32 $0x380, s3;
	s14 =	sand.u32 $0x3000, s16  }
0x7ff: {  	s16 =	sor.u32 s18, s14  }
0x800: {  	s0 =	sadd.s32 $0x16080, s0;
	[tilespmem:s16+$0xF080] =	vst.add.f32.msk $0xffff, v4  }
0x801: {  	v4 =	vld [tilespmem:s0+$0x10]  }
0x802: {  	[tilespmem:s28+$0xF4B0] =	vst.add.f32.msk $0xffff, v3  }
0x803: {  	v3 =	vld [tilespmem:s4+$0x440];
	_ =	sdelay $0x2  }
0x804: {  	[tilespmem:s16+$0xF090] =	vst.add.f32.msk $0xffff, v4  }
0x805: {  	v4 =	vld [tilespmem:s0+$0x20]  }
0x806: {  	[tilespmem:s28+$0xF4C0] =	vst.add.f32.msk $0xffff, v3  }
0x807: {  	v3 =	vld [tilespmem:s4+$0x450];
	_ =	sdelay $0x2  }
0x808: {  	[tilespmem:s16+$0xF0A0] =	vst.add.f32.msk $0xffff, v4  }
0x809: {  	v4 =	vld [tilespmem:s0+$0x30]  }
0x80a: {  	[tilespmem:s28+$0xF4D0] =	vst.add.f32.msk $0xffff, v3  }
0x80b: {  	v3 =	vld [tilespmem:s4+$0x460];
	_ =	sdelay $0x2  }
0x80c: {  	[tilespmem:s16+$0xF0B0] =	vst.add.f32.msk $0xffff, v4  }
0x80d: {  	v4 =	vld [tilespmem:s0+$0x40]  }
0x80e: {  	[tilespmem:s28+$0xF4E0] =	vst.add.f32.msk $0xffff, v3  }
0x80f: {  	v3 =	vld [tilespmem:s4+$0x470];
	_ =	sdelay $0x2  }
0x810: {  	[tilespmem:s16+$0xF0C0] =	vst.add.f32.msk $0xffff, v4  }
0x811: {  	v4 =	vld [tilespmem:s0+$0x50]  }
0x812: {  	[tilespmem:s28+$0xF4F0] =	vst.add.f32.msk $0xffff, v3  }
0x813: {  	v3 =	vld [tilespmem:s4+$0x800]  }
0x814: {  	s1 =	sadd.s32 $0x1, s6  }
0x815: {  	v5 =	vld [tilespmem:s1+$0x0]  }
0x816: {  	[tilespmem:s16+$0xF0D0] =	vst.add.f32.msk $0xffff, v4  }
0x817: {  	v4 =	vld [tilespmem:s0+$0x60]  }
0x818: {  	[tilespmem:s28+$0xF880] =	vst.add.f32.msk $0xffff, v3  }
0x819: {  	v3 =	vld [tilespmem:s4+$0x810]  }
0x81a: {  	(v2sf) =	vpush v5, $0x0;
	_ =	sdelay $0x1  }
0x81b: {  	[tilespmem:s16+$0xF0E0] =	vst.add.f32.msk $0xffff, v4  }
0x81c: {  	v4 =	vld [tilespmem:s0+$0x70]  }
0x81d: {  	[tilespmem:s28+$0xF890] =	vst.add.f32.msk $0xffff, v3  }
0x81e: {  	v3 =	vld [tilespmem:s4+$0x820];
	_ =	sdelay $0x2  }
0x81f: {  	[tilespmem:s16+$0xF0F0] =	vst.add.f32.msk $0xffff, v4  }
0x820: {  	v4 =	vld [tilespmem:s0+$0x400]  }
0x821: {  	[tilespmem:s28+$0xF8A0] =	vst.add.f32.msk $0xffff, v3  }
0x822: {  	v3 =	vld [tilespmem:s4+$0x830];
	_ =	sdelay $0x2  }
0x823: {  	[tilespmem:s16+$0xF480] =	vst.add.f32.msk $0xffff, v4  }
0x824: {  	s21 =	spop (v2sf);
	v4 =	vld [tilespmem:s0+$0x410]  }
0x825: {  	s22 =	sshll.u32 s21, $0x9;
	s2 =	sshll.u32 s21, $0x7;
	[tilespmem:s28+$0xF8B0] =	vst.add.f32.msk $0xffff, v3  }
0x826: {  	s5 =	sand.u32 $0xFFFFF000, s22;
	s2 =	sand.u32 $0x380, s2;
	v3 =	vld [tilespmem:s4+$0x840]  }
0x827: {  	s24 =	sor.u32 s2, s5  }
0x828: {  	v6 =	vld [tilespmem:s24+$0x16080]  }
0x829: {  	[tilespmem:s16+$0xF490] =	vst.add.f32.msk $0xffff, v4  }
0x82a: {  	s25 =	simm.s32 $0x400;
	s21 =	simm.s32 $0x100;
	v4 =	vld [tilespmem:s0+$0x420]  }
0x82b: {  	s18 =	sand.u32 $0x3000, s25;
	s26 =	sand.u32 $0x380, s21;
	[tilespmem:s28+$0xF8C0] =	vst.add.f32.msk $0xffff, v3  }
0x82c: {  	s6 =	sor.u32 s26, s18;
	v5 =	vld [tilespmem:s4+$0x850]  }
0x82d: {  	s2 =	sadd.s32 $0x16080, s24;
	[tilespmem:s6+$0xF080] =	vst.add.f32.msk $0xffff, v6  }
0x82e: {  	v6 =	vld [tilespmem:s2+$0x10]  }
0x82f: {  	[tilespmem:s16+$0xF4A0] =	vst.add.f32.msk $0xffff, v4  }
0x830: {  	v4 =	vld [tilespmem:s0+$0x430]  }
0x831: {  	[tilespmem:s28+$0xF8D0] =	vst.add.f32.msk $0xffff, v5  }
0x832: {  	v5 =	vld [tilespmem:s4+$0x860]  }
0x833: {  	[tilespmem:s6+$0xF090] =	vst.add.f32.msk $0xffff, v6  }
0x834: {  	v6 =	vld [tilespmem:s2+$0x20]  }
0x835: {  	[tilespmem:s16+$0xF4B0] =	vst.add.f32.msk $0xffff, v4  }
0x836: {  	v4 =	vld [tilespmem:s0+$0x440]  }
0x837: {  	[tilespmem:s28+$0xF8E0] =	vst.add.f32.msk $0xffff, v5  }
0x838: {  	v5 =	vld [tilespmem:s4+$0x870]  }
0x839: {  	[tilespmem:s6+$0xF0A0] =	vst.add.f32.msk $0xffff, v6  }
0x83a: {  	v6 =	vld [tilespmem:s2+$0x30]  }
0x83b: {  	[tilespmem:s16+$0xF4C0] =	vst.add.f32.msk $0xffff, v4  }
0x83c: {  	v4 =	vld [tilespmem:s0+$0x450]  }
0x83d: {  	[tilespmem:s28+$0xF8F0] =	vst.add.f32.msk $0xffff, v5  }
0x83e: {  	v5 =	vld [tilespmem:s4+$0xC00]  }
0x83f: {  	[tilespmem:s6+$0xF0B0] =	vst.add.f32.msk $0xffff, v6  }
0x840: {  	v6 =	vld [tilespmem:s2+$0x40]  }
0x841: {  	[tilespmem:s16+$0xF4D0] =	vst.add.f32.msk $0xffff, v4;
	s28 =	sor.u32 s20, s19  }
0x842: {  	v4 =	vld [tilespmem:s0+$0x460];
	s19 =	sor.u32 $0xCC00, s28  }
0x843: {  	[tilespmem:s19+$0x3080] =	vst.add.f32.msk $0xffff, v5  }
0x844: {  	v5 =	vld [tilespmem:s4+$0xC10]  }
0x845: {  	[tilespmem:s6+$0xF0C0] =	vst.add.f32.msk $0xffff, v6  }
0x846: {  	v6 =	vld [tilespmem:s2+$0x50]  }
0x847: {  	[tilespmem:s16+$0xF4E0] =	vst.add.f32.msk $0xffff, v4  }
0x848: {  	v4 =	vld [tilespmem:s0+$0x470]  }
0x849: {  	[tilespmem:s19+$0x3090] =	vst.add.f32.msk $0xffff, v5  }
0x84a: {  	v5 =	vld [tilespmem:s4+$0xC20]  }
0x84b: {  	[tilespmem:s6+$0xF0D0] =	vst.add.f32.msk $0xffff, v6  }
0x84c: {  	v6 =	vld [tilespmem:s2+$0x60]  }
0x84d: {  	[tilespmem:s16+$0xF4F0] =	vst.add.f32.msk $0xffff, v4  }
0x84e: {  	v4 =	vld [tilespmem:s0+$0x800]  }
0x84f: {  	[tilespmem:s19+$0x30A0] =	vst.add.f32.msk $0xffff, v5  }
0x850: {  	v5 =	vld [tilespmem:s4+$0xC30];
	_ =	sdelay $0x1  }
0x851: {  	[tilespmem:s6+$0xF0E0] =	vst.add.f32.msk $0xffff, v6  }
0x852: {  	[tilespmem:s16+$0xF880] =	vst.add.f32.msk $0xffff, v4  }
0x853: {  	v7 =	vld [tilespmem:s0+$0x810]  }
0x854: {  	[tilespmem:s19+$0x30B0] =	vst.add.f32.msk $0xffff, v5  }
0x855: {  	s22 =	sadd.s32 $0x1, s1;
	v4 =	vld [tilespmem:s4+$0xC40]  }
0x856: {  	v3 =	vld [tilespmem:s22+$0x0]  }
0x857: {  	v5 =	vld [tilespmem:s2+$0x70]  }
0x858: {  	s23 =	simm.s32 $0x600;
	s24 =	simm.s32 $0x800;
	[tilespmem:s16+$0xF890] =	vst.add.f32.msk $0xffff, v7;
	s20 =	simm.s32 $0x100  }
.LBB2_13:
0x859: {  	p0 =	sne.s32 s24, $0x3E00;
	v6 =	vld [tilespmem:s0+$0x820]  }
0x85a: {  	[tilespmem:s19+$0x30C0] =	vst.add.f32.msk $0xffff, v4  }
0x85b: {  	(v2sf) =	vpush v3, $0x0;
	v3 =	vld [tilespmem:s4+$0xC50]  }
0x85c: {  	[tilespmem:s6+$0xF0F0] =	vst.add.f32.msk $0xffff, v5  }
0x85d: {  	v4 =	vld [tilespmem:s2+$0x400]  }
0x85e: {  	[tilespmem:s16+$0xF8A0] =	vst.add.f32.msk $0xffff, v6  }
0x85f: {  	v5 =	vld [tilespmem:s0+$0x830]  }
0x860: {  	[tilespmem:s19+$0x30D0] =	vst.add.f32.msk $0xffff, v3  }
0x861: {  	v3 =	vld [tilespmem:s4+$0xC60]  }
0x862: {  	[tilespmem:s6+$0xF480] =	vst.add.f32.msk $0xffff, v4  }
0x863: {  	v4 =	vld [tilespmem:s2+$0x410]  }
0x864: {  	[tilespmem:s16+$0xF8B0] =	vst.add.f32.msk $0xffff, v5  }
0x865: {  	v5 =	vld [tilespmem:s0+$0x840]  }
0x866: {  	[tilespmem:s19+$0x30E0] =	vst.add.f32.msk $0xffff, v3  }
0x867: {  	v3 =	vld [tilespmem:s4+$0xC70];
	s4 =	smov.u32 s0;
	s0 =	smov.u32 s2  }
0x868: {  	[tilespmem:s6+$0xF490] =	vst.add.f32.msk $0xffff, v4  }
0x869: {  	v4 =	vld [tilespmem:s0+$0x420]  }
0x86a: {  	s1 =	spop (v2sf);
	[tilespmem:s16+$0xF8C0] =	vst.add.f32.msk $0xffff, v5  }
0x86b: {  	s2 =	sshll.u32 s1, $0x9;
	s1 =	sshll.u32 s1, $0x7;
	v5 =	vld [tilespmem:s4+$0x850]  }
0x86c: {  	s22 =	sadd.s32 $0x1, s22;
	s2 =	sand.u32 $0xFFFFF000, s2;
	s1 =	sand.u32 $0x380, s1;
	[tilespmem:s19+$0x30F0] =	vst.add.f32.msk $0xffff, v3  }
0x86d: {  	v3 =	vld [tilespmem:s22+$0x0];
	s1 =	sor.u32 s1, s2  }
0x86e: {  	v6 =	vld [tilespmem:s1+$0x16080]  }
0x86f: {  	[tilespmem:s6+$0xF4A0] =	vst.add.f32.msk $0xffff, v4  }
0x870: {  	s21 =	sadd.s32 $0x80, s21;
	v4 =	vld [tilespmem:s0+$0x430]  }
0x871: {  	s5 =	sand.u32 $0x3000, s23;
	s23 =	smov.u32 s24;
	s2 =	sand.u32 $0x380, s21;
	[tilespmem:s16+$0xF8D0] =	vst.add.f32.msk $0xffff, v5  }
0x872: {  	s10 =	sor.u32 s2, s5;
	v5 =	vld [tilespmem:s4+$0x860]  }
0x873: {  	s2 =	sadd.s32 $0x16080, s1;
	[tilespmem:s10+$0xF080] =	vst.add.f32.msk $0xffff, v6  }
0x874: {  	v6 =	vld [tilespmem:s2+$0x10]  }
0x875: {  	[tilespmem:s6+$0xF4B0] =	vst.add.f32.msk $0xffff, v4  }
0x876: {  	v4 =	vld [tilespmem:s0+$0x440]  }
0x877: {  	[tilespmem:s16+$0xF8E0] =	vst.add.f32.msk $0xffff, v5  }
0x878: {  	v5 =	vld [tilespmem:s4+$0x870]  }
0x879: {  	[tilespmem:s10+$0xF090] =	vst.add.f32.msk $0xffff, v6  }
0x87a: {  	v6 =	vld [tilespmem:s2+$0x20]  }
0x87b: {  	[tilespmem:s6+$0xF4C0] =	vst.add.f32.msk $0xffff, v4  }
0x87c: {  	v4 =	vld [tilespmem:s0+$0x450]  }
0x87d: {  	[tilespmem:s16+$0xF8F0] =	vst.add.f32.msk $0xffff, v5;
	s16 =	smov.u32 s6;
	s6 =	smov.u32 s10  }
0x87e: {  	v5 =	vld [tilespmem:s4+$0xC00]  }
0x87f: {  	[tilespmem:s6+$0xF0A0] =	vst.add.f32.msk $0xffff, v6  }
0x880: {  	v6 =	vld [tilespmem:s2+$0x30]  }
0x881: {  	s1 =	sor.u32 s14, s3;
	s3 =	smov.u32 s20;
	s20 =	smov.u32 s21;
	[tilespmem:s16+$0xF4D0] =	vst.add.f32.msk $0xffff, v4  }
0x882: {  	s14 =	smov.u32 s18;
	s18 =	smov.u32 s5;
	s19 =	sor.u32 $0xCC00, s1;
	v4 =	vld [tilespmem:s0+$0x460]  }
0x883: {  	[tilespmem:s19+$0x3080] =	vst.add.f32.msk $0xffff, v5  }
0x884: {  	v5 =	vld [tilespmem:s4+$0xC10]  }
0x885: {  	[tilespmem:s6+$0xF0B0] =	vst.add.f32.msk $0xffff, v6  }
0x886: {  	v6 =	vld [tilespmem:s2+$0x40]  }
0x887: {  	[tilespmem:s16+$0xF4E0] =	vst.add.f32.msk $0xffff, v4  }
0x888: {  	v4 =	vld [tilespmem:s0+$0x470]  }
0x889: {  	[tilespmem:s19+$0x3090] =	vst.add.f32.msk $0xffff, v5  }
0x88a: {  	v5 =	vld [tilespmem:s4+$0xC20]  }
0x88b: {  	[tilespmem:s6+$0xF0C0] =	vst.add.f32.msk $0xffff, v6  }
0x88c: {  	v6 =	vld [tilespmem:s2+$0x50]  }
0x88d: {  	[tilespmem:s16+$0xF4F0] =	vst.add.f32.msk $0xffff, v4  }
0x88e: {  	v4 =	vld [tilespmem:s0+$0x800]  }
0x88f: {  	[tilespmem:s19+$0x30A0] =	vst.add.f32.msk $0xffff, v5  }
0x890: {  	v5 =	vld [tilespmem:s4+$0xC30]  }
0x891: {  	[tilespmem:s6+$0xF0D0] =	vst.add.f32.msk $0xffff, v6  }
0x892: {  	v6 =	vld [tilespmem:s2+$0x60]  }
0x893: {  	[tilespmem:s16+$0xF880] =	vst.add.f32.msk $0xffff, v4  }
0x894: {  	v7 =	vld [tilespmem:s0+$0x810]  }
.Ltmp5:
0x895: {  	[tilespmem:s19+$0x30B0] =	vst.add.f32.msk $0xffff, v5;
	(pc) =	sbr.rel @p0 .LBB2_13-.Ltmp5, $4  }
0x896: {  	v4 =	vld [tilespmem:s4+$0xC40]  }
0x897: {  	[tilespmem:s6+$0xF0E0] =	vst.add.f32.msk $0xffff, v6  }
0x898: {  	v5 =	vld [tilespmem:s2+$0x70]  }
0x899: {  	s24 =	sadd.s32 $0x200, s24;
	[tilespmem:s16+$0xF890] =	vst.add.f32.msk $0xffff, v7  }
0x89a: {  	(v2sf) =	vpush v3, $0x0;
	_ =	sdelay $0xe  }
0x89b: {  	s1 =	spop (v2sf)  }
0x89c: {  	s5 =	sshll.u32 s1, $0x9;
	s1 =	sshll.u32 s1, $0x7  }
0x89d: {  	s5 =	sand.u32 $0xFFFFF000, s5;
	s1 =	sand.u32 $0x380, s1  }
0x89e: {  	s1 =	sor.u32 s1, s5  }
0x89f: {  	v3 =	vld [tilespmem:s1+$0x16080];
	_ =	sdelay $0x1  }
0x8a0: {  	s22 =	sadd.s32 $0x80, s21  }
0x8a1: {  	s23 =	sand.u32 $0x3000, s23;
	s28 =	sand.u32 $0x380, s22  }
0x8a2: {  	s24 =	sor.u32 s28, s23  }
0x8a3: {  	s10 =	sadd.s32 $0x16080, s1;
	[tilespmem:s24+$0xF080] =	vst.add.f32.msk $0xffff, v3  }
0x8a4: {  	v3 =	vld [tilespmem:s10+$0x10];
	_ =	sdelay $0x4  }
0x8a5: {  	[tilespmem:s24+$0xF090] =	vst.add.f32.msk $0xffff, v3  }
0x8a6: {  	v3 =	vld [tilespmem:s10+$0x20];
	_ =	sdelay $0x4  }
0x8a7: {  	[tilespmem:s24+$0xF0A0] =	vst.add.f32.msk $0xffff, v3  }
0x8a8: {  	v3 =	vld [tilespmem:s10+$0x30];
	_ =	sdelay $0x4  }
0x8a9: {  	[tilespmem:s24+$0xF0B0] =	vst.add.f32.msk $0xffff, v3  }
0x8aa: {  	v3 =	vld [tilespmem:s10+$0x40];
	_ =	sdelay $0x4  }
0x8ab: {  	[tilespmem:s24+$0xF0C0] =	vst.add.f32.msk $0xffff, v3  }
0x8ac: {  	v3 =	vld [tilespmem:s10+$0x50];
	_ =	sdelay $0x4  }
0x8ad: {  	[tilespmem:s24+$0xF0D0] =	vst.add.f32.msk $0xffff, v3  }
0x8ae: {  	v3 =	vld [tilespmem:s10+$0x60];
	_ =	sdelay $0x4  }
0x8af: {  	[tilespmem:s24+$0xF0E0] =	vst.add.f32.msk $0xffff, v3  }
0x8b0: {  	v3 =	vld [tilespmem:s10+$0x70];
	_ =	sdelay $0x2  }
0x8b1: {  	[tilespmem:s6+$0xF0F0] =	vst.add.f32.msk $0xffff, v5  }
0x8b2: {  	v5 =	vld [tilespmem:s2+$0x400]  }
0x8b3: {  	[tilespmem:s24+$0xF0F0] =	vst.add.f32.msk $0xffff, v3  }
0x8b4: {  	v3 =	vld [tilespmem:s10+$0x400];
	_ =	sdelay $0x2  }
0x8b5: {  	[tilespmem:s6+$0xF480] =	vst.add.f32.msk $0xffff, v5  }
0x8b6: {  	v5 =	vld [tilespmem:s2+$0x410]  }
0x8b7: {  	[tilespmem:s24+$0xF480] =	vst.add.f32.msk $0xffff, v3  }
0x8b8: {  	v3 =	vld [tilespmem:s10+$0x410];
	_ =	sdelay $0x2  }
0x8b9: {  	[tilespmem:s6+$0xF490] =	vst.add.f32.msk $0xffff, v5  }
0x8ba: {  	v5 =	vld [tilespmem:s2+$0x420]  }
0x8bb: {  	[tilespmem:s24+$0xF490] =	vst.add.f32.msk $0xffff, v3  }
0x8bc: {  	v3 =	vld [tilespmem:s10+$0x420];
	_ =	sdelay $0x2  }
0x8bd: {  	[tilespmem:s6+$0xF4A0] =	vst.add.f32.msk $0xffff, v5  }
0x8be: {  	v5 =	vld [tilespmem:s2+$0x430]  }
0x8bf: {  	[tilespmem:s24+$0xF4A0] =	vst.add.f32.msk $0xffff, v3  }
0x8c0: {  	v3 =	vld [tilespmem:s10+$0x430];
	_ =	sdelay $0x2  }
0x8c1: {  	[tilespmem:s6+$0xF4B0] =	vst.add.f32.msk $0xffff, v5  }
0x8c2: {  	v5 =	vld [tilespmem:s2+$0x440]  }
0x8c3: {  	[tilespmem:s24+$0xF4B0] =	vst.add.f32.msk $0xffff, v3  }
0x8c4: {  	v3 =	vld [tilespmem:s10+$0x440];
	_ =	sdelay $0x2  }
0x8c5: {  	[tilespmem:s6+$0xF4C0] =	vst.add.f32.msk $0xffff, v5  }
0x8c6: {  	v5 =	vld [tilespmem:s2+$0x450]  }
0x8c7: {  	[tilespmem:s24+$0xF4C0] =	vst.add.f32.msk $0xffff, v3  }
0x8c8: {  	v3 =	vld [tilespmem:s10+$0x450];
	_ =	sdelay $0x2  }
0x8c9: {  	[tilespmem:s6+$0xF4D0] =	vst.add.f32.msk $0xffff, v5  }
0x8ca: {  	v5 =	vld [tilespmem:s2+$0x460]  }
0x8cb: {  	[tilespmem:s24+$0xF4D0] =	vst.add.f32.msk $0xffff, v3  }
0x8cc: {  	v3 =	vld [tilespmem:s10+$0x460]  }
0x8cd: {  	v6 =	vld [tilespmem:s0+$0x820]  }
0x8ce: {  	[tilespmem:s19+$0x30C0] =	vst.add.f32.msk $0xffff, v4  }
0x8cf: {  	[tilespmem:s6+$0xF4E0] =	vst.add.f32.msk $0xffff, v5  }
0x8d0: {  	v5 =	vld [tilespmem:s2+$0x470]  }
0x8d1: {  	[tilespmem:s24+$0xF4E0] =	vst.add.f32.msk $0xffff, v3  }
0x8d2: {  	v3 =	vld [tilespmem:s10+$0x470]  }
0x8d3: {  	v4 =	vld [tilespmem:s4+$0xC50]  }
0x8d4: {  	[tilespmem:s16+$0xF8A0] =	vst.add.f32.msk $0xffff, v6  }
0x8d5: {  	[tilespmem:s6+$0xF4F0] =	vst.add.f32.msk $0xffff, v5  }
0x8d6: {  	v5 =	vld [tilespmem:s2+$0x800]  }
0x8d7: {  	[tilespmem:s24+$0xF4F0] =	vst.add.f32.msk $0xffff, v3  }
0x8d8: {  	v3 =	vld [tilespmem:s10+$0x800]  }
0x8d9: {  	[tilespmem:s19+$0x30D0] =	vst.add.f32.msk $0xffff, v4  }
0x8da: {  	v4 =	vld [tilespmem:s4+$0xC60]  }
0x8db: {  	[tilespmem:s6+$0xF880] =	vst.add.f32.msk $0xffff, v5  }
0x8dc: {  	v62 =	vld [tilespmem:s2+$0x810]  }
0x8dd: {  	[tilespmem:s24+$0xF880] =	vst.add.f32.msk $0xffff, v3  }
0x8de: {  	v3 =	vld [tilespmem:s10+$0x810]  }
0x8df: {  	v6 =	vld [tilespmem:s0+$0x830]  }
0x8e0: {  	[tilespmem:s19+$0x30E0] =	vst.add.f32.msk $0xffff, v4  }
0x8e1: {  	[tilespmem:s6+$0xF890] =	vst.add.f32.msk $0xffff, v62  }
0x8e2: {  	v4 =	vld [tilespmem:s2+$0x820]  }
0x8e3: {  	[tilespmem:s24+$0xF890] =	vst.add.f32.msk $0xffff, v3  }
0x8e4: {  	v3 =	vld [tilespmem:s10+$0x820];
	_ =	sdelay $0x1  }
0x8e5: {  	[tilespmem:s16+$0xF8B0] =	vst.add.f32.msk $0xffff, v6  }
0x8e6: {  	[tilespmem:s6+$0xF8A0] =	vst.add.f32.msk $0xffff, v4  }
0x8e7: {  	v4 =	vld [tilespmem:s2+$0x830]  }
0x8e8: {  	[tilespmem:s24+$0xF8A0] =	vst.add.f32.msk $0xffff, v3  }
0x8e9: {  	v3 =	vld [tilespmem:s10+$0x830]  }
0x8ea: {  	v6 =	vld [tilespmem:s0+$0x840]  }
0x8eb: {  	v63 =	vld [tilespmem:s4+$0xC70]  }
0x8ec: {  	[tilespmem:s6+$0xF8B0] =	vst.add.f32.msk $0xffff, v4  }
0x8ed: {  	v4 =	vld [tilespmem:s2+$0x840]  }
0x8ee: {  	[tilespmem:s24+$0xF8B0] =	vst.add.f32.msk $0xffff, v3  }
0x8ef: {  	v3 =	vld [tilespmem:s10+$0x840]  }
0x8f0: {  	[tilespmem:s16+$0xF8C0] =	vst.add.f32.msk $0xffff, v6  }
0x8f1: {  	v6 =	vld [tilespmem:s0+$0x850]  }
0x8f2: {  	[tilespmem:s6+$0xF8C0] =	vst.add.f32.msk $0xffff, v4  }
0x8f3: {  	v4 =	vld [tilespmem:s2+$0x850]  }
0x8f4: {  	[tilespmem:s24+$0xF8C0] =	vst.add.f32.msk $0xffff, v3  }
0x8f5: {  	v3 =	vld [tilespmem:s10+$0x850]  }
0x8f6: {  	[tilespmem:s16+$0xF8D0] =	vst.add.f32.msk $0xffff, v6  }
0x8f7: {  	v6 =	vld [tilespmem:s0+$0x860]  }
0x8f8: {  	[tilespmem:s6+$0xF8D0] =	vst.add.f32.msk $0xffff, v4  }
0x8f9: {  	v4 =	vld [tilespmem:s2+$0x860]  }
0x8fa: {  	[tilespmem:s24+$0xF8D0] =	vst.add.f32.msk $0xffff, v3  }
0x8fb: {  	v3 =	vld [tilespmem:s10+$0x860]  }
0x8fc: {  	[tilespmem:s16+$0xF8E0] =	vst.add.f32.msk $0xffff, v6  }
0x8fd: {  	v6 =	vld [tilespmem:s0+$0x870]  }
0x8fe: {  	[tilespmem:s6+$0xF8E0] =	vst.add.f32.msk $0xffff, v4  }
0x8ff: {  	v4 =	vld [tilespmem:s2+$0x870]  }
0x900: {  	[tilespmem:s24+$0xF8E0] =	vst.add.f32.msk $0xffff, v3  }
0x901: {  	v3 =	vld [tilespmem:s10+$0x870]  }
0x902: {  	[tilespmem:s16+$0xF8F0] =	vst.add.f32.msk $0xffff, v6  }
0x903: {  	v6 =	vld [tilespmem:s0+$0xC00]  }
0x904: {  	[tilespmem:s6+$0xF8F0] =	vst.add.f32.msk $0xffff, v4  }
0x905: {  	v4 =	vld [tilespmem:s2+$0xC00]  }
0x906: {  	s16 =	sor.u32 s14, s3;
	[tilespmem:s24+$0xF8F0] =	vst.add.f32.msk $0xffff, v3  }
0x907: {  	s1 =	sor.u32 $0xCC00, s16;
	v3 =	vld [tilespmem:s10+$0xC00]  }
0x908: {  	[tilespmem:s1+$0x3080] =	vst.add.f32.msk $0xffff, v6;
	s24 =	sor.u32 s18, s20  }
0x909: {  	v6 =	vld [tilespmem:s0+$0xC10];
	s3 =	sor.u32 $0xCC00, s24  }
0x90a: {  	s25 =	sor.u32 s23, s22;
	[tilespmem:s3+$0x3080] =	vst.add.f32.msk $0xffff, v4  }
0x90b: {  	s4 =	sor.u32 $0xCC00, s25;
	v4 =	vld [tilespmem:s2+$0xC10]  }
0x90c: {  	[tilespmem:s4+$0x3080] =	vst.add.f32.msk $0xffff, v3  }
0x90d: {  	v3 =	vld [tilespmem:s10+$0xC10]  }
0x90e: {  	[tilespmem:s1+$0x3090] =	vst.add.f32.msk $0xffff, v6  }
0x90f: {  	v6 =	vld [tilespmem:s0+$0xC20]  }
0x910: {  	[tilespmem:s3+$0x3090] =	vst.add.f32.msk $0xffff, v4  }
0x911: {  	v4 =	vld [tilespmem:s2+$0xC20]  }
0x912: {  	[tilespmem:s4+$0x3090] =	vst.add.f32.msk $0xffff, v3  }
0x913: {  	v3 =	vld [tilespmem:s10+$0xC20]  }
0x914: {  	[tilespmem:s1+$0x30A0] =	vst.add.f32.msk $0xffff, v6  }
0x915: {  	v6 =	vld [tilespmem:s0+$0xC30]  }
0x916: {  	[tilespmem:s3+$0x30A0] =	vst.add.f32.msk $0xffff, v4  }
0x917: {  	v4 =	vld [tilespmem:s2+$0xC30]  }
0x918: {  	[tilespmem:s4+$0x30A0] =	vst.add.f32.msk $0xffff, v3  }
0x919: {  	v3 =	vld [tilespmem:s10+$0xC30]  }
0x91a: {  	[tilespmem:s1+$0x30B0] =	vst.add.f32.msk $0xffff, v6  }
0x91b: {  	v6 =	vld [tilespmem:s0+$0xC40]  }
0x91c: {  	[tilespmem:s3+$0x30B0] =	vst.add.f32.msk $0xffff, v4  }
0x91d: {  	v4 =	vld [tilespmem:s2+$0xC40]  }
0x91e: {  	[tilespmem:s4+$0x30B0] =	vst.add.f32.msk $0xffff, v3  }
0x91f: {  	v3 =	vld [tilespmem:s10+$0xC40]  }
0x920: {  	[tilespmem:s1+$0x30C0] =	vst.add.f32.msk $0xffff, v6  }
0x921: {  	v6 =	vld [tilespmem:s0+$0xC50]  }
0x922: {  	[tilespmem:s3+$0x30C0] =	vst.add.f32.msk $0xffff, v4  }
0x923: {  	v4 =	vld [tilespmem:s2+$0xC50]  }
0x924: {  	[tilespmem:s4+$0x30C0] =	vst.add.f32.msk $0xffff, v3  }
0x925: {  	v3 =	vld [tilespmem:s10+$0xC50]  }
0x926: {  	[tilespmem:s1+$0x30D0] =	vst.add.f32.msk $0xffff, v6  }
0x927: {  	v6 =	vld [tilespmem:s0+$0xC60]  }
0x928: {  	[tilespmem:s3+$0x30D0] =	vst.add.f32.msk $0xffff, v4  }
0x929: {  	v4 =	vld [tilespmem:s2+$0xC60]  }
0x92a: {  	[tilespmem:s4+$0x30D0] =	vst.add.f32.msk $0xffff, v3  }
0x92b: {  	v3 =	vld [tilespmem:s10+$0xC60]  }
0x92c: {  	[tilespmem:s1+$0x30E0] =	vst.add.f32.msk $0xffff, v6  }
0x92d: {  	v6 =	vld [tilespmem:s0+$0xC70]  }
0x92e: {  	[tilespmem:s3+$0x30E0] =	vst.add.f32.msk $0xffff, v4  }
0x92f: {  	v4 =	vld [tilespmem:s2+$0xC70]  }
0x930: {  	[tilespmem:s4+$0x30E0] =	vst.add.f32.msk $0xffff, v3  }
0x931: {  	s12 =	sadd.s32 $0x1, s12;
	v3 =	vld [tilespmem:s10+$0xC70]  }
0x932: {  	p0 =	sne.s32 s12, $0x20  }
.Ltmp6:
0x933: {  	[tilespmem:s19+$0x30F0] =	vst.add.f32.msk $0xffff, v63;
	(pc) =	sbr.rel @p0 .LBB2_6-.Ltmp6, $4  }
0x934: {  	s26 =	sshll.u32 s13, $0xB;
	[tilespmem:s1+$0x30F0] =	vst.add.f32.msk $0xffff, v6  }
0x935: {  	s7 =	sadd.s32 $0x80, s7;
	s15 =	sadd.s32 $0x80, s15;
	s17 =	sadd.s32 $0x80, s17;
	[tilespmem:s3+$0x30F0] =	vst.add.f32.msk $0xffff, v4  }
0x936: {  	s8 =	sadd.s32 $0x80, s8;
	s28 =	simm.s32 $0xF080;
	s0 =	sadd.s32 s26, s31;
	[tilespmem:s4+$0x30F0] =	vst.add.f32.msk $0xffff, v3  }
0x937: {  	[hbm4b:s0+s30] =	stream.linear.scatter [tilespmem:s28], [sflag:$0x8], $0x4000, $0x38;
	[tilespmem:$0x1F080] =	vst v63  }
0x938: {  	s0 =	simm.s32 $0x5  }
0x939: {  	_ =	swait.ge [sflag:s0], $0x4000  }
0x93a: {  	[sflag:s0] =	ssyncset.done $0x0  }
0x93b: {  	s28 =	simm.s32 $0x6;
	[sflag:s0] =	ssyncadd.s32 $0xFFFFC000  }
0x93c: {  	_ =	swait.ge [sflag:s28], $0x4000  }
0x93d: {  	[sflag:s28] =	ssyncset.done $0x0  }
0x93e: {  	s29 =	simm.s32 $0x7;
	[sflag:s28] =	ssyncadd.s32 $0xFFFFC000  }
0x93f: {  	_ =	swait.ge [sflag:s29], $0x4000  }
0x940: {  	[sflag:s29] =	ssyncset.done $0x0  }
0x941: {  	s1 =	simm.s32 $0x8;
	[sflag:s29] =	ssyncadd.s32 $0xFFFFC000  }
0x942: {  	_ =	swait.ge [sflag:s1], $0x4000  }
0x943: {  	s2 =	rddreg [dreg:$0xd]  }
0x944: {  	s31 =	rddreg [dreg:$0xc];
	s2 =	sadd.s32 $0x1, s2  }
0x945: {  	p0 =	sne.s32 s2, s31  }
.Ltmp7:
0x946: {  	_ = 	snop;
	(pc) =	sbr.rel @p0 .LBB2_1-.Ltmp7, $3  }
0x947: {  	_ =	sdelay $0x1  }
0x948: {  	[sflag:s1] =	ssyncset.done $0x0  }
0x949: {  	[sflag:s1] =	ssyncadd.s32 $0xFFFFC000  }
0x94a: {  	_ =	sfence.sel $0x180000  }
0x94b: {  	[bflag:$0x0] =	sbarrier.arrive $0xFFFF  }
0x94c: {  	_ =	strace $0x90000047  }
0x94d: {  	s0 =	stileid.u32;
	[bflag:$0x2] =	sbarrier.arrive $0xFFFF  }
0x94e: {  	p0 =	sne.s32 s0, $0x0;
	s0 =	rddreg [dreg:$0x7]  }
0x94f: {  	s0 =	sadd.s32 @!p0 $0x100000, s0  }
0x950: {  	[sflag:s0] =	ssyncadd.tile.s32 @!p0 $0x1;
	_ =	shalt  }
.Lfunc_end2:
_tile_overlayer_lowered:
.L_overlay_start_2:
0x951: {  	(tag) =	ssettag $0x2  }
0x952: {  	s0 =	rddreg [dreg:$0x0];
	s2 =	stileid.u32  }
0x953: {  	s1 =	rddreg [dreg:$0x1];
	p0 =	sne.s32 s2, $0x0  }
0x954: {  	s3 =	rddreg [dreg:$0x2];
	[bflag:$0x3] =	sbarrier.arrive $0xFFFF;
	s2 =	simm.s32 @!p0 $0x1C0A  }
0x955: {  	[timem:s3], [sflag:s2] =	dma.local @!p0 [hbm:s0], s1  }
0x956: {  	s0 =	simm.s32 @!p0 $0xA  }
0x957: {  	_ =	swait.ge @!p0 [sflag:s0], s1  }
0x958: {  	s1 =	ssub.s32 @!p0 $0x0, s1;
	[sflag:s0] =	ssyncset.done @!p0 $0x0  }
0x959: {  	[sflag:s0] =	ssyncadd.s32 @!p0 s1  }
0x95a: {  	[bflag:$0x3] =	sbarrier.arrive $0xFFFF  }
0x95b: {  	_ =	shalt  }

</sc_bundles>
